<compile_context>
chip_gen: v7x
topology: tpu7x:2x2x1
jax: 0.10.2.dev20260603
libtpu: 0.0.44.dev20260713+nightly
codegen_flags: <defaults>
</compile_context>

<pallas_src>
import functools

import jax
import jax.numpy as jnp
from jax import lax
from jax.experimental import pallas as pl
from jax.experimental.pallas import tpu as pltpu
from jax.experimental.pallas import tpu_sc as plsc

Q = 4096
K = 16384
D = 256
P = 16384
KNN_K = 10

_QB = 2048
_KB = 4096
_PB = 512
_W = 128

_BIG = 3e38


def _stage1_body(f_ref, m_ref, o_ref):
    j = pl.program_id(1)
    f = f_ref[...]
    m = m_ref[...]
    ones = jnp.ones((1, D), jnp.float32)
    m2 = jax.lax.dot_general(
        ones, m * m, (((1,), (1,)), ((), ())),
        preferred_element_type=jnp.float32)
    prod = jax.lax.dot_general(
        f, m, (((1,), (1,)), ((), ())),
        preferred_element_type=jnp.float32)
    t = m2 - 2.0 * prod
    acc = t[:, :_W]
    for k in range(1, _KB // _W):
        acc = jnp.minimum(acc, t[:, k * _W:(k + 1) * _W])
    rmin = jnp.min(acc, axis=1, keepdims=True)
    prev = jnp.where(j == 0, _BIG, o_ref[...])
    accmin = jnp.minimum(prev, rmin)
    f2 = jnp.sum(f * f, axis=1, keepdims=True)
    o_ref[...] = jnp.where(j == (K // _KB) - 1,
                           jnp.sqrt(jnp.maximum(accmin + f2, 0.0)), accmin)


def _stage2_body(pa_ref, ca_ref, rhs_ref, fs_ref, mx_ref):
    b = pl.program_id(0)
    pa = pa_ref[...]
    ca = ca_ref[...]
    dc = jax.lax.dot_general(
        pa, ca, (((1,), (1,)), ((), ())),
        preferred_element_type=jnp.float32)
    nchunk = Q // _W
    big = jnp.full((_PB, _W), _BIG, jnp.float32)
    a0, a1, a2, a3 = big, big, big, big
    for k in range(nchunk):
        x = dc[:, k * _W:(k + 1) * _W]
        h0 = jnp.maximum(a0, x)
        a0 = jnp.minimum(a0, x)
        h1 = jnp.maximum(a1, h0)
        a1 = jnp.minimum(a1, h0)
        h2 = jnp.maximum(a2, h1)
        a2 = jnp.minimum(a2, h1)
        a3 = jnp.minimum(a3, h2)
    t = jnp.full((_PB, 1), -_BIG, jnp.float32)
    for _ in range(KNN_K):
        head = jnp.where(a0 > t, a0,
               jnp.where(a1 > t, a1,
               jnp.where(a2 > t, a2,
               jnp.where(a3 > t, a3, _BIG))))
        t = jnp.min(head, axis=1, keepdims=True)
    bad = jnp.any(a3 < t)

    def _direct(_):
        td = jnp.full((_PB, 1), -_BIG, jnp.float32)
        for _ in range(KNN_K):
            acc = jnp.full((_PB, _W), _BIG, jnp.float32)
            for k in range(nchunk):
                c = dc[:, k * _W:(k + 1) * _W]
                acc = jnp.minimum(acc, jnp.where(c > td, c, _BIG))
            td = jnp.min(acc, axis=1, keepdims=True)
        return td

    t10 = jax.lax.cond(bad, _direct, lambda _: t, None)
    rhs = rhs_ref[...]
    lt01 = jnp.where(dc < t10, 1.0, 0.0)
    eq01 = jnp.where(dc == t10, 1.0, 0.0)
    r_lt = jax.lax.dot_general(
        lt01, rhs, (((1,), (0,)), ((), ())),
        preferred_element_type=jnp.float32)
    r_eq = jax.lax.dot_general(
        eq01, rhs, (((1,), (0,)), ((), ())),
        preferred_element_type=jnp.float32)
    cnt_lt = r_lt[:, 0:1]
    sum_lt = r_lt[:, 1:2]
    cnt_eq = jnp.maximum(r_eq[:, 0:1], 1.0)
    sum_eq = r_eq[:, 1:2]
    full = (sum_lt + (KNN_K - cnt_lt) * sum_eq / cnt_eq) * (1.0 / KNN_K)
    fs_ref[...] = full
    blockmax = jnp.max(full, axis=0, keepdims=True)
    prevmx = jnp.where(b == 0, jnp.full((1, 1), -_BIG, jnp.float32),
                       mx_ref[...])
    mx_ref[...] = jnp.maximum(prevmx, blockmax)


_NC, _NS, _L = 2, 16, 16
_NW = _NC * _NS
_SPLIT = 13312
_SC_ROWS = P - _SPLIT
_RPT = _SC_ROWS // _NW
_RI = 16
_NCHUNK = Q // _L


def _sc_body(px_h, py_h, pz_h, cx_h, cy_h, cz_h, c2_h, s_h, out_h,
             cx_v, cy_v, cz_v, c2_v, s_v, px_v, py_v, pz_v, out_v):
    wid = lax.axis_index("s") * _NC + lax.axis_index("c")
    base = pl.multiple_of(wid * _RPT, _RPT)
    pltpu.sync_copy(cx_h, cx_v)
    pltpu.sync_copy(cy_h, cy_v)
    pltpu.sync_copy(cz_h, cz_v)
    pltpu.sync_copy(c2_h, c2_v)
    pltpu.sync_copy(s_h, s_v)
    pltpu.sync_copy(px_h.at[pl.ds(_SPLIT + base, _RPT)], px_v)
    pltpu.sync_copy(py_h.at[pl.ds(_SPLIT + base, _RPT)], py_v)
    pltpu.sync_copy(pz_h.at[pl.ds(_SPLIT + base, _RPT)], pz_v)
    lane = lax.iota(jnp.int32, _L)
    mask10 = lane >= (_L - KNN_K)

    def rowblk_body(rb, _):
        r0 = rb * _RI
        axs, ays, azs = [], [], []
        for i in range(_RI):
            ridx = jnp.full((_L,), r0 + i, jnp.int32)
            axs.append(plsc.load_gather(px_v, [ridx]) * -2.0)
            ays.append(plsc.load_gather(py_v, [ridx]) * -2.0)
            azs.append(plsc.load_gather(pz_v, [ridx]) * -2.0)
        bk0 = tuple(jnp.full((_L,), _BIG, jnp.float32) for _ in range(_RI))
        bi0 = tuple(jnp.zeros((_L,), jnp.int32) for _ in range(_RI))

        def chunk_body(j, carry):
            bks, bis = carry
            o = pl.ds(j * _L, _L)
            cxv = cx_v[o]
            cyv = cy_v[o]
            czv = cz_v[o]
            c2v = c2_v[o]
            idxv = j * _L + lane
            nbk, nbi = [], []
            for i in range(_RI):
                d = c2v + cxv * axs[i] + cyv * ays[i] + czv * azs[i]
                dk, di = plsc.sort_key_val(d, idxv)
                m = dk < bks[i]
                lo = jnp.where(m, dk, bks[i])
                loi = jnp.where(m, di, bis[i])
                k2, i2 = plsc.sort_key_val(lo, loi, descending=True)
                nbk.append(k2)
                nbi.append(i2)
            return tuple(nbk), tuple(nbi)

        _, bis = lax.fori_loop(0, _NCHUNK, chunk_body, (bk0, bi0))
        res = jnp.zeros((_L,), jnp.float32)
        for i in range(_RI):
            sv = plsc.load_gather(s_v, [bis[i]])
            tot = jnp.sum(jnp.where(mask10, sv, 0.0)) * (1.0 / KNN_K)
            res = jnp.where(lane == i, tot, res)
        out_v[pl.ds(r0, _L)] = res
        return 0

    lax.fori_loop(0, _RPT // _RI, rowblk_body, 0)
    pltpu.sync_copy(out_v, out_h.at[pl.ds(_SPLIT + base, _RPT)])


_sc_knn = pl.kernel(
    _sc_body,
    out_type=jax.ShapeDtypeStruct((P,), jnp.float32),
    mesh=plsc.VectorSubcoreMesh(core_axis_name="c", subcore_axis_name="s"),
    compiler_params=pltpu.CompilerParams(needs_layout_passes=False),
    scratch_types=[
        pltpu.VMEM((Q,), jnp.float32),
        pltpu.VMEM((Q,), jnp.float32),
        pltpu.VMEM((Q,), jnp.float32),
        pltpu.VMEM((Q,), jnp.float32),
        pltpu.VMEM((Q,), jnp.float32),
        pltpu.VMEM((_RPT,), jnp.float32),
        pltpu.VMEM((_RPT,), jnp.float32),
        pltpu.VMEM((_RPT,), jnp.float32),
        pltpu.VMEM((_RPT,), jnp.float32),
    ],
)


def _max_body(x_ref, o_ref):
    o_ref[...] = jnp.max(jnp.max(x_ref[...], axis=1, keepdims=True),
                         axis=0, keepdims=True)


@functools.partial(jax.jit)
def kernel(features, memory_features, centers, points):
    center_scores = pl.pallas_call(
        _stage1_body,
        grid=(Q // _QB, K // _KB),
        in_specs=[
            pl.BlockSpec((_QB, D), lambda i, j: (i, 0)),
            pl.BlockSpec((_KB, D), lambda i, j: (j, 0)),
        ],
        out_specs=pl.BlockSpec((_QB, 1), lambda i, j: (i, 0)),
        out_shape=jax.ShapeDtypeStruct((Q, 1), jnp.float32),
    )(features, memory_features)

    c2 = jnp.sum(centers * centers, axis=1, keepdims=True)
    sc_out = _sc_knn(points[:, 0], points[:, 1], points[:, 2],
                     centers[:, 0], centers[:, 1], centers[:, 2],
                     c2.reshape(Q), center_scores.reshape(Q))
    sc_scores = sc_out[_SPLIT:]

    zeros_p = jnp.zeros((_SPLIT, 4), jnp.float32)
    pa = jnp.concatenate(
        [-2.0 * points[:_SPLIT], jnp.ones((_SPLIT, 1), jnp.float32),
         zeros_p], axis=1)
    ca = jnp.concatenate(
        [centers, c2, jnp.zeros((Q, 4), jnp.float32)], axis=1)
    rhs = jnp.concatenate(
        [jnp.ones((Q, 1), jnp.float32), center_scores], axis=1)
    tc2d, _ = pl.pallas_call(
        _stage2_body,
        grid=(_SPLIT // _PB,),
        in_specs=[
            pl.BlockSpec((_PB, 8), lambda b: (b, 0)),
            pl.BlockSpec((Q, 8), lambda b: (0, 0)),
            pl.BlockSpec((Q, 2), lambda b: (0, 0)),
        ],
        out_specs=[
            pl.BlockSpec((_PB, 1), lambda b: (b, 0)),
            pl.BlockSpec((1, 1), lambda b: (0, 0)),
        ],
        out_shape=[
            jax.ShapeDtypeStruct((_SPLIT, 1), jnp.float32),
            jax.ShapeDtypeStruct((1, 1), jnp.float32),
        ],
    )(pa, ca, rhs)

    full_scores = jnp.concatenate([tc2d.reshape(_SPLIT), sc_scores])

    mx = pl.pallas_call(
        _max_body,
        out_shape=jax.ShapeDtypeStruct((1, 1), jnp.float32),
    )(full_scores.reshape(128, 128))

    return full_scores, mx.reshape(())

# --- scband reference (transcript-rebuilt; emitter-appended) ---
"""Pipeline reference for scband-patch-core-63806034149749 (READ-ONLY COPY).

The authoritative reference and input builder live on the scoring server;
editing this copy changes nothing except your own understanding.
"""

import jax, jax.numpy as jnp
import numpy as np

Q = 4096      # number of patch features / group centers per evaluation
K = 16384     # memory bank size (coreset features)
D = 256       # aggregated feature dim (Aggregator target_dim=256)
P = 16384     # full point cloud size for score interpolation
KNN_K = 10    # k used in fill_missing_values


def setup_inputs(seed: int = 0) -> dict:
    key = jax.random.key(seed)
    k1, k2, k3, k4 = jax.random.split(key, 4)
    features = jax.random.normal(k1, (Q, D), dtype=jnp.float32)
    memory_features = jax.random.normal(k2, (K, D), dtype=jnp.float32)
    centers = jax.random.normal(k3, (Q, 3), dtype=jnp.float32)
    points = jax.random.normal(k4, (P, 3), dtype=jnp.float32)
    return {
        "features": features,
        "memory_features": memory_features,
        "centers": centers,
        "points": points,
    }


def _pairwise_sq_dists(a, b):
    # ||a_i - b_j||^2 = |a|^2 + |b|^2 - 2 a.b  (compute-heavy matmul path)
    a2 = jnp.sum(a * a, axis=1, keepdims=True)          # [A, 1]
    b2 = jnp.sum(b * b, axis=1)                          # [B]
    d2 = a2 + b2[None, :] - 2.0 * (a @ b.T)              # [A, B]
    return jnp.maximum(d2, 0.0)


def reference(features, memory_features, centers, points):
    # --- NearestNeighbourScorer (n_nearest_neighbours=1, FaissNN L2) ---
    d2 = _pairwise_sq_dists(features, memory_features)   # [Q, K]
    neg_top, _ = jax.lax.top_k(-d2, 1)                   # top-1 NN via top_k
    center_scores = jnp.sqrt(jnp.maximum(-neg_top[:, 0], 0.0))  # [Q]

    # --- fill_missing_values: kNN (k=10) in coordinate space, avg scores ---
    dc = _pairwise_sq_dists(points, centers)             # [P, Q]
    _, knn_idx = jax.lax.top_k(-dc, KNN_K)               # [P, 10]
    full_scores = jnp.mean(center_scores[knn_idx], axis=1)  # [P]

    sample_score = jnp.max(full_scores)
    return full_scores, sample_score

if __name__ == "__main__":
    import jax
    _d = setup_inputs()
    print(jax.jit(kernel)(*tuple(_d.values())))

</pallas_src>

<mosaic_0001>
#map = affine_map<(d0, d1) -> (0)>
module attributes {stable_mosaic.version = 14 : i64} {
  func.func @_sc_body(%arg0: i32, %arg1: i32, %arg2: memref<16384xf32, #tpu.memory_space<hbm>>, %arg3: memref<16384xf32, #tpu.memory_space<hbm>>, %arg4: memref<16384xf32, #tpu.memory_space<hbm>>, %arg5: memref<4096xf32, #tpu.memory_space<hbm>>, %arg6: memref<4096xf32, #tpu.memory_space<hbm>>, %arg7: memref<4096xf32, #tpu.memory_space<hbm>>, %arg8: memref<4096xf32, #tpu.memory_space<hbm>>, %arg9: memref<4096xf32, #tpu.memory_space<hbm>>, %arg10: memref<16384xf32, #tpu.memory_space<hbm>>, %arg11: memref<4096xf32, #tpu.memory_space<vmem>>, %arg12: memref<4096xf32, #tpu.memory_space<vmem>>, %arg13: memref<4096xf32, #tpu.memory_space<vmem>>, %arg14: memref<4096xf32, #tpu.memory_space<vmem>>, %arg15: memref<4096xf32, #tpu.memory_space<vmem>>, %arg16: memref<96xf32, #tpu.memory_space<vmem>>, %arg17: memref<96xf32, #tpu.memory_space<vmem>>, %arg18: memref<96xf32, #tpu.memory_space<vmem>>, %arg19: memref<96xf32, #tpu.memory_space<vmem>>) attributes {dimension_semantics = [#tpu.dimension_semantics<core_parallel>, #tpu.dimension_semantics<subcore_parallel>], iteration_bounds = array<i64: 2, 16>, scalar_prefetch = 0 : i64, scratch_operands = 9 : i64, tpu.core_type = #tpu.core_type<sc_vector_subcore>, window_params = [{transform_indices = #map}, {transform_indices = #map}, {transform_indices = #map}, {transform_indices = #map}, {transform_indices = #map}, {transform_indices = #map}, {transform_indices = #map}, {transform_indices = #map}, {transform_indices = #map}]} {
    %mul3A = arith.constant 2 : i32
    %mul3A_0 = arith.muli %arg1, %mul3A : i32
    %add3A = arith.addi %mul3A_0, %arg0 : i32
    %mul3A_1 = arith.constant 96 : i32
    %mul3A_2 = arith.muli %add3A, %mul3A_1 : i32
    %multiple_of3A = tpu.assume_multiple %mul3A_2, 96 : i32
    "tpu.region"() ({
      %run_scoped3A = tpu.sem_alloc : memref<!tpu.dma_semaphore, #tpu.memory_space<semaphore_mem>>
      tpu.enqueue_dma source(%arg5 : memref<4096xf32, #tpu.memory_space<hbm>>) target(%arg11 : memref<4096xf32, #tpu.memory_space<vmem>>) target_semaphore(%run_scoped3A : memref<!tpu.dma_semaphore, #tpu.memory_space<semaphore_mem>>)
      tpu.wait_dma2 semaphore(%run_scoped3A : memref<!tpu.dma_semaphore, #tpu.memory_space<semaphore_mem>>) src(%arg5 : memref<4096xf32, #tpu.memory_space<hbm>>) dst(%arg11 : memref<4096xf32, #tpu.memory_space<vmem>>)
      tpu.yield
    }) : () -> ()
    "tpu.region"() ({
      %run_scoped3A = tpu.sem_alloc : memref<!tpu.dma_semaphore, #tpu.memory_space<semaphore_mem>>
      tpu.enqueue_dma source(%arg6 : memref<4096xf32, #tpu.memory_space<hbm>>) target(%arg12 : memref<4096xf32, #tpu.memory_space<vmem>>) target_semaphore(%run_scoped3A : memref<!tpu.dma_semaphore, #tpu.memory_space<semaphore_mem>>)
      tpu.wait_dma2 semaphore(%run_scoped3A : memref<!tpu.dma_semaphore, #tpu.memory_space<semaphore_mem>>) src(%arg6 : memref<4096xf32, #tpu.memory_space<hbm>>) dst(%arg12 : memref<4096xf32, #tpu.memory_space<vmem>>)
      tpu.yield
    }) : () -> ()
    "tpu.region"() ({
      %run_scoped3A = tpu.sem_alloc : memref<!tpu.dma_semaphore, #tpu.memory_space<semaphore_mem>>
      tpu.enqueue_dma source(%arg7 : memref<4096xf32, #tpu.memory_space<hbm>>) target(%arg13 : memref<4096xf32, #tpu.memory_space<vmem>>) target_semaphore(%run_scoped3A : memref<!tpu.dma_semaphore, #tpu.memory_space<semaphore_mem>>)
      tpu.wait_dma2 semaphore(%run_scoped3A : memref<!tpu.dma_semaphore, #tpu.memory_space<semaphore_mem>>) src(%arg7 : memref<4096xf32, #tpu.memory_space<hbm>>) dst(%arg13 : memref<4096xf32, #tpu.memory_space<vmem>>)
      tpu.yield
    }) : () -> ()
    "tpu.region"() ({
      %run_scoped3A = tpu.sem_alloc : memref<!tpu.dma_semaphore, #tpu.memory_space<semaphore_mem>>
      tpu.enqueue_dma source(%arg8 : memref<4096xf32, #tpu.memory_space<hbm>>) target(%arg14 : memref<4096xf32, #tpu.memory_space<vmem>>) target_semaphore(%run_scoped3A : memref<!tpu.dma_semaphore, #tpu.memory_space<semaphore_mem>>)
      tpu.wait_dma2 semaphore(%run_scoped3A : memref<!tpu.dma_semaphore, #tpu.memory_space<semaphore_mem>>) src(%arg8 : memref<4096xf32, #tpu.memory_space<hbm>>) dst(%arg14 : memref<4096xf32, #tpu.memory_space<vmem>>)
      tpu.yield
    }) : () -> ()
    "tpu.region"() ({
      %run_scoped3A = tpu.sem_alloc : memref<!tpu.dma_semaphore, #tpu.memory_space<semaphore_mem>>
      tpu.enqueue_dma source(%arg9 : memref<4096xf32, #tpu.memory_space<hbm>>) target(%arg15 : memref<4096xf32, #tpu.memory_space<vmem>>) target_semaphore(%run_scoped3A : memref<!tpu.dma_semaphore, #tpu.memory_space<semaphore_mem>>)
      tpu.wait_dma2 semaphore(%run_scoped3A : memref<!tpu.dma_semaphore, #tpu.memory_space<semaphore_mem>>) src(%arg9 : memref<4096xf32, #tpu.memory_space<hbm>>) dst(%arg15 : memref<4096xf32, #tpu.memory_space<vmem>>)
      tpu.yield
    }) : () -> ()
    %add3A_3 = arith.constant 13312 : i32
    %add3A_4 = arith.addi %add3A_3, %multiple_of3A : i32
    "tpu.region"() ({
      %run_scoped3A = tpu.sem_alloc : memref<!tpu.dma_semaphore, #tpu.memory_space<semaphore_mem>>
      %dma_start3A = tpu.memref_slice %arg2[%add3A_4] : memref<16384xf32, #tpu.memory_space<hbm>> -> memref<96xf32, #tpu.memory_space<hbm>>
      %dma_start3A_19 = tpu.memref_slice %arg2[%add3A_4] : memref<16384xf32, #tpu.memory_space<hbm>> -> memref<96xf32, #tpu.memory_space<hbm>>
      tpu.enqueue_dma source(%dma_start3A_19 : memref<96xf32, #tpu.memory_space<hbm>>) target(%arg16 : memref<96xf32, #tpu.memory_space<vmem>>) target_semaphore(%run_scoped3A : memref<!tpu.dma_semaphore, #tpu.memory_space<semaphore_mem>>)
      %dma_wait3A = tpu.memref_slice %arg2[%add3A_4] : memref<16384xf32, #tpu.memory_space<hbm>> -> memref<96xf32, #tpu.memory_space<hbm>>
      %dma_wait3A_20 = tpu.memref_slice %arg2[%add3A_4] : memref<16384xf32, #tpu.memory_space<hbm>> -> memref<96xf32, #tpu.memory_space<hbm>>
      tpu.wait_dma2 semaphore(%run_scoped3A : memref<!tpu.dma_semaphore, #tpu.memory_space<semaphore_mem>>) src(%dma_wait3A_20 : memref<96xf32, #tpu.memory_space<hbm>>) dst(%arg16 : memref<96xf32, #tpu.memory_space<vmem>>)
      tpu.yield
    }) : () -> ()
    %add3A_5 = arith.constant 13312 : i32
    %add3A_6 = arith.addi %add3A_5, %multiple_of3A : i32
    "tpu.region"() ({
      %run_scoped3A = tpu.sem_alloc : memref<!tpu.dma_semaphore, #tpu.memory_space<semaphore_mem>>
      %dma_start3A = tpu.memref_slice %arg3[%add3A_6] : memref<16384xf32, #tpu.memory_space<hbm>> -> memref<96xf32, #tpu.memory_space<hbm>>
      %dma_start3A_19 = tpu.memref_slice %arg3[%add3A_6] : memref<16384xf32, #tpu.memory_space<hbm>> -> memref<96xf32, #tpu.memory_space<hbm>>
      tpu.enqueue_dma source(%dma_start3A_19 : memref<96xf32, #tpu.memory_space<hbm>>) target(%arg17 : memref<96xf32, #tpu.memory_space<vmem>>) target_semaphore(%run_scoped3A : memref<!tpu.dma_semaphore, #tpu.memory_space<semaphore_mem>>)
      %dma_wait3A = tpu.memref_slice %arg3[%add3A_6] : memref<16384xf32, #tpu.memory_space<hbm>> -> memref<96xf32, #tpu.memory_space<hbm>>
      %dma_wait3A_20 = tpu.memref_slice %arg3[%add3A_6] : memref<16384xf32, #tpu.memory_space<hbm>> -> memref<96xf32, #tpu.memory_space<hbm>>
      tpu.wait_dma2 semaphore(%run_scoped3A : memref<!tpu.dma_semaphore, #tpu.memory_space<semaphore_mem>>) src(%dma_wait3A_20 : memref<96xf32, #tpu.memory_space<hbm>>) dst(%arg17 : memref<96xf32, #tpu.memory_space<vmem>>)
      tpu.yield
    }) : () -> ()
    %add3A_7 = arith.constant 13312 : i32
    %add3A_8 = arith.addi %add3A_7, %multiple_of3A : i32
    "tpu.region"() ({
      %run_scoped3A = tpu.sem_alloc : memref<!tpu.dma_semaphore, #tpu.memory_space<semaphore_mem>>
      %dma_start3A = tpu.memref_slice %arg4[%add3A_8] : memref<16384xf32, #tpu.memory_space<hbm>> -> memref<96xf32, #tpu.memory_space<hbm>>
      %dma_start3A_19 = tpu.memref_slice %arg4[%add3A_8] : memref<16384xf32, #tpu.memory_space<hbm>> -> memref<96xf32, #tpu.memory_space<hbm>>
      tpu.enqueue_dma source(%dma_start3A_19 : memref<96xf32, #tpu.memory_space<hbm>>) target(%arg18 : memref<96xf32, #tpu.memory_space<vmem>>) target_semaphore(%run_scoped3A : memref<!tpu.dma_semaphore, #tpu.memory_space<semaphore_mem>>)
      %dma_wait3A = tpu.memref_slice %arg4[%add3A_8] : memref<16384xf32, #tpu.memory_space<hbm>> -> memref<96xf32, #tpu.memory_space<hbm>>
      %dma_wait3A_20 = tpu.memref_slice %arg4[%add3A_8] : memref<16384xf32, #tpu.memory_space<hbm>> -> memref<96xf32, #tpu.memory_space<hbm>>
      tpu.wait_dma2 semaphore(%run_scoped3A : memref<!tpu.dma_semaphore, #tpu.memory_space<semaphore_mem>>) src(%dma_wait3A_20 : memref<96xf32, #tpu.memory_space<hbm>>) dst(%arg18 : memref<96xf32, #tpu.memory_space<vmem>>)
      tpu.yield
    }) : () -> ()
    %iota3A = tpu.iota {dimensions = array<i32: 0>} : vector<16xi32>
    %ge3A = arith.constant 6 : i32
    %ge3A_9 = vector.broadcast %ge3A : i32 to vector<16xi32>
    %ge3A_10 = arith.cmpi sge, %iota3A, %ge3A_9 : vector<16xi32>
    %scan3A = arith.constant 0 : i32
    %scan3A_11 = arith.constant 0 : i32
    %scan3A_12 = arith.constant 6 : i32
    %scan3A_13 = arith.addi %scan3A_11, %scan3A_12 : i32
    %scan3A_14 = arith.constant 1 : i32
    %scan3A_15 = scf.for %scan3A_19 = %scan3A_11 to %scan3A_13 step %scan3A_14 iter_args(%scan3A_20 = %scan3A) -> (i32)  : i32 {
      %mul3A_21 = arith.constant 16 : i32
      %mul3A_22 = arith.muli %scan3A_19, %mul3A_21 : i32
      %add3A_23 = arith.constant 0 : i32
      %add3A_24 = arith.addi %mul3A_22, %add3A_23 : i32
      %broadcast_in_dim3A = vector.broadcast %add3A_24 : i32 to vector<16xi32>
      %gather3A = tpu.vector_load_idx %arg16[%broadcast_in_dim3A] : memref<96xf32, #tpu.memory_space<vmem>>[vector<16xi32>], vector<16xf32>,
      %mul3A_25 = arith.constant -2.000000e+00 : f32
      %mul3A_26 = vector.broadcast %mul3A_25 : f32 to vector<16xf32>
      %mul3A_27 = arith.mulf %gather3A, %mul3A_26 : vector<16xf32>
      %gather3A_28 = tpu.vector_load_idx %arg17[%broadcast_in_dim3A] : memref<96xf32, #tpu.memory_space<vmem>>[vector<16xi32>], vector<16xf32>,
      %mul3A_29 = arith.constant -2.000000e+00 : f32
      %mul3A_30 = vector.broadcast %mul3A_29 : f32 to vector<16xf32>
      %mul3A_31 = arith.mulf %gather3A_28, %mul3A_30 : vector<16xf32>
      %gather3A_32 = tpu.vector_load_idx %arg18[%broadcast_in_dim3A] : memref<96xf32, #tpu.memory_space<vmem>>[vector<16xi32>], vector<16xf32>,
      %mul3A_33 = arith.constant -2.000000e+00 : f32
      %mul3A_34 = vector.broadcast %mul3A_33 : f32 to vector<16xf32>
      %mul3A_35 = arith.mulf %gather3A_32, %mul3A_34 : vector<16xf32>
      %add3A_36 = arith.constant 1 : i32
      %add3A_37 = arith.addi %mul3A_22, %add3A_36 : i32
      %broadcast_in_dim3A_38 = vector.broadcast %add3A_37 : i32 to vector<16xi32>
      %gather3A_39 = tpu.vector_load_idx %arg16[%broadcast_in_dim3A_38] : memref<96xf32, #tpu.memory_space<vmem>>[vector<16xi32>], vector<16xf32>,
      %mul3A_40 = arith.constant -2.000000e+00 : f32
      %mul3A_41 = vector.broadcast %mul3A_40 : f32 to vector<16xf32>
      %mul3A_42 = arith.mulf %gather3A_39, %mul3A_41 : vector<16xf32>
      %gather3A_43 = tpu.vector_load_idx %arg17[%broadcast_in_dim3A_38] : memref<96xf32, #tpu.memory_space<vmem>>[vector<16xi32>], vector<16xf32>,
      %mul3A_44 = arith.constant -2.000000e+00 : f32
      %mul3A_45 = vector.broadcast %mul3A_44 : f32 to vector<16xf32>
      %mul3A_46 = arith.mulf %gather3A_43, %mul3A_45 : vector<16xf32>
      %gather3A_47 = tpu.vector_load_idx %arg18[%broadcast_in_dim3A_38] : memref<96xf32, #tpu.memory_space<vmem>>[vector<16xi32>], vector<16xf32>,
      %mul3A_48 = arith.constant -2.000000e+00 : f32
      %mul3A_49 = vector.broadcast %mul3A_48 : f32 to vector<16xf32>
      %mul3A_50 = arith.mulf %gather3A_47, %mul3A_49 : vector<16xf32>
      %add3A_51 = arith.constant 2 : i32
      %add3A_52 = arith.addi %mul3A_22, %add3A_51 : i32
      %broadcast_in_dim3A_53 = vector.broadcast %add3A_52 : i32 to vector<16xi32>
      %gather3A_54 = tpu.vector_load_idx %arg16[%broadcast_in_dim3A_53] : memref<96xf32, #tpu.memory_space<vmem>>[vector<16xi32>], vector<16xf32>,
      %mul3A_55 = arith.constant -2.000000e+00 : f32
      %mul3A_56 = vector.broadcast %mul3A_55 : f32 to vector<16xf32>
      %mul3A_57 = arith.mulf %gather3A_54, %mul3A_56 : vector<16xf32>
      %gather3A_58 = tpu.vector_load_idx %arg17[%broadcast_in_dim3A_53] : memref<96xf32, #tpu.memory_space<vmem>>[vector<16xi32>], vector<16xf32>,
      %mul3A_59 = arith.constant -2.000000e+00 : f32
      %mul3A_60 = vector.broadcast %mul3A_59 : f32 to vector<16xf32>
      %mul3A_61 = arith.mulf %gather3A_58, %mul3A_60 : vector<16xf32>
      %gather3A_62 = tpu.vector_load_idx %arg18[%broadcast_in_dim3A_53] : memref<96xf32, #tpu.memory_space<vmem>>[vector<16xi32>], vector<16xf32>,
      %mul3A_63 = arith.constant -2.000000e+00 : f32
      %mul3A_64 = vector.broadcast %mul3A_63 : f32 to vector<16xf32>
      %mul3A_65 = arith.mulf %gather3A_62, %mul3A_64 : vector<16xf32>
      %add3A_66 = arith.constant 3 : i32
      %add3A_67 = arith.addi %mul3A_22, %add3A_66 : i32
      %broadcast_in_dim3A_68 = vector.broadcast %add3A_67 : i32 to vector<16xi32>
      %gather3A_69 = tpu.vector_load_idx %arg16[%broadcast_in_dim3A_68] : memref<96xf32, #tpu.memory_space<vmem>>[vector<16xi32>], vector<16xf32>,
      %mul3A_70 = arith.constant -2.000000e+00 : f32
      %mul3A_71 = vector.broadcast %mul3A_70 : f32 to vector<16xf32>
      %mul3A_72 = arith.mulf %gather3A_69, %mul3A_71 : vector<16xf32>
      %gather3A_73 = tpu.vector_load_idx %arg17[%broadcast_in_dim3A_68] : memref<96xf32, #tpu.memory_space<vmem>>[vector<16xi32>], vector<16xf32>,
      %mul3A_74 = arith.constant -2.000000e+00 : f32
      %mul3A_75 = vector.broadcast %mul3A_74 : f32 to vector<16xf32>
      %mul3A_76 = arith.mulf %gather3A_73, %mul3A_75 : vector<16xf32>
      %gather3A_77 = tpu.vector_load_idx %arg18[%broadcast_in_dim3A_68] : memref<96xf32, #tpu.memory_space<vmem>>[vector<16xi32>], vector<16xf32>,
      %mul3A_78 = arith.constant -2.000000e+00 : f32
      %mul3A_79 = vector.broadcast %mul3A_78 : f32 to vector<16xf32>
      %mul3A_80 = arith.mulf %gather3A_77, %mul3A_79 : vector<16xf32>
      %add3A_81 = arith.constant 4 : i32
      %add3A_82 = arith.addi %mul3A_22, %add3A_81 : i32
      %broadcast_in_dim3A_83 = vector.broadcast %add3A_82 : i32 to vector<16xi32>
      %gather3A_84 = tpu.vector_load_idx %arg16[%broadcast_in_dim3A_83] : memref<96xf32, #tpu.memory_space<vmem>>[vector<16xi32>], vector<16xf32>,
      %mul3A_85 = arith.constant -2.000000e+00 : f32
      %mul3A_86 = vector.broadcast %mul3A_85 : f32 to vector<16xf32>
      %mul3A_87 = arith.mulf %gather3A_84, %mul3A_86 : vector<16xf32>
      %gather3A_88 = tpu.vector_load_idx %arg17[%broadcast_in_dim3A_83] : memref<96xf32, #tpu.memory_space<vmem>>[vector<16xi32>], vector<16xf32>,
      %mul3A_89 = arith.constant -2.000000e+00 : f32
      %mul3A_90 = vector.broadcast %mul3A_89 : f32 to vector<16xf32>
      %mul3A_91 = arith.mulf %gather3A_88, %mul3A_90 : vector<16xf32>
      %gather3A_92 = tpu.vector_load_idx %arg18[%broadcast_in_dim3A_83] : memref<96xf32, #tpu.memory_space<vmem>>[vector<16xi32>], vector<16xf32>,
      %mul3A_93 = arith.constant -2.000000e+00 : f32
      %mul3A_94 = vector.broadcast %mul3A_93 : f32 to vector<16xf32>
      %mul3A_95 = arith.mulf %gather3A_92, %mul3A_94 : vector<16xf32>
      %add3A_96 = arith.constant 5 : i32
      %add3A_97 = arith.addi %mul3A_22, %add3A_96 : i32
      %broadcast_in_dim3A_98 = vector.broadcast %add3A_97 : i32 to vector<16xi32>
      %gather3A_99 = tpu.vector_load_idx %arg16[%broadcast_in_dim3A_98] : memref<96xf32, #tpu.memory_space<vmem>>[vector<16xi32>], vector<16xf32>,
      %mul3A_100 = arith.constant -2.000000e+00 : f32
      %mul3A_101 = vector.broadcast %mul3A_100 : f32 to vector<16xf32>
      %mul3A_102 = arith.mulf %gather3A_99, %mul3A_101 : vector<16xf32>
      %gather3A_103 = tpu.vector_load_idx %arg17[%broadcast_in_dim3A_98] : memref<96xf32, #tpu.memory_space<vmem>>[vector<16xi32>], vector<16xf32>,
      %mul3A_104 = arith.constant -2.000000e+00 : f32
      %mul3A_105 = vector.broadcast %mul3A_104 : f32 to vector<16xf32>
      %mul3A_106 = arith.mulf %gather3A_103, %mul3A_105 : vector<16xf32>
      %gather3A_107 = tpu.vector_load_idx %arg18[%broadcast_in_dim3A_98] : memref<96xf32, #tpu.memory_space<vmem>>[vector<16xi32>], vector<16xf32>,
      %mul3A_108 = arith.constant -2.000000e+00 : f32
      %mul3A_109 = vector.broadcast %mul3A_108 : f32 to vector<16xf32>
      %mul3A_110 = arith.mulf %gather3A_107, %mul3A_109 : vector<16xf32>
      %add3A_111 = arith.constant 6 : i32
      %add3A_112 = arith.addi %mul3A_22, %add3A_111 : i32
      %broadcast_in_dim3A_113 = vector.broadcast %add3A_112 : i32 to vector<16xi32>
      %gather3A_114 = tpu.vector_load_idx %arg16[%broadcast_in_dim3A_113] : memref<96xf32, #tpu.memory_space<vmem>>[vector<16xi32>], vector<16xf32>,
      %mul3A_115 = arith.constant -2.000000e+00 : f32
      %mul3A_116 = vector.broadcast %mul3A_115 : f32 to vector<16xf32>
      %mul3A_117 = arith.mulf %gather3A_114, %mul3A_116 : vector<16xf32>
      %gather3A_118 = tpu.vector_load_idx %arg17[%broadcast_in_dim3A_113] : memref<96xf32, #tpu.memory_space<vmem>>[vector<16xi32>], vector<16xf32>,
      %mul3A_119 = arith.constant -2.000000e+00 : f32
      %mul3A_120 = vector.broadcast %mul3A_119 : f32 to vector<16xf32>
      %mul3A_121 = arith.mulf %gather3A_118, %mul3A_120 : vector<16xf32>
      %gather3A_122 = tpu.vector_load_idx %arg18[%broadcast_in_dim3A_113] : memref<96xf32, #tpu.memory_space<vmem>>[vector<16xi32>], vector<16xf32>,
      %mul3A_123 = arith.constant -2.000000e+00 : f32
      %mul3A_124 = vector.broadcast %mul3A_123 : f32 to vector<16xf32>
      %mul3A_125 = arith.mulf %gather3A_122, %mul3A_124 : vector<16xf32>
      %add3A_126 = arith.constant 7 : i32
      %add3A_127 = arith.addi %mul3A_22, %add3A_126 : i32
      %broadcast_in_dim3A_128 = vector.broadcast %add3A_127 : i32 to vector<16xi32>
      %gather3A_129 = tpu.vector_load_idx %arg16[%broadcast_in_dim3A_128] : memref<96xf32, #tpu.memory_space<vmem>>[vector<16xi32>], vector<16xf32>,
      %mul3A_130 = arith.constant -2.000000e+00 : f32
      %mul3A_131 = vector.broadcast %mul3A_130 : f32 to vector<16xf32>
      %mul3A_132 = arith.mulf %gather3A_129, %mul3A_131 : vector<16xf32>
      %gather3A_133 = tpu.vector_load_idx %arg17[%broadcast_in_dim3A_128] : memref<96xf32, #tpu.memory_space<vmem>>[vector<16xi32>], vector<16xf32>,
      %mul3A_134 = arith.constant -2.000000e+00 : f32
      %mul3A_135 = vector.broadcast %mul3A_134 : f32 to vector<16xf32>
      %mul3A_136 = arith.mulf %gather3A_133, %mul3A_135 : vector<16xf32>
      %gather3A_137 = tpu.vector_load_idx %arg18[%broadcast_in_dim3A_128] : memref<96xf32, #tpu.memory_space<vmem>>[vector<16xi32>], vector<16xf32>,
      %mul3A_138 = arith.constant -2.000000e+00 : f32
      %mul3A_139 = vector.broadcast %mul3A_138 : f32 to vector<16xf32>
      %mul3A_140 = arith.mulf %gather3A_137, %mul3A_139 : vector<16xf32>
      %add3A_141 = arith.constant 8 : i32
      %add3A_142 = arith.addi %mul3A_22, %add3A_141 : i32
      %broadcast_in_dim3A_143 = vector.broadcast %add3A_142 : i32 to vector<16xi32>
      %gather3A_144 = tpu.vector_load_idx %arg16[%broadcast_in_dim3A_143] : memref<96xf32, #tpu.memory_space<vmem>>[vector<16xi32>], vector<16xf32>,
      %mul3A_145 = arith.constant -2.000000e+00 : f32
      %mul3A_146 = vector.broadcast %mul3A_145 : f32 to vector<16xf32>
      %mul3A_147 = arith.mulf %gather3A_144, %mul3A_146 : vector<16xf32>
      %gather3A_148 = tpu.vector_load_idx %arg17[%broadcast_in_dim3A_143] : memref<96xf32, #tpu.memory_space<vmem>>[vector<16xi32>], vector<16xf32>,
      %mul3A_149 = arith.constant -2.000000e+00 : f32
      %mul3A_150 = vector.broadcast %mul3A_149 : f32 to vector<16xf32>
      %mul3A_151 = arith.mulf %gather3A_148, %mul3A_150 : vector<16xf32>
      %gather3A_152 = tpu.vector_load_idx %arg18[%broadcast_in_dim3A_143] : memref<96xf32, #tpu.memory_space<vmem>>[vector<16xi32>], vector<16xf32>,
      %mul3A_153 = arith.constant -2.000000e+00 : f32
      %mul3A_154 = vector.broadcast %mul3A_153 : f32 to vector<16xf32>
      %mul3A_155 = arith.mulf %gather3A_152, %mul3A_154 : vector<16xf32>
      %add3A_156 = arith.constant 9 : i32
      %add3A_157 = arith.addi %mul3A_22, %add3A_156 : i32
      %broadcast_in_dim3A_158 = vector.broadcast %add3A_157 : i32 to vector<16xi32>
      %gather3A_159 = tpu.vector_load_idx %arg16[%broadcast_in_dim3A_158] : memref<96xf32, #tpu.memory_space<vmem>>[vector<16xi32>], vector<16xf32>,
      %mul3A_160 = arith.constant -2.000000e+00 : f32
      %mul3A_161 = vector.broadcast %mul3A_160 : f32 to vector<16xf32>
      %mul3A_162 = arith.mulf %gather3A_159, %mul3A_161 : vector<16xf32>
      %gather3A_163 = tpu.vector_load_idx %arg17[%broadcast_in_dim3A_158] : memref<96xf32, #tpu.memory_space<vmem>>[vector<16xi32>], vector<16xf32>,
      %mul3A_164 = arith.constant -2.000000e+00 : f32
      %mul3A_165 = vector.broadcast %mul3A_164 : f32 to vector<16xf32>
      %mul3A_166 = arith.mulf %gather3A_163, %mul3A_165 : vector<16xf32>
      %gather3A_167 = tpu.vector_load_idx %arg18[%broadcast_in_dim3A_158] : memref<96xf32, #tpu.memory_space<vmem>>[vector<16xi32>], vector<16xf32>,
      %mul3A_168 = arith.constant -2.000000e+00 : f32
      %mul3A_169 = vector.broadcast %mul3A_168 : f32 to vector<16xf32>
      %mul3A_170 = arith.mulf %gather3A_167, %mul3A_169 : vector<16xf32>
      %add3A_171 = arith.constant 10 : i32
      %add3A_172 = arith.addi %mul3A_22, %add3A_171 : i32
      %broadcast_in_dim3A_173 = vector.broadcast %add3A_172 : i32 to vector<16xi32>
      %gather3A_174 = tpu.vector_load_idx %arg16[%broadcast_in_dim3A_173] : memref<96xf32, #tpu.memory_space<vmem>>[vector<16xi32>], vector<16xf32>,
      %mul3A_175 = arith.constant -2.000000e+00 : f32
      %mul3A_176 = vector.broadcast %mul3A_175 : f32 to vector<16xf32>
      %mul3A_177 = arith.mulf %gather3A_174, %mul3A_176 : vector<16xf32>
      %gather3A_178 = tpu.vector_load_idx %arg17[%broadcast_in_dim3A_173] : memref<96xf32, #tpu.memory_space<vmem>>[vector<16xi32>], vector<16xf32>,
      %mul3A_179 = arith.constant -2.000000e+00 : f32
      %mul3A_180 = vector.broadcast %mul3A_179 : f32 to vector<16xf32>
      %mul3A_181 = arith.mulf %gather3A_178, %mul3A_180 : vector<16xf32>
      %gather3A_182 = tpu.vector_load_idx %arg18[%broadcast_in_dim3A_173] : memref<96xf32, #tpu.memory_space<vmem>>[vector<16xi32>], vector<16xf32>,
      %mul3A_183 = arith.constant -2.000000e+00 : f32
      %mul3A_184 = vector.broadcast %mul3A_183 : f32 to vector<16xf32>
      %mul3A_185 = arith.mulf %gather3A_182, %mul3A_184 : vector<16xf32>
      %add3A_186 = arith.constant 11 : i32
      %add3A_187 = arith.addi %mul3A_22, %add3A_186 : i32
      %broadcast_in_dim3A_188 = vector.broadcast %add3A_187 : i32 to vector<16xi32>
      %gather3A_189 = tpu.vector_load_idx %arg16[%broadcast_in_dim3A_188] : memref<96xf32, #tpu.memory_space<vmem>>[vector<16xi32>], vector<16xf32>,
      %mul3A_190 = arith.constant -2.000000e+00 : f32
      %mul3A_191 = vector.broadcast %mul3A_190 : f32 to vector<16xf32>
      %mul3A_192 = arith.mulf %gather3A_189, %mul3A_191 : vector<16xf32>
      %gather3A_193 = tpu.vector_load_idx %arg17[%broadcast_in_dim3A_188] : memref<96xf32, #tpu.memory_space<vmem>>[vector<16xi32>], vector<16xf32>,
      %mul3A_194 = arith.constant -2.000000e+00 : f32
      %mul3A_195 = vector.broadcast %mul3A_194 : f32 to vector<16xf32>
      %mul3A_196 = arith.mulf %gather3A_193, %mul3A_195 : vector<16xf32>
      %gather3A_197 = tpu.vector_load_idx %arg18[%broadcast_in_dim3A_188] : memref<96xf32, #tpu.memory_space<vmem>>[vector<16xi32>], vector<16xf32>,
      %mul3A_198 = arith.constant -2.000000e+00 : f32
      %mul3A_199 = vector.broadcast %mul3A_198 : f32 to vector<16xf32>
      %mul3A_200 = arith.mulf %gather3A_197, %mul3A_199 : vector<16xf32>
      %add3A_201 = arith.constant 12 : i32
      %add3A_202 = arith.addi %mul3A_22, %add3A_201 : i32
      %broadcast_in_dim3A_203 = vector.broadcast %add3A_202 : i32 to vector<16xi32>
      %gather3A_204 = tpu.vector_load_idx %arg16[%broadcast_in_dim3A_203] : memref<96xf32, #tpu.memory_space<vmem>>[vector<16xi32>], vector<16xf32>,
      %mul3A_205 = arith.constant -2.000000e+00 : f32
      %mul3A_206 = vector.broadcast %mul3A_205 : f32 to vector<16xf32>
      %mul3A_207 = arith.mulf %gather3A_204, %mul3A_206 : vector<16xf32>
      %gather3A_208 = tpu.vector_load_idx %arg17[%broadcast_in_dim3A_203] : memref<96xf32, #tpu.memory_space<vmem>>[vector<16xi32>], vector<16xf32>,
      %mul3A_209 = arith.constant -2.000000e+00 : f32
      %mul3A_210 = vector.broadcast %mul3A_209 : f32 to vector<16xf32>
      %mul3A_211 = arith.mulf %gather3A_208, %mul3A_210 : vector<16xf32>
      %gather3A_212 = tpu.vector_load_idx %arg18[%broadcast_in_dim3A_203] : memref<96xf32, #tpu.memory_space<vmem>>[vector<16xi32>], vector<16xf32>,
      %mul3A_213 = arith.constant -2.000000e+00 : f32
      %mul3A_214 = vector.broadcast %mul3A_213 : f32 to vector<16xf32>
      %mul3A_215 = arith.mulf %gather3A_212, %mul3A_214 : vector<16xf32>
      %add3A_216 = arith.constant 13 : i32
      %add3A_217 = arith.addi %mul3A_22, %add3A_216 : i32
      %broadcast_in_dim3A_218 = vector.broadcast %add3A_217 : i32 to vector<16xi32>
      %gather3A_219 = tpu.vector_load_idx %arg16[%broadcast_in_dim3A_218] : memref<96xf32, #tpu.memory_space<vmem>>[vector<16xi32>], vector<16xf32>,
      %mul3A_220 = arith.constant -2.000000e+00 : f32
      %mul3A_221 = vector.broadcast %mul3A_220 : f32 to vector<16xf32>
      %mul3A_222 = arith.mulf %gather3A_219, %mul3A_221 : vector<16xf32>
      %gather3A_223 = tpu.vector_load_idx %arg17[%broadcast_in_dim3A_218] : memref<96xf32, #tpu.memory_space<vmem>>[vector<16xi32>], vector<16xf32>,
      %mul3A_224 = arith.constant -2.000000e+00 : f32
      %mul3A_225 = vector.broadcast %mul3A_224 : f32 to vector<16xf32>
      %mul3A_226 = arith.mulf %gather3A_223, %mul3A_225 : vector<16xf32>
      %gather3A_227 = tpu.vector_load_idx %arg18[%broadcast_in_dim3A_218] : memref<96xf32, #tpu.memory_space<vmem>>[vector<16xi32>], vector<16xf32>,
      %mul3A_228 = arith.constant -2.000000e+00 : f32
      %mul3A_229 = vector.broadcast %mul3A_228 : f32 to vector<16xf32>
      %mul3A_230 = arith.mulf %gather3A_227, %mul3A_229 : vector<16xf32>
      %add3A_231 = arith.constant 14 : i32
      %add3A_232 = arith.addi %mul3A_22, %add3A_231 : i32
      %broadcast_in_dim3A_233 = vector.broadcast %add3A_232 : i32 to vector<16xi32>
      %gather3A_234 = tpu.vector_load_idx %arg16[%broadcast_in_dim3A_233] : memref<96xf32, #tpu.memory_space<vmem>>[vector<16xi32>], vector<16xf32>,
      %mul3A_235 = arith.constant -2.000000e+00 : f32
      %mul3A_236 = vector.broadcast %mul3A_235 : f32 to vector<16xf32>
      %mul3A_237 = arith.mulf %gather3A_234, %mul3A_236 : vector<16xf32>
      %gather3A_238 = tpu.vector_load_idx %arg17[%broadcast_in_dim3A_233] : memref<96xf32, #tpu.memory_space<vmem>>[vector<16xi32>], vector<16xf32>,
      %mul3A_239 = arith.constant -2.000000e+00 : f32
      %mul3A_240 = vector.broadcast %mul3A_239 : f32 to vector<16xf32>
      %mul3A_241 = arith.mulf %gather3A_238, %mul3A_240 : vector<16xf32>
      %gather3A_242 = tpu.vector_load_idx %arg18[%broadcast_in_dim3A_233] : memref<96xf32, #tpu.memory_space<vmem>>[vector<16xi32>], vector<16xf32>,
      %mul3A_243 = arith.constant -2.000000e+00 : f32
      %mul3A_244 = vector.broadcast %mul3A_243 : f32 to vector<16xf32>
      %mul3A_245 = arith.mulf %gather3A_242, %mul3A_244 : vector<16xf32>
      %add3A_246 = arith.constant 15 : i32
      %add3A_247 = arith.addi %mul3A_22, %add3A_246 : i32
      %broadcast_in_dim3A_248 = vector.broadcast %add3A_247 : i32 to vector<16xi32>
      %gather3A_249 = tpu.vector_load_idx %arg16[%broadcast_in_dim3A_248] : memref<96xf32, #tpu.memory_space<vmem>>[vector<16xi32>], vector<16xf32>,
      %mul3A_250 = arith.constant -2.000000e+00 : f32
      %mul3A_251 = vector.broadcast %mul3A_250 : f32 to vector<16xf32>
      %mul3A_252 = arith.mulf %gather3A_249, %mul3A_251 : vector<16xf32>
      %gather3A_253 = tpu.vector_load_idx %arg17[%broadcast_in_dim3A_248] : memref<96xf32, #tpu.memory_space<vmem>>[vector<16xi32>], vector<16xf32>,
      %mul3A_254 = arith.constant -2.000000e+00 : f32
      %mul3A_255 = vector.broadcast %mul3A_254 : f32 to vector<16xf32>
      %mul3A_256 = arith.mulf %gather3A_253, %mul3A_255 : vector<16xf32>
      %gather3A_257 = tpu.vector_load_idx %arg18[%broadcast_in_dim3A_248] : memref<96xf32, #tpu.memory_space<vmem>>[vector<16xi32>], vector<16xf32>,
      %mul3A_258 = arith.constant -2.000000e+00 : f32
      %mul3A_259 = vector.broadcast %mul3A_258 : f32 to vector<16xf32>
      %mul3A_260 = arith.mulf %gather3A_257, %mul3A_259 : vector<16xf32>
      %broadcast_in_dim3A_261 = arith.constant 3.000000e+38 : f32
      %broadcast_in_dim3A_262 = vector.broadcast %broadcast_in_dim3A_261 : f32 to vector<16xf32>
      %broadcast_in_dim3A_263 = arith.constant 3.000000e+38 : f32
      %broadcast_in_dim3A_264 = vector.broadcast %broadcast_in_dim3A_263 : f32 to vector<16xf32>
      %broadcast_in_dim3A_265 = arith.constant 3.000000e+38 : f32
      %broadcast_in_dim3A_266 = vector.broadcast %broadcast_in_dim3A_265 : f32 to vector<16xf32>
      %broadcast_in_dim3A_267 = arith.constant 3.000000e+38 : f32
      %broadcast_in_dim3A_268 = vector.broadcast %broadcast_in_dim3A_267 : f32 to vector<16xf32>
      %broadcast_in_dim3A_269 = arith.constant 3.000000e+38 : f32
      %broadcast_in_dim3A_270 = vector.broadcast %broadcast_in_dim3A_269 : f32 to vector<16xf32>
      %broadcast_in_dim3A_271 = arith.constant 3.000000e+38 : f32
      %broadcast_in_dim3A_272 = vector.broadcast %broadcast_in_dim3A_271 : f32 to vector<16xf32>
      %broadcast_in_dim3A_273 = arith.constant 3.000000e+38 : f32
      %broadcast_in_dim3A_274 = vector.broadcast %broadcast_in_dim3A_273 : f32 to vector<16xf32>
      %broadcast_in_dim3A_275 = arith.constant 3.000000e+38 : f32
      %broadcast_in_dim3A_276 = vector.broadcast %broadcast_in_dim3A_275 : f32 to vector<16xf32>
      %broadcast_in_dim3A_277 = arith.constant 3.000000e+38 : f32
      %broadcast_in_dim3A_278 = vector.broadcast %broadcast_in_dim3A_277 : f32 to vector<16xf32>
      %broadcast_in_dim3A_279 = arith.constant 3.000000e+38 : f32
      %broadcast_in_dim3A_280 = vector.broadcast %broadcast_in_dim3A_279 : f32 to vector<16xf32>
      %broadcast_in_dim3A_281 = arith.constant 3.000000e+38 : f32
      %broadcast_in_dim3A_282 = vector.broadcast %broadcast_in_dim3A_281 : f32 to vector<16xf32>
      %broadcast_in_dim3A_283 = arith.constant 3.000000e+38 : f32
      %broadcast_in_dim3A_284 = vector.broadcast %broadcast_in_dim3A_283 : f32 to vector<16xf32>
      %broadcast_in_dim3A_285 = arith.constant 3.000000e+38 : f32
      %broadcast_in_dim3A_286 = vector.broadcast %broadcast_in_dim3A_285 : f32 to vector<16xf32>
      %broadcast_in_dim3A_287 = arith.constant 3.000000e+38 : f32
      %broadcast_in_dim3A_288 = vector.broadcast %broadcast_in_dim3A_287 : f32 to vector<16xf32>
      %broadcast_in_dim3A_289 = arith.constant 3.000000e+38 : f32
      %broadcast_in_dim3A_290 = vector.broadcast %broadcast_in_dim3A_289 : f32 to vector<16xf32>
      %broadcast_in_dim3A_291 = arith.constant 3.000000e+38 : f32
      %broadcast_in_dim3A_292 = vector.broadcast %broadcast_in_dim3A_291 : f32 to vector<16xf32>
      %broadcast_in_dim3A_293 = arith.constant 0 : i32
      %broadcast_in_dim3A_294 = vector.broadcast %broadcast_in_dim3A_293 : i32 to vector<16xi32>
      %broadcast_in_dim3A_295 = arith.constant 0 : i32
      %broadcast_in_dim3A_296 = vector.broadcast %broadcast_in_dim3A_295 : i32 to vector<16xi32>
      %broadcast_in_dim3A_297 = arith.constant 0 : i32
      %broadcast_in_dim3A_298 = vector.broadcast %broadcast_in_dim3A_297 : i32 to vector<16xi32>
      %broadcast_in_dim3A_299 = arith.constant 0 : i32
      %broadcast_in_dim3A_300 = vector.broadcast %broadcast_in_dim3A_299 : i32 to vector<16xi32>
      %broadcast_in_dim3A_301 = arith.constant 0 : i32
      %broadcast_in_dim3A_302 = vector.broadcast %broadcast_in_dim3A_301 : i32 to vector<16xi32>
      %broadcast_in_dim3A_303 = arith.constant 0 : i32
      %broadcast_in_dim3A_304 = vector.broadcast %broadcast_in_dim3A_303 : i32 to vector<16xi32>
      %broadcast_in_dim3A_305 = arith.constant 0 : i32
      %broadcast_in_dim3A_306 = vector.broadcast %broadcast_in_dim3A_305 : i32 to vector<16xi32>
      %broadcast_in_dim3A_307 = arith.constant 0 : i32
      %broadcast_in_dim3A_308 = vector.broadcast %broadcast_in_dim3A_307 : i32 to vector<16xi32>
      %broadcast_in_dim3A_309 = arith.constant 0 : i32
      %broadcast_in_dim3A_310 = vector.broadcast %broadcast_in_dim3A_309 : i32 to vector<16xi32>
      %broadcast_in_dim3A_311 = arith.constant 0 : i32
      %broadcast_in_dim3A_312 = vector.broadcast %broadcast_in_dim3A_311 : i32 to vector<16xi32>
      %broadcast_in_dim3A_313 = arith.constant 0 : i32
      %broadcast_in_dim3A_314 = vector.broadcast %broadcast_in_dim3A_313 : i32 to vector<16xi32>
      %broadcast_in_dim3A_315 = arith.constant 0 : i32
      %broadcast_in_dim3A_316 = vector.broadcast %broadcast_in_dim3A_315 : i32 to vector<16xi32>
      %broadcast_in_dim3A_317 = arith.constant 0 : i32
      %broadcast_in_dim3A_318 = vector.broadcast %broadcast_in_dim3A_317 : i32 to vector<16xi32>
      %broadcast_in_dim3A_319 = arith.constant 0 : i32
      %broadcast_in_dim3A_320 = vector.broadcast %broadcast_in_dim3A_319 : i32 to vector<16xi32>
      %broadcast_in_dim3A_321 = arith.constant 0 : i32
      %broadcast_in_dim3A_322 = vector.broadcast %broadcast_in_dim3A_321 : i32 to vector<16xi32>
      %broadcast_in_dim3A_323 = arith.constant 0 : i32
      %broadcast_in_dim3A_324 = vector.broadcast %broadcast_in_dim3A_323 : i32 to vector<16xi32>
      %scan3A_325 = arith.constant 0 : i32
      %scan3A_326 = arith.constant 256 : i32
      %scan3A_327 = arith.addi %scan3A_325, %scan3A_326 : i32
      %scan3A_328 = arith.constant 1 : i32
      %scan3A_329:32 = scf.for %scan3A_571 = %scan3A_325 to %scan3A_327 step %scan3A_328 iter_args(%scan3A_572 = %broadcast_in_dim3A_262, %scan3A_573 = %broadcast_in_dim3A_264, %scan3A_574 = %broadcast_in_dim3A_266, %scan3A_575 = %broadcast_in_dim3A_268, %scan3A_576 = %broadcast_in_dim3A_270, %scan3A_577 = %broadcast_in_dim3A_272, %scan3A_578 = %broadcast_in_dim3A_274, %scan3A_579 = %broadcast_in_dim3A_276, %scan3A_580 = %broadcast_in_dim3A_278, %scan3A_581 = %broadcast_in_dim3A_280, %scan3A_582 = %broadcast_in_dim3A_282, %scan3A_583 = %broadcast_in_dim3A_284, %scan3A_584 = %broadcast_in_dim3A_286, %scan3A_585 = %broadcast_in_dim3A_288, %scan3A_586 = %broadcast_in_dim3A_290, %scan3A_587 = %broadcast_in_dim3A_292, %scan3A_588 = %broadcast_in_dim3A_294, %scan3A_589 = %broadcast_in_dim3A_296, %scan3A_590 = %broadcast_in_dim3A_298, %scan3A_591 = %broadcast_in_dim3A_300, %scan3A_592 = %broadcast_in_dim3A_302, %scan3A_593 = %broadcast_in_dim3A_304, %scan3A_594 = %broadcast_in_dim3A_306, %scan3A_595 = %broadcast_in_dim3A_308, %scan3A_596 = %broadcast_in_dim3A_310, %scan3A_597 = %broadcast_in_dim3A_312, %scan3A_598 = %broadcast_in_dim3A_314, %scan3A_599 = %broadcast_in_dim3A_316, %scan3A_600 = %broadcast_in_dim3A_318, %scan3A_601 = %broadcast_in_dim3A_320, %scan3A_602 = %broadcast_in_dim3A_322, %scan3A_603 = %broadcast_in_dim3A_324) -> (vector<16xf32>, vector<16xf32>, vector<16xf32>, vector<16xf32>, vector<16xf32>, vector<16xf32>, vector<16xf32>, vector<16xf32>, vector<16xf32>, vector<16xf32>, vector<16xf32>, vector<16xf32>, vector<16xf32>, vector<16xf32>, vector<16xf32>, vector<16xf32>, vector<16xi32>, vector<16xi32>, vector<16xi32>, vector<16xi32>, vector<16xi32>, vector<16xi32>, vector<16xi32>, vector<16xi32>, vector<16xi32>, vector<16xi32>, vector<16xi32>, vector<16xi32>, vector<16xi32>, vector<16xi32>, vector<16xi32>, vector<16xi32>)  : i32 {
        %mul3A_604 = arith.constant 16 : i32
        %mul3A_605 = arith.muli %scan3A_571, %mul3A_604 : i32
        %get3A = arith.index_cast %mul3A_605 : i32 to index
        %get3A_606 = tpu.vector_load %arg11[%get3A] {strides = array<i32>} : memref<4096xf32, #tpu.memory_space<vmem>>, vector<16xf32>,
        %get3A_607 = arith.index_cast %mul3A_605 : i32 to index
        %get3A_608 = tpu.vector_load %arg12[%get3A_607] {strides = array<i32>} : memref<4096xf32, #tpu.memory_space<vmem>>, vector<16xf32>,
        %get3A_609 = arith.index_cast %mul3A_605 : i32 to index
        %get3A_610 = tpu.vector_load %arg13[%get3A_609] {strides = array<i32>} : memref<4096xf32, #tpu.memory_space<vmem>>, vector<16xf32>,
        %get3A_611 = arith.index_cast %mul3A_605 : i32 to index
        %get3A_612 = tpu.vector_load %arg14[%get3A_611] {strides = array<i32>} : memref<4096xf32, #tpu.memory_space<vmem>>, vector<16xf32>,
        %mul3A_613 = arith.constant 16 : i32
        %mul3A_614 = arith.muli %scan3A_571, %mul3A_613 : i32
        %add3A_615 = vector.broadcast %mul3A_614 : i32 to vector<16xi32>
        %add3A_616 = arith.addi %add3A_615, %iota3A : vector<16xi32>
        %mul3A_617 = arith.mulf %get3A_606, %mul3A_27 : vector<16xf32>
        %add3A_618 = arith.addf %get3A_612, %mul3A_617 : vector<16xf32>
        %mul3A_619 = arith.mulf %get3A_608, %mul3A_31 : vector<16xf32>
        %add3A_620 = arith.addf %add3A_618, %mul3A_619 : vector<16xf32>
        %mul3A_621 = arith.mulf %get3A_610, %mul3A_35 : vector<16xf32>
        %add3A_622 = arith.addf %add3A_620, %mul3A_621 : vector<16xf32>
        %masked_sort3A = arith.constant dense<true> : vector<16xi1>
        %masked_sort3A_623, %masked_sort3A_624, %masked_sort3A_625 = tpu.sort %add3A_622, %add3A_616 masked %masked_sort3A : (vector<16xf32>, vector<16xi32>, vector<16xi1>) -> (vector<16xi1>, vector<16xf32>, vector<16xi32>)
        %lt3A = arith.cmpf olt, %masked_sort3A_624, %scan3A_572 : vector<16xf32>
        %select_n3A_626 = arith.select %lt3A, %masked_sort3A_624, %scan3A_572 : vector<16xi1>, vector<16xf32>
        %select_n3A_627 = arith.select %lt3A, %masked_sort3A_625, %scan3A_588 : vector<16xi1>, vector<16xi32>
        %masked_sort3A_628 = arith.constant dense<true> : vector<16xi1>
        %masked_sort3A_629, %masked_sort3A_630, %masked_sort3A_631 = tpu.sort %select_n3A_626, %select_n3A_627 masked %masked_sort3A_628 {descending = true} : (vector<16xf32>, vector<16xi32>, vector<16xi1>) -> (vector<16xi1>, vector<16xf32>, vector<16xi32>)
        %mul3A_632 = arith.mulf %get3A_606, %mul3A_42 : vector<16xf32>
        %add3A_633 = arith.addf %get3A_612, %mul3A_632 : vector<16xf32>
        %mul3A_634 = arith.mulf %get3A_608, %mul3A_46 : vector<16xf32>
        %add3A_635 = arith.addf %add3A_633, %mul3A_634 : vector<16xf32>
        %mul3A_636 = arith.mulf %get3A_610, %mul3A_50 : vector<16xf32>
        %add3A_637 = arith.addf %add3A_635, %mul3A_636 : vector<16xf32>
        %masked_sort3A_638 = arith.constant dense<true> : vector<16xi1>
        %masked_sort3A_639, %masked_sort3A_640, %masked_sort3A_641 = tpu.sort %add3A_637, %add3A_616 masked %masked_sort3A_638 : (vector<16xf32>, vector<16xi32>, vector<16xi1>) -> (vector<16xi1>, vector<16xf32>, vector<16xi32>)
        %lt3A_642 = arith.cmpf olt, %masked_sort3A_640, %scan3A_573 : vector<16xf32>
        %select_n3A_643 = arith.select %lt3A_642, %masked_sort3A_640, %scan3A_573 : vector<16xi1>, vector<16xf32>
        %select_n3A_644 = arith.select %lt3A_642, %masked_sort3A_641, %scan3A_589 : vector<16xi1>, vector<16xi32>
        %masked_sort3A_645 = arith.constant dense<true> : vector<16xi1>
        %masked_sort3A_646, %masked_sort3A_647, %masked_sort3A_648 = tpu.sort %select_n3A_643, %select_n3A_644 masked %masked_sort3A_645 {descending = true} : (vector<16xf32>, vector<16xi32>, vector<16xi1>) -> (vector<16xi1>, vector<16xf32>, vector<16xi32>)
        %mul3A_649 = arith.mulf %get3A_606, %mul3A_57 : vector<16xf32>
        %add3A_650 = arith.addf %get3A_612, %mul3A_649 : vector<16xf32>
        %mul3A_651 = arith.mulf %get3A_608, %mul3A_61 : vector<16xf32>
        %add3A_652 = arith.addf %add3A_650, %mul3A_651 : vector<16xf32>
        %mul3A_653 = arith.mulf %get3A_610, %mul3A_65 : vector<16xf32>
        %add3A_654 = arith.addf %add3A_652, %mul3A_653 : vector<16xf32>
        %masked_sort3A_655 = arith.constant dense<true> : vector<16xi1>
        %masked_sort3A_656, %masked_sort3A_657, %masked_sort3A_658 = tpu.sort %add3A_654, %add3A_616 masked %masked_sort3A_655 : (vector<16xf32>, vector<16xi32>, vector<16xi1>) -> (vector<16xi1>, vector<16xf32>, vector<16xi32>)
        %lt3A_659 = arith.cmpf olt, %masked_sort3A_657, %scan3A_574 : vector<16xf32>
        %select_n3A_660 = arith.select %lt3A_659, %masked_sort3A_657, %scan3A_574 : vector<16xi1>, vector<16xf32>
        %select_n3A_661 = arith.select %lt3A_659, %masked_sort3A_658, %scan3A_590 : vector<16xi1>, vector<16xi32>
        %masked_sort3A_662 = arith.constant dense<true> : vector<16xi1>
        %masked_sort3A_663, %masked_sort3A_664, %masked_sort3A_665 = tpu.sort %select_n3A_660, %select_n3A_661 masked %masked_sort3A_662 {descending = true} : (vector<16xf32>, vector<16xi32>, vector<16xi1>) -> (vector<16xi1>, vector<16xf32>, vector<16xi32>)
        %mul3A_666 = arith.mulf %get3A_606, %mul3A_72 : vector<16xf32>
        %add3A_667 = arith.addf %get3A_612, %mul3A_666 : vector<16xf32>
        %mul3A_668 = arith.mulf %get3A_608, %mul3A_76 : vector<16xf32>
        %add3A_669 = arith.addf %add3A_667, %mul3A_668 : vector<16xf32>
        %mul3A_670 = arith.mulf %get3A_610, %mul3A_80 : vector<16xf32>
        %add3A_671 = arith.addf %add3A_669, %mul3A_670 : vector<16xf32>
        %masked_sort3A_672 = arith.constant dense<true> : vector<16xi1>
        %masked_sort3A_673, %masked_sort3A_674, %masked_sort3A_675 = tpu.sort %add3A_671, %add3A_616 masked %masked_sort3A_672 : (vector<16xf32>, vector<16xi32>, vector<16xi1>) -> (vector<16xi1>, vector<16xf32>, vector<16xi32>)
        %lt3A_676 = arith.cmpf olt, %masked_sort3A_674, %scan3A_575 : vector<16xf32>
        %select_n3A_677 = arith.select %lt3A_676, %masked_sort3A_674, %scan3A_575 : vector<16xi1>, vector<16xf32>
        %select_n3A_678 = arith.select %lt3A_676, %masked_sort3A_675, %scan3A_591 : vector<16xi1>, vector<16xi32>
        %masked_sort3A_679 = arith.constant dense<true> : vector<16xi1>
        %masked_sort3A_680, %masked_sort3A_681, %masked_sort3A_682 = tpu.sort %select_n3A_677, %select_n3A_678 masked %masked_sort3A_679 {descending = true} : (vector<16xf32>, vector<16xi32>, vector<16xi1>) -> (vector<16xi1>, vector<16xf32>, vector<16xi32>)
        %mul3A_683 = arith.mulf %get3A_606, %mul3A_87 : vector<16xf32>
        %add3A_684 = arith.addf %get3A_612, %mul3A_683 : vector<16xf32>
        %mul3A_685 = arith.mulf %get3A_608, %mul3A_91 : vector<16xf32>
        %add3A_686 = arith.addf %add3A_684, %mul3A_685 : vector<16xf32>
        %mul3A_687 = arith.mulf %get3A_610, %mul3A_95 : vector<16xf32>
        %add3A_688 = arith.addf %add3A_686, %mul3A_687 : vector<16xf32>
        %masked_sort3A_689 = arith.constant dense<true> : vector<16xi1>
        %masked_sort3A_690, %masked_sort3A_691, %masked_sort3A_692 = tpu.sort %add3A_688, %add3A_616 masked %masked_sort3A_689 : (vector<16xf32>, vector<16xi32>, vector<16xi1>) -> (vector<16xi1>, vector<16xf32>, vector<16xi32>)
        %lt3A_693 = arith.cmpf olt, %masked_sort3A_691, %scan3A_576 : vector<16xf32>
        %select_n3A_694 = arith.select %lt3A_693, %masked_sort3A_691, %scan3A_576 : vector<16xi1>, vector<16xf32>
        %select_n3A_695 = arith.select %lt3A_693, %masked_sort3A_692, %scan3A_592 : vector<16xi1>, vector<16xi32>
        %masked_sort3A_696 = arith.constant dense<true> : vector<16xi1>
        %masked_sort3A_697, %masked_sort3A_698, %masked_sort3A_699 = tpu.sort %select_n3A_694, %select_n3A_695 masked %masked_sort3A_696 {descending = true} : (vector<16xf32>, vector<16xi32>, vector<16xi1>) -> (vector<16xi1>, vector<16xf32>, vector<16xi32>)
        %mul3A_700 = arith.mulf %get3A_606, %mul3A_102 : vector<16xf32>
        %add3A_701 = arith.addf %get3A_612, %mul3A_700 : vector<16xf32>
        %mul3A_702 = arith.mulf %get3A_608, %mul3A_106 : vector<16xf32>
        %add3A_703 = arith.addf %add3A_701, %mul3A_702 : vector<16xf32>
        %mul3A_704 = arith.mulf %get3A_610, %mul3A_110 : vector<16xf32>
        %add3A_705 = arith.addf %add3A_703, %mul3A_704 : vector<16xf32>
        %masked_sort3A_706 = arith.constant dense<true> : vector<16xi1>
        %masked_sort3A_707, %masked_sort3A_708, %masked_sort3A_709 = tpu.sort %add3A_705, %add3A_616 masked %masked_sort3A_706 : (vector<16xf32>, vector<16xi32>, vector<16xi1>) -> (vector<16xi1>, vector<16xf32>, vector<16xi32>)
        %lt3A_710 = arith.cmpf olt, %masked_sort3A_708, %scan3A_577 : vector<16xf32>
        %select_n3A_711 = arith.select %lt3A_710, %masked_sort3A_708, %scan3A_577 : vector<16xi1>, vector<16xf32>
        %select_n3A_712 = arith.select %lt3A_710, %masked_sort3A_709, %scan3A_593 : vector<16xi1>, vector<16xi32>
        %masked_sort3A_713 = arith.constant dense<true> : vector<16xi1>
        %masked_sort3A_714, %masked_sort3A_715, %masked_sort3A_716 = tpu.sort %select_n3A_711, %select_n3A_712 masked %masked_sort3A_713 {descending = true} : (vector<16xf32>, vector<16xi32>, vector<16xi1>) -> (vector<16xi1>, vector<16xf32>, vector<16xi32>)
        %mul3A_717 = arith.mulf %get3A_606, %mul3A_117 : vector<16xf32>
        %add3A_718 = arith.addf %get3A_612, %mul3A_717 : vector<16xf32>
        %mul3A_719 = arith.mulf %get3A_608, %mul3A_121 : vector<16xf32>
        %add3A_720 = arith.addf %add3A_718, %mul3A_719 : vector<16xf32>
        %mul3A_721 = arith.mulf %get3A_610, %mul3A_125 : vector<16xf32>
        %add3A_722 = arith.addf %add3A_720, %mul3A_721 : vector<16xf32>
        %masked_sort3A_723 = arith.constant dense<true> : vector<16xi1>
        %masked_sort3A_724, %masked_sort3A_725, %masked_sort3A_726 = tpu.sort %add3A_722, %add3A_616 masked %masked_sort3A_723 : (vector<16xf32>, vector<16xi32>, vector<16xi1>) -> (vector<16xi1>, vector<16xf32>, vector<16xi32>)
        %lt3A_727 = arith.cmpf olt, %masked_sort3A_725, %scan3A_578 : vector<16xf32>
        %select_n3A_728 = arith.select %lt3A_727, %masked_sort3A_725, %scan3A_578 : vector<16xi1>, vector<16xf32>
        %select_n3A_729 = arith.select %lt3A_727, %masked_sort3A_726, %scan3A_594 : vector<16xi1>, vector<16xi32>
        %masked_sort3A_730 = arith.constant dense<true> : vector<16xi1>
        %masked_sort3A_731, %masked_sort3A_732, %masked_sort3A_733 = tpu.sort %select_n3A_728, %select_n3A_729 masked %masked_sort3A_730 {descending = true} : (vector<16xf32>, vector<16xi32>, vector<16xi1>) -> (vector<16xi1>, vector<16xf32>, vector<16xi32>)
        %mul3A_734 = arith.mulf %get3A_606, %mul3A_132 : vector<16xf32>
        %add3A_735 = arith.addf %get3A_612, %mul3A_734 : vector<16xf32>
        %mul3A_736 = arith.mulf %get3A_608, %mul3A_136 : vector<16xf32>
        %add3A_737 = arith.addf %add3A_735, %mul3A_736 : vector<16xf32>
        %mul3A_738 = arith.mulf %get3A_610, %mul3A_140 : vector<16xf32>
        %add3A_739 = arith.addf %add3A_737, %mul3A_738 : vector<16xf32>
        %masked_sort3A_740 = arith.constant dense<true> : vector<16xi1>
        %masked_sort3A_741, %masked_sort3A_742, %masked_sort3A_743 = tpu.sort %add3A_739, %add3A_616 masked %masked_sort3A_740 : (vector<16xf32>, vector<16xi32>, vector<16xi1>) -> (vector<16xi1>, vector<16xf32>, vector<16xi32>)
        %lt3A_744 = arith.cmpf olt, %masked_sort3A_742, %scan3A_579 : vector<16xf32>
        %select_n3A_745 = arith.select %lt3A_744, %masked_sort3A_742, %scan3A_579 : vector<16xi1>, vector<16xf32>
        %select_n3A_746 = arith.select %lt3A_744, %masked_sort3A_743, %scan3A_595 : vector<16xi1>, vector<16xi32>
        %masked_sort3A_747 = arith.constant dense<true> : vector<16xi1>
        %masked_sort3A_748, %masked_sort3A_749, %masked_sort3A_750 = tpu.sort %select_n3A_745, %select_n3A_746 masked %masked_sort3A_747 {descending = true} : (vector<16xf32>, vector<16xi32>, vector<16xi1>) -> (vector<16xi1>, vector<16xf32>, vector<16xi32>)
        %mul3A_751 = arith.mulf %get3A_606, %mul3A_147 : vector<16xf32>
        %add3A_752 = arith.addf %get3A_612, %mul3A_751 : vector<16xf32>
        %mul3A_753 = arith.mulf %get3A_608, %mul3A_151 : vector<16xf32>
        %add3A_754 = arith.addf %add3A_752, %mul3A_753 : vector<16xf32>
        %mul3A_755 = arith.mulf %get3A_610, %mul3A_155 : vector<16xf32>
        %add3A_756 = arith.addf %add3A_754, %mul3A_755 : vector<16xf32>
        %masked_sort3A_757 = arith.constant dense<true> : vector<16xi1>
        %masked_sort3A_758, %masked_sort3A_759, %masked_sort3A_760 = tpu.sort %add3A_756, %add3A_616 masked %masked_sort3A_757 : (vector<16xf32>, vector<16xi32>, vector<16xi1>) -> (vector<16xi1>, vector<16xf32>, vector<16xi32>)
        %lt3A_761 = arith.cmpf olt, %masked_sort3A_759, %scan3A_580 : vector<16xf32>
        %select_n3A_762 = arith.select %lt3A_761, %masked_sort3A_759, %scan3A_580 : vector<16xi1>, vector<16xf32>
        %select_n3A_763 = arith.select %lt3A_761, %masked_sort3A_760, %scan3A_596 : vector<16xi1>, vector<16xi32>
        %masked_sort3A_764 = arith.constant dense<true> : vector<16xi1>
        %masked_sort3A_765, %masked_sort3A_766, %masked_sort3A_767 = tpu.sort %select_n3A_762, %select_n3A_763 masked %masked_sort3A_764 {descending = true} : (vector<16xf32>, vector<16xi32>, vector<16xi1>) -> (vector<16xi1>, vector<16xf32>, vector<16xi32>)
        %mul3A_768 = arith.mulf %get3A_606, %mul3A_162 : vector<16xf32>
        %add3A_769 = arith.addf %get3A_612, %mul3A_768 : vector<16xf32>
        %mul3A_770 = arith.mulf %get3A_608, %mul3A_166 : vector<16xf32>
        %add3A_771 = arith.addf %add3A_769, %mul3A_770 : vector<16xf32>
        %mul3A_772 = arith.mulf %get3A_610, %mul3A_170 : vector<16xf32>
        %add3A_773 = arith.addf %add3A_771, %mul3A_772 : vector<16xf32>
        %masked_sort3A_774 = arith.constant dense<true> : vector<16xi1>
        %masked_sort3A_775, %masked_sort3A_776, %masked_sort3A_777 = tpu.sort %add3A_773, %add3A_616 masked %masked_sort3A_774 : (vector<16xf32>, vector<16xi32>, vector<16xi1>) -> (vector<16xi1>, vector<16xf32>, vector<16xi32>)
        %lt3A_778 = arith.cmpf olt, %masked_sort3A_776, %scan3A_581 : vector<16xf32>
        %select_n3A_779 = arith.select %lt3A_778, %masked_sort3A_776, %scan3A_581 : vector<16xi1>, vector<16xf32>
        %select_n3A_780 = arith.select %lt3A_778, %masked_sort3A_777, %scan3A_597 : vector<16xi1>, vector<16xi32>
        %masked_sort3A_781 = arith.constant dense<true> : vector<16xi1>
        %masked_sort3A_782, %masked_sort3A_783, %masked_sort3A_784 = tpu.sort %select_n3A_779, %select_n3A_780 masked %masked_sort3A_781 {descending = true} : (vector<16xf32>, vector<16xi32>, vector<16xi1>) -> (vector<16xi1>, vector<16xf32>, vector<16xi32>)
        %mul3A_785 = arith.mulf %get3A_606, %mul3A_177 : vector<16xf32>
        %add3A_786 = arith.addf %get3A_612, %mul3A_785 : vector<16xf32>
        %mul3A_787 = arith.mulf %get3A_608, %mul3A_181 : vector<16xf32>
        %add3A_788 = arith.addf %add3A_786, %mul3A_787 : vector<16xf32>
        %mul3A_789 = arith.mulf %get3A_610, %mul3A_185 : vector<16xf32>
        %add3A_790 = arith.addf %add3A_788, %mul3A_789 : vector<16xf32>
        %masked_sort3A_791 = arith.constant dense<true> : vector<16xi1>
        %masked_sort3A_792, %masked_sort3A_793, %masked_sort3A_794 = tpu.sort %add3A_790, %add3A_616 masked %masked_sort3A_791 : (vector<16xf32>, vector<16xi32>, vector<16xi1>) -> (vector<16xi1>, vector<16xf32>, vector<16xi32>)
        %lt3A_795 = arith.cmpf olt, %masked_sort3A_793, %scan3A_582 : vector<16xf32>
        %select_n3A_796 = arith.select %lt3A_795, %masked_sort3A_793, %scan3A_582 : vector<16xi1>, vector<16xf32>
        %select_n3A_797 = arith.select %lt3A_795, %masked_sort3A_794, %scan3A_598 : vector<16xi1>, vector<16xi32>
        %masked_sort3A_798 = arith.constant dense<true> : vector<16xi1>
        %masked_sort3A_799, %masked_sort3A_800, %masked_sort3A_801 = tpu.sort %select_n3A_796, %select_n3A_797 masked %masked_sort3A_798 {descending = true} : (vector<16xf32>, vector<16xi32>, vector<16xi1>) -> (vector<16xi1>, vector<16xf32>, vector<16xi32>)
        %mul3A_802 = arith.mulf %get3A_606, %mul3A_192 : vector<16xf32>
        %add3A_803 = arith.addf %get3A_612, %mul3A_802 : vector<16xf32>
        %mul3A_804 = arith.mulf %get3A_608, %mul3A_196 : vector<16xf32>
        %add3A_805 = arith.addf %add3A_803, %mul3A_804 : vector<16xf32>
        %mul3A_806 = arith.mulf %get3A_610, %mul3A_200 : vector<16xf32>
        %add3A_807 = arith.addf %add3A_805, %mul3A_806 : vector<16xf32>
        %masked_sort3A_808 = arith.constant dense<true> : vector<16xi1>
        %masked_sort3A_809, %masked_sort3A_810, %masked_sort3A_811 = tpu.sort %add3A_807, %add3A_616 masked %masked_sort3A_808 : (vector<16xf32>, vector<16xi32>, vector<16xi1>) -> (vector<16xi1>, vector<16xf32>, vector<16xi32>)
        %lt3A_812 = arith.cmpf olt, %masked_sort3A_810, %scan3A_583 : vector<16xf32>
        %select_n3A_813 = arith.select %lt3A_812, %masked_sort3A_810, %scan3A_583 : vector<16xi1>, vector<16xf32>
        %select_n3A_814 = arith.select %lt3A_812, %masked_sort3A_811, %scan3A_599 : vector<16xi1>, vector<16xi32>
        %masked_sort3A_815 = arith.constant dense<true> : vector<16xi1>
        %masked_sort3A_816, %masked_sort3A_817, %masked_sort3A_818 = tpu.sort %select_n3A_813, %select_n3A_814 masked %masked_sort3A_815 {descending = true} : (vector<16xf32>, vector<16xi32>, vector<16xi1>) -> (vector<16xi1>, vector<16xf32>, vector<16xi32>)
        %mul3A_819 = arith.mulf %get3A_606, %mul3A_207 : vector<16xf32>
        %add3A_820 = arith.addf %get3A_612, %mul3A_819 : vector<16xf32>
        %mul3A_821 = arith.mulf %get3A_608, %mul3A_211 : vector<16xf32>
        %add3A_822 = arith.addf %add3A_820, %mul3A_821 : vector<16xf32>
        %mul3A_823 = arith.mulf %get3A_610, %mul3A_215 : vector<16xf32>
        %add3A_824 = arith.addf %add3A_822, %mul3A_823 : vector<16xf32>
        %masked_sort3A_825 = arith.constant dense<true> : vector<16xi1>
        %masked_sort3A_826, %masked_sort3A_827, %masked_sort3A_828 = tpu.sort %add3A_824, %add3A_616 masked %masked_sort3A_825 : (vector<16xf32>, vector<16xi32>, vector<16xi1>) -> (vector<16xi1>, vector<16xf32>, vector<16xi32>)
        %lt3A_829 = arith.cmpf olt, %masked_sort3A_827, %scan3A_584 : vector<16xf32>
        %select_n3A_830 = arith.select %lt3A_829, %masked_sort3A_827, %scan3A_584 : vector<16xi1>, vector<16xf32>
        %select_n3A_831 = arith.select %lt3A_829, %masked_sort3A_828, %scan3A_600 : vector<16xi1>, vector<16xi32>
        %masked_sort3A_832 = arith.constant dense<true> : vector<16xi1>
        %masked_sort3A_833, %masked_sort3A_834, %masked_sort3A_835 = tpu.sort %select_n3A_830, %select_n3A_831 masked %masked_sort3A_832 {descending = true} : (vector<16xf32>, vector<16xi32>, vector<16xi1>) -> (vector<16xi1>, vector<16xf32>, vector<16xi32>)
        %mul3A_836 = arith.mulf %get3A_606, %mul3A_222 : vector<16xf32>
        %add3A_837 = arith.addf %get3A_612, %mul3A_836 : vector<16xf32>
        %mul3A_838 = arith.mulf %get3A_608, %mul3A_226 : vector<16xf32>
        %add3A_839 = arith.addf %add3A_837, %mul3A_838 : vector<16xf32>
        %mul3A_840 = arith.mulf %get3A_610, %mul3A_230 : vector<16xf32>
        %add3A_841 = arith.addf %add3A_839, %mul3A_840 : vector<16xf32>
        %masked_sort3A_842 = arith.constant dense<true> : vector<16xi1>
        %masked_sort3A_843, %masked_sort3A_844, %masked_sort3A_845 = tpu.sort %add3A_841, %add3A_616 masked %masked_sort3A_842 : (vector<16xf32>, vector<16xi32>, vector<16xi1>) -> (vector<16xi1>, vector<16xf32>, vector<16xi32>)
        %lt3A_846 = arith.cmpf olt, %masked_sort3A_844, %scan3A_585 : vector<16xf32>
        %select_n3A_847 = arith.select %lt3A_846, %masked_sort3A_844, %scan3A_585 : vector<16xi1>, vector<16xf32>
        %select_n3A_848 = arith.select %lt3A_846, %masked_sort3A_845, %scan3A_601 : vector<16xi1>, vector<16xi32>
        %masked_sort3A_849 = arith.constant dense<true> : vector<16xi1>
        %masked_sort3A_850, %masked_sort3A_851, %masked_sort3A_852 = tpu.sort %select_n3A_847, %select_n3A_848 masked %masked_sort3A_849 {descending = true} : (vector<16xf32>, vector<16xi32>, vector<16xi1>) -> (vector<16xi1>, vector<16xf32>, vector<16xi32>)
        %mul3A_853 = arith.mulf %get3A_606, %mul3A_237 : vector<16xf32>
        %add3A_854 = arith.addf %get3A_612, %mul3A_853 : vector<16xf32>
        %mul3A_855 = arith.mulf %get3A_608, %mul3A_241 : vector<16xf32>
        %add3A_856 = arith.addf %add3A_854, %mul3A_855 : vector<16xf32>
        %mul3A_857 = arith.mulf %get3A_610, %mul3A_245 : vector<16xf32>
        %add3A_858 = arith.addf %add3A_856, %mul3A_857 : vector<16xf32>
        %masked_sort3A_859 = arith.constant dense<true> : vector<16xi1>
        %masked_sort3A_860, %masked_sort3A_861, %masked_sort3A_862 = tpu.sort %add3A_858, %add3A_616 masked %masked_sort3A_859 : (vector<16xf32>, vector<16xi32>, vector<16xi1>) -> (vector<16xi1>, vector<16xf32>, vector<16xi32>)
        %lt3A_863 = arith.cmpf olt, %masked_sort3A_861, %scan3A_586 : vector<16xf32>
        %select_n3A_864 = arith.select %lt3A_863, %masked_sort3A_861, %scan3A_586 : vector<16xi1>, vector<16xf32>
        %select_n3A_865 = arith.select %lt3A_863, %masked_sort3A_862, %scan3A_602 : vector<16xi1>, vector<16xi32>
        %masked_sort3A_866 = arith.constant dense<true> : vector<16xi1>
        %masked_sort3A_867, %masked_sort3A_868, %masked_sort3A_869 = tpu.sort %select_n3A_864, %select_n3A_865 masked %masked_sort3A_866 {descending = true} : (vector<16xf32>, vector<16xi32>, vector<16xi1>) -> (vector<16xi1>, vector<16xf32>, vector<16xi32>)
        %mul3A_870 = arith.mulf %get3A_606, %mul3A_252 : vector<16xf32>
        %add3A_871 = arith.addf %get3A_612, %mul3A_870 : vector<16xf32>
        %mul3A_872 = arith.mulf %get3A_608, %mul3A_256 : vector<16xf32>
        %add3A_873 = arith.addf %add3A_871, %mul3A_872 : vector<16xf32>
        %mul3A_874 = arith.mulf %get3A_610, %mul3A_260 : vector<16xf32>
        %add3A_875 = arith.addf %add3A_873, %mul3A_874 : vector<16xf32>
        %masked_sort3A_876 = arith.constant dense<true> : vector<16xi1>
        %masked_sort3A_877, %masked_sort3A_878, %masked_sort3A_879 = tpu.sort %add3A_875, %add3A_616 masked %masked_sort3A_876 : (vector<16xf32>, vector<16xi32>, vector<16xi1>) -> (vector<16xi1>, vector<16xf32>, vector<16xi32>)
        %lt3A_880 = arith.cmpf olt, %masked_sort3A_878, %scan3A_587 : vector<16xf32>
        %select_n3A_881 = arith.select %lt3A_880, %masked_sort3A_878, %scan3A_587 : vector<16xi1>, vector<16xf32>
        %select_n3A_882 = arith.select %lt3A_880, %masked_sort3A_879, %scan3A_603 : vector<16xi1>, vector<16xi32>
        %masked_sort3A_883 = arith.constant dense<true> : vector<16xi1>
        %masked_sort3A_884, %masked_sort3A_885, %masked_sort3A_886 = tpu.sort %select_n3A_881, %select_n3A_882 masked %masked_sort3A_883 {descending = true} : (vector<16xf32>, vector<16xi32>, vector<16xi1>) -> (vector<16xi1>, vector<16xf32>, vector<16xi32>)
        scf.yield %masked_sort3A_630, %masked_sort3A_647, %masked_sort3A_664, %masked_sort3A_681, %masked_sort3A_698, %masked_sort3A_715, %masked_sort3A_732, %masked_sort3A_749, %masked_sort3A_766, %masked_sort3A_783, %masked_sort3A_800, %masked_sort3A_817, %masked_sort3A_834, %masked_sort3A_851, %masked_sort3A_868, %masked_sort3A_885, %masked_sort3A_631, %masked_sort3A_648, %masked_sort3A_665, %masked_sort3A_682, %masked_sort3A_699, %masked_sort3A_716, %masked_sort3A_733, %masked_sort3A_750, %masked_sort3A_767, %masked_sort3A_784, %masked_sort3A_801, %masked_sort3A_818, %masked_sort3A_835, %masked_sort3A_852, %masked_sort3A_869, %masked_sort3A_886 : vector<16xf32>, vector<16xf32>, vector<16xf32>, vector<16xf32>, vector<16xf32>, vector<16xf32>, vector<16xf32>, vector<16xf32>, vector<16xf32>, vector<16xf32>, vector<16xf32>, vector<16xf32>, vector<16xf32>, vector<16xf32>, vector<16xf32>, vector<16xf32>, vector<16xi32>, vector<16xi32>, vector<16xi32>, vector<16xi32>, vector<16xi32>, vector<16xi32>, vector<16xi32>, vector<16xi32>, vector<16xi32>, vector<16xi32>, vector<16xi32>, vector<16xi32>, vector<16xi32>, vector<16xi32>, vector<16xi32>, vector<16xi32>
      }
      %scan3A_330 = arith.constant 256 : i32
      %broadcast_in_dim3A_331 = arith.constant 0.000000e+00 : f32
      %broadcast_in_dim3A_332 = vector.broadcast %broadcast_in_dim3A_331 : f32 to vector<16xf32>
      %gather3A_333 = tpu.vector_load_idx %arg15[%scan3A_329#16] : memref<4096xf32, #tpu.memory_space<vmem>>[vector<16xi32>], vector<16xf32>,
      %jit3A = arith.constant 0.000000e+00 : f32
      %broadcast_in_dim3A_334 = vector.broadcast %jit3A : f32 to vector<16xf32>
      %select_n3A = arith.select %ge3A_10, %gather3A_333, %broadcast_in_dim3A_334 : vector<16xi1>, vector<16xf32>
      %reduce_sum3A = arith.constant true
      %reduce_sum3A_335 = vector.broadcast %reduce_sum3A : i1 to vector<16xi1>
      %reduce_sum3A_336 = tpu.scan <sum>, %select_n3A masked %reduce_sum3A_335 : vector<16xf32>, vector<16xi1> -> vector<16xf32>
      %reduce_sum3A_337 = vector.extract %reduce_sum3A_336[15] : f32 from vector<16xf32>
      %mul3A_338 = arith.constant 1.000000e-01 : f32
      %mul3A_339 = arith.mulf %reduce_sum3A_337, %mul3A_338 : f32
      %eq3A = arith.constant 0 : i32
      %eq3A_340 = vector.broadcast %eq3A : i32 to vector<16xi32>
      %eq3A_341 = arith.cmpi eq, %iota3A, %eq3A_340 : vector<16xi32>
      %broadcast_in_dim3A_342 = vector.broadcast %mul3A_339 : f32 to vector<16xf32>
      %select_n3A_343 = arith.select %eq3A_341, %broadcast_in_dim3A_342, %broadcast_in_dim3A_332 : vector<16xi1>, vector<16xf32>
      %gather3A_344 = tpu.vector_load_idx %arg15[%scan3A_329#17] : memref<4096xf32, #tpu.memory_space<vmem>>[vector<16xi32>], vector<16xf32>,
      %jit3A_345 = arith.constant 0.000000e+00 : f32
      %broadcast_in_dim3A_346 = vector.broadcast %jit3A_345 : f32 to vector<16xf32>
      %select_n3A_347 = arith.select %ge3A_10, %gather3A_344, %broadcast_in_dim3A_346 : vector<16xi1>, vector<16xf32>
      %reduce_sum3A_348 = arith.constant true
      %reduce_sum3A_349 = vector.broadcast %reduce_sum3A_348 : i1 to vector<16xi1>
      %reduce_sum3A_350 = tpu.scan <sum>, %select_n3A_347 masked %reduce_sum3A_349 : vector<16xf32>, vector<16xi1> -> vector<16xf32>
      %reduce_sum3A_351 = vector.extract %reduce_sum3A_350[15] : f32 from vector<16xf32>
      %mul3A_352 = arith.constant 1.000000e-01 : f32
      %mul3A_353 = arith.mulf %reduce_sum3A_351, %mul3A_352 : f32
      %eq3A_354 = arith.constant 1 : i32
      %eq3A_355 = vector.broadcast %eq3A_354 : i32 to vector<16xi32>
      %eq3A_356 = arith.cmpi eq, %iota3A, %eq3A_355 : vector<16xi32>
      %broadcast_in_dim3A_357 = vector.broadcast %mul3A_353 : f32 to vector<16xf32>
      %select_n3A_358 = arith.select %eq3A_356, %broadcast_in_dim3A_357, %select_n3A_343 : vector<16xi1>, vector<16xf32>
      %gather3A_359 = tpu.vector_load_idx %arg15[%scan3A_329#18] : memref<4096xf32, #tpu.memory_space<vmem>>[vector<16xi32>], vector<16xf32>,
      %jit3A_360 = arith.constant 0.000000e+00 : f32
      %broadcast_in_dim3A_361 = vector.broadcast %jit3A_360 : f32 to vector<16xf32>
      %select_n3A_362 = arith.select %ge3A_10, %gather3A_359, %broadcast_in_dim3A_361 : vector<16xi1>, vector<16xf32>
      %reduce_sum3A_363 = arith.constant true
      %reduce_sum3A_364 = vector.broadcast %reduce_sum3A_363 : i1 to vector<16xi1>
      %reduce_sum3A_365 = tpu.scan <sum>, %select_n3A_362 masked %reduce_sum3A_364 : vector<16xf32>, vector<16xi1> -> vector<16xf32>
      %reduce_sum3A_366 = vector.extract %reduce_sum3A_365[15] : f32 from vector<16xf32>
      %mul3A_367 = arith.constant 1.000000e-01 : f32
      %mul3A_368 = arith.mulf %reduce_sum3A_366, %mul3A_367 : f32
      %eq3A_369 = arith.constant 2 : i32
      %eq3A_370 = vector.broadcast %eq3A_369 : i32 to vector<16xi32>
      %eq3A_371 = arith.cmpi eq, %iota3A, %eq3A_370 : vector<16xi32>
      %broadcast_in_dim3A_372 = vector.broadcast %mul3A_368 : f32 to vector<16xf32>
      %select_n3A_373 = arith.select %eq3A_371, %broadcast_in_dim3A_372, %select_n3A_358 : vector<16xi1>, vector<16xf32>
      %gather3A_374 = tpu.vector_load_idx %arg15[%scan3A_329#19] : memref<4096xf32, #tpu.memory_space<vmem>>[vector<16xi32>], vector<16xf32>,
      %jit3A_375 = arith.constant 0.000000e+00 : f32
      %broadcast_in_dim3A_376 = vector.broadcast %jit3A_375 : f32 to vector<16xf32>
      %select_n3A_377 = arith.select %ge3A_10, %gather3A_374, %broadcast_in_dim3A_376 : vector<16xi1>, vector<16xf32>
      %reduce_sum3A_378 = arith.constant true
      %reduce_sum3A_379 = vector.broadcast %reduce_sum3A_378 : i1 to vector<16xi1>
      %reduce_sum3A_380 = tpu.scan <sum>, %select_n3A_377 masked %reduce_sum3A_379 : vector<16xf32>, vector<16xi1> -> vector<16xf32>
      %reduce_sum3A_381 = vector.extract %reduce_sum3A_380[15] : f32 from vector<16xf32>
      %mul3A_382 = arith.constant 1.000000e-01 : f32
      %mul3A_383 = arith.mulf %reduce_sum3A_381, %mul3A_382 : f32
      %eq3A_384 = arith.constant 3 : i32
      %eq3A_385 = vector.broadcast %eq3A_384 : i32 to vector<16xi32>
      %eq3A_386 = arith.cmpi eq, %iota3A, %eq3A_385 : vector<16xi32>
      %broadcast_in_dim3A_387 = vector.broadcast %mul3A_383 : f32 to vector<16xf32>
      %select_n3A_388 = arith.select %eq3A_386, %broadcast_in_dim3A_387, %select_n3A_373 : vector<16xi1>, vector<16xf32>
      %gather3A_389 = tpu.vector_load_idx %arg15[%scan3A_329#20] : memref<4096xf32, #tpu.memory_space<vmem>>[vector<16xi32>], vector<16xf32>,
      %jit3A_390 = arith.constant 0.000000e+00 : f32
      %broadcast_in_dim3A_391 = vector.broadcast %jit3A_390 : f32 to vector<16xf32>
      %select_n3A_392 = arith.select %ge3A_10, %gather3A_389, %broadcast_in_dim3A_391 : vector<16xi1>, vector<16xf32>
      %reduce_sum3A_393 = arith.constant true
      %reduce_sum3A_394 = vector.broadcast %reduce_sum3A_393 : i1 to vector<16xi1>
      %reduce_sum3A_395 = tpu.scan <sum>, %select_n3A_392 masked %reduce_sum3A_394 : vector<16xf32>, vector<16xi1> -> vector<16xf32>
      %reduce_sum3A_396 = vector.extract %reduce_sum3A_395[15] : f32 from vector<16xf32>
      %mul3A_397 = arith.constant 1.000000e-01 : f32
      %mul3A_398 = arith.mulf %reduce_sum3A_396, %mul3A_397 : f32
      %eq3A_399 = arith.constant 4 : i32
      %eq3A_400 = vector.broadcast %eq3A_399 : i32 to vector<16xi32>
      %eq3A_401 = arith.cmpi eq, %iota3A, %eq3A_400 : vector<16xi32>
      %broadcast_in_dim3A_402 = vector.broadcast %mul3A_398 : f32 to vector<16xf32>
      %select_n3A_403 = arith.select %eq3A_401, %broadcast_in_dim3A_402, %select_n3A_388 : vector<16xi1>, vector<16xf32>
      %gather3A_404 = tpu.vector_load_idx %arg15[%scan3A_329#21] : memref<4096xf32, #tpu.memory_space<vmem>>[vector<16xi32>], vector<16xf32>,
      %jit3A_405 = arith.constant 0.000000e+00 : f32
      %broadcast_in_dim3A_406 = vector.broadcast %jit3A_405 : f32 to vector<16xf32>
      %select_n3A_407 = arith.select %ge3A_10, %gather3A_404, %broadcast_in_dim3A_406 : vector<16xi1>, vector<16xf32>
      %reduce_sum3A_408 = arith.constant true
      %reduce_sum3A_409 = vector.broadcast %reduce_sum3A_408 : i1 to vector<16xi1>
      %reduce_sum3A_410 = tpu.scan <sum>, %select_n3A_407 masked %reduce_sum3A_409 : vector<16xf32>, vector<16xi1> -> vector<16xf32>
      %reduce_sum3A_411 = vector.extract %reduce_sum3A_410[15] : f32 from vector<16xf32>
      %mul3A_412 = arith.constant 1.000000e-01 : f32
      %mul3A_413 = arith.mulf %reduce_sum3A_411, %mul3A_412 : f32
      %eq3A_414 = arith.constant 5 : i32
      %eq3A_415 = vector.broadcast %eq3A_414 : i32 to vector<16xi32>
      %eq3A_416 = arith.cmpi eq, %iota3A, %eq3A_415 : vector<16xi32>
      %broadcast_in_dim3A_417 = vector.broadcast %mul3A_413 : f32 to vector<16xf32>
      %select_n3A_418 = arith.select %eq3A_416, %broadcast_in_dim3A_417, %select_n3A_403 : vector<16xi1>, vector<16xf32>
      %gather3A_419 = tpu.vector_load_idx %arg15[%scan3A_329#22] : memref<4096xf32, #tpu.memory_space<vmem>>[vector<16xi32>], vector<16xf32>,
      %jit3A_420 = arith.constant 0.000000e+00 : f32
      %broadcast_in_dim3A_421 = vector.broadcast %jit3A_420 : f32 to vector<16xf32>
      %select_n3A_422 = arith.select %ge3A_10, %gather3A_419, %broadcast_in_dim3A_421 : vector<16xi1>, vector<16xf32>
      %reduce_sum3A_423 = arith.constant true
      %reduce_sum3A_424 = vector.broadcast %reduce_sum3A_423 : i1 to vector<16xi1>
      %reduce_sum3A_425 = tpu.scan <sum>, %select_n3A_422 masked %reduce_sum3A_424 : vector<16xf32>, vector<16xi1> -> vector<16xf32>
      %reduce_sum3A_426 = vector.extract %reduce_sum3A_425[15] : f32 from vector<16xf32>
      %mul3A_427 = arith.constant 1.000000e-01 : f32
      %mul3A_428 = arith.mulf %reduce_sum3A_426, %mul3A_427 : f32
      %eq3A_429 = arith.constant 6 : i32
      %eq3A_430 = vector.broadcast %eq3A_429 : i32 to vector<16xi32>
      %eq3A_431 = arith.cmpi eq, %iota3A, %eq3A_430 : vector<16xi32>
      %broadcast_in_dim3A_432 = vector.broadcast %mul3A_428 : f32 to vector<16xf32>
      %select_n3A_433 = arith.select %eq3A_431, %broadcast_in_dim3A_432, %select_n3A_418 : vector<16xi1>, vector<16xf32>
      %gather3A_434 = tpu.vector_load_idx %arg15[%scan3A_329#23] : memref<4096xf32, #tpu.memory_space<vmem>>[vector<16xi32>], vector<16xf32>,
      %jit3A_435 = arith.constant 0.000000e+00 : f32
      %broadcast_in_dim3A_436 = vector.broadcast %jit3A_435 : f32 to vector<16xf32>
      %select_n3A_437 = arith.select %ge3A_10, %gather3A_434, %broadcast_in_dim3A_436 : vector<16xi1>, vector<16xf32>
      %reduce_sum3A_438 = arith.constant true
      %reduce_sum3A_439 = vector.broadcast %reduce_sum3A_438 : i1 to vector<16xi1>
      %reduce_sum3A_440 = tpu.scan <sum>, %select_n3A_437 masked %reduce_sum3A_439 : vector<16xf32>, vector<16xi1> -> vector<16xf32>
      %reduce_sum3A_441 = vector.extract %reduce_sum3A_440[15] : f32 from vector<16xf32>
      %mul3A_442 = arith.constant 1.000000e-01 : f32
      %mul3A_443 = arith.mulf %reduce_sum3A_441, %mul3A_442 : f32
      %eq3A_444 = arith.constant 7 : i32
      %eq3A_445 = vector.broadcast %eq3A_444 : i32 to vector<16xi32>
      %eq3A_446 = arith.cmpi eq, %iota3A, %eq3A_445 : vector<16xi32>
      %broadcast_in_dim3A_447 = vector.broadcast %mul3A_443 : f32 to vector<16xf32>
      %select_n3A_448 = arith.select %eq3A_446, %broadcast_in_dim3A_447, %select_n3A_433 : vector<16xi1>, vector<16xf32>
      %gather3A_449 = tpu.vector_load_idx %arg15[%scan3A_329#24] : memref<4096xf32, #tpu.memory_space<vmem>>[vector<16xi32>], vector<16xf32>,
      %jit3A_450 = arith.constant 0.000000e+00 : f32
      %broadcast_in_dim3A_451 = vector.broadcast %jit3A_450 : f32 to vector<16xf32>
      %select_n3A_452 = arith.select %ge3A_10, %gather3A_449, %broadcast_in_dim3A_451 : vector<16xi1>, vector<16xf32>
      %reduce_sum3A_453 = arith.constant true
      %reduce_sum3A_454 = vector.broadcast %reduce_sum3A_453 : i1 to vector<16xi1>
      %reduce_sum3A_455 = tpu.scan <sum>, %select_n3A_452 masked %reduce_sum3A_454 : vector<16xf32>, vector<16xi1> -> vector<16xf32>
      %reduce_sum3A_456 = vector.extract %reduce_sum3A_455[15] : f32 from vector<16xf32>
      %mul3A_457 = arith.constant 1.000000e-01 : f32
      %mul3A_458 = arith.mulf %reduce_sum3A_456, %mul3A_457 : f32
      %eq3A_459 = arith.constant 8 : i32
      %eq3A_460 = vector.broadcast %eq3A_459 : i32 to vector<16xi32>
      %eq3A_461 = arith.cmpi eq, %iota3A, %eq3A_460 : vector<16xi32>
      %broadcast_in_dim3A_462 = vector.broadcast %mul3A_458 : f32 to vector<16xf32>
      %select_n3A_463 = arith.select %eq3A_461, %broadcast_in_dim3A_462, %select_n3A_448 : vector<16xi1>, vector<16xf32>
      %gather3A_464 = tpu.vector_load_idx %arg15[%scan3A_329#25] : memref<4096xf32, #tpu.memory_space<vmem>>[vector<16xi32>], vector<16xf32>,
      %jit3A_465 = arith.constant 0.000000e+00 : f32
      %broadcast_in_dim3A_466 = vector.broadcast %jit3A_465 : f32 to vector<16xf32>
      %select_n3A_467 = arith.select %ge3A_10, %gather3A_464, %broadcast_in_dim3A_466 : vector<16xi1>, vector<16xf32>
      %reduce_sum3A_468 = arith.constant true
      %reduce_sum3A_469 = vector.broadcast %reduce_sum3A_468 : i1 to vector<16xi1>
      %reduce_sum3A_470 = tpu.scan <sum>, %select_n3A_467 masked %reduce_sum3A_469 : vector<16xf32>, vector<16xi1> -> vector<16xf32>
      %reduce_sum3A_471 = vector.extract %reduce_sum3A_470[15] : f32 from vector<16xf32>
      %mul3A_472 = arith.constant 1.000000e-01 : f32
      %mul3A_473 = arith.mulf %reduce_sum3A_471, %mul3A_472 : f32
      %eq3A_474 = arith.constant 9 : i32
      %eq3A_475 = vector.broadcast %eq3A_474 : i32 to vector<16xi32>
      %eq3A_476 = arith.cmpi eq, %iota3A, %eq3A_475 : vector<16xi32>
      %broadcast_in_dim3A_477 = vector.broadcast %mul3A_473 : f32 to vector<16xf32>
      %select_n3A_478 = arith.select %eq3A_476, %broadcast_in_dim3A_477, %select_n3A_463 : vector<16xi1>, vector<16xf32>
      %gather3A_479 = tpu.vector_load_idx %arg15[%scan3A_329#26] : memref<4096xf32, #tpu.memory_space<vmem>>[vector<16xi32>], vector<16xf32>,
      %jit3A_480 = arith.constant 0.000000e+00 : f32
      %broadcast_in_dim3A_481 = vector.broadcast %jit3A_480 : f32 to vector<16xf32>
      %select_n3A_482 = arith.select %ge3A_10, %gather3A_479, %broadcast_in_dim3A_481 : vector<16xi1>, vector<16xf32>
      %reduce_sum3A_483 = arith.constant true
      %reduce_sum3A_484 = vector.broadcast %reduce_sum3A_483 : i1 to vector<16xi1>
      %reduce_sum3A_485 = tpu.scan <sum>, %select_n3A_482 masked %reduce_sum3A_484 : vector<16xf32>, vector<16xi1> -> vector<16xf32>
      %reduce_sum3A_486 = vector.extract %reduce_sum3A_485[15] : f32 from vector<16xf32>
      %mul3A_487 = arith.constant 1.000000e-01 : f32
      %mul3A_488 = arith.mulf %reduce_sum3A_486, %mul3A_487 : f32
      %eq3A_489 = arith.constant 10 : i32
      %eq3A_490 = vector.broadcast %eq3A_489 : i32 to vector<16xi32>
      %eq3A_491 = arith.cmpi eq, %iota3A, %eq3A_490 : vector<16xi32>
      %broadcast_in_dim3A_492 = vector.broadcast %mul3A_488 : f32 to vector<16xf32>
      %select_n3A_493 = arith.select %eq3A_491, %broadcast_in_dim3A_492, %select_n3A_478 : vector<16xi1>, vector<16xf32>
      %gather3A_494 = tpu.vector_load_idx %arg15[%scan3A_329#27] : memref<4096xf32, #tpu.memory_space<vmem>>[vector<16xi32>], vector<16xf32>,
      %jit3A_495 = arith.constant 0.000000e+00 : f32
      %broadcast_in_dim3A_496 = vector.broadcast %jit3A_495 : f32 to vector<16xf32>
      %select_n3A_497 = arith.select %ge3A_10, %gather3A_494, %broadcast_in_dim3A_496 : vector<16xi1>, vector<16xf32>
      %reduce_sum3A_498 = arith.constant true
      %reduce_sum3A_499 = vector.broadcast %reduce_sum3A_498 : i1 to vector<16xi1>
      %reduce_sum3A_500 = tpu.scan <sum>, %select_n3A_497 masked %reduce_sum3A_499 : vector<16xf32>, vector<16xi1> -> vector<16xf32>
      %reduce_sum3A_501 = vector.extract %reduce_sum3A_500[15] : f32 from vector<16xf32>
      %mul3A_502 = arith.constant 1.000000e-01 : f32
      %mul3A_503 = arith.mulf %reduce_sum3A_501, %mul3A_502 : f32
      %eq3A_504 = arith.constant 11 : i32
      %eq3A_505 = vector.broadcast %eq3A_504 : i32 to vector<16xi32>
      %eq3A_506 = arith.cmpi eq, %iota3A, %eq3A_505 : vector<16xi32>
      %broadcast_in_dim3A_507 = vector.broadcast %mul3A_503 : f32 to vector<16xf32>
      %select_n3A_508 = arith.select %eq3A_506, %broadcast_in_dim3A_507, %select_n3A_493 : vector<16xi1>, vector<16xf32>
      %gather3A_509 = tpu.vector_load_idx %arg15[%scan3A_329#28] : memref<4096xf32, #tpu.memory_space<vmem>>[vector<16xi32>], vector<16xf32>,
      %jit3A_510 = arith.constant 0.000000e+00 : f32
      %broadcast_in_dim3A_511 = vector.broadcast %jit3A_510 : f32 to vector<16xf32>
      %select_n3A_512 = arith.select %ge3A_10, %gather3A_509, %broadcast_in_dim3A_511 : vector<16xi1>, vector<16xf32>
      %reduce_sum3A_513 = arith.constant true
      %reduce_sum3A_514 = vector.broadcast %reduce_sum3A_513 : i1 to vector<16xi1>
      %reduce_sum3A_515 = tpu.scan <sum>, %select_n3A_512 masked %reduce_sum3A_514 : vector<16xf32>, vector<16xi1> -> vector<16xf32>
      %reduce_sum3A_516 = vector.extract %reduce_sum3A_515[15] : f32 from vector<16xf32>
      %mul3A_517 = arith.constant 1.000000e-01 : f32
      %mul3A_518 = arith.mulf %reduce_sum3A_516, %mul3A_517 : f32
      %eq3A_519 = arith.constant 12 : i32
      %eq3A_520 = vector.broadcast %eq3A_519 : i32 to vector<16xi32>
      %eq3A_521 = arith.cmpi eq, %iota3A, %eq3A_520 : vector<16xi32>
      %broadcast_in_dim3A_522 = vector.broadcast %mul3A_518 : f32 to vector<16xf32>
      %select_n3A_523 = arith.select %eq3A_521, %broadcast_in_dim3A_522, %select_n3A_508 : vector<16xi1>, vector<16xf32>
      %gather3A_524 = tpu.vector_load_idx %arg15[%scan3A_329#29] : memref<4096xf32, #tpu.memory_space<vmem>>[vector<16xi32>], vector<16xf32>,
      %jit3A_525 = arith.constant 0.000000e+00 : f32
      %broadcast_in_dim3A_526 = vector.broadcast %jit3A_525 : f32 to vector<16xf32>
      %select_n3A_527 = arith.select %ge3A_10, %gather3A_524, %broadcast_in_dim3A_526 : vector<16xi1>, vector<16xf32>
      %reduce_sum3A_528 = arith.constant true
      %reduce_sum3A_529 = vector.broadcast %reduce_sum3A_528 : i1 to vector<16xi1>
      %reduce_sum3A_530 = tpu.scan <sum>, %select_n3A_527 masked %reduce_sum3A_529 : vector<16xf32>, vector<16xi1> -> vector<16xf32>
      %reduce_sum3A_531 = vector.extract %reduce_sum3A_530[15] : f32 from vector<16xf32>
      %mul3A_532 = arith.constant 1.000000e-01 : f32
      %mul3A_533 = arith.mulf %reduce_sum3A_531, %mul3A_532 : f32
      %eq3A_534 = arith.constant 13 : i32
      %eq3A_535 = vector.broadcast %eq3A_534 : i32 to vector<16xi32>
      %eq3A_536 = arith.cmpi eq, %iota3A, %eq3A_535 : vector<16xi32>
      %broadcast_in_dim3A_537 = vector.broadcast %mul3A_533 : f32 to vector<16xf32>
      %select_n3A_538 = arith.select %eq3A_536, %broadcast_in_dim3A_537, %select_n3A_523 : vector<16xi1>, vector<16xf32>
      %gather3A_539 = tpu.vector_load_idx %arg15[%scan3A_329#30] : memref<4096xf32, #tpu.memory_space<vmem>>[vector<16xi32>], vector<16xf32>,
      %jit3A_540 = arith.constant 0.000000e+00 : f32
      %broadcast_in_dim3A_541 = vector.broadcast %jit3A_540 : f32 to vector<16xf32>
      %select_n3A_542 = arith.select %ge3A_10, %gather3A_539, %broadcast_in_dim3A_541 : vector<16xi1>, vector<16xf32>
      %reduce_sum3A_543 = arith.constant true
      %reduce_sum3A_544 = vector.broadcast %reduce_sum3A_543 : i1 to vector<16xi1>
      %reduce_sum3A_545 = tpu.scan <sum>, %select_n3A_542 masked %reduce_sum3A_544 : vector<16xf32>, vector<16xi1> -> vector<16xf32>
      %reduce_sum3A_546 = vector.extract %reduce_sum3A_545[15] : f32 from vector<16xf32>
      %mul3A_547 = arith.constant 1.000000e-01 : f32
      %mul3A_548 = arith.mulf %reduce_sum3A_546, %mul3A_547 : f32
      %eq3A_549 = arith.constant 14 : i32
      %eq3A_550 = vector.broadcast %eq3A_549 : i32 to vector<16xi32>
      %eq3A_551 = arith.cmpi eq, %iota3A, %eq3A_550 : vector<16xi32>
      %broadcast_in_dim3A_552 = vector.broadcast %mul3A_548 : f32 to vector<16xf32>
      %select_n3A_553 = arith.select %eq3A_551, %broadcast_in_dim3A_552, %select_n3A_538 : vector<16xi1>, vector<16xf32>
      %gather3A_554 = tpu.vector_load_idx %arg15[%scan3A_329#31] : memref<4096xf32, #tpu.memory_space<vmem>>[vector<16xi32>], vector<16xf32>,
      %jit3A_555 = arith.constant 0.000000e+00 : f32
      %broadcast_in_dim3A_556 = vector.broadcast %jit3A_555 : f32 to vector<16xf32>
      %select_n3A_557 = arith.select %ge3A_10, %gather3A_554, %broadcast_in_dim3A_556 : vector<16xi1>, vector<16xf32>
      %reduce_sum3A_558 = arith.constant true
      %reduce_sum3A_559 = vector.broadcast %reduce_sum3A_558 : i1 to vector<16xi1>
      %reduce_sum3A_560 = tpu.scan <sum>, %select_n3A_557 masked %reduce_sum3A_559 : vector<16xf32>, vector<16xi1> -> vector<16xf32>
      %reduce_sum3A_561 = vector.extract %reduce_sum3A_560[15] : f32 from vector<16xf32>
      %mul3A_562 = arith.constant 1.000000e-01 : f32
      %mul3A_563 = arith.mulf %reduce_sum3A_561, %mul3A_562 : f32
      %eq3A_564 = arith.constant 15 : i32
      %eq3A_565 = vector.broadcast %eq3A_564 : i32 to vector<16xi32>
      %eq3A_566 = arith.cmpi eq, %iota3A, %eq3A_565 : vector<16xi32>
      %broadcast_in_dim3A_567 = vector.broadcast %mul3A_563 : f32 to vector<16xf32>
      %select_n3A_568 = arith.select %eq3A_566, %broadcast_in_dim3A_567, %select_n3A_553 : vector<16xi1>, vector<16xf32>
      %swap3A = arith.index_cast %mul3A_22 : i32 to index
      %swap3A_569 = tpu.vector_load %arg19[%swap3A] {strides = array<i32>} : memref<96xf32, #tpu.memory_space<vmem>>, vector<16xf32>,
      tpu.vector_store %arg19[%swap3A], %select_n3A_568 {strides = array<i32>} : memref<96xf32, #tpu.memory_space<vmem>>, vector<16xf32>,
      %scan3A_570 = arith.constant 0 : i32
      scf.yield %scan3A_570 : i32
    }
    %scan3A_16 = arith.constant 6 : i32
    %add3A_17 = arith.constant 13312 : i32
    %add3A_18 = arith.addi %add3A_17, %multiple_of3A : i32
    "tpu.region"() ({
      %run_scoped3A = tpu.sem_alloc : memref<!tpu.dma_semaphore, #tpu.memory_space<semaphore_mem>>
      %dma_start3A = tpu.memref_slice %arg10[%add3A_18] : memref<16384xf32, #tpu.memory_space<hbm>> -> memref<96xf32, #tpu.memory_space<hbm>>
      %dma_start3A_19 = tpu.memref_slice %arg10[%add3A_18] : memref<16384xf32, #tpu.memory_space<hbm>> -> memref<96xf32, #tpu.memory_space<hbm>>
      tpu.enqueue_dma source(%arg19 : memref<96xf32, #tpu.memory_space<vmem>>) target(%dma_start3A_19 : memref<96xf32, #tpu.memory_space<hbm>>) target_semaphore(%run_scoped3A : memref<!tpu.dma_semaphore, #tpu.memory_space<semaphore_mem>>)
      %dma_wait3A = tpu.memref_slice %arg10[%add3A_18] : memref<16384xf32, #tpu.memory_space<hbm>> -> memref<96xf32, #tpu.memory_space<hbm>>
      %dma_wait3A_20 = tpu.memref_slice %arg10[%add3A_18] : memref<16384xf32, #tpu.memory_space<hbm>> -> memref<96xf32, #tpu.memory_space<hbm>>
      tpu.wait_dma2 semaphore(%run_scoped3A : memref<!tpu.dma_semaphore, #tpu.memory_space<semaphore_mem>>) src(%arg19 : memref<96xf32, #tpu.memory_space<vmem>>) dst(%dma_wait3A_20 : memref<96xf32, #tpu.memory_space<hbm>>)
      tpu.yield
    }) : () -> ()
    return
  }
}

module attributes {stable_mosaic.version = 14 : i64} {
  func.func @_stage1_body(%arg0: i32, %arg1: i32, %arg2: memref<2048x256xf32, #tpu.memory_space<vmem>>, %arg3: memref<4096x256xf32, #tpu.memory_space<vmem>>, %arg4: memref<2048x1xf32, #tpu.memory_space<vmem>>) attributes {dimension_semantics = [#tpu.dimension_semantics<arbitrary>, #tpu.dimension_semantics<arbitrary>], iteration_bounds = array<i64: 2, 4>, scalar_prefetch = 0 : i64, scratch_operands = 0 : i64, tpu.core_type = #tpu.core_type<tc>, window_params = [{transform_indices = @transform_0, window_bounds = array<i64: 2048, 256>}, {transform_indices = @transform_1, window_bounds = array<i64: 4096, 256>}, {transform_indices = @transform_2, window_bounds = array<i64: 2048, 1>}]} {
    %get3A = arith.constant 0 : index
    %get3A_0 = arith.constant 0 : index
    %get3A_1 = vector.load %arg2[%get3A, %get3A_0] : memref<2048x256xf32, #tpu.memory_space<vmem>>, vector<2048x256xf32>
    %get3A_2 = arith.constant 0 : index
    %get3A_3 = arith.constant 0 : index
    %get3A_4 = vector.load %arg3[%get3A_2, %get3A_3] : memref<4096x256xf32, #tpu.memory_space<vmem>>, vector<4096x256xf32>
    %broadcast_in_dim3A = arith.constant 1.000000e+00 : f32
    %broadcast_in_dim3A_5 = vector.broadcast %broadcast_in_dim3A : f32 to vector<1x256xf32>
    %mul3A = arith.mulf %get3A_4, %get3A_4 : vector<4096x256xf32>
    %dot_general3A = arith.constant dense<0.000000e+00> : vector<1x4096xf32>
    %dot_general3A_6 = tpu.matmul %broadcast_in_dim3A_5, %mul3A, %dot_general3A {dimension_numbers = #tpu.dot_dimension_numbers<[1], [1], [0], [0], [0, 0, 1, 0], [], []>, transpose_lhs_hint = false} : vector<1x256xf32>, vector<4096x256xf32>, vector<1x4096xf32> -> vector<1x4096xf32>
    %dot_general3A_7 = arith.constant dense<0.000000e+00> : vector<2048x4096xf32>
    %dot_general3A_8 = tpu.matmul %get3A_1, %get3A_4, %dot_general3A_7 {dimension_numbers = #tpu.dot_dimension_numbers<[1], [1], [0], [0], [0, 0, 1, 0], [], []>, transpose_lhs_hint = false} : vector<2048x256xf32>, vector<4096x256xf32>, vector<2048x4096xf32> -> vector<2048x4096xf32>
    %mul3A_9 = arith.constant 2.000000e+00 : f32
    %mul3A_10 = vector.broadcast %mul3A_9 : f32 to vector<2048x4096xf32>
    %mul3A_11 = arith.mulf %mul3A_10, %dot_general3A_8 : vector<2048x4096xf32>
    %sub3A = vector.broadcast %dot_general3A_6 : vector<1x4096xf32> to vector<2048x4096xf32>
    %sub3A_12 = arith.subf %sub3A, %mul3A_11 : vector<2048x4096xf32>
    %slice3A = vector.extract_strided_slice %sub3A_12 {offsets = [0, 0], sizes = [2048, 128], strides = [1, 1]} : vector<2048x4096xf32> to vector<2048x128xf32>
    %slice3A_13 = vector.extract_strided_slice %sub3A_12 {offsets = [0, 128], sizes = [2048, 128], strides = [1, 1]} : vector<2048x4096xf32> to vector<2048x128xf32>
    %min3A = arith.minimumf %slice3A, %slice3A_13 : vector<2048x128xf32>
    %slice3A_14 = vector.extract_strided_slice %sub3A_12 {offsets = [0, 256], sizes = [2048, 128], strides = [1, 1]} : vector<2048x4096xf32> to vector<2048x128xf32>
    %min3A_15 = arith.minimumf %min3A, %slice3A_14 : vector<2048x128xf32>
    %slice3A_16 = vector.extract_strided_slice %sub3A_12 {offsets = [0, 384], sizes = [2048, 128], strides = [1, 1]} : vector<2048x4096xf32> to vector<2048x128xf32>
    %min3A_17 = arith.minimumf %min3A_15, %slice3A_16 : vector<2048x128xf32>
    %slice3A_18 = vector.extract_strided_slice %sub3A_12 {offsets = [0, 512], sizes = [2048, 128], strides = [1, 1]} : vector<2048x4096xf32> to vector<2048x128xf32>
    %min3A_19 = arith.minimumf %min3A_17, %slice3A_18 : vector<2048x128xf32>
    %slice3A_20 = vector.extract_strided_slice %sub3A_12 {offsets = [0, 640], sizes = [2048, 128], strides = [1, 1]} : vector<2048x4096xf32> to vector<2048x128xf32>
    %min3A_21 = arith.minimumf %min3A_19, %slice3A_20 : vector<2048x128xf32>
    %slice3A_22 = vector.extract_strided_slice %sub3A_12 {offsets = [0, 768], sizes = [2048, 128], strides = [1, 1]} : vector<2048x4096xf32> to vector<2048x128xf32>
    %min3A_23 = arith.minimumf %min3A_21, %slice3A_22 : vector<2048x128xf32>
    %slice3A_24 = vector.extract_strided_slice %sub3A_12 {offsets = [0, 896], sizes = [2048, 128], strides = [1, 1]} : vector<2048x4096xf32> to vector<2048x128xf32>
    %min3A_25 = arith.minimumf %min3A_23, %slice3A_24 : vector<2048x128xf32>
    %slice3A_26 = vector.extract_strided_slice %sub3A_12 {offsets = [0, 1024], sizes = [2048, 128], strides = [1, 1]} : vector<2048x4096xf32> to vector<2048x128xf32>
    %min3A_27 = arith.minimumf %min3A_25, %slice3A_26 : vector<2048x128xf32>
    %slice3A_28 = vector.extract_strided_slice %sub3A_12 {offsets = [0, 1152], sizes = [2048, 128], strides = [1, 1]} : vector<2048x4096xf32> to vector<2048x128xf32>
    %min3A_29 = arith.minimumf %min3A_27, %slice3A_28 : vector<2048x128xf32>
    %slice3A_30 = vector.extract_strided_slice %sub3A_12 {offsets = [0, 1280], sizes = [2048, 128], strides = [1, 1]} : vector<2048x4096xf32> to vector<2048x128xf32>
    %min3A_31 = arith.minimumf %min3A_29, %slice3A_30 : vector<2048x128xf32>
    %slice3A_32 = vector.extract_strided_slice %sub3A_12 {offsets = [0, 1408], sizes = [2048, 128], strides = [1, 1]} : vector<2048x4096xf32> to vector<2048x128xf32>
    %min3A_33 = arith.minimumf %min3A_31, %slice3A_32 : vector<2048x128xf32>
    %slice3A_34 = vector.extract_strided_slice %sub3A_12 {offsets = [0, 1536], sizes = [2048, 128], strides = [1, 1]} : vector<2048x4096xf32> to vector<2048x128xf32>
    %min3A_35 = arith.minimumf %min3A_33, %slice3A_34 : vector<2048x128xf32>
    %slice3A_36 = vector.extract_strided_slice %sub3A_12 {offsets = [0, 1664], sizes = [2048, 128], strides = [1, 1]} : vector<2048x4096xf32> to vector<2048x128xf32>
    %min3A_37 = arith.minimumf %min3A_35, %slice3A_36 : vector<2048x128xf32>
    %slice3A_38 = vector.extract_strided_slice %sub3A_12 {offsets = [0, 1792], sizes = [2048, 128], strides = [1, 1]} : vector<2048x4096xf32> to vector<2048x128xf32>
    %min3A_39 = arith.minimumf %min3A_37, %slice3A_38 : vector<2048x128xf32>
    %slice3A_40 = vector.extract_strided_slice %sub3A_12 {offsets = [0, 1920], sizes = [2048, 128], strides = [1, 1]} : vector<2048x4096xf32> to vector<2048x128xf32>
    %min3A_41 = arith.minimumf %min3A_39, %slice3A_40 : vector<2048x128xf32>
    %slice3A_42 = vector.extract_strided_slice %sub3A_12 {offsets = [0, 2048], sizes = [2048, 128], strides = [1, 1]} : vector<2048x4096xf32> to vector<2048x128xf32>
    %min3A_43 = arith.minimumf %min3A_41, %slice3A_42 : vector<2048x128xf32>
    %slice3A_44 = vector.extract_strided_slice %sub3A_12 {offsets = [0, 2176], sizes = [2048, 128], strides = [1, 1]} : vector<2048x4096xf32> to vector<2048x128xf32>
    %min3A_45 = arith.minimumf %min3A_43, %slice3A_44 : vector<2048x128xf32>
    %slice3A_46 = vector.extract_strided_slice %sub3A_12 {offsets = [0, 2304], sizes = [2048, 128], strides = [1, 1]} : vector<2048x4096xf32> to vector<2048x128xf32>
    %min3A_47 = arith.minimumf %min3A_45, %slice3A_46 : vector<2048x128xf32>
    %slice3A_48 = vector.extract_strided_slice %sub3A_12 {offsets = [0, 2432], sizes = [2048, 128], strides = [1, 1]} : vector<2048x4096xf32> to vector<2048x128xf32>
    %min3A_49 = arith.minimumf %min3A_47, %slice3A_48 : vector<2048x128xf32>
    %slice3A_50 = vector.extract_strided_slice %sub3A_12 {offsets = [0, 2560], sizes = [2048, 128], strides = [1, 1]} : vector<2048x4096xf32> to vector<2048x128xf32>
    %min3A_51 = arith.minimumf %min3A_49, %slice3A_50 : vector<2048x128xf32>
    %slice3A_52 = vector.extract_strided_slice %sub3A_12 {offsets = [0, 2688], sizes = [2048, 128], strides = [1, 1]} : vector<2048x4096xf32> to vector<2048x128xf32>
    %min3A_53 = arith.minimumf %min3A_51, %slice3A_52 : vector<2048x128xf32>
    %slice3A_54 = vector.extract_strided_slice %sub3A_12 {offsets = [0, 2816], sizes = [2048, 128], strides = [1, 1]} : vector<2048x4096xf32> to vector<2048x128xf32>
    %min3A_55 = arith.minimumf %min3A_53, %slice3A_54 : vector<2048x128xf32>
    %slice3A_56 = vector.extract_strided_slice %sub3A_12 {offsets = [0, 2944], sizes = [2048, 128], strides = [1, 1]} : vector<2048x4096xf32> to vector<2048x128xf32>
    %min3A_57 = arith.minimumf %min3A_55, %slice3A_56 : vector<2048x128xf32>
    %slice3A_58 = vector.extract_strided_slice %sub3A_12 {offsets = [0, 3072], sizes = [2048, 128], strides = [1, 1]} : vector<2048x4096xf32> to vector<2048x128xf32>
    %min3A_59 = arith.minimumf %min3A_57, %slice3A_58 : vector<2048x128xf32>
    %slice3A_60 = vector.extract_strided_slice %sub3A_12 {offsets = [0, 3200], sizes = [2048, 128], strides = [1, 1]} : vector<2048x4096xf32> to vector<2048x128xf32>
    %min3A_61 = arith.minimumf %min3A_59, %slice3A_60 : vector<2048x128xf32>
    %slice3A_62 = vector.extract_strided_slice %sub3A_12 {offsets = [0, 3328], sizes = [2048, 128], strides = [1, 1]} : vector<2048x4096xf32> to vector<2048x128xf32>
    %min3A_63 = arith.minimumf %min3A_61, %slice3A_62 : vector<2048x128xf32>
    %slice3A_64 = vector.extract_strided_slice %sub3A_12 {offsets = [0, 3456], sizes = [2048, 128], strides = [1, 1]} : vector<2048x4096xf32> to vector<2048x128xf32>
    %min3A_65 = arith.minimumf %min3A_63, %slice3A_64 : vector<2048x128xf32>
    %slice3A_66 = vector.extract_strided_slice %sub3A_12 {offsets = [0, 3584], sizes = [2048, 128], strides = [1, 1]} : vector<2048x4096xf32> to vector<2048x128xf32>
    %min3A_67 = arith.minimumf %min3A_65, %slice3A_66 : vector<2048x128xf32>
    %slice3A_68 = vector.extract_strided_slice %sub3A_12 {offsets = [0, 3712], sizes = [2048, 128], strides = [1, 1]} : vector<2048x4096xf32> to vector<2048x128xf32>
    %min3A_69 = arith.minimumf %min3A_67, %slice3A_68 : vector<2048x128xf32>
    %slice3A_70 = vector.extract_strided_slice %sub3A_12 {offsets = [0, 3840], sizes = [2048, 128], strides = [1, 1]} : vector<2048x4096xf32> to vector<2048x128xf32>
    %min3A_71 = arith.minimumf %min3A_69, %slice3A_70 : vector<2048x128xf32>
    %slice3A_72 = vector.extract_strided_slice %sub3A_12 {offsets = [0, 3968], sizes = [2048, 128], strides = [1, 1]} : vector<2048x4096xf32> to vector<2048x128xf32>
    %min3A_73 = arith.minimumf %min3A_71, %slice3A_72 : vector<2048x128xf32>
    %reduce_min3A = arith.constant dense<0x7F800000> : vector<2048xf32>
    %reduce_min3A_74 = vector.multi_reduction <minimumf>, %min3A_73, %reduce_min3A [1] : vector<2048x128xf32> to vector<2048xf32>
    %broadcast_in_dim3A_75 = vector.shape_cast %reduce_min3A_74 : vector<2048xf32> to vector<2048x1xf32>
    %eq3A = arith.constant 0 : i32
    %eq3A_76 = arith.cmpi eq, %arg1, %eq3A : i32
    %get3A_77 = arith.constant 0 : index
    %get3A_78 = arith.constant 0 : index
    %get3A_79 = vector.load %arg4[%get3A_77, %get3A_78] : memref<2048x1xf32, #tpu.memory_space<vmem>>, vector<2048x1xf32>
    %jit3A = arith.constant 3.000000e+38 : f32
    %broadcast_in_dim3A_80 = vector.broadcast %jit3A : f32 to vector<2048x1xf32>
    %select_n3A = arith.select %eq3A_76, %broadcast_in_dim3A_80, %get3A_79 : vector<2048x1xf32>
    %min3A_81 = arith.minimumf %select_n3A, %broadcast_in_dim3A_75 : vector<2048x1xf32>
    %mul3A_82 = arith.mulf %get3A_1, %get3A_1 : vector<2048x256xf32>
    %reduce_sum3A = arith.constant dense<0.000000e+00> : vector<2048xf32>
    %reduce_sum3A_83 = vector.multi_reduction <add>, %mul3A_82, %reduce_sum3A [1] : vector<2048x256xf32> to vector<2048xf32>
    %broadcast_in_dim3A_84 = vector.shape_cast %reduce_sum3A_83 : vector<2048xf32> to vector<2048x1xf32>
    %eq3A_85 = arith.constant 3 : i32
    %eq3A_86 = arith.cmpi eq, %arg1, %eq3A_85 : i32
    %add3A = arith.addf %min3A_81, %broadcast_in_dim3A_84 : vector<2048x1xf32>
    %max3A = arith.constant 0.000000e+00 : f32
    %max3A_87 = vector.broadcast %max3A : f32 to vector<2048x1xf32>
    %max3A_88 = arith.maximumf %add3A, %max3A_87 : vector<2048x1xf32>
    %sqrt3A = math.sqrt %max3A_88 : vector<2048x1xf32>
    %select_n3A_89 = arith.select %eq3A_86, %sqrt3A, %min3A_81 : vector<2048x1xf32>
    %swap3A = arith.constant 0 : index
    %swap3A_90 = arith.constant 0 : index
    %swap3A_91 = vector.load %arg4[%swap3A, %swap3A_90] : memref<2048x1xf32, #tpu.memory_space<vmem>>, vector<2048x1xf32>
    tpu.vector_store %arg4[%swap3A, %swap3A_90], %select_n3A_89 {strides = array<i32>} : memref<2048x1xf32, #tpu.memory_space<vmem>>, vector<2048x1xf32>,
    return
  }
  func.func @transform_0(%arg0: i32, %arg1: i32) -> (i32, i32) {
    %c0_i32 = arith.constant 0 : i32
    %c0_i32_0 = arith.constant 0 : i32
    return %arg0, %c0_i32 : i32, i32
  }
  func.func @transform_1(%arg0: i32, %arg1: i32) -> (i32, i32) {
    %c0_i32 = arith.constant 0 : i32
    %c0_i32_0 = arith.constant 0 : i32
    return %arg1, %c0_i32 : i32, i32
  }
  func.func @transform_2(%arg0: i32, %arg1: i32) -> (i32, i32) {
    %c0_i32 = arith.constant 0 : i32
    %c0_i32_0 = arith.constant 0 : i32
    return %arg0, %c0_i32 : i32, i32
  }
}

module attributes {stable_mosaic.version = 14 : i64} {
  func.func @_stage2_body(%arg0: i32, %arg1: memref<512x8xf32, #tpu.memory_space<vmem>>, %arg2: memref<4096x8xf32, #tpu.memory_space<vmem>>, %arg3: memref<4096x2xf32, #tpu.memory_space<vmem>>, %arg4: memref<512x1xf32, #tpu.memory_space<vmem>>, %arg5: memref<1x1xf32, #tpu.memory_space<vmem>>) attributes {dimension_semantics = [#tpu.dimension_semantics<arbitrary>], iteration_bounds = array<i64: 26>, scalar_prefetch = 0 : i64, scratch_operands = 0 : i64, tpu.core_type = #tpu.core_type<tc>, window_params = [{transform_indices = @transform_0, window_bounds = array<i64: 512, 8>}, {pipeline_mode = #tpu.pipeline_mode<synchronous>, transform_indices = @transform_1, window_bounds = array<i64: 4096, 8>}, {pipeline_mode = #tpu.pipeline_mode<synchronous>, transform_indices = @transform_2, window_bounds = array<i64: 4096, 2>}, {transform_indices = @transform_3, window_bounds = array<i64: 512, 1>}, {pipeline_mode = #tpu.pipeline_mode<synchronous>, transform_indices = @transform_4, window_bounds = array<i64: 1, 1>}]} {
    %get3A = arith.constant 0 : index
    %get3A_0 = arith.constant 0 : index
    %get3A_1 = vector.load %arg1[%get3A, %get3A_0] : memref<512x8xf32, #tpu.memory_space<vmem>>, vector<512x8xf32>
    %get3A_2 = arith.constant 0 : index
    %get3A_3 = arith.constant 0 : index
    %get3A_4 = vector.load %arg2[%get3A_2, %get3A_3] : memref<4096x8xf32, #tpu.memory_space<vmem>>, vector<4096x8xf32>
    %dot_general3A = arith.constant dense<0.000000e+00> : vector<512x4096xf32>
    %dot_general3A_5 = tpu.matmul %get3A_1, %get3A_4, %dot_general3A {dimension_numbers = #tpu.dot_dimension_numbers<[1], [1], [0], [0], [0, 0, 1, 0], [], []>, transpose_lhs_hint = false} : vector<512x8xf32>, vector<4096x8xf32>, vector<512x4096xf32> -> vector<512x4096xf32>
    %broadcast_in_dim3A = arith.constant 3.000000e+38 : f32
    %broadcast_in_dim3A_6 = vector.broadcast %broadcast_in_dim3A : f32 to vector<512x128xf32>
    %slice3A = vector.extract_strided_slice %dot_general3A_5 {offsets = [0, 0], sizes = [512, 128], strides = [1, 1]} : vector<512x4096xf32> to vector<512x128xf32>
    %max3A = arith.maximumf %broadcast_in_dim3A_6, %slice3A : vector<512x128xf32>
    %min3A = arith.minimumf %broadcast_in_dim3A_6, %slice3A : vector<512x128xf32>
    %max3A_7 = arith.maximumf %broadcast_in_dim3A_6, %max3A : vector<512x128xf32>
    %min3A_8 = arith.minimumf %broadcast_in_dim3A_6, %max3A : vector<512x128xf32>
    %max3A_9 = arith.maximumf %broadcast_in_dim3A_6, %max3A_7 : vector<512x128xf32>
    %min3A_10 = arith.minimumf %broadcast_in_dim3A_6, %max3A_7 : vector<512x128xf32>
    %min3A_11 = arith.minimumf %broadcast_in_dim3A_6, %max3A_9 : vector<512x128xf32>
    %slice3A_12 = vector.extract_strided_slice %dot_general3A_5 {offsets = [0, 128], sizes = [512, 128], strides = [1, 1]} : vector<512x4096xf32> to vector<512x128xf32>
    %max3A_13 = arith.maximumf %min3A, %slice3A_12 : vector<512x128xf32>
    %min3A_14 = arith.minimumf %min3A, %slice3A_12 : vector<512x128xf32>
    %max3A_15 = arith.maximumf %min3A_8, %max3A_13 : vector<512x128xf32>
    %min3A_16 = arith.minimumf %min3A_8, %max3A_13 : vector<512x128xf32>
    %max3A_17 = arith.maximumf %min3A_10, %max3A_15 : vector<512x128xf32>
    %min3A_18 = arith.minimumf %min3A_10, %max3A_15 : vector<512x128xf32>
    %min3A_19 = arith.minimumf %min3A_11, %max3A_17 : vector<512x128xf32>
    %slice3A_20 = vector.extract_strided_slice %dot_general3A_5 {offsets = [0, 256], sizes = [512, 128], strides = [1, 1]} : vector<512x4096xf32> to vector<512x128xf32>
    %max3A_21 = arith.maximumf %min3A_14, %slice3A_20 : vector<512x128xf32>
    %min3A_22 = arith.minimumf %min3A_14, %slice3A_20 : vector<512x128xf32>
    %max3A_23 = arith.maximumf %min3A_16, %max3A_21 : vector<512x128xf32>
    %min3A_24 = arith.minimumf %min3A_16, %max3A_21 : vector<512x128xf32>
    %max3A_25 = arith.maximumf %min3A_18, %max3A_23 : vector<512x128xf32>
    %min3A_26 = arith.minimumf %min3A_18, %max3A_23 : vector<512x128xf32>
    %min3A_27 = arith.minimumf %min3A_19, %max3A_25 : vector<512x128xf32>
    %slice3A_28 = vector.extract_strided_slice %dot_general3A_5 {offsets = [0, 384], sizes = [512, 128], strides = [1, 1]} : vector<512x4096xf32> to vector<512x128xf32>
    %max3A_29 = arith.maximumf %min3A_22, %slice3A_28 : vector<512x128xf32>
    %min3A_30 = arith.minimumf %min3A_22, %slice3A_28 : vector<512x128xf32>
    %max3A_31 = arith.maximumf %min3A_24, %max3A_29 : vector<512x128xf32>
    %min3A_32 = arith.minimumf %min3A_24, %max3A_29 : vector<512x128xf32>
    %max3A_33 = arith.maximumf %min3A_26, %max3A_31 : vector<512x128xf32>
    %min3A_34 = arith.minimumf %min3A_26, %max3A_31 : vector<512x128xf32>
    %min3A_35 = arith.minimumf %min3A_27, %max3A_33 : vector<512x128xf32>
    %slice3A_36 = vector.extract_strided_slice %dot_general3A_5 {offsets = [0, 512], sizes = [512, 128], strides = [1, 1]} : vector<512x4096xf32> to vector<512x128xf32>
    %max3A_37 = arith.maximumf %min3A_30, %slice3A_36 : vector<512x128xf32>
    %min3A_38 = arith.minimumf %min3A_30, %slice3A_36 : vector<512x128xf32>
    %max3A_39 = arith.maximumf %min3A_32, %max3A_37 : vector<512x128xf32>
    %min3A_40 = arith.minimumf %min3A_32, %max3A_37 : vector<512x128xf32>
    %max3A_41 = arith.maximumf %min3A_34, %max3A_39 : vector<512x128xf32>
    %min3A_42 = arith.minimumf %min3A_34, %max3A_39 : vector<512x128xf32>
    %min3A_43 = arith.minimumf %min3A_35, %max3A_41 : vector<512x128xf32>
    %slice3A_44 = vector.extract_strided_slice %dot_general3A_5 {offsets = [0, 640], sizes = [512, 128], strides = [1, 1]} : vector<512x4096xf32> to vector<512x128xf32>
    %max3A_45 = arith.maximumf %min3A_38, %slice3A_44 : vector<512x128xf32>
    %min3A_46 = arith.minimumf %min3A_38, %slice3A_44 : vector<512x128xf32>
    %max3A_47 = arith.maximumf %min3A_40, %max3A_45 : vector<512x128xf32>
    %min3A_48 = arith.minimumf %min3A_40, %max3A_45 : vector<512x128xf32>
    %max3A_49 = arith.maximumf %min3A_42, %max3A_47 : vector<512x128xf32>
    %min3A_50 = arith.minimumf %min3A_42, %max3A_47 : vector<512x128xf32>
    %min3A_51 = arith.minimumf %min3A_43, %max3A_49 : vector<512x128xf32>
    %slice3A_52 = vector.extract_strided_slice %dot_general3A_5 {offsets = [0, 768], sizes = [512, 128], strides = [1, 1]} : vector<512x4096xf32> to vector<512x128xf32>
    %max3A_53 = arith.maximumf %min3A_46, %slice3A_52 : vector<512x128xf32>
    %min3A_54 = arith.minimumf %min3A_46, %slice3A_52 : vector<512x128xf32>
    %max3A_55 = arith.maximumf %min3A_48, %max3A_53 : vector<512x128xf32>
    %min3A_56 = arith.minimumf %min3A_48, %max3A_53 : vector<512x128xf32>
    %max3A_57 = arith.maximumf %min3A_50, %max3A_55 : vector<512x128xf32>
    %min3A_58 = arith.minimumf %min3A_50, %max3A_55 : vector<512x128xf32>
    %min3A_59 = arith.minimumf %min3A_51, %max3A_57 : vector<512x128xf32>
    %slice3A_60 = vector.extract_strided_slice %dot_general3A_5 {offsets = [0, 896], sizes = [512, 128], strides = [1, 1]} : vector<512x4096xf32> to vector<512x128xf32>
    %max3A_61 = arith.maximumf %min3A_54, %slice3A_60 : vector<512x128xf32>
    %min3A_62 = arith.minimumf %min3A_54, %slice3A_60 : vector<512x128xf32>
    %max3A_63 = arith.maximumf %min3A_56, %max3A_61 : vector<512x128xf32>
    %min3A_64 = arith.minimumf %min3A_56, %max3A_61 : vector<512x128xf32>
    %max3A_65 = arith.maximumf %min3A_58, %max3A_63 : vector<512x128xf32>
    %min3A_66 = arith.minimumf %min3A_58, %max3A_63 : vector<512x128xf32>
    %min3A_67 = arith.minimumf %min3A_59, %max3A_65 : vector<512x128xf32>
    %slice3A_68 = vector.extract_strided_slice %dot_general3A_5 {offsets = [0, 1024], sizes = [512, 128], strides = [1, 1]} : vector<512x4096xf32> to vector<512x128xf32>
    %max3A_69 = arith.maximumf %min3A_62, %slice3A_68 : vector<512x128xf32>
    %min3A_70 = arith.minimumf %min3A_62, %slice3A_68 : vector<512x128xf32>
    %max3A_71 = arith.maximumf %min3A_64, %max3A_69 : vector<512x128xf32>
    %min3A_72 = arith.minimumf %min3A_64, %max3A_69 : vector<512x128xf32>
    %max3A_73 = arith.maximumf %min3A_66, %max3A_71 : vector<512x128xf32>
    %min3A_74 = arith.minimumf %min3A_66, %max3A_71 : vector<512x128xf32>
    %min3A_75 = arith.minimumf %min3A_67, %max3A_73 : vector<512x128xf32>
    %slice3A_76 = vector.extract_strided_slice %dot_general3A_5 {offsets = [0, 1152], sizes = [512, 128], strides = [1, 1]} : vector<512x4096xf32> to vector<512x128xf32>
    %max3A_77 = arith.maximumf %min3A_70, %slice3A_76 : vector<512x128xf32>
    %min3A_78 = arith.minimumf %min3A_70, %slice3A_76 : vector<512x128xf32>
    %max3A_79 = arith.maximumf %min3A_72, %max3A_77 : vector<512x128xf32>
    %min3A_80 = arith.minimumf %min3A_72, %max3A_77 : vector<512x128xf32>
    %max3A_81 = arith.maximumf %min3A_74, %max3A_79 : vector<512x128xf32>
    %min3A_82 = arith.minimumf %min3A_74, %max3A_79 : vector<512x128xf32>
    %min3A_83 = arith.minimumf %min3A_75, %max3A_81 : vector<512x128xf32>
    %slice3A_84 = vector.extract_strided_slice %dot_general3A_5 {offsets = [0, 1280], sizes = [512, 128], strides = [1, 1]} : vector<512x4096xf32> to vector<512x128xf32>
    %max3A_85 = arith.maximumf %min3A_78, %slice3A_84 : vector<512x128xf32>
    %min3A_86 = arith.minimumf %min3A_78, %slice3A_84 : vector<512x128xf32>
    %max3A_87 = arith.maximumf %min3A_80, %max3A_85 : vector<512x128xf32>
    %min3A_88 = arith.minimumf %min3A_80, %max3A_85 : vector<512x128xf32>
    %max3A_89 = arith.maximumf %min3A_82, %max3A_87 : vector<512x128xf32>
    %min3A_90 = arith.minimumf %min3A_82, %max3A_87 : vector<512x128xf32>
    %min3A_91 = arith.minimumf %min3A_83, %max3A_89 : vector<512x128xf32>
    %slice3A_92 = vector.extract_strided_slice %dot_general3A_5 {offsets = [0, 1408], sizes = [512, 128], strides = [1, 1]} : vector<512x4096xf32> to vector<512x128xf32>
    %max3A_93 = arith.maximumf %min3A_86, %slice3A_92 : vector<512x128xf32>
    %min3A_94 = arith.minimumf %min3A_86, %slice3A_92 : vector<512x128xf32>
    %max3A_95 = arith.maximumf %min3A_88, %max3A_93 : vector<512x128xf32>
    %min3A_96 = arith.minimumf %min3A_88, %max3A_93 : vector<512x128xf32>
    %max3A_97 = arith.maximumf %min3A_90, %max3A_95 : vector<512x128xf32>
    %min3A_98 = arith.minimumf %min3A_90, %max3A_95 : vector<512x128xf32>
    %min3A_99 = arith.minimumf %min3A_91, %max3A_97 : vector<512x128xf32>
    %slice3A_100 = vector.extract_strided_slice %dot_general3A_5 {offsets = [0, 1536], sizes = [512, 128], strides = [1, 1]} : vector<512x4096xf32> to vector<512x128xf32>
    %max3A_101 = arith.maximumf %min3A_94, %slice3A_100 : vector<512x128xf32>
    %min3A_102 = arith.minimumf %min3A_94, %slice3A_100 : vector<512x128xf32>
    %max3A_103 = arith.maximumf %min3A_96, %max3A_101 : vector<512x128xf32>
    %min3A_104 = arith.minimumf %min3A_96, %max3A_101 : vector<512x128xf32>
    %max3A_105 = arith.maximumf %min3A_98, %max3A_103 : vector<512x128xf32>
    %min3A_106 = arith.minimumf %min3A_98, %max3A_103 : vector<512x128xf32>
    %min3A_107 = arith.minimumf %min3A_99, %max3A_105 : vector<512x128xf32>
    %slice3A_108 = vector.extract_strided_slice %dot_general3A_5 {offsets = [0, 1664], sizes = [512, 128], strides = [1, 1]} : vector<512x4096xf32> to vector<512x128xf32>
    %max3A_109 = arith.maximumf %min3A_102, %slice3A_108 : vector<512x128xf32>
    %min3A_110 = arith.minimumf %min3A_102, %slice3A_108 : vector<512x128xf32>
    %max3A_111 = arith.maximumf %min3A_104, %max3A_109 : vector<512x128xf32>
    %min3A_112 = arith.minimumf %min3A_104, %max3A_109 : vector<512x128xf32>
    %max3A_113 = arith.maximumf %min3A_106, %max3A_111 : vector<512x128xf32>
    %min3A_114 = arith.minimumf %min3A_106, %max3A_111 : vector<512x128xf32>
    %min3A_115 = arith.minimumf %min3A_107, %max3A_113 : vector<512x128xf32>
    %slice3A_116 = vector.extract_strided_slice %dot_general3A_5 {offsets = [0, 1792], sizes = [512, 128], strides = [1, 1]} : vector<512x4096xf32> to vector<512x128xf32>
    %max3A_117 = arith.maximumf %min3A_110, %slice3A_116 : vector<512x128xf32>
    %min3A_118 = arith.minimumf %min3A_110, %slice3A_116 : vector<512x128xf32>
    %max3A_119 = arith.maximumf %min3A_112, %max3A_117 : vector<512x128xf32>
    %min3A_120 = arith.minimumf %min3A_112, %max3A_117 : vector<512x128xf32>
    %max3A_121 = arith.maximumf %min3A_114, %max3A_119 : vector<512x128xf32>
    %min3A_122 = arith.minimumf %min3A_114, %max3A_119 : vector<512x128xf32>
    %min3A_123 = arith.minimumf %min3A_115, %max3A_121 : vector<512x128xf32>
    %slice3A_124 = vector.extract_strided_slice %dot_general3A_5 {offsets = [0, 1920], sizes = [512, 128], strides = [1, 1]} : vector<512x4096xf32> to vector<512x128xf32>
    %max3A_125 = arith.maximumf %min3A_118, %slice3A_124 : vector<512x128xf32>
    %min3A_126 = arith.minimumf %min3A_118, %slice3A_124 : vector<512x128xf32>
    %max3A_127 = arith.maximumf %min3A_120, %max3A_125 : vector<512x128xf32>
    %min3A_128 = arith.minimumf %min3A_120, %max3A_125 : vector<512x128xf32>
    %max3A_129 = arith.maximumf %min3A_122, %max3A_127 : vector<512x128xf32>
    %min3A_130 = arith.minimumf %min3A_122, %max3A_127 : vector<512x128xf32>
    %min3A_131 = arith.minimumf %min3A_123, %max3A_129 : vector<512x128xf32>
    %slice3A_132 = vector.extract_strided_slice %dot_general3A_5 {offsets = [0, 2048], sizes = [512, 128], strides = [1, 1]} : vector<512x4096xf32> to vector<512x128xf32>
    %max3A_133 = arith.maximumf %min3A_126, %slice3A_132 : vector<512x128xf32>
    %min3A_134 = arith.minimumf %min3A_126, %slice3A_132 : vector<512x128xf32>
    %max3A_135 = arith.maximumf %min3A_128, %max3A_133 : vector<512x128xf32>
    %min3A_136 = arith.minimumf %min3A_128, %max3A_133 : vector<512x128xf32>
    %max3A_137 = arith.maximumf %min3A_130, %max3A_135 : vector<512x128xf32>
    %min3A_138 = arith.minimumf %min3A_130, %max3A_135 : vector<512x128xf32>
    %min3A_139 = arith.minimumf %min3A_131, %max3A_137 : vector<512x128xf32>
    %slice3A_140 = vector.extract_strided_slice %dot_general3A_5 {offsets = [0, 2176], sizes = [512, 128], strides = [1, 1]} : vector<512x4096xf32> to vector<512x128xf32>
    %max3A_141 = arith.maximumf %min3A_134, %slice3A_140 : vector<512x128xf32>
    %min3A_142 = arith.minimumf %min3A_134, %slice3A_140 : vector<512x128xf32>
    %max3A_143 = arith.maximumf %min3A_136, %max3A_141 : vector<512x128xf32>
    %min3A_144 = arith.minimumf %min3A_136, %max3A_141 : vector<512x128xf32>
    %max3A_145 = arith.maximumf %min3A_138, %max3A_143 : vector<512x128xf32>
    %min3A_146 = arith.minimumf %min3A_138, %max3A_143 : vector<512x128xf32>
    %min3A_147 = arith.minimumf %min3A_139, %max3A_145 : vector<512x128xf32>
    %slice3A_148 = vector.extract_strided_slice %dot_general3A_5 {offsets = [0, 2304], sizes = [512, 128], strides = [1, 1]} : vector<512x4096xf32> to vector<512x128xf32>
    %max3A_149 = arith.maximumf %min3A_142, %slice3A_148 : vector<512x128xf32>
    %min3A_150 = arith.minimumf %min3A_142, %slice3A_148 : vector<512x128xf32>
    %max3A_151 = arith.maximumf %min3A_144, %max3A_149 : vector<512x128xf32>
    %min3A_152 = arith.minimumf %min3A_144, %max3A_149 : vector<512x128xf32>
    %max3A_153 = arith.maximumf %min3A_146, %max3A_151 : vector<512x128xf32>
    %min3A_154 = arith.minimumf %min3A_146, %max3A_151 : vector<512x128xf32>
    %min3A_155 = arith.minimumf %min3A_147, %max3A_153 : vector<512x128xf32>
    %slice3A_156 = vector.extract_strided_slice %dot_general3A_5 {offsets = [0, 2432], sizes = [512, 128], strides = [1, 1]} : vector<512x4096xf32> to vector<512x128xf32>
    %max3A_157 = arith.maximumf %min3A_150, %slice3A_156 : vector<512x128xf32>
    %min3A_158 = arith.minimumf %min3A_150, %slice3A_156 : vector<512x128xf32>
    %max3A_159 = arith.maximumf %min3A_152, %max3A_157 : vector<512x128xf32>
    %min3A_160 = arith.minimumf %min3A_152, %max3A_157 : vector<512x128xf32>
    %max3A_161 = arith.maximumf %min3A_154, %max3A_159 : vector<512x128xf32>
    %min3A_162 = arith.minimumf %min3A_154, %max3A_159 : vector<512x128xf32>
    %min3A_163 = arith.minimumf %min3A_155, %max3A_161 : vector<512x128xf32>
    %slice3A_164 = vector.extract_strided_slice %dot_general3A_5 {offsets = [0, 2560], sizes = [512, 128], strides = [1, 1]} : vector<512x4096xf32> to vector<512x128xf32>
    %max3A_165 = arith.maximumf %min3A_158, %slice3A_164 : vector<512x128xf32>
    %min3A_166 = arith.minimumf %min3A_158, %slice3A_164 : vector<512x128xf32>
    %max3A_167 = arith.maximumf %min3A_160, %max3A_165 : vector<512x128xf32>
    %min3A_168 = arith.minimumf %min3A_160, %max3A_165 : vector<512x128xf32>
    %max3A_169 = arith.maximumf %min3A_162, %max3A_167 : vector<512x128xf32>
    %min3A_170 = arith.minimumf %min3A_162, %max3A_167 : vector<512x128xf32>
    %min3A_171 = arith.minimumf %min3A_163, %max3A_169 : vector<512x128xf32>
    %slice3A_172 = vector.extract_strided_slice %dot_general3A_5 {offsets = [0, 2688], sizes = [512, 128], strides = [1, 1]} : vector<512x4096xf32> to vector<512x128xf32>
    %max3A_173 = arith.maximumf %min3A_166, %slice3A_172 : vector<512x128xf32>
    %min3A_174 = arith.minimumf %min3A_166, %slice3A_172 : vector<512x128xf32>
    %max3A_175 = arith.maximumf %min3A_168, %max3A_173 : vector<512x128xf32>
    %min3A_176 = arith.minimumf %min3A_168, %max3A_173 : vector<512x128xf32>
    %max3A_177 = arith.maximumf %min3A_170, %max3A_175 : vector<512x128xf32>
    %min3A_178 = arith.minimumf %min3A_170, %max3A_175 : vector<512x128xf32>
    %min3A_179 = arith.minimumf %min3A_171, %max3A_177 : vector<512x128xf32>
    %slice3A_180 = vector.extract_strided_slice %dot_general3A_5 {offsets = [0, 2816], sizes = [512, 128], strides = [1, 1]} : vector<512x4096xf32> to vector<512x128xf32>
    %max3A_181 = arith.maximumf %min3A_174, %slice3A_180 : vector<512x128xf32>
    %min3A_182 = arith.minimumf %min3A_174, %slice3A_180 : vector<512x128xf32>
    %max3A_183 = arith.maximumf %min3A_176, %max3A_181 : vector<512x128xf32>
    %min3A_184 = arith.minimumf %min3A_176, %max3A_181 : vector<512x128xf32>
    %max3A_185 = arith.maximumf %min3A_178, %max3A_183 : vector<512x128xf32>
    %min3A_186 = arith.minimumf %min3A_178, %max3A_183 : vector<512x128xf32>
    %min3A_187 = arith.minimumf %min3A_179, %max3A_185 : vector<512x128xf32>
    %slice3A_188 = vector.extract_strided_slice %dot_general3A_5 {offsets = [0, 2944], sizes = [512, 128], strides = [1, 1]} : vector<512x4096xf32> to vector<512x128xf32>
    %max3A_189 = arith.maximumf %min3A_182, %slice3A_188 : vector<512x128xf32>
    %min3A_190 = arith.minimumf %min3A_182, %slice3A_188 : vector<512x128xf32>
    %max3A_191 = arith.maximumf %min3A_184, %max3A_189 : vector<512x128xf32>
    %min3A_192 = arith.minimumf %min3A_184, %max3A_189 : vector<512x128xf32>
    %max3A_193 = arith.maximumf %min3A_186, %max3A_191 : vector<512x128xf32>
    %min3A_194 = arith.minimumf %min3A_186, %max3A_191 : vector<512x128xf32>
    %min3A_195 = arith.minimumf %min3A_187, %max3A_193 : vector<512x128xf32>
    %slice3A_196 = vector.extract_strided_slice %dot_general3A_5 {offsets = [0, 3072], sizes = [512, 128], strides = [1, 1]} : vector<512x4096xf32> to vector<512x128xf32>
    %max3A_197 = arith.maximumf %min3A_190, %slice3A_196 : vector<512x128xf32>
    %min3A_198 = arith.minimumf %min3A_190, %slice3A_196 : vector<512x128xf32>
    %max3A_199 = arith.maximumf %min3A_192, %max3A_197 : vector<512x128xf32>
    %min3A_200 = arith.minimumf %min3A_192, %max3A_197 : vector<512x128xf32>
    %max3A_201 = arith.maximumf %min3A_194, %max3A_199 : vector<512x128xf32>
    %min3A_202 = arith.minimumf %min3A_194, %max3A_199 : vector<512x128xf32>
    %min3A_203 = arith.minimumf %min3A_195, %max3A_201 : vector<512x128xf32>
    %slice3A_204 = vector.extract_strided_slice %dot_general3A_5 {offsets = [0, 3200], sizes = [512, 128], strides = [1, 1]} : vector<512x4096xf32> to vector<512x128xf32>
    %max3A_205 = arith.maximumf %min3A_198, %slice3A_204 : vector<512x128xf32>
    %min3A_206 = arith.minimumf %min3A_198, %slice3A_204 : vector<512x128xf32>
    %max3A_207 = arith.maximumf %min3A_200, %max3A_205 : vector<512x128xf32>
    %min3A_208 = arith.minimumf %min3A_200, %max3A_205 : vector<512x128xf32>
    %max3A_209 = arith.maximumf %min3A_202, %max3A_207 : vector<512x128xf32>
    %min3A_210 = arith.minimumf %min3A_202, %max3A_207 : vector<512x128xf32>
    %min3A_211 = arith.minimumf %min3A_203, %max3A_209 : vector<512x128xf32>
    %slice3A_212 = vector.extract_strided_slice %dot_general3A_5 {offsets = [0, 3328], sizes = [512, 128], strides = [1, 1]} : vector<512x4096xf32> to vector<512x128xf32>
    %max3A_213 = arith.maximumf %min3A_206, %slice3A_212 : vector<512x128xf32>
    %min3A_214 = arith.minimumf %min3A_206, %slice3A_212 : vector<512x128xf32>
    %max3A_215 = arith.maximumf %min3A_208, %max3A_213 : vector<512x128xf32>
    %min3A_216 = arith.minimumf %min3A_208, %max3A_213 : vector<512x128xf32>
    %max3A_217 = arith.maximumf %min3A_210, %max3A_215 : vector<512x128xf32>
    %min3A_218 = arith.minimumf %min3A_210, %max3A_215 : vector<512x128xf32>
    %min3A_219 = arith.minimumf %min3A_211, %max3A_217 : vector<512x128xf32>
    %slice3A_220 = vector.extract_strided_slice %dot_general3A_5 {offsets = [0, 3456], sizes = [512, 128], strides = [1, 1]} : vector<512x4096xf32> to vector<512x128xf32>
    %max3A_221 = arith.maximumf %min3A_214, %slice3A_220 : vector<512x128xf32>
    %min3A_222 = arith.minimumf %min3A_214, %slice3A_220 : vector<512x128xf32>
    %max3A_223 = arith.maximumf %min3A_216, %max3A_221 : vector<512x128xf32>
    %min3A_224 = arith.minimumf %min3A_216, %max3A_221 : vector<512x128xf32>
    %max3A_225 = arith.maximumf %min3A_218, %max3A_223 : vector<512x128xf32>
    %min3A_226 = arith.minimumf %min3A_218, %max3A_223 : vector<512x128xf32>
    %min3A_227 = arith.minimumf %min3A_219, %max3A_225 : vector<512x128xf32>
    %slice3A_228 = vector.extract_strided_slice %dot_general3A_5 {offsets = [0, 3584], sizes = [512, 128], strides = [1, 1]} : vector<512x4096xf32> to vector<512x128xf32>
    %max3A_229 = arith.maximumf %min3A_222, %slice3A_228 : vector<512x128xf32>
    %min3A_230 = arith.minimumf %min3A_222, %slice3A_228 : vector<512x128xf32>
    %max3A_231 = arith.maximumf %min3A_224, %max3A_229 : vector<512x128xf32>
    %min3A_232 = arith.minimumf %min3A_224, %max3A_229 : vector<512x128xf32>
    %max3A_233 = arith.maximumf %min3A_226, %max3A_231 : vector<512x128xf32>
    %min3A_234 = arith.minimumf %min3A_226, %max3A_231 : vector<512x128xf32>
    %min3A_235 = arith.minimumf %min3A_227, %max3A_233 : vector<512x128xf32>
    %slice3A_236 = vector.extract_strided_slice %dot_general3A_5 {offsets = [0, 3712], sizes = [512, 128], strides = [1, 1]} : vector<512x4096xf32> to vector<512x128xf32>
    %max3A_237 = arith.maximumf %min3A_230, %slice3A_236 : vector<512x128xf32>
    %min3A_238 = arith.minimumf %min3A_230, %slice3A_236 : vector<512x128xf32>
    %max3A_239 = arith.maximumf %min3A_232, %max3A_237 : vector<512x128xf32>
    %min3A_240 = arith.minimumf %min3A_232, %max3A_237 : vector<512x128xf32>
    %max3A_241 = arith.maximumf %min3A_234, %max3A_239 : vector<512x128xf32>
    %min3A_242 = arith.minimumf %min3A_234, %max3A_239 : vector<512x128xf32>
    %min3A_243 = arith.minimumf %min3A_235, %max3A_241 : vector<512x128xf32>
    %slice3A_244 = vector.extract_strided_slice %dot_general3A_5 {offsets = [0, 3840], sizes = [512, 128], strides = [1, 1]} : vector<512x4096xf32> to vector<512x128xf32>
    %max3A_245 = arith.maximumf %min3A_238, %slice3A_244 : vector<512x128xf32>
    %min3A_246 = arith.minimumf %min3A_238, %slice3A_244 : vector<512x128xf32>
    %max3A_247 = arith.maximumf %min3A_240, %max3A_245 : vector<512x128xf32>
    %min3A_248 = arith.minimumf %min3A_240, %max3A_245 : vector<512x128xf32>
    %max3A_249 = arith.maximumf %min3A_242, %max3A_247 : vector<512x128xf32>
    %min3A_250 = arith.minimumf %min3A_242, %max3A_247 : vector<512x128xf32>
    %min3A_251 = arith.minimumf %min3A_243, %max3A_249 : vector<512x128xf32>
    %slice3A_252 = vector.extract_strided_slice %dot_general3A_5 {offsets = [0, 3968], sizes = [512, 128], strides = [1, 1]} : vector<512x4096xf32> to vector<512x128xf32>
    %max3A_253 = arith.maximumf %min3A_246, %slice3A_252 : vector<512x128xf32>
    %min3A_254 = arith.minimumf %min3A_246, %slice3A_252 : vector<512x128xf32>
    %max3A_255 = arith.maximumf %min3A_248, %max3A_253 : vector<512x128xf32>
    %min3A_256 = arith.minimumf %min3A_248, %max3A_253 : vector<512x128xf32>
    %max3A_257 = arith.maximumf %min3A_250, %max3A_255 : vector<512x128xf32>
    %min3A_258 = arith.minimumf %min3A_250, %max3A_255 : vector<512x128xf32>
    %min3A_259 = arith.minimumf %min3A_251, %max3A_257 : vector<512x128xf32>
    %broadcast_in_dim3A_260 = arith.constant -3.000000e+38 : f32
    %broadcast_in_dim3A_261 = vector.broadcast %broadcast_in_dim3A_260 : f32 to vector<512x1xf32>
    %gt3A = vector.broadcast %broadcast_in_dim3A_261 : vector<512x1xf32> to vector<512x128xf32>
    %gt3A_262 = arith.cmpf ogt, %min3A_254, %gt3A : vector<512x128xf32>
    %gt3A_263 = vector.broadcast %broadcast_in_dim3A_261 : vector<512x1xf32> to vector<512x128xf32>
    %gt3A_264 = arith.cmpf ogt, %min3A_256, %gt3A_263 : vector<512x128xf32>
    %gt3A_265 = vector.broadcast %broadcast_in_dim3A_261 : vector<512x1xf32> to vector<512x128xf32>
    %gt3A_266 = arith.cmpf ogt, %min3A_258, %gt3A_265 : vector<512x128xf32>
    %gt3A_267 = vector.broadcast %broadcast_in_dim3A_261 : vector<512x1xf32> to vector<512x128xf32>
    %gt3A_268 = arith.cmpf ogt, %min3A_259, %gt3A_267 : vector<512x128xf32>
    %jit3A = arith.constant 3.000000e+38 : f32
    %broadcast_in_dim3A_269 = vector.broadcast %jit3A : f32 to vector<512x128xf32>
    %select_n3A = arith.select %gt3A_268, %min3A_259, %broadcast_in_dim3A_269 : vector<512x128xi1>, vector<512x128xf32>
    %select_n3A_270 = arith.select %gt3A_266, %min3A_258, %select_n3A : vector<512x128xi1>, vector<512x128xf32>
    %select_n3A_271 = arith.select %gt3A_264, %min3A_256, %select_n3A_270 : vector<512x128xi1>, vector<512x128xf32>
    %select_n3A_272 = arith.select %gt3A_262, %min3A_254, %select_n3A_271 : vector<512x128xi1>, vector<512x128xf32>
    %reduce_min3A = arith.constant dense<0x7F800000> : vector<512xf32>
    %reduce_min3A_273 = vector.multi_reduction <minimumf>, %select_n3A_272, %reduce_min3A [1] : vector<512x128xf32> to vector<512xf32>
    %broadcast_in_dim3A_274 = vector.shape_cast %reduce_min3A_273 : vector<512xf32> to vector<512x1xf32>
    %gt3A_275 = vector.broadcast %broadcast_in_dim3A_274 : vector<512x1xf32> to vector<512x128xf32>
    %gt3A_276 = arith.cmpf ogt, %min3A_254, %gt3A_275 : vector<512x128xf32>
    %gt3A_277 = vector.broadcast %broadcast_in_dim3A_274 : vector<512x1xf32> to vector<512x128xf32>
    %gt3A_278 = arith.cmpf ogt, %min3A_256, %gt3A_277 : vector<512x128xf32>
    %gt3A_279 = vector.broadcast %broadcast_in_dim3A_274 : vector<512x1xf32> to vector<512x128xf32>
    %gt3A_280 = arith.cmpf ogt, %min3A_258, %gt3A_279 : vector<512x128xf32>
    %gt3A_281 = vector.broadcast %broadcast_in_dim3A_274 : vector<512x1xf32> to vector<512x128xf32>
    %gt3A_282 = arith.cmpf ogt, %min3A_259, %gt3A_281 : vector<512x128xf32>
    %jit3A_283 = arith.constant 3.000000e+38 : f32
    %broadcast_in_dim3A_284 = vector.broadcast %jit3A_283 : f32 to vector<512x128xf32>
    %select_n3A_285 = arith.select %gt3A_282, %min3A_259, %broadcast_in_dim3A_284 : vector<512x128xi1>, vector<512x128xf32>
    %select_n3A_286 = arith.select %gt3A_280, %min3A_258, %select_n3A_285 : vector<512x128xi1>, vector<512x128xf32>
    %select_n3A_287 = arith.select %gt3A_278, %min3A_256, %select_n3A_286 : vector<512x128xi1>, vector<512x128xf32>
    %select_n3A_288 = arith.select %gt3A_276, %min3A_254, %select_n3A_287 : vector<512x128xi1>, vector<512x128xf32>
    %reduce_min3A_289 = arith.constant dense<0x7F800000> : vector<512xf32>
    %reduce_min3A_290 = vector.multi_reduction <minimumf>, %select_n3A_288, %reduce_min3A_289 [1] : vector<512x128xf32> to vector<512xf32>
    %broadcast_in_dim3A_291 = vector.shape_cast %reduce_min3A_290 : vector<512xf32> to vector<512x1xf32>
    %gt3A_292 = vector.broadcast %broadcast_in_dim3A_291 : vector<512x1xf32> to vector<512x128xf32>
    %gt3A_293 = arith.cmpf ogt, %min3A_254, %gt3A_292 : vector<512x128xf32>
    %gt3A_294 = vector.broadcast %broadcast_in_dim3A_291 : vector<512x1xf32> to vector<512x128xf32>
    %gt3A_295 = arith.cmpf ogt, %min3A_256, %gt3A_294 : vector<512x128xf32>
    %gt3A_296 = vector.broadcast %broadcast_in_dim3A_291 : vector<512x1xf32> to vector<512x128xf32>
    %gt3A_297 = arith.cmpf ogt, %min3A_258, %gt3A_296 : vector<512x128xf32>
    %gt3A_298 = vector.broadcast %broadcast_in_dim3A_291 : vector<512x1xf32> to vector<512x128xf32>
    %gt3A_299 = arith.cmpf ogt, %min3A_259, %gt3A_298 : vector<512x128xf32>
    %jit3A_300 = arith.constant 3.000000e+38 : f32
    %broadcast_in_dim3A_301 = vector.broadcast %jit3A_300 : f32 to vector<512x128xf32>
    %select_n3A_302 = arith.select %gt3A_299, %min3A_259, %broadcast_in_dim3A_301 : vector<512x128xi1>, vector<512x128xf32>
    %select_n3A_303 = arith.select %gt3A_297, %min3A_258, %select_n3A_302 : vector<512x128xi1>, vector<512x128xf32>
    %select_n3A_304 = arith.select %gt3A_295, %min3A_256, %select_n3A_303 : vector<512x128xi1>, vector<512x128xf32>
    %select_n3A_305 = arith.select %gt3A_293, %min3A_254, %select_n3A_304 : vector<512x128xi1>, vector<512x128xf32>
    %reduce_min3A_306 = arith.constant dense<0x7F800000> : vector<512xf32>
    %reduce_min3A_307 = vector.multi_reduction <minimumf>, %select_n3A_305, %reduce_min3A_306 [1] : vector<512x128xf32> to vector<512xf32>
    %broadcast_in_dim3A_308 = vector.shape_cast %reduce_min3A_307 : vector<512xf32> to vector<512x1xf32>
    %gt3A_309 = vector.broadcast %broadcast_in_dim3A_308 : vector<512x1xf32> to vector<512x128xf32>
    %gt3A_310 = arith.cmpf ogt, %min3A_254, %gt3A_309 : vector<512x128xf32>
    %gt3A_311 = vector.broadcast %broadcast_in_dim3A_308 : vector<512x1xf32> to vector<512x128xf32>
    %gt3A_312 = arith.cmpf ogt, %min3A_256, %gt3A_311 : vector<512x128xf32>
    %gt3A_313 = vector.broadcast %broadcast_in_dim3A_308 : vector<512x1xf32> to vector<512x128xf32>
    %gt3A_314 = arith.cmpf ogt, %min3A_258, %gt3A_313 : vector<512x128xf32>
    %gt3A_315 = vector.broadcast %broadcast_in_dim3A_308 : vector<512x1xf32> to vector<512x128xf32>
    %gt3A_316 = arith.cmpf ogt, %min3A_259, %gt3A_315 : vector<512x128xf32>
    %jit3A_317 = arith.constant 3.000000e+38 : f32
    %broadcast_in_dim3A_318 = vector.broadcast %jit3A_317 : f32 to vector<512x128xf32>
    %select_n3A_319 = arith.select %gt3A_316, %min3A_259, %broadcast_in_dim3A_318 : vector<512x128xi1>, vector<512x128xf32>
    %select_n3A_320 = arith.select %gt3A_314, %min3A_258, %select_n3A_319 : vector<512x128xi1>, vector<512x128xf32>
    %select_n3A_321 = arith.select %gt3A_312, %min3A_256, %select_n3A_320 : vector<512x128xi1>, vector<512x128xf32>
    %select_n3A_322 = arith.select %gt3A_310, %min3A_254, %select_n3A_321 : vector<512x128xi1>, vector<512x128xf32>
    %reduce_min3A_323 = arith.constant dense<0x7F800000> : vector<512xf32>
    %reduce_min3A_324 = vector.multi_reduction <minimumf>, %select_n3A_322, %reduce_min3A_323 [1] : vector<512x128xf32> to vector<512xf32>
    %broadcast_in_dim3A_325 = vector.shape_cast %reduce_min3A_324 : vector<512xf32> to vector<512x1xf32>
    %gt3A_326 = vector.broadcast %broadcast_in_dim3A_325 : vector<512x1xf32> to vector<512x128xf32>
    %gt3A_327 = arith.cmpf ogt, %min3A_254, %gt3A_326 : vector<512x128xf32>
    %gt3A_328 = vector.broadcast %broadcast_in_dim3A_325 : vector<512x1xf32> to vector<512x128xf32>
    %gt3A_329 = arith.cmpf ogt, %min3A_256, %gt3A_328 : vector<512x128xf32>
    %gt3A_330 = vector.broadcast %broadcast_in_dim3A_325 : vector<512x1xf32> to vector<512x128xf32>
    %gt3A_331 = arith.cmpf ogt, %min3A_258, %gt3A_330 : vector<512x128xf32>
    %gt3A_332 = vector.broadcast %broadcast_in_dim3A_325 : vector<512x1xf32> to vector<512x128xf32>
    %gt3A_333 = arith.cmpf ogt, %min3A_259, %gt3A_332 : vector<512x128xf32>
    %jit3A_334 = arith.constant 3.000000e+38 : f32
    %broadcast_in_dim3A_335 = vector.broadcast %jit3A_334 : f32 to vector<512x128xf32>
    %select_n3A_336 = arith.select %gt3A_333, %min3A_259, %broadcast_in_dim3A_335 : vector<512x128xi1>, vector<512x128xf32>
    %select_n3A_337 = arith.select %gt3A_331, %min3A_258, %select_n3A_336 : vector<512x128xi1>, vector<512x128xf32>
    %select_n3A_338 = arith.select %gt3A_329, %min3A_256, %select_n3A_337 : vector<512x128xi1>, vector<512x128xf32>
    %select_n3A_339 = arith.select %gt3A_327, %min3A_254, %select_n3A_338 : vector<512x128xi1>, vector<512x128xf32>
    %reduce_min3A_340 = arith.constant dense<0x7F800000> : vector<512xf32>
    %reduce_min3A_341 = vector.multi_reduction <minimumf>, %select_n3A_339, %reduce_min3A_340 [1] : vector<512x128xf32> to vector<512xf32>
    %broadcast_in_dim3A_342 = vector.shape_cast %reduce_min3A_341 : vector<512xf32> to vector<512x1xf32>
    %gt3A_343 = vector.broadcast %broadcast_in_dim3A_342 : vector<512x1xf32> to vector<512x128xf32>
    %gt3A_344 = arith.cmpf ogt, %min3A_254, %gt3A_343 : vector<512x128xf32>
    %gt3A_345 = vector.broadcast %broadcast_in_dim3A_342 : vector<512x1xf32> to vector<512x128xf32>
    %gt3A_346 = arith.cmpf ogt, %min3A_256, %gt3A_345 : vector<512x128xf32>
    %gt3A_347 = vector.broadcast %broadcast_in_dim3A_342 : vector<512x1xf32> to vector<512x128xf32>
    %gt3A_348 = arith.cmpf ogt, %min3A_258, %gt3A_347 : vector<512x128xf32>
    %gt3A_349 = vector.broadcast %broadcast_in_dim3A_342 : vector<512x1xf32> to vector<512x128xf32>
    %gt3A_350 = arith.cmpf ogt, %min3A_259, %gt3A_349 : vector<512x128xf32>
    %jit3A_351 = arith.constant 3.000000e+38 : f32
    %broadcast_in_dim3A_352 = vector.broadcast %jit3A_351 : f32 to vector<512x128xf32>
    %select_n3A_353 = arith.select %gt3A_350, %min3A_259, %broadcast_in_dim3A_352 : vector<512x128xi1>, vector<512x128xf32>
    %select_n3A_354 = arith.select %gt3A_348, %min3A_258, %select_n3A_353 : vector<512x128xi1>, vector<512x128xf32>
    %select_n3A_355 = arith.select %gt3A_346, %min3A_256, %select_n3A_354 : vector<512x128xi1>, vector<512x128xf32>
    %select_n3A_356 = arith.select %gt3A_344, %min3A_254, %select_n3A_355 : vector<512x128xi1>, vector<512x128xf32>
    %reduce_min3A_357 = arith.constant dense<0x7F800000> : vector<512xf32>
    %reduce_min3A_358 = vector.multi_reduction <minimumf>, %select_n3A_356, %reduce_min3A_357 [1] : vector<512x128xf32> to vector<512xf32>
    %broadcast_in_dim3A_359 = vector.shape_cast %reduce_min3A_358 : vector<512xf32> to vector<512x1xf32>
    %gt3A_360 = vector.broadcast %broadcast_in_dim3A_359 : vector<512x1xf32> to vector<512x128xf32>
    %gt3A_361 = arith.cmpf ogt, %min3A_254, %gt3A_360 : vector<512x128xf32>
    %gt3A_362 = vector.broadcast %broadcast_in_dim3A_359 : vector<512x1xf32> to vector<512x128xf32>
    %gt3A_363 = arith.cmpf ogt, %min3A_256, %gt3A_362 : vector<512x128xf32>
    %gt3A_364 = vector.broadcast %broadcast_in_dim3A_359 : vector<512x1xf32> to vector<512x128xf32>
    %gt3A_365 = arith.cmpf ogt, %min3A_258, %gt3A_364 : vector<512x128xf32>
    %gt3A_366 = vector.broadcast %broadcast_in_dim3A_359 : vector<512x1xf32> to vector<512x128xf32>
    %gt3A_367 = arith.cmpf ogt, %min3A_259, %gt3A_366 : vector<512x128xf32>
    %jit3A_368 = arith.constant 3.000000e+38 : f32
    %broadcast_in_dim3A_369 = vector.broadcast %jit3A_368 : f32 to vector<512x128xf32>
    %select_n3A_370 = arith.select %gt3A_367, %min3A_259, %broadcast_in_dim3A_369 : vector<512x128xi1>, vector<512x128xf32>
    %select_n3A_371 = arith.select %gt3A_365, %min3A_258, %select_n3A_370 : vector<512x128xi1>, vector<512x128xf32>
    %select_n3A_372 = arith.select %gt3A_363, %min3A_256, %select_n3A_371 : vector<512x128xi1>, vector<512x128xf32>
    %select_n3A_373 = arith.select %gt3A_361, %min3A_254, %select_n3A_372 : vector<512x128xi1>, vector<512x128xf32>
    %reduce_min3A_374 = arith.constant dense<0x7F800000> : vector<512xf32>
    %reduce_min3A_375 = vector.multi_reduction <minimumf>, %select_n3A_373, %reduce_min3A_374 [1] : vector<512x128xf32> to vector<512xf32>
    %broadcast_in_dim3A_376 = vector.shape_cast %reduce_min3A_375 : vector<512xf32> to vector<512x1xf32>
    %gt3A_377 = vector.broadcast %broadcast_in_dim3A_376 : vector<512x1xf32> to vector<512x128xf32>
    %gt3A_378 = arith.cmpf ogt, %min3A_254, %gt3A_377 : vector<512x128xf32>
    %gt3A_379 = vector.broadcast %broadcast_in_dim3A_376 : vector<512x1xf32> to vector<512x128xf32>
    %gt3A_380 = arith.cmpf ogt, %min3A_256, %gt3A_379 : vector<512x128xf32>
    %gt3A_381 = vector.broadcast %broadcast_in_dim3A_376 : vector<512x1xf32> to vector<512x128xf32>
    %gt3A_382 = arith.cmpf ogt, %min3A_258, %gt3A_381 : vector<512x128xf32>
    %gt3A_383 = vector.broadcast %broadcast_in_dim3A_376 : vector<512x1xf32> to vector<512x128xf32>
    %gt3A_384 = arith.cmpf ogt, %min3A_259, %gt3A_383 : vector<512x128xf32>
    %jit3A_385 = arith.constant 3.000000e+38 : f32
    %broadcast_in_dim3A_386 = vector.broadcast %jit3A_385 : f32 to vector<512x128xf32>
    %select_n3A_387 = arith.select %gt3A_384, %min3A_259, %broadcast_in_dim3A_386 : vector<512x128xi1>, vector<512x128xf32>
    %select_n3A_388 = arith.select %gt3A_382, %min3A_258, %select_n3A_387 : vector<512x128xi1>, vector<512x128xf32>
    %select_n3A_389 = arith.select %gt3A_380, %min3A_256, %select_n3A_388 : vector<512x128xi1>, vector<512x128xf32>
    %select_n3A_390 = arith.select %gt3A_378, %min3A_254, %select_n3A_389 : vector<512x128xi1>, vector<512x128xf32>
    %reduce_min3A_391 = arith.constant dense<0x7F800000> : vector<512xf32>
    %reduce_min3A_392 = vector.multi_reduction <minimumf>, %select_n3A_390, %reduce_min3A_391 [1] : vector<512x128xf32> to vector<512xf32>
    %broadcast_in_dim3A_393 = vector.shape_cast %reduce_min3A_392 : vector<512xf32> to vector<512x1xf32>
    %gt3A_394 = vector.broadcast %broadcast_in_dim3A_393 : vector<512x1xf32> to vector<512x128xf32>
    %gt3A_395 = arith.cmpf ogt, %min3A_254, %gt3A_394 : vector<512x128xf32>
    %gt3A_396 = vector.broadcast %broadcast_in_dim3A_393 : vector<512x1xf32> to vector<512x128xf32>
    %gt3A_397 = arith.cmpf ogt, %min3A_256, %gt3A_396 : vector<512x128xf32>
    %gt3A_398 = vector.broadcast %broadcast_in_dim3A_393 : vector<512x1xf32> to vector<512x128xf32>
    %gt3A_399 = arith.cmpf ogt, %min3A_258, %gt3A_398 : vector<512x128xf32>
    %gt3A_400 = vector.broadcast %broadcast_in_dim3A_393 : vector<512x1xf32> to vector<512x128xf32>
    %gt3A_401 = arith.cmpf ogt, %min3A_259, %gt3A_400 : vector<512x128xf32>
    %jit3A_402 = arith.constant 3.000000e+38 : f32
    %broadcast_in_dim3A_403 = vector.broadcast %jit3A_402 : f32 to vector<512x128xf32>
    %select_n3A_404 = arith.select %gt3A_401, %min3A_259, %broadcast_in_dim3A_403 : vector<512x128xi1>, vector<512x128xf32>
    %select_n3A_405 = arith.select %gt3A_399, %min3A_258, %select_n3A_404 : vector<512x128xi1>, vector<512x128xf32>
    %select_n3A_406 = arith.select %gt3A_397, %min3A_256, %select_n3A_405 : vector<512x128xi1>, vector<512x128xf32>
    %select_n3A_407 = arith.select %gt3A_395, %min3A_254, %select_n3A_406 : vector<512x128xi1>, vector<512x128xf32>
    %reduce_min3A_408 = arith.constant dense<0x7F800000> : vector<512xf32>
    %reduce_min3A_409 = vector.multi_reduction <minimumf>, %select_n3A_407, %reduce_min3A_408 [1] : vector<512x128xf32> to vector<512xf32>
    %broadcast_in_dim3A_410 = vector.shape_cast %reduce_min3A_409 : vector<512xf32> to vector<512x1xf32>
    %gt3A_411 = vector.broadcast %broadcast_in_dim3A_410 : vector<512x1xf32> to vector<512x128xf32>
    %gt3A_412 = arith.cmpf ogt, %min3A_254, %gt3A_411 : vector<512x128xf32>
    %gt3A_413 = vector.broadcast %broadcast_in_dim3A_410 : vector<512x1xf32> to vector<512x128xf32>
    %gt3A_414 = arith.cmpf ogt, %min3A_256, %gt3A_413 : vector<512x128xf32>
    %gt3A_415 = vector.broadcast %broadcast_in_dim3A_410 : vector<512x1xf32> to vector<512x128xf32>
    %gt3A_416 = arith.cmpf ogt, %min3A_258, %gt3A_415 : vector<512x128xf32>
    %gt3A_417 = vector.broadcast %broadcast_in_dim3A_410 : vector<512x1xf32> to vector<512x128xf32>
    %gt3A_418 = arith.cmpf ogt, %min3A_259, %gt3A_417 : vector<512x128xf32>
    %jit3A_419 = arith.constant 3.000000e+38 : f32
    %broadcast_in_dim3A_420 = vector.broadcast %jit3A_419 : f32 to vector<512x128xf32>
    %select_n3A_421 = arith.select %gt3A_418, %min3A_259, %broadcast_in_dim3A_420 : vector<512x128xi1>, vector<512x128xf32>
    %select_n3A_422 = arith.select %gt3A_416, %min3A_258, %select_n3A_421 : vector<512x128xi1>, vector<512x128xf32>
    %select_n3A_423 = arith.select %gt3A_414, %min3A_256, %select_n3A_422 : vector<512x128xi1>, vector<512x128xf32>
    %select_n3A_424 = arith.select %gt3A_412, %min3A_254, %select_n3A_423 : vector<512x128xi1>, vector<512x128xf32>
    %reduce_min3A_425 = arith.constant dense<0x7F800000> : vector<512xf32>
    %reduce_min3A_426 = vector.multi_reduction <minimumf>, %select_n3A_424, %reduce_min3A_425 [1] : vector<512x128xf32> to vector<512xf32>
    %broadcast_in_dim3A_427 = vector.shape_cast %reduce_min3A_426 : vector<512xf32> to vector<512x1xf32>
    %lt3A = vector.broadcast %broadcast_in_dim3A_427 : vector<512x1xf32> to vector<512x128xf32>
    %lt3A_428 = arith.cmpf olt, %min3A_259, %lt3A : vector<512x128xf32>
    %reduce_or3A = arith.constant 1.000000e+00 : f32
    %reduce_or3A_429 = arith.constant 0.000000e+00 : f32
    %reduce_or3A_430 = vector.broadcast %reduce_or3A : f32 to vector<512x128xf32>
    %reduce_or3A_431 = vector.broadcast %reduce_or3A_429 : f32 to vector<512x128xf32>
    %reduce_or3A_432 = arith.select %lt3A_428, %reduce_or3A_430, %reduce_or3A_431 : vector<512x128xi1>, vector<512x128xf32>
    %reduce_or3A_433 = vector.shape_cast %reduce_or3A_432 : vector<512x128xf32> to vector<1x512x128xf32>
    %reduce_or3A_434 = arith.constant dense<0xFF800000> : vector<1xf32>
    %reduce_or3A_435 = vector.multi_reduction <maximumf>, %reduce_or3A_433, %reduce_or3A_434 [1, 2] : vector<1x512x128xf32> to vector<1xf32>
    %reduce_or3A_436 = vector.shape_cast %reduce_or3A_435 : vector<1xf32> to vector<1x1x1xf32>
    %reduce_or3A_437 = vector.extract %reduce_or3A_436[0, 0, 0] : f32 from vector<1x1x1xf32>
    %reduce_or3A_438 = arith.constant 0.000000e+00 : f32
    %reduce_or3A_439 = arith.cmpf ogt, %reduce_or3A_437, %reduce_or3A_438 : f32
    %convert_element_type3A = arith.extui %reduce_or3A_439 : i1 to i32
    %cond3A = arith.constant 0 : i32
    %cond3A_440 = arith.cmpi ne, %convert_element_type3A, %cond3A : i32
    %cond3A_441 = scf.if %cond3A_440 -> (vector<512x1xf32>) {
      %broadcast_in_dim3A_490 = arith.constant -3.000000e+38 : f32
      %broadcast_in_dim3A_491 = vector.broadcast %broadcast_in_dim3A_490 : f32 to vector<512x1xf32>
      %broadcast_in_dim3A_492 = arith.constant 3.000000e+38 : f32
      %broadcast_in_dim3A_493 = vector.broadcast %broadcast_in_dim3A_492 : f32 to vector<512x128xf32>
      %slice3A_494 = vector.extract_strided_slice %dot_general3A_5 {offsets = [0, 0], sizes = [512, 128], strides = [1, 1]} : vector<512x4096xf32> to vector<512x128xf32>
      %gt3A_495 = vector.broadcast %broadcast_in_dim3A_491 : vector<512x1xf32> to vector<512x128xf32>
      %gt3A_496 = arith.cmpf ogt, %slice3A_494, %gt3A_495 : vector<512x128xf32>
      %jit3A_497 = arith.constant 3.000000e+38 : f32
      %broadcast_in_dim3A_498 = vector.broadcast %jit3A_497 : f32 to vector<512x128xf32>
      %select_n3A_499 = arith.select %gt3A_496, %slice3A_494, %broadcast_in_dim3A_498 : vector<512x128xi1>, vector<512x128xf32>
      %min3A_500 = arith.minimumf %broadcast_in_dim3A_493, %select_n3A_499 : vector<512x128xf32>
      %slice3A_501 = vector.extract_strided_slice %dot_general3A_5 {offsets = [0, 128], sizes = [512, 128], strides = [1, 1]} : vector<512x4096xf32> to vector<512x128xf32>
      %gt3A_502 = vector.broadcast %broadcast_in_dim3A_491 : vector<512x1xf32> to vector<512x128xf32>
      %gt3A_503 = arith.cmpf ogt, %slice3A_501, %gt3A_502 : vector<512x128xf32>
      %jit3A_504 = arith.constant 3.000000e+38 : f32
      %broadcast_in_dim3A_505 = vector.broadcast %jit3A_504 : f32 to vector<512x128xf32>
      %select_n3A_506 = arith.select %gt3A_503, %slice3A_501, %broadcast_in_dim3A_505 : vector<512x128xi1>, vector<512x128xf32>
      %min3A_507 = arith.minimumf %min3A_500, %select_n3A_506 : vector<512x128xf32>
      %slice3A_508 = vector.extract_strided_slice %dot_general3A_5 {offsets = [0, 256], sizes = [512, 128], strides = [1, 1]} : vector<512x4096xf32> to vector<512x128xf32>
      %gt3A_509 = vector.broadcast %broadcast_in_dim3A_491 : vector<512x1xf32> to vector<512x128xf32>
      %gt3A_510 = arith.cmpf ogt, %slice3A_508, %gt3A_509 : vector<512x128xf32>
      %jit3A_511 = arith.constant 3.000000e+38 : f32
      %broadcast_in_dim3A_512 = vector.broadcast %jit3A_511 : f32 to vector<512x128xf32>
      %select_n3A_513 = arith.select %gt3A_510, %slice3A_508, %broadcast_in_dim3A_512 : vector<512x128xi1>, vector<512x128xf32>
      %min3A_514 = arith.minimumf %min3A_507, %select_n3A_513 : vector<512x128xf32>
      %slice3A_515 = vector.extract_strided_slice %dot_general3A_5 {offsets = [0, 384], sizes = [512, 128], strides = [1, 1]} : vector<512x4096xf32> to vector<512x128xf32>
      %gt3A_516 = vector.broadcast %broadcast_in_dim3A_491 : vector<512x1xf32> to vector<512x128xf32>
      %gt3A_517 = arith.cmpf ogt, %slice3A_515, %gt3A_516 : vector<512x128xf32>
      %jit3A_518 = arith.constant 3.000000e+38 : f32
      %broadcast_in_dim3A_519 = vector.broadcast %jit3A_518 : f32 to vector<512x128xf32>
      %select_n3A_520 = arith.select %gt3A_517, %slice3A_515, %broadcast_in_dim3A_519 : vector<512x128xi1>, vector<512x128xf32>
      %min3A_521 = arith.minimumf %min3A_514, %select_n3A_520 : vector<512x128xf32>
      %slice3A_522 = vector.extract_strided_slice %dot_general3A_5 {offsets = [0, 512], sizes = [512, 128], strides = [1, 1]} : vector<512x4096xf32> to vector<512x128xf32>
      %gt3A_523 = vector.broadcast %broadcast_in_dim3A_491 : vector<512x1xf32> to vector<512x128xf32>
      %gt3A_524 = arith.cmpf ogt, %slice3A_522, %gt3A_523 : vector<512x128xf32>
      %jit3A_525 = arith.constant 3.000000e+38 : f32
      %broadcast_in_dim3A_526 = vector.broadcast %jit3A_525 : f32 to vector<512x128xf32>
      %select_n3A_527 = arith.select %gt3A_524, %slice3A_522, %broadcast_in_dim3A_526 : vector<512x128xi1>, vector<512x128xf32>
      %min3A_528 = arith.minimumf %min3A_521, %select_n3A_527 : vector<512x128xf32>
      %slice3A_529 = vector.extract_strided_slice %dot_general3A_5 {offsets = [0, 640], sizes = [512, 128], strides = [1, 1]} : vector<512x4096xf32> to vector<512x128xf32>
      %gt3A_530 = vector.broadcast %broadcast_in_dim3A_491 : vector<512x1xf32> to vector<512x128xf32>
      %gt3A_531 = arith.cmpf ogt, %slice3A_529, %gt3A_530 : vector<512x128xf32>
      %jit3A_532 = arith.constant 3.000000e+38 : f32
      %broadcast_in_dim3A_533 = vector.broadcast %jit3A_532 : f32 to vector<512x128xf32>
      %select_n3A_534 = arith.select %gt3A_531, %slice3A_529, %broadcast_in_dim3A_533 : vector<512x128xi1>, vector<512x128xf32>
      %min3A_535 = arith.minimumf %min3A_528, %select_n3A_534 : vector<512x128xf32>
      %slice3A_536 = vector.extract_strided_slice %dot_general3A_5 {offsets = [0, 768], sizes = [512, 128], strides = [1, 1]} : vector<512x4096xf32> to vector<512x128xf32>
      %gt3A_537 = vector.broadcast %broadcast_in_dim3A_491 : vector<512x1xf32> to vector<512x128xf32>
      %gt3A_538 = arith.cmpf ogt, %slice3A_536, %gt3A_537 : vector<512x128xf32>
      %jit3A_539 = arith.constant 3.000000e+38 : f32
      %broadcast_in_dim3A_540 = vector.broadcast %jit3A_539 : f32 to vector<512x128xf32>
      %select_n3A_541 = arith.select %gt3A_538, %slice3A_536, %broadcast_in_dim3A_540 : vector<512x128xi1>, vector<512x128xf32>
      %min3A_542 = arith.minimumf %min3A_535, %select_n3A_541 : vector<512x128xf32>
      %slice3A_543 = vector.extract_strided_slice %dot_general3A_5 {offsets = [0, 896], sizes = [512, 128], strides = [1, 1]} : vector<512x4096xf32> to vector<512x128xf32>
      %gt3A_544 = vector.broadcast %broadcast_in_dim3A_491 : vector<512x1xf32> to vector<512x128xf32>
      %gt3A_545 = arith.cmpf ogt, %slice3A_543, %gt3A_544 : vector<512x128xf32>
      %jit3A_546 = arith.constant 3.000000e+38 : f32
      %broadcast_in_dim3A_547 = vector.broadcast %jit3A_546 : f32 to vector<512x128xf32>
      %select_n3A_548 = arith.select %gt3A_545, %slice3A_543, %broadcast_in_dim3A_547 : vector<512x128xi1>, vector<512x128xf32>
      %min3A_549 = arith.minimumf %min3A_542, %select_n3A_548 : vector<512x128xf32>
      %slice3A_550 = vector.extract_strided_slice %dot_general3A_5 {offsets = [0, 1024], sizes = [512, 128], strides = [1, 1]} : vector<512x4096xf32> to vector<512x128xf32>
      %gt3A_551 = vector.broadcast %broadcast_in_dim3A_491 : vector<512x1xf32> to vector<512x128xf32>
      %gt3A_552 = arith.cmpf ogt, %slice3A_550, %gt3A_551 : vector<512x128xf32>
      %jit3A_553 = arith.constant 3.000000e+38 : f32
      %broadcast_in_dim3A_554 = vector.broadcast %jit3A_553 : f32 to vector<512x128xf32>
      %select_n3A_555 = arith.select %gt3A_552, %slice3A_550, %broadcast_in_dim3A_554 : vector<512x128xi1>, vector<512x128xf32>
      %min3A_556 = arith.minimumf %min3A_549, %select_n3A_555 : vector<512x128xf32>
      %slice3A_557 = vector.extract_strided_slice %dot_general3A_5 {offsets = [0, 1152], sizes = [512, 128], strides = [1, 1]} : vector<512x4096xf32> to vector<512x128xf32>
      %gt3A_558 = vector.broadcast %broadcast_in_dim3A_491 : vector<512x1xf32> to vector<512x128xf32>
      %gt3A_559 = arith.cmpf ogt, %slice3A_557, %gt3A_558 : vector<512x128xf32>
      %jit3A_560 = arith.constant 3.000000e+38 : f32
      %broadcast_in_dim3A_561 = vector.broadcast %jit3A_560 : f32 to vector<512x128xf32>
      %select_n3A_562 = arith.select %gt3A_559, %slice3A_557, %broadcast_in_dim3A_561 : vector<512x128xi1>, vector<512x128xf32>
      %min3A_563 = arith.minimumf %min3A_556, %select_n3A_562 : vector<512x128xf32>
      %slice3A_564 = vector.extract_strided_slice %dot_general3A_5 {offsets = [0, 1280], sizes = [512, 128], strides = [1, 1]} : vector<512x4096xf32> to vector<512x128xf32>
      %gt3A_565 = vector.broadcast %broadcast_in_dim3A_491 : vector<512x1xf32> to vector<512x128xf32>
      %gt3A_566 = arith.cmpf ogt, %slice3A_564, %gt3A_565 : vector<512x128xf32>
      %jit3A_567 = arith.constant 3.000000e+38 : f32
      %broadcast_in_dim3A_568 = vector.broadcast %jit3A_567 : f32 to vector<512x128xf32>
      %select_n3A_569 = arith.select %gt3A_566, %slice3A_564, %broadcast_in_dim3A_568 : vector<512x128xi1>, vector<512x128xf32>
      %min3A_570 = arith.minimumf %min3A_563, %select_n3A_569 : vector<512x128xf32>
      %slice3A_571 = vector.extract_strided_slice %dot_general3A_5 {offsets = [0, 1408], sizes = [512, 128], strides = [1, 1]} : vector<512x4096xf32> to vector<512x128xf32>
      %gt3A_572 = vector.broadcast %broadcast_in_dim3A_491 : vector<512x1xf32> to vector<512x128xf32>
      %gt3A_573 = arith.cmpf ogt, %slice3A_571, %gt3A_572 : vector<512x128xf32>
      %jit3A_574 = arith.constant 3.000000e+38 : f32
      %broadcast_in_dim3A_575 = vector.broadcast %jit3A_574 : f32 to vector<512x128xf32>
      %select_n3A_576 = arith.select %gt3A_573, %slice3A_571, %broadcast_in_dim3A_575 : vector<512x128xi1>, vector<512x128xf32>
      %min3A_577 = arith.minimumf %min3A_570, %select_n3A_576 : vector<512x128xf32>
      %slice3A_578 = vector.extract_strided_slice %dot_general3A_5 {offsets = [0, 1536], sizes = [512, 128], strides = [1, 1]} : vector<512x4096xf32> to vector<512x128xf32>
      %gt3A_579 = vector.broadcast %broadcast_in_dim3A_491 : vector<512x1xf32> to vector<512x128xf32>
      %gt3A_580 = arith.cmpf ogt, %slice3A_578, %gt3A_579 : vector<512x128xf32>
      %jit3A_581 = arith.constant 3.000000e+38 : f32
      %broadcast_in_dim3A_582 = vector.broadcast %jit3A_581 : f32 to vector<512x128xf32>
      %select_n3A_583 = arith.select %gt3A_580, %slice3A_578, %broadcast_in_dim3A_582 : vector<512x128xi1>, vector<512x128xf32>
      %min3A_584 = arith.minimumf %min3A_577, %select_n3A_583 : vector<512x128xf32>
      %slice3A_585 = vector.extract_strided_slice %dot_general3A_5 {offsets = [0, 1664], sizes = [512, 128], strides = [1, 1]} : vector<512x4096xf32> to vector<512x128xf32>
      %gt3A_586 = vector.broadcast %broadcast_in_dim3A_491 : vector<512x1xf32> to vector<512x128xf32>
      %gt3A_587 = arith.cmpf ogt, %slice3A_585, %gt3A_586 : vector<512x128xf32>
      %jit3A_588 = arith.constant 3.000000e+38 : f32
      %broadcast_in_dim3A_589 = vector.broadcast %jit3A_588 : f32 to vector<512x128xf32>
      %select_n3A_590 = arith.select %gt3A_587, %slice3A_585, %broadcast_in_dim3A_589 : vector<512x128xi1>, vector<512x128xf32>
      %min3A_591 = arith.minimumf %min3A_584, %select_n3A_590 : vector<512x128xf32>
      %slice3A_592 = vector.extract_strided_slice %dot_general3A_5 {offsets = [0, 1792], sizes = [512, 128], strides = [1, 1]} : vector<512x4096xf32> to vector<512x128xf32>
      %gt3A_593 = vector.broadcast %broadcast_in_dim3A_491 : vector<512x1xf32> to vector<512x128xf32>
      %gt3A_594 = arith.cmpf ogt, %slice3A_592, %gt3A_593 : vector<512x128xf32>
      %jit3A_595 = arith.constant 3.000000e+38 : f32
      %broadcast_in_dim3A_596 = vector.broadcast %jit3A_595 : f32 to vector<512x128xf32>
      %select_n3A_597 = arith.select %gt3A_594, %slice3A_592, %broadcast_in_dim3A_596 : vector<512x128xi1>, vector<512x128xf32>
      %min3A_598 = arith.minimumf %min3A_591, %select_n3A_597 : vector<512x128xf32>
      %slice3A_599 = vector.extract_strided_slice %dot_general3A_5 {offsets = [0, 1920], sizes = [512, 128], strides = [1, 1]} : vector<512x4096xf32> to vector<512x128xf32>
      %gt3A_600 = vector.broadcast %broadcast_in_dim3A_491 : vector<512x1xf32> to vector<512x128xf32>
      %gt3A_601 = arith.cmpf ogt, %slice3A_599, %gt3A_600 : vector<512x128xf32>
      %jit3A_602 = arith.constant 3.000000e+38 : f32
      %broadcast_in_dim3A_603 = vector.broadcast %jit3A_602 : f32 to vector<512x128xf32>
      %select_n3A_604 = arith.select %gt3A_601, %slice3A_599, %broadcast_in_dim3A_603 : vector<512x128xi1>, vector<512x128xf32>
      %min3A_605 = arith.minimumf %min3A_598, %select_n3A_604 : vector<512x128xf32>
      %slice3A_606 = vector.extract_strided_slice %dot_general3A_5 {offsets = [0, 2048], sizes = [512, 128], strides = [1, 1]} : vector<512x4096xf32> to vector<512x128xf32>
      %gt3A_607 = vector.broadcast %broadcast_in_dim3A_491 : vector<512x1xf32> to vector<512x128xf32>
      %gt3A_608 = arith.cmpf ogt, %slice3A_606, %gt3A_607 : vector<512x128xf32>
      %jit3A_609 = arith.constant 3.000000e+38 : f32
      %broadcast_in_dim3A_610 = vector.broadcast %jit3A_609 : f32 to vector<512x128xf32>
      %select_n3A_611 = arith.select %gt3A_608, %slice3A_606, %broadcast_in_dim3A_610 : vector<512x128xi1>, vector<512x128xf32>
      %min3A_612 = arith.minimumf %min3A_605, %select_n3A_611 : vector<512x128xf32>
      %slice3A_613 = vector.extract_strided_slice %dot_general3A_5 {offsets = [0, 2176], sizes = [512, 128], strides = [1, 1]} : vector<512x4096xf32> to vector<512x128xf32>
      %gt3A_614 = vector.broadcast %broadcast_in_dim3A_491 : vector<512x1xf32> to vector<512x128xf32>
      %gt3A_615 = arith.cmpf ogt, %slice3A_613, %gt3A_614 : vector<512x128xf32>
      %jit3A_616 = arith.constant 3.000000e+38 : f32
      %broadcast_in_dim3A_617 = vector.broadcast %jit3A_616 : f32 to vector<512x128xf32>
      %select_n3A_618 = arith.select %gt3A_615, %slice3A_613, %broadcast_in_dim3A_617 : vector<512x128xi1>, vector<512x128xf32>
      %min3A_619 = arith.minimumf %min3A_612, %select_n3A_618 : vector<512x128xf32>
      %slice3A_620 = vector.extract_strided_slice %dot_general3A_5 {offsets = [0, 2304], sizes = [512, 128], strides = [1, 1]} : vector<512x4096xf32> to vector<512x128xf32>
      %gt3A_621 = vector.broadcast %broadcast_in_dim3A_491 : vector<512x1xf32> to vector<512x128xf32>
      %gt3A_622 = arith.cmpf ogt, %slice3A_620, %gt3A_621 : vector<512x128xf32>
      %jit3A_623 = arith.constant 3.000000e+38 : f32
      %broadcast_in_dim3A_624 = vector.broadcast %jit3A_623 : f32 to vector<512x128xf32>
      %select_n3A_625 = arith.select %gt3A_622, %slice3A_620, %broadcast_in_dim3A_624 : vector<512x128xi1>, vector<512x128xf32>
      %min3A_626 = arith.minimumf %min3A_619, %select_n3A_625 : vector<512x128xf32>
      %slice3A_627 = vector.extract_strided_slice %dot_general3A_5 {offsets = [0, 2432], sizes = [512, 128], strides = [1, 1]} : vector<512x4096xf32> to vector<512x128xf32>
      %gt3A_628 = vector.broadcast %broadcast_in_dim3A_491 : vector<512x1xf32> to vector<512x128xf32>
      %gt3A_629 = arith.cmpf ogt, %slice3A_627, %gt3A_628 : vector<512x128xf32>
      %jit3A_630 = arith.constant 3.000000e+38 : f32
      %broadcast_in_dim3A_631 = vector.broadcast %jit3A_630 : f32 to vector<512x128xf32>
      %select_n3A_632 = arith.select %gt3A_629, %slice3A_627, %broadcast_in_dim3A_631 : vector<512x128xi1>, vector<512x128xf32>
      %min3A_633 = arith.minimumf %min3A_626, %select_n3A_632 : vector<512x128xf32>
      %slice3A_634 = vector.extract_strided_slice %dot_general3A_5 {offsets = [0, 2560], sizes = [512, 128], strides = [1, 1]} : vector<512x4096xf32> to vector<512x128xf32>
      %gt3A_635 = vector.broadcast %broadcast_in_dim3A_491 : vector<512x1xf32> to vector<512x128xf32>
      %gt3A_636 = arith.cmpf ogt, %slice3A_634, %gt3A_635 : vector<512x128xf32>
      %jit3A_637 = arith.constant 3.000000e+38 : f32
      %broadcast_in_dim3A_638 = vector.broadcast %jit3A_637 : f32 to vector<512x128xf32>
      %select_n3A_639 = arith.select %gt3A_636, %slice3A_634, %broadcast_in_dim3A_638 : vector<512x128xi1>, vector<512x128xf32>
      %min3A_640 = arith.minimumf %min3A_633, %select_n3A_639 : vector<512x128xf32>
      %slice3A_641 = vector.extract_strided_slice %dot_general3A_5 {offsets = [0, 2688], sizes = [512, 128], strides = [1, 1]} : vector<512x4096xf32> to vector<512x128xf32>
      %gt3A_642 = vector.broadcast %broadcast_in_dim3A_491 : vector<512x1xf32> to vector<512x128xf32>
      %gt3A_643 = arith.cmpf ogt, %slice3A_641, %gt3A_642 : vector<512x128xf32>
      %jit3A_644 = arith.constant 3.000000e+38 : f32
      %broadcast_in_dim3A_645 = vector.broadcast %jit3A_644 : f32 to vector<512x128xf32>
      %select_n3A_646 = arith.select %gt3A_643, %slice3A_641, %broadcast_in_dim3A_645 : vector<512x128xi1>, vector<512x128xf32>
      %min3A_647 = arith.minimumf %min3A_640, %select_n3A_646 : vector<512x128xf32>
      %slice3A_648 = vector.extract_strided_slice %dot_general3A_5 {offsets = [0, 2816], sizes = [512, 128], strides = [1, 1]} : vector<512x4096xf32> to vector<512x128xf32>
      %gt3A_649 = vector.broadcast %broadcast_in_dim3A_491 : vector<512x1xf32> to vector<512x128xf32>
      %gt3A_650 = arith.cmpf ogt, %slice3A_648, %gt3A_649 : vector<512x128xf32>
      %jit3A_651 = arith.constant 3.000000e+38 : f32
      %broadcast_in_dim3A_652 = vector.broadcast %jit3A_651 : f32 to vector<512x128xf32>
      %select_n3A_653 = arith.select %gt3A_650, %slice3A_648, %broadcast_in_dim3A_652 : vector<512x128xi1>, vector<512x128xf32>
      %min3A_654 = arith.minimumf %min3A_647, %select_n3A_653 : vector<512x128xf32>
      %slice3A_655 = vector.extract_strided_slice %dot_general3A_5 {offsets = [0, 2944], sizes = [512, 128], strides = [1, 1]} : vector<512x4096xf32> to vector<512x128xf32>
      %gt3A_656 = vector.broadcast %broadcast_in_dim3A_491 : vector<512x1xf32> to vector<512x128xf32>
      %gt3A_657 = arith.cmpf ogt, %slice3A_655, %gt3A_656 : vector<512x128xf32>
      %jit3A_658 = arith.constant 3.000000e+38 : f32
      %broadcast_in_dim3A_659 = vector.broadcast %jit3A_658 : f32 to vector<512x128xf32>
      %select_n3A_660 = arith.select %gt3A_657, %slice3A_655, %broadcast_in_dim3A_659 : vector<512x128xi1>, vector<512x128xf32>
      %min3A_661 = arith.minimumf %min3A_654, %select_n3A_660 : vector<512x128xf32>
      %slice3A_662 = vector.extract_strided_slice %dot_general3A_5 {offsets = [0, 3072], sizes = [512, 128], strides = [1, 1]} : vector<512x4096xf32> to vector<512x128xf32>
      %gt3A_663 = vector.broadcast %broadcast_in_dim3A_491 : vector<512x1xf32> to vector<512x128xf32>
      %gt3A_664 = arith.cmpf ogt, %slice3A_662, %gt3A_663 : vector<512x128xf32>
      %jit3A_665 = arith.constant 3.000000e+38 : f32
      %broadcast_in_dim3A_666 = vector.broadcast %jit3A_665 : f32 to vector<512x128xf32>
      %select_n3A_667 = arith.select %gt3A_664, %slice3A_662, %broadcast_in_dim3A_666 : vector<512x128xi1>, vector<512x128xf32>
      %min3A_668 = arith.minimumf %min3A_661, %select_n3A_667 : vector<512x128xf32>
      %slice3A_669 = vector.extract_strided_slice %dot_general3A_5 {offsets = [0, 3200], sizes = [512, 128], strides = [1, 1]} : vector<512x4096xf32> to vector<512x128xf32>
      %gt3A_670 = vector.broadcast %broadcast_in_dim3A_491 : vector<512x1xf32> to vector<512x128xf32>
      %gt3A_671 = arith.cmpf ogt, %slice3A_669, %gt3A_670 : vector<512x128xf32>
      %jit3A_672 = arith.constant 3.000000e+38 : f32
      %broadcast_in_dim3A_673 = vector.broadcast %jit3A_672 : f32 to vector<512x128xf32>
      %select_n3A_674 = arith.select %gt3A_671, %slice3A_669, %broadcast_in_dim3A_673 : vector<512x128xi1>, vector<512x128xf32>
      %min3A_675 = arith.minimumf %min3A_668, %select_n3A_674 : vector<512x128xf32>
      %slice3A_676 = vector.extract_strided_slice %dot_general3A_5 {offsets = [0, 3328], sizes = [512, 128], strides = [1, 1]} : vector<512x4096xf32> to vector<512x128xf32>
      %gt3A_677 = vector.broadcast %broadcast_in_dim3A_491 : vector<512x1xf32> to vector<512x128xf32>
      %gt3A_678 = arith.cmpf ogt, %slice3A_676, %gt3A_677 : vector<512x128xf32>
      %jit3A_679 = arith.constant 3.000000e+38 : f32
      %broadcast_in_dim3A_680 = vector.broadcast %jit3A_679 : f32 to vector<512x128xf32>
      %select_n3A_681 = arith.select %gt3A_678, %slice3A_676, %broadcast_in_dim3A_680 : vector<512x128xi1>, vector<512x128xf32>
      %min3A_682 = arith.minimumf %min3A_675, %select_n3A_681 : vector<512x128xf32>
      %slice3A_683 = vector.extract_strided_slice %dot_general3A_5 {offsets = [0, 3456], sizes = [512, 128], strides = [1, 1]} : vector<512x4096xf32> to vector<512x128xf32>
      %gt3A_684 = vector.broadcast %broadcast_in_dim3A_491 : vector<512x1xf32> to vector<512x128xf32>
      %gt3A_685 = arith.cmpf ogt, %slice3A_683, %gt3A_684 : vector<512x128xf32>
      %jit3A_686 = arith.constant 3.000000e+38 : f32
      %broadcast_in_dim3A_687 = vector.broadcast %jit3A_686 : f32 to vector<512x128xf32>
      %select_n3A_688 = arith.select %gt3A_685, %slice3A_683, %broadcast_in_dim3A_687 : vector<512x128xi1>, vector<512x128xf32>
      %min3A_689 = arith.minimumf %min3A_682, %select_n3A_688 : vector<512x128xf32>
      %slice3A_690 = vector.extract_strided_slice %dot_general3A_5 {offsets = [0, 3584], sizes = [512, 128], strides = [1, 1]} : vector<512x4096xf32> to vector<512x128xf32>
      %gt3A_691 = vector.broadcast %broadcast_in_dim3A_491 : vector<512x1xf32> to vector<512x128xf32>
      %gt3A_692 = arith.cmpf ogt, %slice3A_690, %gt3A_691 : vector<512x128xf32>
      %jit3A_693 = arith.constant 3.000000e+38 : f32
      %broadcast_in_dim3A_694 = vector.broadcast %jit3A_693 : f32 to vector<512x128xf32>
      %select_n3A_695 = arith.select %gt3A_692, %slice3A_690, %broadcast_in_dim3A_694 : vector<512x128xi1>, vector<512x128xf32>
      %min3A_696 = arith.minimumf %min3A_689, %select_n3A_695 : vector<512x128xf32>
      %slice3A_697 = vector.extract_strided_slice %dot_general3A_5 {offsets = [0, 3712], sizes = [512, 128], strides = [1, 1]} : vector<512x4096xf32> to vector<512x128xf32>
      %gt3A_698 = vector.broadcast %broadcast_in_dim3A_491 : vector<512x1xf32> to vector<512x128xf32>
      %gt3A_699 = arith.cmpf ogt, %slice3A_697, %gt3A_698 : vector<512x128xf32>
      %jit3A_700 = arith.constant 3.000000e+38 : f32
      %broadcast_in_dim3A_701 = vector.broadcast %jit3A_700 : f32 to vector<512x128xf32>
      %select_n3A_702 = arith.select %gt3A_699, %slice3A_697, %broadcast_in_dim3A_701 : vector<512x128xi1>, vector<512x128xf32>
      %min3A_703 = arith.minimumf %min3A_696, %select_n3A_702 : vector<512x128xf32>
      %slice3A_704 = vector.extract_strided_slice %dot_general3A_5 {offsets = [0, 3840], sizes = [512, 128], strides = [1, 1]} : vector<512x4096xf32> to vector<512x128xf32>
      %gt3A_705 = vector.broadcast %broadcast_in_dim3A_491 : vector<512x1xf32> to vector<512x128xf32>
      %gt3A_706 = arith.cmpf ogt, %slice3A_704, %gt3A_705 : vector<512x128xf32>
      %jit3A_707 = arith.constant 3.000000e+38 : f32
      %broadcast_in_dim3A_708 = vector.broadcast %jit3A_707 : f32 to vector<512x128xf32>
      %select_n3A_709 = arith.select %gt3A_706, %slice3A_704, %broadcast_in_dim3A_708 : vector<512x128xi1>, vector<512x128xf32>
      %min3A_710 = arith.minimumf %min3A_703, %select_n3A_709 : vector<512x128xf32>
      %slice3A_711 = vector.extract_strided_slice %dot_general3A_5 {offsets = [0, 3968], sizes = [512, 128], strides = [1, 1]} : vector<512x4096xf32> to vector<512x128xf32>
      %gt3A_712 = vector.broadcast %broadcast_in_dim3A_491 : vector<512x1xf32> to vector<512x128xf32>
      %gt3A_713 = arith.cmpf ogt, %slice3A_711, %gt3A_712 : vector<512x128xf32>
      %jit3A_714 = arith.constant 3.000000e+38 : f32
      %broadcast_in_dim3A_715 = vector.broadcast %jit3A_714 : f32 to vector<512x128xf32>
      %select_n3A_716 = arith.select %gt3A_713, %slice3A_711, %broadcast_in_dim3A_715 : vector<512x128xi1>, vector<512x128xf32>
      %min3A_717 = arith.minimumf %min3A_710, %select_n3A_716 : vector<512x128xf32>
      %reduce_min3A_718 = arith.constant dense<0x7F800000> : vector<512xf32>
      %reduce_min3A_719 = vector.multi_reduction <minimumf>, %min3A_717, %reduce_min3A_718 [1] : vector<512x128xf32> to vector<512xf32>
      %broadcast_in_dim3A_720 = vector.shape_cast %reduce_min3A_719 : vector<512xf32> to vector<512x1xf32>
      %broadcast_in_dim3A_721 = arith.constant 3.000000e+38 : f32
      %broadcast_in_dim3A_722 = vector.broadcast %broadcast_in_dim3A_721 : f32 to vector<512x128xf32>
      %slice3A_723 = vector.extract_strided_slice %dot_general3A_5 {offsets = [0, 0], sizes = [512, 128], strides = [1, 1]} : vector<512x4096xf32> to vector<512x128xf32>
      %gt3A_724 = vector.broadcast %broadcast_in_dim3A_720 : vector<512x1xf32> to vector<512x128xf32>
      %gt3A_725 = arith.cmpf ogt, %slice3A_723, %gt3A_724 : vector<512x128xf32>
      %jit3A_726 = arith.constant 3.000000e+38 : f32
      %broadcast_in_dim3A_727 = vector.broadcast %jit3A_726 : f32 to vector<512x128xf32>
      %select_n3A_728 = arith.select %gt3A_725, %slice3A_723, %broadcast_in_dim3A_727 : vector<512x128xi1>, vector<512x128xf32>
      %min3A_729 = arith.minimumf %broadcast_in_dim3A_722, %select_n3A_728 : vector<512x128xf32>
      %slice3A_730 = vector.extract_strided_slice %dot_general3A_5 {offsets = [0, 128], sizes = [512, 128], strides = [1, 1]} : vector<512x4096xf32> to vector<512x128xf32>
      %gt3A_731 = vector.broadcast %broadcast_in_dim3A_720 : vector<512x1xf32> to vector<512x128xf32>
      %gt3A_732 = arith.cmpf ogt, %slice3A_730, %gt3A_731 : vector<512x128xf32>
      %jit3A_733 = arith.constant 3.000000e+38 : f32
      %broadcast_in_dim3A_734 = vector.broadcast %jit3A_733 : f32 to vector<512x128xf32>
      %select_n3A_735 = arith.select %gt3A_732, %slice3A_730, %broadcast_in_dim3A_734 : vector<512x128xi1>, vector<512x128xf32>
      %min3A_736 = arith.minimumf %min3A_729, %select_n3A_735 : vector<512x128xf32>
      %slice3A_737 = vector.extract_strided_slice %dot_general3A_5 {offsets = [0, 256], sizes = [512, 128], strides = [1, 1]} : vector<512x4096xf32> to vector<512x128xf32>
      %gt3A_738 = vector.broadcast %broadcast_in_dim3A_720 : vector<512x1xf32> to vector<512x128xf32>
      %gt3A_739 = arith.cmpf ogt, %slice3A_737, %gt3A_738 : vector<512x128xf32>
      %jit3A_740 = arith.constant 3.000000e+38 : f32
      %broadcast_in_dim3A_741 = vector.broadcast %jit3A_740 : f32 to vector<512x128xf32>
      %select_n3A_742 = arith.select %gt3A_739, %slice3A_737, %broadcast_in_dim3A_741 : vector<512x128xi1>, vector<512x128xf32>
      %min3A_743 = arith.minimumf %min3A_736, %select_n3A_742 : vector<512x128xf32>
      %slice3A_744 = vector.extract_strided_slice %dot_general3A_5 {offsets = [0, 384], sizes = [512, 128], strides = [1, 1]} : vector<512x4096xf32> to vector<512x128xf32>
      %gt3A_745 = vector.broadcast %broadcast_in_dim3A_720 : vector<512x1xf32> to vector<512x128xf32>
      %gt3A_746 = arith.cmpf ogt, %slice3A_744, %gt3A_745 : vector<512x128xf32>
      %jit3A_747 = arith.constant 3.000000e+38 : f32
      %broadcast_in_dim3A_748 = vector.broadcast %jit3A_747 : f32 to vector<512x128xf32>
      %select_n3A_749 = arith.select %gt3A_746, %slice3A_744, %broadcast_in_dim3A_748 : vector<512x128xi1>, vector<512x128xf32>
      %min3A_750 = arith.minimumf %min3A_743, %select_n3A_749 : vector<512x128xf32>
      %slice3A_751 = vector.extract_strided_slice %dot_general3A_5 {offsets = [0, 512], sizes = [512, 128], strides = [1, 1]} : vector<512x4096xf32> to vector<512x128xf32>
      %gt3A_752 = vector.broadcast %broadcast_in_dim3A_720 : vector<512x1xf32> to vector<512x128xf32>
      %gt3A_753 = arith.cmpf ogt, %slice3A_751, %gt3A_752 : vector<512x128xf32>
      %jit3A_754 = arith.constant 3.000000e+38 : f32
      %broadcast_in_dim3A_755 = vector.broadcast %jit3A_754 : f32 to vector<512x128xf32>
      %select_n3A_756 = arith.select %gt3A_753, %slice3A_751, %broadcast_in_dim3A_755 : vector<512x128xi1>, vector<512x128xf32>
      %min3A_757 = arith.minimumf %min3A_750, %select_n3A_756 : vector<512x128xf32>
      %slice3A_758 = vector.extract_strided_slice %dot_general3A_5 {offsets = [0, 640], sizes = [512, 128], strides = [1, 1]} : vector<512x4096xf32> to vector<512x128xf32>
      %gt3A_759 = vector.broadcast %broadcast_in_dim3A_720 : vector<512x1xf32> to vector<512x128xf32>
      %gt3A_760 = arith.cmpf ogt, %slice3A_758, %gt3A_759 : vector<512x128xf32>
      %jit3A_761 = arith.constant 3.000000e+38 : f32
      %broadcast_in_dim3A_762 = vector.broadcast %jit3A_761 : f32 to vector<512x128xf32>
      %select_n3A_763 = arith.select %gt3A_760, %slice3A_758, %broadcast_in_dim3A_762 : vector<512x128xi1>, vector<512x128xf32>
      %min3A_764 = arith.minimumf %min3A_757, %select_n3A_763 : vector<512x128xf32>
      %slice3A_765 = vector.extract_strided_slice %dot_general3A_5 {offsets = [0, 768], sizes = [512, 128], strides = [1, 1]} : vector<512x4096xf32> to vector<512x128xf32>
      %gt3A_766 = vector.broadcast %broadcast_in_dim3A_720 : vector<512x1xf32> to vector<512x128xf32>
      %gt3A_767 = arith.cmpf ogt, %slice3A_765, %gt3A_766 : vector<512x128xf32>
      %jit3A_768 = arith.constant 3.000000e+38 : f32
      %broadcast_in_dim3A_769 = vector.broadcast %jit3A_768 : f32 to vector<512x128xf32>
      %select_n3A_770 = arith.select %gt3A_767, %slice3A_765, %broadcast_in_dim3A_769 : vector<512x128xi1>, vector<512x128xf32>
      %min3A_771 = arith.minimumf %min3A_764, %select_n3A_770 : vector<512x128xf32>
      %slice3A_772 = vector.extract_strided_slice %dot_general3A_5 {offsets = [0, 896], sizes = [512, 128], strides = [1, 1]} : vector<512x4096xf32> to vector<512x128xf32>
      %gt3A_773 = vector.broadcast %broadcast_in_dim3A_720 : vector<512x1xf32> to vector<512x128xf32>
      %gt3A_774 = arith.cmpf ogt, %slice3A_772, %gt3A_773 : vector<512x128xf32>
      %jit3A_775 = arith.constant 3.000000e+38 : f32
      %broadcast_in_dim3A_776 = vector.broadcast %jit3A_775 : f32 to vector<512x128xf32>
      %select_n3A_777 = arith.select %gt3A_774, %slice3A_772, %broadcast_in_dim3A_776 : vector<512x128xi1>, vector<512x128xf32>
      %min3A_778 = arith.minimumf %min3A_771, %select_n3A_777 : vector<512x128xf32>
      %slice3A_779 = vector.extract_strided_slice %dot_general3A_5 {offsets = [0, 1024], sizes = [512, 128], strides = [1, 1]} : vector<512x4096xf32> to vector<512x128xf32>
      %gt3A_780 = vector.broadcast %broadcast_in_dim3A_720 : vector<512x1xf32> to vector<512x128xf32>
      %gt3A_781 = arith.cmpf ogt, %slice3A_779, %gt3A_780 : vector<512x128xf32>
      %jit3A_782 = arith.constant 3.000000e+38 : f32
      %broadcast_in_dim3A_783 = vector.broadcast %jit3A_782 : f32 to vector<512x128xf32>
      %select_n3A_784 = arith.select %gt3A_781, %slice3A_779, %broadcast_in_dim3A_783 : vector<512x128xi1>, vector<512x128xf32>
      %min3A_785 = arith.minimumf %min3A_778, %select_n3A_784 : vector<512x128xf32>
      %slice3A_786 = vector.extract_strided_slice %dot_general3A_5 {offsets = [0, 1152], sizes = [512, 128], strides = [1, 1]} : vector<512x4096xf32> to vector<512x128xf32>
      %gt3A_787 = vector.broadcast %broadcast_in_dim3A_720 : vector<512x1xf32> to vector<512x128xf32>
      %gt3A_788 = arith.cmpf ogt, %slice3A_786, %gt3A_787 : vector<512x128xf32>
      %jit3A_789 = arith.constant 3.000000e+38 : f32
      %broadcast_in_dim3A_790 = vector.broadcast %jit3A_789 : f32 to vector<512x128xf32>
      %select_n3A_791 = arith.select %gt3A_788, %slice3A_786, %broadcast_in_dim3A_790 : vector<512x128xi1>, vector<512x128xf32>
      %min3A_792 = arith.minimumf %min3A_785, %select_n3A_791 : vector<512x128xf32>
      %slice3A_793 = vector.extract_strided_slice %dot_general3A_5 {offsets = [0, 1280], sizes = [512, 128], strides = [1, 1]} : vector<512x4096xf32> to vector<512x128xf32>
      %gt3A_794 = vector.broadcast %broadcast_in_dim3A_720 : vector<512x1xf32> to vector<512x128xf32>
      %gt3A_795 = arith.cmpf ogt, %slice3A_793, %gt3A_794 : vector<512x128xf32>
      %jit3A_796 = arith.constant 3.000000e+38 : f32
      %broadcast_in_dim3A_797 = vector.broadcast %jit3A_796 : f32 to vector<512x128xf32>
      %select_n3A_798 = arith.select %gt3A_795, %slice3A_793, %broadcast_in_dim3A_797 : vector<512x128xi1>, vector<512x128xf32>
      %min3A_799 = arith.minimumf %min3A_792, %select_n3A_798 : vector<512x128xf32>
      %slice3A_800 = vector.extract_strided_slice %dot_general3A_5 {offsets = [0, 1408], sizes = [512, 128], strides = [1, 1]} : vector<512x4096xf32> to vector<512x128xf32>
      %gt3A_801 = vector.broadcast %broadcast_in_dim3A_720 : vector<512x1xf32> to vector<512x128xf32>
      %gt3A_802 = arith.cmpf ogt, %slice3A_800, %gt3A_801 : vector<512x128xf32>
      %jit3A_803 = arith.constant 3.000000e+38 : f32
      %broadcast_in_dim3A_804 = vector.broadcast %jit3A_803 : f32 to vector<512x128xf32>
      %select_n3A_805 = arith.select %gt3A_802, %slice3A_800, %broadcast_in_dim3A_804 : vector<512x128xi1>, vector<512x128xf32>
      %min3A_806 = arith.minimumf %min3A_799, %select_n3A_805 : vector<512x128xf32>
      %slice3A_807 = vector.extract_strided_slice %dot_general3A_5 {offsets = [0, 1536], sizes = [512, 128], strides = [1, 1]} : vector<512x4096xf32> to vector<512x128xf32>
      %gt3A_808 = vector.broadcast %broadcast_in_dim3A_720 : vector<512x1xf32> to vector<512x128xf32>
      %gt3A_809 = arith.cmpf ogt, %slice3A_807, %gt3A_808 : vector<512x128xf32>
      %jit3A_810 = arith.constant 3.000000e+38 : f32
      %broadcast_in_dim3A_811 = vector.broadcast %jit3A_810 : f32 to vector<512x128xf32>
      %select_n3A_812 = arith.select %gt3A_809, %slice3A_807, %broadcast_in_dim3A_811 : vector<512x128xi1>, vector<512x128xf32>
      %min3A_813 = arith.minimumf %min3A_806, %select_n3A_812 : vector<512x128xf32>
      %slice3A_814 = vector.extract_strided_slice %dot_general3A_5 {offsets = [0, 1664], sizes = [512, 128], strides = [1, 1]} : vector<512x4096xf32> to vector<512x128xf32>
      %gt3A_815 = vector.broadcast %broadcast_in_dim3A_720 : vector<512x1xf32> to vector<512x128xf32>
      %gt3A_816 = arith.cmpf ogt, %slice3A_814, %gt3A_815 : vector<512x128xf32>
      %jit3A_817 = arith.constant 3.000000e+38 : f32
      %broadcast_in_dim3A_818 = vector.broadcast %jit3A_817 : f32 to vector<512x128xf32>
      %select_n3A_819 = arith.select %gt3A_816, %slice3A_814, %broadcast_in_dim3A_818 : vector<512x128xi1>, vector<512x128xf32>
      %min3A_820 = arith.minimumf %min3A_813, %select_n3A_819 : vector<512x128xf32>
      %slice3A_821 = vector.extract_strided_slice %dot_general3A_5 {offsets = [0, 1792], sizes = [512, 128], strides = [1, 1]} : vector<512x4096xf32> to vector<512x128xf32>
      %gt3A_822 = vector.broadcast %broadcast_in_dim3A_720 : vector<512x1xf32> to vector<512x128xf32>
      %gt3A_823 = arith.cmpf ogt, %slice3A_821, %gt3A_822 : vector<512x128xf32>
      %jit3A_824 = arith.constant 3.000000e+38 : f32
      %broadcast_in_dim3A_825 = vector.broadcast %jit3A_824 : f32 to vector<512x128xf32>
      %select_n3A_826 = arith.select %gt3A_823, %slice3A_821, %broadcast_in_dim3A_825 : vector<512x128xi1>, vector<512x128xf32>
      %min3A_827 = arith.minimumf %min3A_820, %select_n3A_826 : vector<512x128xf32>
      %slice3A_828 = vector.extract_strided_slice %dot_general3A_5 {offsets = [0, 1920], sizes = [512, 128], strides = [1, 1]} : vector<512x4096xf32> to vector<512x128xf32>
      %gt3A_829 = vector.broadcast %broadcast_in_dim3A_720 : vector<512x1xf32> to vector<512x128xf32>
      %gt3A_830 = arith.cmpf ogt, %slice3A_828, %gt3A_829 : vector<512x128xf32>
      %jit3A_831 = arith.constant 3.000000e+38 : f32
      %broadcast_in_dim3A_832 = vector.broadcast %jit3A_831 : f32 to vector<512x128xf32>
      %select_n3A_833 = arith.select %gt3A_830, %slice3A_828, %broadcast_in_dim3A_832 : vector<512x128xi1>, vector<512x128xf32>
      %min3A_834 = arith.minimumf %min3A_827, %select_n3A_833 : vector<512x128xf32>
      %slice3A_835 = vector.extract_strided_slice %dot_general3A_5 {offsets = [0, 2048], sizes = [512, 128], strides = [1, 1]} : vector<512x4096xf32> to vector<512x128xf32>
      %gt3A_836 = vector.broadcast %broadcast_in_dim3A_720 : vector<512x1xf32> to vector<512x128xf32>
      %gt3A_837 = arith.cmpf ogt, %slice3A_835, %gt3A_836 : vector<512x128xf32>
      %jit3A_838 = arith.constant 3.000000e+38 : f32
      %broadcast_in_dim3A_839 = vector.broadcast %jit3A_838 : f32 to vector<512x128xf32>
      %select_n3A_840 = arith.select %gt3A_837, %slice3A_835, %broadcast_in_dim3A_839 : vector<512x128xi1>, vector<512x128xf32>
      %min3A_841 = arith.minimumf %min3A_834, %select_n3A_840 : vector<512x128xf32>
      %slice3A_842 = vector.extract_strided_slice %dot_general3A_5 {offsets = [0, 2176], sizes = [512, 128], strides = [1, 1]} : vector<512x4096xf32> to vector<512x128xf32>
      %gt3A_843 = vector.broadcast %broadcast_in_dim3A_720 : vector<512x1xf32> to vector<512x128xf32>
      %gt3A_844 = arith.cmpf ogt, %slice3A_842, %gt3A_843 : vector<512x128xf32>
      %jit3A_845 = arith.constant 3.000000e+38 : f32
      %broadcast_in_dim3A_846 = vector.broadcast %jit3A_845 : f32 to vector<512x128xf32>
      %select_n3A_847 = arith.select %gt3A_844, %slice3A_842, %broadcast_in_dim3A_846 : vector<512x128xi1>, vector<512x128xf32>
      %min3A_848 = arith.minimumf %min3A_841, %select_n3A_847 : vector<512x128xf32>
      %slice3A_849 = vector.extract_strided_slice %dot_general3A_5 {offsets = [0, 2304], sizes = [512, 128], strides = [1, 1]} : vector<512x4096xf32> to vector<512x128xf32>
      %gt3A_850 = vector.broadcast %broadcast_in_dim3A_720 : vector<512x1xf32> to vector<512x128xf32>
      %gt3A_851 = arith.cmpf ogt, %slice3A_849, %gt3A_850 : vector<512x128xf32>
      %jit3A_852 = arith.constant 3.000000e+38 : f32
      %broadcast_in_dim3A_853 = vector.broadcast %jit3A_852 : f32 to vector<512x128xf32>
      %select_n3A_854 = arith.select %gt3A_851, %slice3A_849, %broadcast_in_dim3A_853 : vector<512x128xi1>, vector<512x128xf32>
      %min3A_855 = arith.minimumf %min3A_848, %select_n3A_854 : vector<512x128xf32>
      %slice3A_856 = vector.extract_strided_slice %dot_general3A_5 {offsets = [0, 2432], sizes = [512, 128], strides = [1, 1]} : vector<512x4096xf32> to vector<512x128xf32>
      %gt3A_857 = vector.broadcast %broadcast_in_dim3A_720 : vector<512x1xf32> to vector<512x128xf32>
      %gt3A_858 = arith.cmpf ogt, %slice3A_856, %gt3A_857 : vector<512x128xf32>
      %jit3A_859 = arith.constant 3.000000e+38 : f32
      %broadcast_in_dim3A_860 = vector.broadcast %jit3A_859 : f32 to vector<512x128xf32>
      %select_n3A_861 = arith.select %gt3A_858, %slice3A_856, %broadcast_in_dim3A_860 : vector<512x128xi1>, vector<512x128xf32>
      %min3A_862 = arith.minimumf %min3A_855, %select_n3A_861 : vector<512x128xf32>
      %slice3A_863 = vector.extract_strided_slice %dot_general3A_5 {offsets = [0, 2560], sizes = [512, 128], strides = [1, 1]} : vector<512x4096xf32> to vector<512x128xf32>
      %gt3A_864 = vector.broadcast %broadcast_in_dim3A_720 : vector<512x1xf32> to vector<512x128xf32>
      %gt3A_865 = arith.cmpf ogt, %slice3A_863, %gt3A_864 : vector<512x128xf32>
      %jit3A_866 = arith.constant 3.000000e+38 : f32
      %broadcast_in_dim3A_867 = vector.broadcast %jit3A_866 : f32 to vector<512x128xf32>
      %select_n3A_868 = arith.select %gt3A_865, %slice3A_863, %broadcast_in_dim3A_867 : vector<512x128xi1>, vector<512x128xf32>
      %min3A_869 = arith.minimumf %min3A_862, %select_n3A_868 : vector<512x128xf32>
      %slice3A_870 = vector.extract_strided_slice %dot_general3A_5 {offsets = [0, 2688], sizes = [512, 128], strides = [1, 1]} : vector<512x4096xf32> to vector<512x128xf32>
      %gt3A_871 = vector.broadcast %broadcast_in_dim3A_720 : vector<512x1xf32> to vector<512x128xf32>
      %gt3A_872 = arith.cmpf ogt, %slice3A_870, %gt3A_871 : vector<512x128xf32>
      %jit3A_873 = arith.constant 3.000000e+38 : f32
      %broadcast_in_dim3A_874 = vector.broadcast %jit3A_873 : f32 to vector<512x128xf32>
      %select_n3A_875 = arith.select %gt3A_872, %slice3A_870, %broadcast_in_dim3A_874 : vector<512x128xi1>, vector<512x128xf32>
      %min3A_876 = arith.minimumf %min3A_869, %select_n3A_875 : vector<512x128xf32>
      %slice3A_877 = vector.extract_strided_slice %dot_general3A_5 {offsets = [0, 2816], sizes = [512, 128], strides = [1, 1]} : vector<512x4096xf32> to vector<512x128xf32>
      %gt3A_878 = vector.broadcast %broadcast_in_dim3A_720 : vector<512x1xf32> to vector<512x128xf32>
      %gt3A_879 = arith.cmpf ogt, %slice3A_877, %gt3A_878 : vector<512x128xf32>
      %jit3A_880 = arith.constant 3.000000e+38 : f32
      %broadcast_in_dim3A_881 = vector.broadcast %jit3A_880 : f32 to vector<512x128xf32>
      %select_n3A_882 = arith.select %gt3A_879, %slice3A_877, %broadcast_in_dim3A_881 : vector<512x128xi1>, vector<512x128xf32>
      %min3A_883 = arith.minimumf %min3A_876, %select_n3A_882 : vector<512x128xf32>
      %slice3A_884 = vector.extract_strided_slice %dot_general3A_5 {offsets = [0, 2944], sizes = [512, 128], strides = [1, 1]} : vector<512x4096xf32> to vector<512x128xf32>
      %gt3A_885 = vector.broadcast %broadcast_in_dim3A_720 : vector<512x1xf32> to vector<512x128xf32>
      %gt3A_886 = arith.cmpf ogt, %slice3A_884, %gt3A_885 : vector<512x128xf32>
      %jit3A_887 = arith.constant 3.000000e+38 : f32
      %broadcast_in_dim3A_888 = vector.broadcast %jit3A_887 : f32 to vector<512x128xf32>
      %select_n3A_889 = arith.select %gt3A_886, %slice3A_884, %broadcast_in_dim3A_888 : vector<512x128xi1>, vector<512x128xf32>
      %min3A_890 = arith.minimumf %min3A_883, %select_n3A_889 : vector<512x128xf32>
      %slice3A_891 = vector.extract_strided_slice %dot_general3A_5 {offsets = [0, 3072], sizes = [512, 128], strides = [1, 1]} : vector<512x4096xf32> to vector<512x128xf32>
      %gt3A_892 = vector.broadcast %broadcast_in_dim3A_720 : vector<512x1xf32> to vector<512x128xf32>
      %gt3A_893 = arith.cmpf ogt, %slice3A_891, %gt3A_892 : vector<512x128xf32>
      %jit3A_894 = arith.constant 3.000000e+38 : f32
      %broadcast_in_dim3A_895 = vector.broadcast %jit3A_894 : f32 to vector<512x128xf32>
      %select_n3A_896 = arith.select %gt3A_893, %slice3A_891, %broadcast_in_dim3A_895 : vector<512x128xi1>, vector<512x128xf32>
      %min3A_897 = arith.minimumf %min3A_890, %select_n3A_896 : vector<512x128xf32>
      %slice3A_898 = vector.extract_strided_slice %dot_general3A_5 {offsets = [0, 3200], sizes = [512, 128], strides = [1, 1]} : vector<512x4096xf32> to vector<512x128xf32>
      %gt3A_899 = vector.broadcast %broadcast_in_dim3A_720 : vector<512x1xf32> to vector<512x128xf32>
      %gt3A_900 = arith.cmpf ogt, %slice3A_898, %gt3A_899 : vector<512x128xf32>
      %jit3A_901 = arith.constant 3.000000e+38 : f32
      %broadcast_in_dim3A_902 = vector.broadcast %jit3A_901 : f32 to vector<512x128xf32>
      %select_n3A_903 = arith.select %gt3A_900, %slice3A_898, %broadcast_in_dim3A_902 : vector<512x128xi1>, vector<512x128xf32>
      %min3A_904 = arith.minimumf %min3A_897, %select_n3A_903 : vector<512x128xf32>
      %slice3A_905 = vector.extract_strided_slice %dot_general3A_5 {offsets = [0, 3328], sizes = [512, 128], strides = [1, 1]} : vector<512x4096xf32> to vector<512x128xf32>
      %gt3A_906 = vector.broadcast %broadcast_in_dim3A_720 : vector<512x1xf32> to vector<512x128xf32>
      %gt3A_907 = arith.cmpf ogt, %slice3A_905, %gt3A_906 : vector<512x128xf32>
      %jit3A_908 = arith.constant 3.000000e+38 : f32
      %broadcast_in_dim3A_909 = vector.broadcast %jit3A_908 : f32 to vector<512x128xf32>
      %select_n3A_910 = arith.select %gt3A_907, %slice3A_905, %broadcast_in_dim3A_909 : vector<512x128xi1>, vector<512x128xf32>
      %min3A_911 = arith.minimumf %min3A_904, %select_n3A_910 : vector<512x128xf32>
      %slice3A_912 = vector.extract_strided_slice %dot_general3A_5 {offsets = [0, 3456], sizes = [512, 128], strides = [1, 1]} : vector<512x4096xf32> to vector<512x128xf32>
      %gt3A_913 = vector.broadcast %broadcast_in_dim3A_720 : vector<512x1xf32> to vector<512x128xf32>
      %gt3A_914 = arith.cmpf ogt, %slice3A_912, %gt3A_913 : vector<512x128xf32>
      %jit3A_915 = arith.constant 3.000000e+38 : f32
      %broadcast_in_dim3A_916 = vector.broadcast %jit3A_915 : f32 to vector<512x128xf32>
      %select_n3A_917 = arith.select %gt3A_914, %slice3A_912, %broadcast_in_dim3A_916 : vector<512x128xi1>, vector<512x128xf32>
      %min3A_918 = arith.minimumf %min3A_911, %select_n3A_917 : vector<512x128xf32>
      %slice3A_919 = vector.extract_strided_slice %dot_general3A_5 {offsets = [0, 3584], sizes = [512, 128], strides = [1, 1]} : vector<512x4096xf32> to vector<512x128xf32>
      %gt3A_920 = vector.broadcast %broadcast_in_dim3A_720 : vector<512x1xf32> to vector<512x128xf32>
      %gt3A_921 = arith.cmpf ogt, %slice3A_919, %gt3A_920 : vector<512x128xf32>
      %jit3A_922 = arith.constant 3.000000e+38 : f32
      %broadcast_in_dim3A_923 = vector.broadcast %jit3A_922 : f32 to vector<512x128xf32>
      %select_n3A_924 = arith.select %gt3A_921, %slice3A_919, %broadcast_in_dim3A_923 : vector<512x128xi1>, vector<512x128xf32>
      %min3A_925 = arith.minimumf %min3A_918, %select_n3A_924 : vector<512x128xf32>
      %slice3A_926 = vector.extract_strided_slice %dot_general3A_5 {offsets = [0, 3712], sizes = [512, 128], strides = [1, 1]} : vector<512x4096xf32> to vector<512x128xf32>
      %gt3A_927 = vector.broadcast %broadcast_in_dim3A_720 : vector<512x1xf32> to vector<512x128xf32>
      %gt3A_928 = arith.cmpf ogt, %slice3A_926, %gt3A_927 : vector<512x128xf32>
      %jit3A_929 = arith.constant 3.000000e+38 : f32
      %broadcast_in_dim3A_930 = vector.broadcast %jit3A_929 : f32 to vector<512x128xf32>
      %select_n3A_931 = arith.select %gt3A_928, %slice3A_926, %broadcast_in_dim3A_930 : vector<512x128xi1>, vector<512x128xf32>
      %min3A_932 = arith.minimumf %min3A_925, %select_n3A_931 : vector<512x128xf32>
      %slice3A_933 = vector.extract_strided_slice %dot_general3A_5 {offsets = [0, 3840], sizes = [512, 128], strides = [1, 1]} : vector<512x4096xf32> to vector<512x128xf32>
      %gt3A_934 = vector.broadcast %broadcast_in_dim3A_720 : vector<512x1xf32> to vector<512x128xf32>
      %gt3A_935 = arith.cmpf ogt, %slice3A_933, %gt3A_934 : vector<512x128xf32>
      %jit3A_936 = arith.constant 3.000000e+38 : f32
      %broadcast_in_dim3A_937 = vector.broadcast %jit3A_936 : f32 to vector<512x128xf32>
      %select_n3A_938 = arith.select %gt3A_935, %slice3A_933, %broadcast_in_dim3A_937 : vector<512x128xi1>, vector<512x128xf32>
      %min3A_939 = arith.minimumf %min3A_932, %select_n3A_938 : vector<512x128xf32>
      %slice3A_940 = vector.extract_strided_slice %dot_general3A_5 {offsets = [0, 3968], sizes = [512, 128], strides = [1, 1]} : vector<512x4096xf32> to vector<512x128xf32>
      %gt3A_941 = vector.broadcast %broadcast_in_dim3A_720 : vector<512x1xf32> to vector<512x128xf32>
      %gt3A_942 = arith.cmpf ogt, %slice3A_940, %gt3A_941 : vector<512x128xf32>
      %jit3A_943 = arith.constant 3.000000e+38 : f32
      %broadcast_in_dim3A_944 = vector.broadcast %jit3A_943 : f32 to vector<512x128xf32>
      %select_n3A_945 = arith.select %gt3A_942, %slice3A_940, %broadcast_in_dim3A_944 : vector<512x128xi1>, vector<512x128xf32>
      %min3A_946 = arith.minimumf %min3A_939, %select_n3A_945 : vector<512x128xf32>
      %reduce_min3A_947 = arith.constant dense<0x7F800000> : vector<512xf32>
      %reduce_min3A_948 = vector.multi_reduction <minimumf>, %min3A_946, %reduce_min3A_947 [1] : vector<512x128xf32> to vector<512xf32>
      %broadcast_in_dim3A_949 = vector.shape_cast %reduce_min3A_948 : vector<512xf32> to vector<512x1xf32>
      %broadcast_in_dim3A_950 = arith.constant 3.000000e+38 : f32
      %broadcast_in_dim3A_951 = vector.broadcast %broadcast_in_dim3A_950 : f32 to vector<512x128xf32>
      %slice3A_952 = vector.extract_strided_slice %dot_general3A_5 {offsets = [0, 0], sizes = [512, 128], strides = [1, 1]} : vector<512x4096xf32> to vector<512x128xf32>
      %gt3A_953 = vector.broadcast %broadcast_in_dim3A_949 : vector<512x1xf32> to vector<512x128xf32>
      %gt3A_954 = arith.cmpf ogt, %slice3A_952, %gt3A_953 : vector<512x128xf32>
      %jit3A_955 = arith.constant 3.000000e+38 : f32
      %broadcast_in_dim3A_956 = vector.broadcast %jit3A_955 : f32 to vector<512x128xf32>
      %select_n3A_957 = arith.select %gt3A_954, %slice3A_952, %broadcast_in_dim3A_956 : vector<512x128xi1>, vector<512x128xf32>
      %min3A_958 = arith.minimumf %broadcast_in_dim3A_951, %select_n3A_957 : vector<512x128xf32>
      %slice3A_959 = vector.extract_strided_slice %dot_general3A_5 {offsets = [0, 128], sizes = [512, 128], strides = [1, 1]} : vector<512x4096xf32> to vector<512x128xf32>
      %gt3A_960 = vector.broadcast %broadcast_in_dim3A_949 : vector<512x1xf32> to vector<512x128xf32>
      %gt3A_961 = arith.cmpf ogt, %slice3A_959, %gt3A_960 : vector<512x128xf32>
      %jit3A_962 = arith.constant 3.000000e+38 : f32
      %broadcast_in_dim3A_963 = vector.broadcast %jit3A_962 : f32 to vector<512x128xf32>
      %select_n3A_964 = arith.select %gt3A_961, %slice3A_959, %broadcast_in_dim3A_963 : vector<512x128xi1>, vector<512x128xf32>
      %min3A_965 = arith.minimumf %min3A_958, %select_n3A_964 : vector<512x128xf32>
      %slice3A_966 = vector.extract_strided_slice %dot_general3A_5 {offsets = [0, 256], sizes = [512, 128], strides = [1, 1]} : vector<512x4096xf32> to vector<512x128xf32>
      %gt3A_967 = vector.broadcast %broadcast_in_dim3A_949 : vector<512x1xf32> to vector<512x128xf32>
      %gt3A_968 = arith.cmpf ogt, %slice3A_966, %gt3A_967 : vector<512x128xf32>
      %jit3A_969 = arith.constant 3.000000e+38 : f32
      %broadcast_in_dim3A_970 = vector.broadcast %jit3A_969 : f32 to vector<512x128xf32>
      %select_n3A_971 = arith.select %gt3A_968, %slice3A_966, %broadcast_in_dim3A_970 : vector<512x128xi1>, vector<512x128xf32>
      %min3A_972 = arith.minimumf %min3A_965, %select_n3A_971 : vector<512x128xf32>
      %slice3A_973 = vector.extract_strided_slice %dot_general3A_5 {offsets = [0, 384], sizes = [512, 128], strides = [1, 1]} : vector<512x4096xf32> to vector<512x128xf32>
      %gt3A_974 = vector.broadcast %broadcast_in_dim3A_949 : vector<512x1xf32> to vector<512x128xf32>
      %gt3A_975 = arith.cmpf ogt, %slice3A_973, %gt3A_974 : vector<512x128xf32>
      %jit3A_976 = arith.constant 3.000000e+38 : f32
      %broadcast_in_dim3A_977 = vector.broadcast %jit3A_976 : f32 to vector<512x128xf32>
      %select_n3A_978 = arith.select %gt3A_975, %slice3A_973, %broadcast_in_dim3A_977 : vector<512x128xi1>, vector<512x128xf32>
      %min3A_979 = arith.minimumf %min3A_972, %select_n3A_978 : vector<512x128xf32>
      %slice3A_980 = vector.extract_strided_slice %dot_general3A_5 {offsets = [0, 512], sizes = [512, 128], strides = [1, 1]} : vector<512x4096xf32> to vector<512x128xf32>
      %gt3A_981 = vector.broadcast %broadcast_in_dim3A_949 : vector<512x1xf32> to vector<512x128xf32>
      %gt3A_982 = arith.cmpf ogt, %slice3A_980, %gt3A_981 : vector<512x128xf32>
      %jit3A_983 = arith.constant 3.000000e+38 : f32
      %broadcast_in_dim3A_984 = vector.broadcast %jit3A_983 : f32 to vector<512x128xf32>
      %select_n3A_985 = arith.select %gt3A_982, %slice3A_980, %broadcast_in_dim3A_984 : vector<512x128xi1>, vector<512x128xf32>
      %min3A_986 = arith.minimumf %min3A_979, %select_n3A_985 : vector<512x128xf32>
      %slice3A_987 = vector.extract_strided_slice %dot_general3A_5 {offsets = [0, 640], sizes = [512, 128], strides = [1, 1]} : vector<512x4096xf32> to vector<512x128xf32>
      %gt3A_988 = vector.broadcast %broadcast_in_dim3A_949 : vector<512x1xf32> to vector<512x128xf32>
      %gt3A_989 = arith.cmpf ogt, %slice3A_987, %gt3A_988 : vector<512x128xf32>
      %jit3A_990 = arith.constant 3.000000e+38 : f32
      %broadcast_in_dim3A_991 = vector.broadcast %jit3A_990 : f32 to vector<512x128xf32>
      %select_n3A_992 = arith.select %gt3A_989, %slice3A_987, %broadcast_in_dim3A_991 : vector<512x128xi1>, vector<512x128xf32>
      %min3A_993 = arith.minimumf %min3A_986, %select_n3A_992 : vector<512x128xf32>
      %slice3A_994 = vector.extract_strided_slice %dot_general3A_5 {offsets = [0, 768], sizes = [512, 128], strides = [1, 1]} : vector<512x4096xf32> to vector<512x128xf32>
      %gt3A_995 = vector.broadcast %broadcast_in_dim3A_949 : vector<512x1xf32> to vector<512x128xf32>
      %gt3A_996 = arith.cmpf ogt, %slice3A_994, %gt3A_995 : vector<512x128xf32>
      %jit3A_997 = arith.constant 3.000000e+38 : f32
      %broadcast_in_dim3A_998 = vector.broadcast %jit3A_997 : f32 to vector<512x128xf32>
      %select_n3A_999 = arith.select %gt3A_996, %slice3A_994, %broadcast_in_dim3A_998 : vector<512x128xi1>, vector<512x128xf32>
      %min3A_1000 = arith.minimumf %min3A_993, %select_n3A_999 : vector<512x128xf32>
      %slice3A_1001 = vector.extract_strided_slice %dot_general3A_5 {offsets = [0, 896], sizes = [512, 128], strides = [1, 1]} : vector<512x4096xf32> to vector<512x128xf32>
      %gt3A_1002 = vector.broadcast %broadcast_in_dim3A_949 : vector<512x1xf32> to vector<512x128xf32>
      %gt3A_1003 = arith.cmpf ogt, %slice3A_1001, %gt3A_1002 : vector<512x128xf32>
      %jit3A_1004 = arith.constant 3.000000e+38 : f32
      %broadcast_in_dim3A_1005 = vector.broadcast %jit3A_1004 : f32 to vector<512x128xf32>
      %select_n3A_1006 = arith.select %gt3A_1003, %slice3A_1001, %broadcast_in_dim3A_1005 : vector<512x128xi1>, vector<512x128xf32>
      %min3A_1007 = arith.minimumf %min3A_1000, %select_n3A_1006 : vector<512x128xf32>
      %slice3A_1008 = vector.extract_strided_slice %dot_general3A_5 {offsets = [0, 1024], sizes = [512, 128], strides = [1, 1]} : vector<512x4096xf32> to vector<512x128xf32>
      %gt3A_1009 = vector.broadcast %broadcast_in_dim3A_949 : vector<512x1xf32> to vector<512x128xf32>
      %gt3A_1010 = arith.cmpf ogt, %slice3A_1008, %gt3A_1009 : vector<512x128xf32>
      %jit3A_1011 = arith.constant 3.000000e+38 : f32
      %broadcast_in_dim3A_1012 = vector.broadcast %jit3A_1011 : f32 to vector<512x128xf32>
      %select_n3A_1013 = arith.select %gt3A_1010, %slice3A_1008, %broadcast_in_dim3A_1012 : vector<512x128xi1>, vector<512x128xf32>
      %min3A_1014 = arith.minimumf %min3A_1007, %select_n3A_1013 : vector<512x128xf32>
      %slice3A_1015 = vector.extract_strided_slice %dot_general3A_5 {offsets = [0, 1152], sizes = [512, 128], strides = [1, 1]} : vector<512x4096xf32> to vector<512x128xf32>
      %gt3A_1016 = vector.broadcast %broadcast_in_dim3A_949 : vector<512x1xf32> to vector<512x128xf32>
      %gt3A_1017 = arith.cmpf ogt, %slice3A_1015, %gt3A_1016 : vector<512x128xf32>
      %jit3A_1018 = arith.constant 3.000000e+38 : f32
      %broadcast_in_dim3A_1019 = vector.broadcast %jit3A_1018 : f32 to vector<512x128xf32>
      %select_n3A_1020 = arith.select %gt3A_1017, %slice3A_1015, %broadcast_in_dim3A_1019 : vector<512x128xi1>, vector<512x128xf32>
      %min3A_1021 = arith.minimumf %min3A_1014, %select_n3A_1020 : vector<512x128xf32>
      %slice3A_1022 = vector.extract_strided_slice %dot_general3A_5 {offsets = [0, 1280], sizes = [512, 128], strides = [1, 1]} : vector<512x4096xf32> to vector<512x128xf32>
      %gt3A_1023 = vector.broadcast %broadcast_in_dim3A_949 : vector<512x1xf32> to vector<512x128xf32>
      %gt3A_1024 = arith.cmpf ogt, %slice3A_1022, %gt3A_1023 : vector<512x128xf32>
      %jit3A_1025 = arith.constant 3.000000e+38 : f32
      %broadcast_in_dim3A_1026 = vector.broadcast %jit3A_1025 : f32 to vector<512x128xf32>
      %select_n3A_1027 = arith.select %gt3A_1024, %slice3A_1022, %broadcast_in_dim3A_1026 : vector<512x128xi1>, vector<512x128xf32>
      %min3A_1028 = arith.minimumf %min3A_1021, %select_n3A_1027 : vector<512x128xf32>
      %slice3A_1029 = vector.extract_strided_slice %dot_general3A_5 {offsets = [0, 1408], sizes = [512, 128], strides = [1, 1]} : vector<512x4096xf32> to vector<512x128xf32>
      %gt3A_1030 = vector.broadcast %broadcast_in_dim3A_949 : vector<512x1xf32> to vector<512x128xf32>
      %gt3A_1031 = arith.cmpf ogt, %slice3A_1029, %gt3A_1030 : vector<512x128xf32>
      %jit3A_1032 = arith.constant 3.000000e+38 : f32
      %broadcast_in_dim3A_1033 = vector.broadcast %jit3A_1032 : f32 to vector<512x128xf32>
      %select_n3A_1034 = arith.select %gt3A_1031, %slice3A_1029, %broadcast_in_dim3A_1033 : vector<512x128xi1>, vector<512x128xf32>
      %min3A_1035 = arith.minimumf %min3A_1028, %select_n3A_1034 : vector<512x128xf32>
      %slice3A_1036 = vector.extract_strided_slice %dot_general3A_5 {offsets = [0, 1536], sizes = [512, 128], strides = [1, 1]} : vector<512x4096xf32> to vector<512x128xf32>
      %gt3A_1037 = vector.broadcast %broadcast_in_dim3A_949 : vector<512x1xf32> to vector<512x128xf32>
      %gt3A_1038 = arith.cmpf ogt, %slice3A_1036, %gt3A_1037 : vector<512x128xf32>
      %jit3A_1039 = arith.constant 3.000000e+38 : f32
      %broadcast_in_dim3A_1040 = vector.broadcast %jit3A_1039 : f32 to vector<512x128xf32>
      %select_n3A_1041 = arith.select %gt3A_1038, %slice3A_1036, %broadcast_in_dim3A_1040 : vector<512x128xi1>, vector<512x128xf32>
      %min3A_1042 = arith.minimumf %min3A_1035, %select_n3A_1041 : vector<512x128xf32>
      %slice3A_1043 = vector.extract_strided_slice %dot_general3A_5 {offsets = [0, 1664], sizes = [512, 128], strides = [1, 1]} : vector<512x4096xf32> to vector<512x128xf32>
      %gt3A_1044 = vector.broadcast %broadcast_in_dim3A_949 : vector<512x1xf32> to vector<512x128xf32>
      %gt3A_1045 = arith.cmpf ogt, %slice3A_1043, %gt3A_1044 : vector<512x128xf32>
      %jit3A_1046 = arith.constant 3.000000e+38 : f32
      %broadcast_in_dim3A_1047 = vector.broadcast %jit3A_1046 : f32 to vector<512x128xf32>
      %select_n3A_1048 = arith.select %gt3A_1045, %slice3A_1043, %broadcast_in_dim3A_1047 : vector<512x128xi1>, vector<512x128xf32>
      %min3A_1049 = arith.minimumf %min3A_1042, %select_n3A_1048 : vector<512x128xf32>
      %slice3A_1050 = vector.extract_strided_slice %dot_general3A_5 {offsets = [0, 1792], sizes = [512, 128], strides = [1, 1]} : vector<512x4096xf32> to vector<512x128xf32>
      %gt3A_1051 = vector.broadcast %broadcast_in_dim3A_949 : vector<512x1xf32> to vector<512x128xf32>
      %gt3A_1052 = arith.cmpf ogt, %slice3A_1050, %gt3A_1051 : vector<512x128xf32>
      %jit3A_1053 = arith.constant 3.000000e+38 : f32
      %broadcast_in_dim3A_1054 = vector.broadcast %jit3A_1053 : f32 to vector<512x128xf32>
      %select_n3A_1055 = arith.select %gt3A_1052, %slice3A_1050, %broadcast_in_dim3A_1054 : vector<512x128xi1>, vector<512x128xf32>
      %min3A_1056 = arith.minimumf %min3A_1049, %select_n3A_1055 : vector<512x128xf32>
      %slice3A_1057 = vector.extract_strided_slice %dot_general3A_5 {offsets = [0, 1920], sizes = [512, 128], strides = [1, 1]} : vector<512x4096xf32> to vector<512x128xf32>
      %gt3A_1058 = vector.broadcast %broadcast_in_dim3A_949 : vector<512x1xf32> to vector<512x128xf32>
      %gt3A_1059 = arith.cmpf ogt, %slice3A_1057, %gt3A_1058 : vector<512x128xf32>
      %jit3A_1060 = arith.constant 3.000000e+38 : f32
      %broadcast_in_dim3A_1061 = vector.broadcast %jit3A_1060 : f32 to vector<512x128xf32>
      %select_n3A_1062 = arith.select %gt3A_1059, %slice3A_1057, %broadcast_in_dim3A_1061 : vector<512x128xi1>, vector<512x128xf32>
      %min3A_1063 = arith.minimumf %min3A_1056, %select_n3A_1062 : vector<512x128xf32>
      %slice3A_1064 = vector.extract_strided_slice %dot_general3A_5 {offsets = [0, 2048], sizes = [512, 128], strides = [1, 1]} : vector<512x4096xf32> to vector<512x128xf32>
      %gt3A_1065 = vector.broadcast %broadcast_in_dim3A_949 : vector<512x1xf32> to vector<512x128xf32>
      %gt3A_1066 = arith.cmpf ogt, %slice3A_1064, %gt3A_1065 : vector<512x128xf32>
      %jit3A_1067 = arith.constant 3.000000e+38 : f32
      %broadcast_in_dim3A_1068 = vector.broadcast %jit3A_1067 : f32 to vector<512x128xf32>
      %select_n3A_1069 = arith.select %gt3A_1066, %slice3A_1064, %broadcast_in_dim3A_1068 : vector<512x128xi1>, vector<512x128xf32>
      %min3A_1070 = arith.minimumf %min3A_1063, %select_n3A_1069 : vector<512x128xf32>
      %slice3A_1071 = vector.extract_strided_slice %dot_general3A_5 {offsets = [0, 2176], sizes = [512, 128], strides = [1, 1]} : vector<512x4096xf32> to vector<512x128xf32>
      %gt3A_1072 = vector.broadcast %broadcast_in_dim3A_949 : vector<512x1xf32> to vector<512x128xf32>
      %gt3A_1073 = arith.cmpf ogt, %slice3A_1071, %gt3A_1072 : vector<512x128xf32>
      %jit3A_1074 = arith.constant 3.000000e+38 : f32
      %broadcast_in_dim3A_1075 = vector.broadcast %jit3A_1074 : f32 to vector<512x128xf32>
      %select_n3A_1076 = arith.select %gt3A_1073, %slice3A_1071, %broadcast_in_dim3A_1075 : vector<512x128xi1>, vector<512x128xf32>
      %min3A_1077 = arith.minimumf %min3A_1070, %select_n3A_1076 : vector<512x128xf32>
      %slice3A_1078 = vector.extract_strided_slice %dot_general3A_5 {offsets = [0, 2304], sizes = [512, 128], strides = [1, 1]} : vector<512x4096xf32> to vector<512x128xf32>
      %gt3A_1079 = vector.broadcast %broadcast_in_dim3A_949 : vector<512x1xf32> to vector<512x128xf32>
      %gt3A_1080 = arith.cmpf ogt, %slice3A_1078, %gt3A_1079 : vector<512x128xf32>
      %jit3A_1081 = arith.constant 3.000000e+38 : f32
      %broadcast_in_dim3A_1082 = vector.broadcast %jit3A_1081 : f32 to vector<512x128xf32>
      %select_n3A_1083 = arith.select %gt3A_1080, %slice3A_1078, %broadcast_in_dim3A_1082 : vector<512x128xi1>, vector<512x128xf32>
      %min3A_1084 = arith.minimumf %min3A_1077, %select_n3A_1083 : vector<512x128xf32>
      %slice3A_1085 = vector.extract_strided_slice %dot_general3A_5 {offsets = [0, 2432], sizes = [512, 128], strides = [1, 1]} : vector<512x4096xf32> to vector<512x128xf32>
      %gt3A_1086 = vector.broadcast %broadcast_in_dim3A_949 : vector<512x1xf32> to vector<512x128xf32>
      %gt3A_1087 = arith.cmpf ogt, %slice3A_1085, %gt3A_1086 : vector<512x128xf32>
      %jit3A_1088 = arith.constant 3.000000e+38 : f32
      %broadcast_in_dim3A_1089 = vector.broadcast %jit3A_1088 : f32 to vector<512x128xf32>
      %select_n3A_1090 = arith.select %gt3A_1087, %slice3A_1085, %broadcast_in_dim3A_1089 : vector<512x128xi1>, vector<512x128xf32>
      %min3A_1091 = arith.minimumf %min3A_1084, %select_n3A_1090 : vector<512x128xf32>
      %slice3A_1092 = vector.extract_strided_slice %dot_general3A_5 {offsets = [0, 2560], sizes = [512, 128], strides = [1, 1]} : vector<512x4096xf32> to vector<512x128xf32>
      %gt3A_1093 = vector.broadcast %broadcast_in_dim3A_949 : vector<512x1xf32> to vector<512x128xf32>
      %gt3A_1094 = arith.cmpf ogt, %slice3A_1092, %gt3A_1093 : vector<512x128xf32>
      %jit3A_1095 = arith.constant 3.000000e+38 : f32
      %broadcast_in_dim3A_1096 = vector.broadcast %jit3A_1095 : f32 to vector<512x128xf32>
      %select_n3A_1097 = arith.select %gt3A_1094, %slice3A_1092, %broadcast_in_dim3A_1096 : vector<512x128xi1>, vector<512x128xf32>
      %min3A_1098 = arith.minimumf %min3A_1091, %select_n3A_1097 : vector<512x128xf32>
      %slice3A_1099 = vector.extract_strided_slice %dot_general3A_5 {offsets = [0, 2688], sizes = [512, 128], strides = [1, 1]} : vector<512x4096xf32> to vector<512x128xf32>
      %gt3A_1100 = vector.broadcast %broadcast_in_dim3A_949 : vector<512x1xf32> to vector<512x128xf32>
      %gt3A_1101 = arith.cmpf ogt, %slice3A_1099, %gt3A_1100 : vector<512x128xf32>
      %jit3A_1102 = arith.constant 3.000000e+38 : f32
      %broadcast_in_dim3A_1103 = vector.broadcast %jit3A_1102 : f32 to vector<512x128xf32>
      %select_n3A_1104 = arith.select %gt3A_1101, %slice3A_1099, %broadcast_in_dim3A_1103 : vector<512x128xi1>, vector<512x128xf32>
      %min3A_1105 = arith.minimumf %min3A_1098, %select_n3A_1104 : vector<512x128xf32>
      %slice3A_1106 = vector.extract_strided_slice %dot_general3A_5 {offsets = [0, 2816], sizes = [512, 128], strides = [1, 1]} : vector<512x4096xf32> to vector<512x128xf32>
      %gt3A_1107 = vector.broadcast %broadcast_in_dim3A_949 : vector<512x1xf32> to vector<512x128xf32>
      %gt3A_1108 = arith.cmpf ogt, %slice3A_1106, %gt3A_1107 : vector<512x128xf32>
      %jit3A_1109 = arith.constant 3.000000e+38 : f32
      %broadcast_in_dim3A_1110 = vector.broadcast %jit3A_1109 : f32 to vector<512x128xf32>
      %select_n3A_1111 = arith.select %gt3A_1108, %slice3A_1106, %broadcast_in_dim3A_1110 : vector<512x128xi1>, vector<512x128xf32>
      %min3A_1112 = arith.minimumf %min3A_1105, %select_n3A_1111 : vector<512x128xf32>
      %slice3A_1113 = vector.extract_strided_slice %dot_general3A_5 {offsets = [0, 2944], sizes = [512, 128], strides = [1, 1]} : vector<512x4096xf32> to vector<512x128xf32>
      %gt3A_1114 = vector.broadcast %broadcast_in_dim3A_949 : vector<512x1xf32> to vector<512x128xf32>
      %gt3A_1115 = arith.cmpf ogt, %slice3A_1113, %gt3A_1114 : vector<512x128xf32>
      %jit3A_1116 = arith.constant 3.000000e+38 : f32
      %broadcast_in_dim3A_1117 = vector.broadcast %jit3A_1116 : f32 to vector<512x128xf32>
      %select_n3A_1118 = arith.select %gt3A_1115, %slice3A_1113, %broadcast_in_dim3A_1117 : vector<512x128xi1>, vector<512x128xf32>
      %min3A_1119 = arith.minimumf %min3A_1112, %select_n3A_1118 : vector<512x128xf32>
      %slice3A_1120 = vector.extract_strided_slice %dot_general3A_5 {offsets = [0, 3072], sizes = [512, 128], strides = [1, 1]} : vector<512x4096xf32> to vector<512x128xf32>
      %gt3A_1121 = vector.broadcast %broadcast_in_dim3A_949 : vector<512x1xf32> to vector<512x128xf32>
      %gt3A_1122 = arith.cmpf ogt, %slice3A_1120, %gt3A_1121 : vector<512x128xf32>
      %jit3A_1123 = arith.constant 3.000000e+38 : f32
      %broadcast_in_dim3A_1124 = vector.broadcast %jit3A_1123 : f32 to vector<512x128xf32>
      %select_n3A_1125 = arith.select %gt3A_1122, %slice3A_1120, %broadcast_in_dim3A_1124 : vector<512x128xi1>, vector<512x128xf32>
      %min3A_1126 = arith.minimumf %min3A_1119, %select_n3A_1125 : vector<512x128xf32>
      %slice3A_1127 = vector.extract_strided_slice %dot_general3A_5 {offsets = [0, 3200], sizes = [512, 128], strides = [1, 1]} : vector<512x4096xf32> to vector<512x128xf32>
      %gt3A_1128 = vector.broadcast %broadcast_in_dim3A_949 : vector<512x1xf32> to vector<512x128xf32>
      %gt3A_1129 = arith.cmpf ogt, %slice3A_1127, %gt3A_1128 : vector<512x128xf32>
      %jit3A_1130 = arith.constant 3.000000e+38 : f32
      %broadcast_in_dim3A_1131 = vector.broadcast %jit3A_1130 : f32 to vector<512x128xf32>
      %select_n3A_1132 = arith.select %gt3A_1129, %slice3A_1127, %broadcast_in_dim3A_1131 : vector<512x128xi1>, vector<512x128xf32>
      %min3A_1133 = arith.minimumf %min3A_1126, %select_n3A_1132 : vector<512x128xf32>
      %slice3A_1134 = vector.extract_strided_slice %dot_general3A_5 {offsets = [0, 3328], sizes = [512, 128], strides = [1, 1]} : vector<512x4096xf32> to vector<512x128xf32>
      %gt3A_1135 = vector.broadcast %broadcast_in_dim3A_949 : vector<512x1xf32> to vector<512x128xf32>
      %gt3A_1136 = arith.cmpf ogt, %slice3A_1134, %gt3A_1135 : vector<512x128xf32>
      %jit3A_1137 = arith.constant 3.000000e+38 : f32
      %broadcast_in_dim3A_1138 = vector.broadcast %jit3A_1137 : f32 to vector<512x128xf32>
      %select_n3A_1139 = arith.select %gt3A_1136, %slice3A_1134, %broadcast_in_dim3A_1138 : vector<512x128xi1>, vector<512x128xf32>
      %min3A_1140 = arith.minimumf %min3A_1133, %select_n3A_1139 : vector<512x128xf32>
      %slice3A_1141 = vector.extract_strided_slice %dot_general3A_5 {offsets = [0, 3456], sizes = [512, 128], strides = [1, 1]} : vector<512x4096xf32> to vector<512x128xf32>
      %gt3A_1142 = vector.broadcast %broadcast_in_dim3A_949 : vector<512x1xf32> to vector<512x128xf32>
      %gt3A_1143 = arith.cmpf ogt, %slice3A_1141, %gt3A_1142 : vector<512x128xf32>
      %jit3A_1144 = arith.constant 3.000000e+38 : f32
      %broadcast_in_dim3A_1145 = vector.broadcast %jit3A_1144 : f32 to vector<512x128xf32>
      %select_n3A_1146 = arith.select %gt3A_1143, %slice3A_1141, %broadcast_in_dim3A_1145 : vector<512x128xi1>, vector<512x128xf32>
      %min3A_1147 = arith.minimumf %min3A_1140, %select_n3A_1146 : vector<512x128xf32>
      %slice3A_1148 = vector.extract_strided_slice %dot_general3A_5 {offsets = [0, 3584], sizes = [512, 128], strides = [1, 1]} : vector<512x4096xf32> to vector<512x128xf32>
      %gt3A_1149 = vector.broadcast %broadcast_in_dim3A_949 : vector<512x1xf32> to vector<512x128xf32>
      %gt3A_1150 = arith.cmpf ogt, %slice3A_1148, %gt3A_1149 : vector<512x128xf32>
      %jit3A_1151 = arith.constant 3.000000e+38 : f32
      %broadcast_in_dim3A_1152 = vector.broadcast %jit3A_1151 : f32 to vector<512x128xf32>
      %select_n3A_1153 = arith.select %gt3A_1150, %slice3A_1148, %broadcast_in_dim3A_1152 : vector<512x128xi1>, vector<512x128xf32>
      %min3A_1154 = arith.minimumf %min3A_1147, %select_n3A_1153 : vector<512x128xf32>
      %slice3A_1155 = vector.extract_strided_slice %dot_general3A_5 {offsets = [0, 3712], sizes = [512, 128], strides = [1, 1]} : vector<512x4096xf32> to vector<512x128xf32>
      %gt3A_1156 = vector.broadcast %broadcast_in_dim3A_949 : vector<512x1xf32> to vector<512x128xf32>
      %gt3A_1157 = arith.cmpf ogt, %slice3A_1155, %gt3A_1156 : vector<512x128xf32>
      %jit3A_1158 = arith.constant 3.000000e+38 : f32
      %broadcast_in_dim3A_1159 = vector.broadcast %jit3A_1158 : f32 to vector<512x128xf32>
      %select_n3A_1160 = arith.select %gt3A_1157, %slice3A_1155, %broadcast_in_dim3A_1159 : vector<512x128xi1>, vector<512x128xf32>
      %min3A_1161 = arith.minimumf %min3A_1154, %select_n3A_1160 : vector<512x128xf32>
      %slice3A_1162 = vector.extract_strided_slice %dot_general3A_5 {offsets = [0, 3840], sizes = [512, 128], strides = [1, 1]} : vector<512x4096xf32> to vector<512x128xf32>
      %gt3A_1163 = vector.broadcast %broadcast_in_dim3A_949 : vector<512x1xf32> to vector<512x128xf32>
      %gt3A_1164 = arith.cmpf ogt, %slice3A_1162, %gt3A_1163 : vector<512x128xf32>
      %jit3A_1165 = arith.constant 3.000000e+38 : f32
      %broadcast_in_dim3A_1166 = vector.broadcast %jit3A_1165 : f32 to vector<512x128xf32>
      %select_n3A_1167 = arith.select %gt3A_1164, %slice3A_1162, %broadcast_in_dim3A_1166 : vector<512x128xi1>, vector<512x128xf32>
      %min3A_1168 = arith.minimumf %min3A_1161, %select_n3A_1167 : vector<512x128xf32>
      %slice3A_1169 = vector.extract_strided_slice %dot_general3A_5 {offsets = [0, 3968], sizes = [512, 128], strides = [1, 1]} : vector<512x4096xf32> to vector<512x128xf32>
      %gt3A_1170 = vector.broadcast %broadcast_in_dim3A_949 : vector<512x1xf32> to vector<512x128xf32>
      %gt3A_1171 = arith.cmpf ogt, %slice3A_1169, %gt3A_1170 : vector<512x128xf32>
      %jit3A_1172 = arith.constant 3.000000e+38 : f32
      %broadcast_in_dim3A_1173 = vector.broadcast %jit3A_1172 : f32 to vector<512x128xf32>
      %select_n3A_1174 = arith.select %gt3A_1171, %slice3A_1169, %broadcast_in_dim3A_1173 : vector<512x128xi1>, vector<512x128xf32>
      %min3A_1175 = arith.minimumf %min3A_1168, %select_n3A_1174 : vector<512x128xf32>
      %reduce_min3A_1176 = arith.constant dense<0x7F800000> : vector<512xf32>
      %reduce_min3A_1177 = vector.multi_reduction <minimumf>, %min3A_1175, %reduce_min3A_1176 [1] : vector<512x128xf32> to vector<512xf32>
      %broadcast_in_dim3A_1178 = vector.shape_cast %reduce_min3A_1177 : vector<512xf32> to vector<512x1xf32>
      %broadcast_in_dim3A_1179 = arith.constant 3.000000e+38 : f32
      %broadcast_in_dim3A_1180 = vector.broadcast %broadcast_in_dim3A_1179 : f32 to vector<512x128xf32>
      %slice3A_1181 = vector.extract_strided_slice %dot_general3A_5 {offsets = [0, 0], sizes = [512, 128], strides = [1, 1]} : vector<512x4096xf32> to vector<512x128xf32>
      %gt3A_1182 = vector.broadcast %broadcast_in_dim3A_1178 : vector<512x1xf32> to vector<512x128xf32>
      %gt3A_1183 = arith.cmpf ogt, %slice3A_1181, %gt3A_1182 : vector<512x128xf32>
      %jit3A_1184 = arith.constant 3.000000e+38 : f32
      %broadcast_in_dim3A_1185 = vector.broadcast %jit3A_1184 : f32 to vector<512x128xf32>
      %select_n3A_1186 = arith.select %gt3A_1183, %slice3A_1181, %broadcast_in_dim3A_1185 : vector<512x128xi1>, vector<512x128xf32>
      %min3A_1187 = arith.minimumf %broadcast_in_dim3A_1180, %select_n3A_1186 : vector<512x128xf32>
      %slice3A_1188 = vector.extract_strided_slice %dot_general3A_5 {offsets = [0, 128], sizes = [512, 128], strides = [1, 1]} : vector<512x4096xf32> to vector<512x128xf32>
      %gt3A_1189 = vector.broadcast %broadcast_in_dim3A_1178 : vector<512x1xf32> to vector<512x128xf32>
      %gt3A_1190 = arith.cmpf ogt, %slice3A_1188, %gt3A_1189 : vector<512x128xf32>
      %jit3A_1191 = arith.constant 3.000000e+38 : f32
      %broadcast_in_dim3A_1192 = vector.broadcast %jit3A_1191 : f32 to vector<512x128xf32>
      %select_n3A_1193 = arith.select %gt3A_1190, %slice3A_1188, %broadcast_in_dim3A_1192 : vector<512x128xi1>, vector<512x128xf32>
      %min3A_1194 = arith.minimumf %min3A_1187, %select_n3A_1193 : vector<512x128xf32>
      %slice3A_1195 = vector.extract_strided_slice %dot_general3A_5 {offsets = [0, 256], sizes = [512, 128], strides = [1, 1]} : vector<512x4096xf32> to vector<512x128xf32>
      %gt3A_1196 = vector.broadcast %broadcast_in_dim3A_1178 : vector<512x1xf32> to vector<512x128xf32>
      %gt3A_1197 = arith.cmpf ogt, %slice3A_1195, %gt3A_1196 : vector<512x128xf32>
      %jit3A_1198 = arith.constant 3.000000e+38 : f32
      %broadcast_in_dim3A_1199 = vector.broadcast %jit3A_1198 : f32 to vector<512x128xf32>
      %select_n3A_1200 = arith.select %gt3A_1197, %slice3A_1195, %broadcast_in_dim3A_1199 : vector<512x128xi1>, vector<512x128xf32>
      %min3A_1201 = arith.minimumf %min3A_1194, %select_n3A_1200 : vector<512x128xf32>
      %slice3A_1202 = vector.extract_strided_slice %dot_general3A_5 {offsets = [0, 384], sizes = [512, 128], strides = [1, 1]} : vector<512x4096xf32> to vector<512x128xf32>
      %gt3A_1203 = vector.broadcast %broadcast_in_dim3A_1178 : vector<512x1xf32> to vector<512x128xf32>
      %gt3A_1204 = arith.cmpf ogt, %slice3A_1202, %gt3A_1203 : vector<512x128xf32>
      %jit3A_1205 = arith.constant 3.000000e+38 : f32
      %broadcast_in_dim3A_1206 = vector.broadcast %jit3A_1205 : f32 to vector<512x128xf32>
      %select_n3A_1207 = arith.select %gt3A_1204, %slice3A_1202, %broadcast_in_dim3A_1206 : vector<512x128xi1>, vector<512x128xf32>
      %min3A_1208 = arith.minimumf %min3A_1201, %select_n3A_1207 : vector<512x128xf32>
      %slice3A_1209 = vector.extract_strided_slice %dot_general3A_5 {offsets = [0, 512], sizes = [512, 128], strides = [1, 1]} : vector<512x4096xf32> to vector<512x128xf32>
      %gt3A_1210 = vector.broadcast %broadcast_in_dim3A_1178 : vector<512x1xf32> to vector<512x128xf32>
      %gt3A_1211 = arith.cmpf ogt, %slice3A_1209, %gt3A_1210 : vector<512x128xf32>
      %jit3A_1212 = arith.constant 3.000000e+38 : f32
      %broadcast_in_dim3A_1213 = vector.broadcast %jit3A_1212 : f32 to vector<512x128xf32>
      %select_n3A_1214 = arith.select %gt3A_1211, %slice3A_1209, %broadcast_in_dim3A_1213 : vector<512x128xi1>, vector<512x128xf32>
      %min3A_1215 = arith.minimumf %min3A_1208, %select_n3A_1214 : vector<512x128xf32>
      %slice3A_1216 = vector.extract_strided_slice %dot_general3A_5 {offsets = [0, 640], sizes = [512, 128], strides = [1, 1]} : vector<512x4096xf32> to vector<512x128xf32>
      %gt3A_1217 = vector.broadcast %broadcast_in_dim3A_1178 : vector<512x1xf32> to vector<512x128xf32>
      %gt3A_1218 = arith.cmpf ogt, %slice3A_1216, %gt3A_1217 : vector<512x128xf32>
      %jit3A_1219 = arith.constant 3.000000e+38 : f32
      %broadcast_in_dim3A_1220 = vector.broadcast %jit3A_1219 : f32 to vector<512x128xf32>
      %select_n3A_1221 = arith.select %gt3A_1218, %slice3A_1216, %broadcast_in_dim3A_1220 : vector<512x128xi1>, vector<512x128xf32>
      %min3A_1222 = arith.minimumf %min3A_1215, %select_n3A_1221 : vector<512x128xf32>
      %slice3A_1223 = vector.extract_strided_slice %dot_general3A_5 {offsets = [0, 768], sizes = [512, 128], strides = [1, 1]} : vector<512x4096xf32> to vector<512x128xf32>
      %gt3A_1224 = vector.broadcast %broadcast_in_dim3A_1178 : vector<512x1xf32> to vector<512x128xf32>
      %gt3A_1225 = arith.cmpf ogt, %slice3A_1223, %gt3A_1224 : vector<512x128xf32>
      %jit3A_1226 = arith.constant 3.000000e+38 : f32
      %broadcast_in_dim3A_1227 = vector.broadcast %jit3A_1226 : f32 to vector<512x128xf32>
      %select_n3A_1228 = arith.select %gt3A_1225, %slice3A_1223, %broadcast_in_dim3A_1227 : vector<512x128xi1>, vector<512x128xf32>
      %min3A_1229 = arith.minimumf %min3A_1222, %select_n3A_1228 : vector<512x128xf32>
      %slice3A_1230 = vector.extract_strided_slice %dot_general3A_5 {offsets = [0, 896], sizes = [512, 128], strides = [1, 1]} : vector<512x4096xf32> to vector<512x128xf32>
      %gt3A_1231 = vector.broadcast %broadcast_in_dim3A_1178 : vector<512x1xf32> to vector<512x128xf32>
      %gt3A_1232 = arith.cmpf ogt, %slice3A_1230, %gt3A_1231 : vector<512x128xf32>
      %jit3A_1233 = arith.constant 3.000000e+38 : f32
      %broadcast_in_dim3A_1234 = vector.broadcast %jit3A_1233 : f32 to vector<512x128xf32>
      %select_n3A_1235 = arith.select %gt3A_1232, %slice3A_1230, %broadcast_in_dim3A_1234 : vector<512x128xi1>, vector<512x128xf32>
      %min3A_1236 = arith.minimumf %min3A_1229, %select_n3A_1235 : vector<512x128xf32>
      %slice3A_1237 = vector.extract_strided_slice %dot_general3A_5 {offsets = [0, 1024], sizes = [512, 128], strides = [1, 1]} : vector<512x4096xf32> to vector<512x128xf32>
      %gt3A_1238 = vector.broadcast %broadcast_in_dim3A_1178 : vector<512x1xf32> to vector<512x128xf32>
      %gt3A_1239 = arith.cmpf ogt, %slice3A_1237, %gt3A_1238 : vector<512x128xf32>
      %jit3A_1240 = arith.constant 3.000000e+38 : f32
      %broadcast_in_dim3A_1241 = vector.broadcast %jit3A_1240 : f32 to vector<512x128xf32>
      %select_n3A_1242 = arith.select %gt3A_1239, %slice3A_1237, %broadcast_in_dim3A_1241 : vector<512x128xi1>, vector<512x128xf32>
      %min3A_1243 = arith.minimumf %min3A_1236, %select_n3A_1242 : vector<512x128xf32>
      %slice3A_1244 = vector.extract_strided_slice %dot_general3A_5 {offsets = [0, 1152], sizes = [512, 128], strides = [1, 1]} : vector<512x4096xf32> to vector<512x128xf32>
      %gt3A_1245 = vector.broadcast %broadcast_in_dim3A_1178 : vector<512x1xf32> to vector<512x128xf32>
      %gt3A_1246 = arith.cmpf ogt, %slice3A_1244, %gt3A_1245 : vector<512x128xf32>
      %jit3A_1247 = arith.constant 3.000000e+38 : f32
      %broadcast_in_dim3A_1248 = vector.broadcast %jit3A_1247 : f32 to vector<512x128xf32>
      %select_n3A_1249 = arith.select %gt3A_1246, %slice3A_1244, %broadcast_in_dim3A_1248 : vector<512x128xi1>, vector<512x128xf32>
      %min3A_1250 = arith.minimumf %min3A_1243, %select_n3A_1249 : vector<512x128xf32>
      %slice3A_1251 = vector.extract_strided_slice %dot_general3A_5 {offsets = [0, 1280], sizes = [512, 128], strides = [1, 1]} : vector<512x4096xf32> to vector<512x128xf32>
      %gt3A_1252 = vector.broadcast %broadcast_in_dim3A_1178 : vector<512x1xf32> to vector<512x128xf32>
      %gt3A_1253 = arith.cmpf ogt, %slice3A_1251, %gt3A_1252 : vector<512x128xf32>
      %jit3A_1254 = arith.constant 3.000000e+38 : f32
      %broadcast_in_dim3A_1255 = vector.broadcast %jit3A_1254 : f32 to vector<512x128xf32>
      %select_n3A_1256 = arith.select %gt3A_1253, %slice3A_1251, %broadcast_in_dim3A_1255 : vector<512x128xi1>, vector<512x128xf32>
      %min3A_1257 = arith.minimumf %min3A_1250, %select_n3A_1256 : vector<512x128xf32>
      %slice3A_1258 = vector.extract_strided_slice %dot_general3A_5 {offsets = [0, 1408], sizes = [512, 128], strides = [1, 1]} : vector<512x4096xf32> to vector<512x128xf32>
      %gt3A_1259 = vector.broadcast %broadcast_in_dim3A_1178 : vector<512x1xf32> to vector<512x128xf32>
      %gt3A_1260 = arith.cmpf ogt, %slice3A_1258, %gt3A_1259 : vector<512x128xf32>
      %jit3A_1261 = arith.constant 3.000000e+38 : f32
      %broadcast_in_dim3A_1262 = vector.broadcast %jit3A_1261 : f32 to vector<512x128xf32>
      %select_n3A_1263 = arith.select %gt3A_1260, %slice3A_1258, %broadcast_in_dim3A_1262 : vector<512x128xi1>, vector<512x128xf32>
      %min3A_1264 = arith.minimumf %min3A_1257, %select_n3A_1263 : vector<512x128xf32>
      %slice3A_1265 = vector.extract_strided_slice %dot_general3A_5 {offsets = [0, 1536], sizes = [512, 128], strides = [1, 1]} : vector<512x4096xf32> to vector<512x128xf32>
      %gt3A_1266 = vector.broadcast %broadcast_in_dim3A_1178 : vector<512x1xf32> to vector<512x128xf32>
      %gt3A_1267 = arith.cmpf ogt, %slice3A_1265, %gt3A_1266 : vector<512x128xf32>
      %jit3A_1268 = arith.constant 3.000000e+38 : f32
      %broadcast_in_dim3A_1269 = vector.broadcast %jit3A_1268 : f32 to vector<512x128xf32>
      %select_n3A_1270 = arith.select %gt3A_1267, %slice3A_1265, %broadcast_in_dim3A_1269 : vector<512x128xi1>, vector<512x128xf32>
      %min3A_1271 = arith.minimumf %min3A_1264, %select_n3A_1270 : vector<512x128xf32>
      %slice3A_1272 = vector.extract_strided_slice %dot_general3A_5 {offsets = [0, 1664], sizes = [512, 128], strides = [1, 1]} : vector<512x4096xf32> to vector<512x128xf32>
      %gt3A_1273 = vector.broadcast %broadcast_in_dim3A_1178 : vector<512x1xf32> to vector<512x128xf32>
      %gt3A_1274 = arith.cmpf ogt, %slice3A_1272, %gt3A_1273 : vector<512x128xf32>
      %jit3A_1275 = arith.constant 3.000000e+38 : f32
      %broadcast_in_dim3A_1276 = vector.broadcast %jit3A_1275 : f32 to vector<512x128xf32>
      %select_n3A_1277 = arith.select %gt3A_1274, %slice3A_1272, %broadcast_in_dim3A_1276 : vector<512x128xi1>, vector<512x128xf32>
      %min3A_1278 = arith.minimumf %min3A_1271, %select_n3A_1277 : vector<512x128xf32>
      %slice3A_1279 = vector.extract_strided_slice %dot_general3A_5 {offsets = [0, 1792], sizes = [512, 128], strides = [1, 1]} : vector<512x4096xf32> to vector<512x128xf32>
      %gt3A_1280 = vector.broadcast %broadcast_in_dim3A_1178 : vector<512x1xf32> to vector<512x128xf32>
      %gt3A_1281 = arith.cmpf ogt, %slice3A_1279, %gt3A_1280 : vector<512x128xf32>
      %jit3A_1282 = arith.constant 3.000000e+38 : f32
      %broadcast_in_dim3A_1283 = vector.broadcast %jit3A_1282 : f32 to vector<512x128xf32>
      %select_n3A_1284 = arith.select %gt3A_1281, %slice3A_1279, %broadcast_in_dim3A_1283 : vector<512x128xi1>, vector<512x128xf32>
      %min3A_1285 = arith.minimumf %min3A_1278, %select_n3A_1284 : vector<512x128xf32>
      %slice3A_1286 = vector.extract_strided_slice %dot_general3A_5 {offsets = [0, 1920], sizes = [512, 128], strides = [1, 1]} : vector<512x4096xf32> to vector<512x128xf32>
      %gt3A_1287 = vector.broadcast %broadcast_in_dim3A_1178 : vector<512x1xf32> to vector<512x128xf32>
      %gt3A_1288 = arith.cmpf ogt, %slice3A_1286, %gt3A_1287 : vector<512x128xf32>
      %jit3A_1289 = arith.constant 3.000000e+38 : f32
      %broadcast_in_dim3A_1290 = vector.broadcast %jit3A_1289 : f32 to vector<512x128xf32>
      %select_n3A_1291 = arith.select %gt3A_1288, %slice3A_1286, %broadcast_in_dim3A_1290 : vector<512x128xi1>, vector<512x128xf32>
      %min3A_1292 = arith.minimumf %min3A_1285, %select_n3A_1291 : vector<512x128xf32>
      %slice3A_1293 = vector.extract_strided_slice %dot_general3A_5 {offsets = [0, 2048], sizes = [512, 128], strides = [1, 1]} : vector<512x4096xf32> to vector<512x128xf32>
      %gt3A_1294 = vector.broadcast %broadcast_in_dim3A_1178 : vector<512x1xf32> to vector<512x128xf32>
      %gt3A_1295 = arith.cmpf ogt, %slice3A_1293, %gt3A_1294 : vector<512x128xf32>
      %jit3A_1296 = arith.constant 3.000000e+38 : f32
      %broadcast_in_dim3A_1297 = vector.broadcast %jit3A_1296 : f32 to vector<512x128xf32>
      %select_n3A_1298 = arith.select %gt3A_1295, %slice3A_1293, %broadcast_in_dim3A_1297 : vector<512x128xi1>, vector<512x128xf32>
      %min3A_1299 = arith.minimumf %min3A_1292, %select_n3A_1298 : vector<512x128xf32>
      %slice3A_1300 = vector.extract_strided_slice %dot_general3A_5 {offsets = [0, 2176], sizes = [512, 128], strides = [1, 1]} : vector<512x4096xf32> to vector<512x128xf32>
      %gt3A_1301 = vector.broadcast %broadcast_in_dim3A_1178 : vector<512x1xf32> to vector<512x128xf32>
      %gt3A_1302 = arith.cmpf ogt, %slice3A_1300, %gt3A_1301 : vector<512x128xf32>
      %jit3A_1303 = arith.constant 3.000000e+38 : f32
      %broadcast_in_dim3A_1304 = vector.broadcast %jit3A_1303 : f32 to vector<512x128xf32>
      %select_n3A_1305 = arith.select %gt3A_1302, %slice3A_1300, %broadcast_in_dim3A_1304 : vector<512x128xi1>, vector<512x128xf32>
      %min3A_1306 = arith.minimumf %min3A_1299, %select_n3A_1305 : vector<512x128xf32>
      %slice3A_1307 = vector.extract_strided_slice %dot_general3A_5 {offsets = [0, 2304], sizes = [512, 128], strides = [1, 1]} : vector<512x4096xf32> to vector<512x128xf32>
      %gt3A_1308 = vector.broadcast %broadcast_in_dim3A_1178 : vector<512x1xf32> to vector<512x128xf32>
      %gt3A_1309 = arith.cmpf ogt, %slice3A_1307, %gt3A_1308 : vector<512x128xf32>
      %jit3A_1310 = arith.constant 3.000000e+38 : f32
      %broadcast_in_dim3A_1311 = vector.broadcast %jit3A_1310 : f32 to vector<512x128xf32>
      %select_n3A_1312 = arith.select %gt3A_1309, %slice3A_1307, %broadcast_in_dim3A_1311 : vector<512x128xi1>, vector<512x128xf32>
      %min3A_1313 = arith.minimumf %min3A_1306, %select_n3A_1312 : vector<512x128xf32>
      %slice3A_1314 = vector.extract_strided_slice %dot_general3A_5 {offsets = [0, 2432], sizes = [512, 128], strides = [1, 1]} : vector<512x4096xf32> to vector<512x128xf32>
      %gt3A_1315 = vector.broadcast %broadcast_in_dim3A_1178 : vector<512x1xf32> to vector<512x128xf32>
      %gt3A_1316 = arith.cmpf ogt, %slice3A_1314, %gt3A_1315 : vector<512x128xf32>
      %jit3A_1317 = arith.constant 3.000000e+38 : f32
      %broadcast_in_dim3A_1318 = vector.broadcast %jit3A_1317 : f32 to vector<512x128xf32>
      %select_n3A_1319 = arith.select %gt3A_1316, %slice3A_1314, %broadcast_in_dim3A_1318 : vector<512x128xi1>, vector<512x128xf32>
      %min3A_1320 = arith.minimumf %min3A_1313, %select_n3A_1319 : vector<512x128xf32>
      %slice3A_1321 = vector.extract_strided_slice %dot_general3A_5 {offsets = [0, 2560], sizes = [512, 128], strides = [1, 1]} : vector<512x4096xf32> to vector<512x128xf32>
      %gt3A_1322 = vector.broadcast %broadcast_in_dim3A_1178 : vector<512x1xf32> to vector<512x128xf32>
      %gt3A_1323 = arith.cmpf ogt, %slice3A_1321, %gt3A_1322 : vector<512x128xf32>
      %jit3A_1324 = arith.constant 3.000000e+38 : f32
      %broadcast_in_dim3A_1325 = vector.broadcast %jit3A_1324 : f32 to vector<512x128xf32>
      %select_n3A_1326 = arith.select %gt3A_1323, %slice3A_1321, %broadcast_in_dim3A_1325 : vector<512x128xi1>, vector<512x128xf32>
      %min3A_1327 = arith.minimumf %min3A_1320, %select_n3A_1326 : vector<512x128xf32>
      %slice3A_1328 = vector.extract_strided_slice %dot_general3A_5 {offsets = [0, 2688], sizes = [512, 128], strides = [1, 1]} : vector<512x4096xf32> to vector<512x128xf32>
      %gt3A_1329 = vector.broadcast %broadcast_in_dim3A_1178 : vector<512x1xf32> to vector<512x128xf32>
      %gt3A_1330 = arith.cmpf ogt, %slice3A_1328, %gt3A_1329 : vector<512x128xf32>
      %jit3A_1331 = arith.constant 3.000000e+38 : f32
      %broadcast_in_dim3A_1332 = vector.broadcast %jit3A_1331 : f32 to vector<512x128xf32>
      %select_n3A_1333 = arith.select %gt3A_1330, %slice3A_1328, %broadcast_in_dim3A_1332 : vector<512x128xi1>, vector<512x128xf32>
      %min3A_1334 = arith.minimumf %min3A_1327, %select_n3A_1333 : vector<512x128xf32>
      %slice3A_1335 = vector.extract_strided_slice %dot_general3A_5 {offsets = [0, 2816], sizes = [512, 128], strides = [1, 1]} : vector<512x4096xf32> to vector<512x128xf32>
      %gt3A_1336 = vector.broadcast %broadcast_in_dim3A_1178 : vector<512x1xf32> to vector<512x128xf32>
      %gt3A_1337 = arith.cmpf ogt, %slice3A_1335, %gt3A_1336 : vector<512x128xf32>
      %jit3A_1338 = arith.constant 3.000000e+38 : f32
      %broadcast_in_dim3A_1339 = vector.broadcast %jit3A_1338 : f32 to vector<512x128xf32>
      %select_n3A_1340 = arith.select %gt3A_1337, %slice3A_1335, %broadcast_in_dim3A_1339 : vector<512x128xi1>, vector<512x128xf32>
      %min3A_1341 = arith.minimumf %min3A_1334, %select_n3A_1340 : vector<512x128xf32>
      %slice3A_1342 = vector.extract_strided_slice %dot_general3A_5 {offsets = [0, 2944], sizes = [512, 128], strides = [1, 1]} : vector<512x4096xf32> to vector<512x128xf32>
      %gt3A_1343 = vector.broadcast %broadcast_in_dim3A_1178 : vector<512x1xf32> to vector<512x128xf32>
      %gt3A_1344 = arith.cmpf ogt, %slice3A_1342, %gt3A_1343 : vector<512x128xf32>
      %jit3A_1345 = arith.constant 3.000000e+38 : f32
      %broadcast_in_dim3A_1346 = vector.broadcast %jit3A_1345 : f32 to vector<512x128xf32>
      %select_n3A_1347 = arith.select %gt3A_1344, %slice3A_1342, %broadcast_in_dim3A_1346 : vector<512x128xi1>, vector<512x128xf32>
      %min3A_1348 = arith.minimumf %min3A_1341, %select_n3A_1347 : vector<512x128xf32>
      %slice3A_1349 = vector.extract_strided_slice %dot_general3A_5 {offsets = [0, 3072], sizes = [512, 128], strides = [1, 1]} : vector<512x4096xf32> to vector<512x128xf32>
      %gt3A_1350 = vector.broadcast %broadcast_in_dim3A_1178 : vector<512x1xf32> to vector<512x128xf32>
      %gt3A_1351 = arith.cmpf ogt, %slice3A_1349, %gt3A_1350 : vector<512x128xf32>
      %jit3A_1352 = arith.constant 3.000000e+38 : f32
      %broadcast_in_dim3A_1353 = vector.broadcast %jit3A_1352 : f32 to vector<512x128xf32>
      %select_n3A_1354 = arith.select %gt3A_1351, %slice3A_1349, %broadcast_in_dim3A_1353 : vector<512x128xi1>, vector<512x128xf32>
      %min3A_1355 = arith.minimumf %min3A_1348, %select_n3A_1354 : vector<512x128xf32>
      %slice3A_1356 = vector.extract_strided_slice %dot_general3A_5 {offsets = [0, 3200], sizes = [512, 128], strides = [1, 1]} : vector<512x4096xf32> to vector<512x128xf32>
      %gt3A_1357 = vector.broadcast %broadcast_in_dim3A_1178 : vector<512x1xf32> to vector<512x128xf32>
      %gt3A_1358 = arith.cmpf ogt, %slice3A_1356, %gt3A_1357 : vector<512x128xf32>
      %jit3A_1359 = arith.constant 3.000000e+38 : f32
      %broadcast_in_dim3A_1360 = vector.broadcast %jit3A_1359 : f32 to vector<512x128xf32>
      %select_n3A_1361 = arith.select %gt3A_1358, %slice3A_1356, %broadcast_in_dim3A_1360 : vector<512x128xi1>, vector<512x128xf32>
      %min3A_1362 = arith.minimumf %min3A_1355, %select_n3A_1361 : vector<512x128xf32>
      %slice3A_1363 = vector.extract_strided_slice %dot_general3A_5 {offsets = [0, 3328], sizes = [512, 128], strides = [1, 1]} : vector<512x4096xf32> to vector<512x128xf32>
      %gt3A_1364 = vector.broadcast %broadcast_in_dim3A_1178 : vector<512x1xf32> to vector<512x128xf32>
      %gt3A_1365 = arith.cmpf ogt, %slice3A_1363, %gt3A_1364 : vector<512x128xf32>
      %jit3A_1366 = arith.constant 3.000000e+38 : f32
      %broadcast_in_dim3A_1367 = vector.broadcast %jit3A_1366 : f32 to vector<512x128xf32>
      %select_n3A_1368 = arith.select %gt3A_1365, %slice3A_1363, %broadcast_in_dim3A_1367 : vector<512x128xi1>, vector<512x128xf32>
      %min3A_1369 = arith.minimumf %min3A_1362, %select_n3A_1368 : vector<512x128xf32>
      %slice3A_1370 = vector.extract_strided_slice %dot_general3A_5 {offsets = [0, 3456], sizes = [512, 128], strides = [1, 1]} : vector<512x4096xf32> to vector<512x128xf32>
      %gt3A_1371 = vector.broadcast %broadcast_in_dim3A_1178 : vector<512x1xf32> to vector<512x128xf32>
      %gt3A_1372 = arith.cmpf ogt, %slice3A_1370, %gt3A_1371 : vector<512x128xf32>
      %jit3A_1373 = arith.constant 3.000000e+38 : f32
      %broadcast_in_dim3A_1374 = vector.broadcast %jit3A_1373 : f32 to vector<512x128xf32>
      %select_n3A_1375 = arith.select %gt3A_1372, %slice3A_1370, %broadcast_in_dim3A_1374 : vector<512x128xi1>, vector<512x128xf32>
      %min3A_1376 = arith.minimumf %min3A_1369, %select_n3A_1375 : vector<512x128xf32>
      %slice3A_1377 = vector.extract_strided_slice %dot_general3A_5 {offsets = [0, 3584], sizes = [512, 128], strides = [1, 1]} : vector<512x4096xf32> to vector<512x128xf32>
      %gt3A_1378 = vector.broadcast %broadcast_in_dim3A_1178 : vector<512x1xf32> to vector<512x128xf32>
      %gt3A_1379 = arith.cmpf ogt, %slice3A_1377, %gt3A_1378 : vector<512x128xf32>
      %jit3A_1380 = arith.constant 3.000000e+38 : f32
      %broadcast_in_dim3A_1381 = vector.broadcast %jit3A_1380 : f32 to vector<512x128xf32>
      %select_n3A_1382 = arith.select %gt3A_1379, %slice3A_1377, %broadcast_in_dim3A_1381 : vector<512x128xi1>, vector<512x128xf32>
      %min3A_1383 = arith.minimumf %min3A_1376, %select_n3A_1382 : vector<512x128xf32>
      %slice3A_1384 = vector.extract_strided_slice %dot_general3A_5 {offsets = [0, 3712], sizes = [512, 128], strides = [1, 1]} : vector<512x4096xf32> to vector<512x128xf32>
      %gt3A_1385 = vector.broadcast %broadcast_in_dim3A_1178 : vector<512x1xf32> to vector<512x128xf32>
      %gt3A_1386 = arith.cmpf ogt, %slice3A_1384, %gt3A_1385 : vector<512x128xf32>
      %jit3A_1387 = arith.constant 3.000000e+38 : f32
      %broadcast_in_dim3A_1388 = vector.broadcast %jit3A_1387 : f32 to vector<512x128xf32>
      %select_n3A_1389 = arith.select %gt3A_1386, %slice3A_1384, %broadcast_in_dim3A_1388 : vector<512x128xi1>, vector<512x128xf32>
      %min3A_1390 = arith.minimumf %min3A_1383, %select_n3A_1389 : vector<512x128xf32>
      %slice3A_1391 = vector.extract_strided_slice %dot_general3A_5 {offsets = [0, 3840], sizes = [512, 128], strides = [1, 1]} : vector<512x4096xf32> to vector<512x128xf32>
      %gt3A_1392 = vector.broadcast %broadcast_in_dim3A_1178 : vector<512x1xf32> to vector<512x128xf32>
      %gt3A_1393 = arith.cmpf ogt, %slice3A_1391, %gt3A_1392 : vector<512x128xf32>
      %jit3A_1394 = arith.constant 3.000000e+38 : f32
      %broadcast_in_dim3A_1395 = vector.broadcast %jit3A_1394 : f32 to vector<512x128xf32>
      %select_n3A_1396 = arith.select %gt3A_1393, %slice3A_1391, %broadcast_in_dim3A_1395 : vector<512x128xi1>, vector<512x128xf32>
      %min3A_1397 = arith.minimumf %min3A_1390, %select_n3A_1396 : vector<512x128xf32>
      %slice3A_1398 = vector.extract_strided_slice %dot_general3A_5 {offsets = [0, 3968], sizes = [512, 128], strides = [1, 1]} : vector<512x4096xf32> to vector<512x128xf32>
      %gt3A_1399 = vector.broadcast %broadcast_in_dim3A_1178 : vector<512x1xf32> to vector<512x128xf32>
      %gt3A_1400 = arith.cmpf ogt, %slice3A_1398, %gt3A_1399 : vector<512x128xf32>
      %jit3A_1401 = arith.constant 3.000000e+38 : f32
      %broadcast_in_dim3A_1402 = vector.broadcast %jit3A_1401 : f32 to vector<512x128xf32>
      %select_n3A_1403 = arith.select %gt3A_1400, %slice3A_1398, %broadcast_in_dim3A_1402 : vector<512x128xi1>, vector<512x128xf32>
      %min3A_1404 = arith.minimumf %min3A_1397, %select_n3A_1403 : vector<512x128xf32>
      %reduce_min3A_1405 = arith.constant dense<0x7F800000> : vector<512xf32>
      %reduce_min3A_1406 = vector.multi_reduction <minimumf>, %min3A_1404, %reduce_min3A_1405 [1] : vector<512x128xf32> to vector<512xf32>
      %broadcast_in_dim3A_1407 = vector.shape_cast %reduce_min3A_1406 : vector<512xf32> to vector<512x1xf32>
      %broadcast_in_dim3A_1408 = arith.constant 3.000000e+38 : f32
      %broadcast_in_dim3A_1409 = vector.broadcast %broadcast_in_dim3A_1408 : f32 to vector<512x128xf32>
      %slice3A_1410 = vector.extract_strided_slice %dot_general3A_5 {offsets = [0, 0], sizes = [512, 128], strides = [1, 1]} : vector<512x4096xf32> to vector<512x128xf32>
      %gt3A_1411 = vector.broadcast %broadcast_in_dim3A_1407 : vector<512x1xf32> to vector<512x128xf32>
      %gt3A_1412 = arith.cmpf ogt, %slice3A_1410, %gt3A_1411 : vector<512x128xf32>
      %jit3A_1413 = arith.constant 3.000000e+38 : f32
      %broadcast_in_dim3A_1414 = vector.broadcast %jit3A_1413 : f32 to vector<512x128xf32>
      %select_n3A_1415 = arith.select %gt3A_1412, %slice3A_1410, %broadcast_in_dim3A_1414 : vector<512x128xi1>, vector<512x128xf32>
      %min3A_1416 = arith.minimumf %broadcast_in_dim3A_1409, %select_n3A_1415 : vector<512x128xf32>
      %slice3A_1417 = vector.extract_strided_slice %dot_general3A_5 {offsets = [0, 128], sizes = [512, 128], strides = [1, 1]} : vector<512x4096xf32> to vector<512x128xf32>
      %gt3A_1418 = vector.broadcast %broadcast_in_dim3A_1407 : vector<512x1xf32> to vector<512x128xf32>
      %gt3A_1419 = arith.cmpf ogt, %slice3A_1417, %gt3A_1418 : vector<512x128xf32>
      %jit3A_1420 = arith.constant 3.000000e+38 : f32
      %broadcast_in_dim3A_1421 = vector.broadcast %jit3A_1420 : f32 to vector<512x128xf32>
      %select_n3A_1422 = arith.select %gt3A_1419, %slice3A_1417, %broadcast_in_dim3A_1421 : vector<512x128xi1>, vector<512x128xf32>
      %min3A_1423 = arith.minimumf %min3A_1416, %select_n3A_1422 : vector<512x128xf32>
      %slice3A_1424 = vector.extract_strided_slice %dot_general3A_5 {offsets = [0, 256], sizes = [512, 128], strides = [1, 1]} : vector<512x4096xf32> to vector<512x128xf32>
      %gt3A_1425 = vector.broadcast %broadcast_in_dim3A_1407 : vector<512x1xf32> to vector<512x128xf32>
      %gt3A_1426 = arith.cmpf ogt, %slice3A_1424, %gt3A_1425 : vector<512x128xf32>
      %jit3A_1427 = arith.constant 3.000000e+38 : f32
      %broadcast_in_dim3A_1428 = vector.broadcast %jit3A_1427 : f32 to vector<512x128xf32>
      %select_n3A_1429 = arith.select %gt3A_1426, %slice3A_1424, %broadcast_in_dim3A_1428 : vector<512x128xi1>, vector<512x128xf32>
      %min3A_1430 = arith.minimumf %min3A_1423, %select_n3A_1429 : vector<512x128xf32>
      %slice3A_1431 = vector.extract_strided_slice %dot_general3A_5 {offsets = [0, 384], sizes = [512, 128], strides = [1, 1]} : vector<512x4096xf32> to vector<512x128xf32>
      %gt3A_1432 = vector.broadcast %broadcast_in_dim3A_1407 : vector<512x1xf32> to vector<512x128xf32>
      %gt3A_1433 = arith.cmpf ogt, %slice3A_1431, %gt3A_1432 : vector<512x128xf32>
      %jit3A_1434 = arith.constant 3.000000e+38 : f32
      %broadcast_in_dim3A_1435 = vector.broadcast %jit3A_1434 : f32 to vector<512x128xf32>
      %select_n3A_1436 = arith.select %gt3A_1433, %slice3A_1431, %broadcast_in_dim3A_1435 : vector<512x128xi1>, vector<512x128xf32>
      %min3A_1437 = arith.minimumf %min3A_1430, %select_n3A_1436 : vector<512x128xf32>
      %slice3A_1438 = vector.extract_strided_slice %dot_general3A_5 {offsets = [0, 512], sizes = [512, 128], strides = [1, 1]} : vector<512x4096xf32> to vector<512x128xf32>
      %gt3A_1439 = vector.broadcast %broadcast_in_dim3A_1407 : vector<512x1xf32> to vector<512x128xf32>
      %gt3A_1440 = arith.cmpf ogt, %slice3A_1438, %gt3A_1439 : vector<512x128xf32>
      %jit3A_1441 = arith.constant 3.000000e+38 : f32
      %broadcast_in_dim3A_1442 = vector.broadcast %jit3A_1441 : f32 to vector<512x128xf32>
      %select_n3A_1443 = arith.select %gt3A_1440, %slice3A_1438, %broadcast_in_dim3A_1442 : vector<512x128xi1>, vector<512x128xf32>
      %min3A_1444 = arith.minimumf %min3A_1437, %select_n3A_1443 : vector<512x128xf32>
      %slice3A_1445 = vector.extract_strided_slice %dot_general3A_5 {offsets = [0, 640], sizes = [512, 128], strides = [1, 1]} : vector<512x4096xf32> to vector<512x128xf32>
      %gt3A_1446 = vector.broadcast %broadcast_in_dim3A_1407 : vector<512x1xf32> to vector<512x128xf32>
      %gt3A_1447 = arith.cmpf ogt, %slice3A_1445, %gt3A_1446 : vector<512x128xf32>
      %jit3A_1448 = arith.constant 3.000000e+38 : f32
      %broadcast_in_dim3A_1449 = vector.broadcast %jit3A_1448 : f32 to vector<512x128xf32>
      %select_n3A_1450 = arith.select %gt3A_1447, %slice3A_1445, %broadcast_in_dim3A_1449 : vector<512x128xi1>, vector<512x128xf32>
      %min3A_1451 = arith.minimumf %min3A_1444, %select_n3A_1450 : vector<512x128xf32>
      %slice3A_1452 = vector.extract_strided_slice %dot_general3A_5 {offsets = [0, 768], sizes = [512, 128], strides = [1, 1]} : vector<512x4096xf32> to vector<512x128xf32>
      %gt3A_1453 = vector.broadcast %broadcast_in_dim3A_1407 : vector<512x1xf32> to vector<512x128xf32>
      %gt3A_1454 = arith.cmpf ogt, %slice3A_1452, %gt3A_1453 : vector<512x128xf32>
      %jit3A_1455 = arith.constant 3.000000e+38 : f32
      %broadcast_in_dim3A_1456 = vector.broadcast %jit3A_1455 : f32 to vector<512x128xf32>
      %select_n3A_1457 = arith.select %gt3A_1454, %slice3A_1452, %broadcast_in_dim3A_1456 : vector<512x128xi1>, vector<512x128xf32>
      %min3A_1458 = arith.minimumf %min3A_1451, %select_n3A_1457 : vector<512x128xf32>
      %slice3A_1459 = vector.extract_strided_slice %dot_general3A_5 {offsets = [0, 896], sizes = [512, 128], strides = [1, 1]} : vector<512x4096xf32> to vector<512x128xf32>
      %gt3A_1460 = vector.broadcast %broadcast_in_dim3A_1407 : vector<512x1xf32> to vector<512x128xf32>
      %gt3A_1461 = arith.cmpf ogt, %slice3A_1459, %gt3A_1460 : vector<512x128xf32>
      %jit3A_1462 = arith.constant 3.000000e+38 : f32
      %broadcast_in_dim3A_1463 = vector.broadcast %jit3A_1462 : f32 to vector<512x128xf32>
      %select_n3A_1464 = arith.select %gt3A_1461, %slice3A_1459, %broadcast_in_dim3A_1463 : vector<512x128xi1>, vector<512x128xf32>
      %min3A_1465 = arith.minimumf %min3A_1458, %select_n3A_1464 : vector<512x128xf32>
      %slice3A_1466 = vector.extract_strided_slice %dot_general3A_5 {offsets = [0, 1024], sizes = [512, 128], strides = [1, 1]} : vector<512x4096xf32> to vector<512x128xf32>
      %gt3A_1467 = vector.broadcast %broadcast_in_dim3A_1407 : vector<512x1xf32> to vector<512x128xf32>
      %gt3A_1468 = arith.cmpf ogt, %slice3A_1466, %gt3A_1467 : vector<512x128xf32>
      %jit3A_1469 = arith.constant 3.000000e+38 : f32
      %broadcast_in_dim3A_1470 = vector.broadcast %jit3A_1469 : f32 to vector<512x128xf32>
      %select_n3A_1471 = arith.select %gt3A_1468, %slice3A_1466, %broadcast_in_dim3A_1470 : vector<512x128xi1>, vector<512x128xf32>
      %min3A_1472 = arith.minimumf %min3A_1465, %select_n3A_1471 : vector<512x128xf32>
      %slice3A_1473 = vector.extract_strided_slice %dot_general3A_5 {offsets = [0, 1152], sizes = [512, 128], strides = [1, 1]} : vector<512x4096xf32> to vector<512x128xf32>
      %gt3A_1474 = vector.broadcast %broadcast_in_dim3A_1407 : vector<512x1xf32> to vector<512x128xf32>
      %gt3A_1475 = arith.cmpf ogt, %slice3A_1473, %gt3A_1474 : vector<512x128xf32>
      %jit3A_1476 = arith.constant 3.000000e+38 : f32
      %broadcast_in_dim3A_1477 = vector.broadcast %jit3A_1476 : f32 to vector<512x128xf32>
      %select_n3A_1478 = arith.select %gt3A_1475, %slice3A_1473, %broadcast_in_dim3A_1477 : vector<512x128xi1>, vector<512x128xf32>
      %min3A_1479 = arith.minimumf %min3A_1472, %select_n3A_1478 : vector<512x128xf32>
      %slice3A_1480 = vector.extract_strided_slice %dot_general3A_5 {offsets = [0, 1280], sizes = [512, 128], strides = [1, 1]} : vector<512x4096xf32> to vector<512x128xf32>
      %gt3A_1481 = vector.broadcast %broadcast_in_dim3A_1407 : vector<512x1xf32> to vector<512x128xf32>
      %gt3A_1482 = arith.cmpf ogt, %slice3A_1480, %gt3A_1481 : vector<512x128xf32>
      %jit3A_1483 = arith.constant 3.000000e+38 : f32
      %broadcast_in_dim3A_1484 = vector.broadcast %jit3A_1483 : f32 to vector<512x128xf32>
      %select_n3A_1485 = arith.select %gt3A_1482, %slice3A_1480, %broadcast_in_dim3A_1484 : vector<512x128xi1>, vector<512x128xf32>
      %min3A_1486 = arith.minimumf %min3A_1479, %select_n3A_1485 : vector<512x128xf32>
      %slice3A_1487 = vector.extract_strided_slice %dot_general3A_5 {offsets = [0, 1408], sizes = [512, 128], strides = [1, 1]} : vector<512x4096xf32> to vector<512x128xf32>
      %gt3A_1488 = vector.broadcast %broadcast_in_dim3A_1407 : vector<512x1xf32> to vector<512x128xf32>
      %gt3A_1489 = arith.cmpf ogt, %slice3A_1487, %gt3A_1488 : vector<512x128xf32>
      %jit3A_1490 = arith.constant 3.000000e+38 : f32
      %broadcast_in_dim3A_1491 = vector.broadcast %jit3A_1490 : f32 to vector<512x128xf32>
      %select_n3A_1492 = arith.select %gt3A_1489, %slice3A_1487, %broadcast_in_dim3A_1491 : vector<512x128xi1>, vector<512x128xf32>
      %min3A_1493 = arith.minimumf %min3A_1486, %select_n3A_1492 : vector<512x128xf32>
      %slice3A_1494 = vector.extract_strided_slice %dot_general3A_5 {offsets = [0, 1536], sizes = [512, 128], strides = [1, 1]} : vector<512x4096xf32> to vector<512x128xf32>
      %gt3A_1495 = vector.broadcast %broadcast_in_dim3A_1407 : vector<512x1xf32> to vector<512x128xf32>
      %gt3A_1496 = arith.cmpf ogt, %slice3A_1494, %gt3A_1495 : vector<512x128xf32>
      %jit3A_1497 = arith.constant 3.000000e+38 : f32
      %broadcast_in_dim3A_1498 = vector.broadcast %jit3A_1497 : f32 to vector<512x128xf32>
      %select_n3A_1499 = arith.select %gt3A_1496, %slice3A_1494, %broadcast_in_dim3A_1498 : vector<512x128xi1>, vector<512x128xf32>
      %min3A_1500 = arith.minimumf %min3A_1493, %select_n3A_1499 : vector<512x128xf32>
      %slice3A_1501 = vector.extract_strided_slice %dot_general3A_5 {offsets = [0, 1664], sizes = [512, 128], strides = [1, 1]} : vector<512x4096xf32> to vector<512x128xf32>
      %gt3A_1502 = vector.broadcast %broadcast_in_dim3A_1407 : vector<512x1xf32> to vector<512x128xf32>
      %gt3A_1503 = arith.cmpf ogt, %slice3A_1501, %gt3A_1502 : vector<512x128xf32>
      %jit3A_1504 = arith.constant 3.000000e+38 : f32
      %broadcast_in_dim3A_1505 = vector.broadcast %jit3A_1504 : f32 to vector<512x128xf32>
      %select_n3A_1506 = arith.select %gt3A_1503, %slice3A_1501, %broadcast_in_dim3A_1505 : vector<512x128xi1>, vector<512x128xf32>
      %min3A_1507 = arith.minimumf %min3A_1500, %select_n3A_1506 : vector<512x128xf32>
      %slice3A_1508 = vector.extract_strided_slice %dot_general3A_5 {offsets = [0, 1792], sizes = [512, 128], strides = [1, 1]} : vector<512x4096xf32> to vector<512x128xf32>
      %gt3A_1509 = vector.broadcast %broadcast_in_dim3A_1407 : vector<512x1xf32> to vector<512x128xf32>
      %gt3A_1510 = arith.cmpf ogt, %slice3A_1508, %gt3A_1509 : vector<512x128xf32>
      %jit3A_1511 = arith.constant 3.000000e+38 : f32
      %broadcast_in_dim3A_1512 = vector.broadcast %jit3A_1511 : f32 to vector<512x128xf32>
      %select_n3A_1513 = arith.select %gt3A_1510, %slice3A_1508, %broadcast_in_dim3A_1512 : vector<512x128xi1>, vector<512x128xf32>
      %min3A_1514 = arith.minimumf %min3A_1507, %select_n3A_1513 : vector<512x128xf32>
      %slice3A_1515 = vector.extract_strided_slice %dot_general3A_5 {offsets = [0, 1920], sizes = [512, 128], strides = [1, 1]} : vector<512x4096xf32> to vector<512x128xf32>
      %gt3A_1516 = vector.broadcast %broadcast_in_dim3A_1407 : vector<512x1xf32> to vector<512x128xf32>
      %gt3A_1517 = arith.cmpf ogt, %slice3A_1515, %gt3A_1516 : vector<512x128xf32>
      %jit3A_1518 = arith.constant 3.000000e+38 : f32
      %broadcast_in_dim3A_1519 = vector.broadcast %jit3A_1518 : f32 to vector<512x128xf32>
      %select_n3A_1520 = arith.select %gt3A_1517, %slice3A_1515, %broadcast_in_dim3A_1519 : vector<512x128xi1>, vector<512x128xf32>
      %min3A_1521 = arith.minimumf %min3A_1514, %select_n3A_1520 : vector<512x128xf32>
      %slice3A_1522 = vector.extract_strided_slice %dot_general3A_5 {offsets = [0, 2048], sizes = [512, 128], strides = [1, 1]} : vector<512x4096xf32> to vector<512x128xf32>
      %gt3A_1523 = vector.broadcast %broadcast_in_dim3A_1407 : vector<512x1xf32> to vector<512x128xf32>
      %gt3A_1524 = arith.cmpf ogt, %slice3A_1522, %gt3A_1523 : vector<512x128xf32>
      %jit3A_1525 = arith.constant 3.000000e+38 : f32
      %broadcast_in_dim3A_1526 = vector.broadcast %jit3A_1525 : f32 to vector<512x128xf32>
      %select_n3A_1527 = arith.select %gt3A_1524, %slice3A_1522, %broadcast_in_dim3A_1526 : vector<512x128xi1>, vector<512x128xf32>
      %min3A_1528 = arith.minimumf %min3A_1521, %select_n3A_1527 : vector<512x128xf32>
      %slice3A_1529 = vector.extract_strided_slice %dot_general3A_5 {offsets = [0, 2176], sizes = [512, 128], strides = [1, 1]} : vector<512x4096xf32> to vector<512x128xf32>
      %gt3A_1530 = vector.broadcast %broadcast_in_dim3A_1407 : vector<512x1xf32> to vector<512x128xf32>
      %gt3A_1531 = arith.cmpf ogt, %slice3A_1529, %gt3A_1530 : vector<512x128xf32>
      %jit3A_1532 = arith.constant 3.000000e+38 : f32
      %broadcast_in_dim3A_1533 = vector.broadcast %jit3A_1532 : f32 to vector<512x128xf32>
      %select_n3A_1534 = arith.select %gt3A_1531, %slice3A_1529, %broadcast_in_dim3A_1533 : vector<512x128xi1>, vector<512x128xf32>
      %min3A_1535 = arith.minimumf %min3A_1528, %select_n3A_1534 : vector<512x128xf32>
      %slice3A_1536 = vector.extract_strided_slice %dot_general3A_5 {offsets = [0, 2304], sizes = [512, 128], strides = [1, 1]} : vector<512x4096xf32> to vector<512x128xf32>
      %gt3A_1537 = vector.broadcast %broadcast_in_dim3A_1407 : vector<512x1xf32> to vector<512x128xf32>
      %gt3A_1538 = arith.cmpf ogt, %slice3A_1536, %gt3A_1537 : vector<512x128xf32>
      %jit3A_1539 = arith.constant 3.000000e+38 : f32
      %broadcast_in_dim3A_1540 = vector.broadcast %jit3A_1539 : f32 to vector<512x128xf32>
      %select_n3A_1541 = arith.select %gt3A_1538, %slice3A_1536, %broadcast_in_dim3A_1540 : vector<512x128xi1>, vector<512x128xf32>
      %min3A_1542 = arith.minimumf %min3A_1535, %select_n3A_1541 : vector<512x128xf32>
      %slice3A_1543 = vector.extract_strided_slice %dot_general3A_5 {offsets = [0, 2432], sizes = [512, 128], strides = [1, 1]} : vector<512x4096xf32> to vector<512x128xf32>
      %gt3A_1544 = vector.broadcast %broadcast_in_dim3A_1407 : vector<512x1xf32> to vector<512x128xf32>
      %gt3A_1545 = arith.cmpf ogt, %slice3A_1543, %gt3A_1544 : vector<512x128xf32>
      %jit3A_1546 = arith.constant 3.000000e+38 : f32
      %broadcast_in_dim3A_1547 = vector.broadcast %jit3A_1546 : f32 to vector<512x128xf32>
      %select_n3A_1548 = arith.select %gt3A_1545, %slice3A_1543, %broadcast_in_dim3A_1547 : vector<512x128xi1>, vector<512x128xf32>
      %min3A_1549 = arith.minimumf %min3A_1542, %select_n3A_1548 : vector<512x128xf32>
      %slice3A_1550 = vector.extract_strided_slice %dot_general3A_5 {offsets = [0, 2560], sizes = [512, 128], strides = [1, 1]} : vector<512x4096xf32> to vector<512x128xf32>
      %gt3A_1551 = vector.broadcast %broadcast_in_dim3A_1407 : vector<512x1xf32> to vector<512x128xf32>
      %gt3A_1552 = arith.cmpf ogt, %slice3A_1550, %gt3A_1551 : vector<512x128xf32>
      %jit3A_1553 = arith.constant 3.000000e+38 : f32
      %broadcast_in_dim3A_1554 = vector.broadcast %jit3A_1553 : f32 to vector<512x128xf32>
      %select_n3A_1555 = arith.select %gt3A_1552, %slice3A_1550, %broadcast_in_dim3A_1554 : vector<512x128xi1>, vector<512x128xf32>
      %min3A_1556 = arith.minimumf %min3A_1549, %select_n3A_1555 : vector<512x128xf32>
      %slice3A_1557 = vector.extract_strided_slice %dot_general3A_5 {offsets = [0, 2688], sizes = [512, 128], strides = [1, 1]} : vector<512x4096xf32> to vector<512x128xf32>
      %gt3A_1558 = vector.broadcast %broadcast_in_dim3A_1407 : vector<512x1xf32> to vector<512x128xf32>
      %gt3A_1559 = arith.cmpf ogt, %slice3A_1557, %gt3A_1558 : vector<512x128xf32>
      %jit3A_1560 = arith.constant 3.000000e+38 : f32
      %broadcast_in_dim3A_1561 = vector.broadcast %jit3A_1560 : f32 to vector<512x128xf32>
      %select_n3A_1562 = arith.select %gt3A_1559, %slice3A_1557, %broadcast_in_dim3A_1561 : vector<512x128xi1>, vector<512x128xf32>
      %min3A_1563 = arith.minimumf %min3A_1556, %select_n3A_1562 : vector<512x128xf32>
      %slice3A_1564 = vector.extract_strided_slice %dot_general3A_5 {offsets = [0, 2816], sizes = [512, 128], strides = [1, 1]} : vector<512x4096xf32> to vector<512x128xf32>
      %gt3A_1565 = vector.broadcast %broadcast_in_dim3A_1407 : vector<512x1xf32> to vector<512x128xf32>
      %gt3A_1566 = arith.cmpf ogt, %slice3A_1564, %gt3A_1565 : vector<512x128xf32>
      %jit3A_1567 = arith.constant 3.000000e+38 : f32
      %broadcast_in_dim3A_1568 = vector.broadcast %jit3A_1567 : f32 to vector<512x128xf32>
      %select_n3A_1569 = arith.select %gt3A_1566, %slice3A_1564, %broadcast_in_dim3A_1568 : vector<512x128xi1>, vector<512x128xf32>
      %min3A_1570 = arith.minimumf %min3A_1563, %select_n3A_1569 : vector<512x128xf32>
      %slice3A_1571 = vector.extract_strided_slice %dot_general3A_5 {offsets = [0, 2944], sizes = [512, 128], strides = [1, 1]} : vector<512x4096xf32> to vector<512x128xf32>
      %gt3A_1572 = vector.broadcast %broadcast_in_dim3A_1407 : vector<512x1xf32> to vector<512x128xf32>
      %gt3A_1573 = arith.cmpf ogt, %slice3A_1571, %gt3A_1572 : vector<512x128xf32>
      %jit3A_1574 = arith.constant 3.000000e+38 : f32
      %broadcast_in_dim3A_1575 = vector.broadcast %jit3A_1574 : f32 to vector<512x128xf32>
      %select_n3A_1576 = arith.select %gt3A_1573, %slice3A_1571, %broadcast_in_dim3A_1575 : vector<512x128xi1>, vector<512x128xf32>
      %min3A_1577 = arith.minimumf %min3A_1570, %select_n3A_1576 : vector<512x128xf32>
      %slice3A_1578 = vector.extract_strided_slice %dot_general3A_5 {offsets = [0, 3072], sizes = [512, 128], strides = [1, 1]} : vector<512x4096xf32> to vector<512x128xf32>
      %gt3A_1579 = vector.broadcast %broadcast_in_dim3A_1407 : vector<512x1xf32> to vector<512x128xf32>
      %gt3A_1580 = arith.cmpf ogt, %slice3A_1578, %gt3A_1579 : vector<512x128xf32>
      %jit3A_1581 = arith.constant 3.000000e+38 : f32
      %broadcast_in_dim3A_1582 = vector.broadcast %jit3A_1581 : f32 to vector<512x128xf32>
      %select_n3A_1583 = arith.select %gt3A_1580, %slice3A_1578, %broadcast_in_dim3A_1582 : vector<512x128xi1>, vector<512x128xf32>
      %min3A_1584 = arith.minimumf %min3A_1577, %select_n3A_1583 : vector<512x128xf32>
      %slice3A_1585 = vector.extract_strided_slice %dot_general3A_5 {offsets = [0, 3200], sizes = [512, 128], strides = [1, 1]} : vector<512x4096xf32> to vector<512x128xf32>
      %gt3A_1586 = vector.broadcast %broadcast_in_dim3A_1407 : vector<512x1xf32> to vector<512x128xf32>
      %gt3A_1587 = arith.cmpf ogt, %slice3A_1585, %gt3A_1586 : vector<512x128xf32>
      %jit3A_1588 = arith.constant 3.000000e+38 : f32
      %broadcast_in_dim3A_1589 = vector.broadcast %jit3A_1588 : f32 to vector<512x128xf32>
      %select_n3A_1590 = arith.select %gt3A_1587, %slice3A_1585, %broadcast_in_dim3A_1589 : vector<512x128xi1>, vector<512x128xf32>
      %min3A_1591 = arith.minimumf %min3A_1584, %select_n3A_1590 : vector<512x128xf32>
      %slice3A_1592 = vector.extract_strided_slice %dot_general3A_5 {offsets = [0, 3328], sizes = [512, 128], strides = [1, 1]} : vector<512x4096xf32> to vector<512x128xf32>
      %gt3A_1593 = vector.broadcast %broadcast_in_dim3A_1407 : vector<512x1xf32> to vector<512x128xf32>
      %gt3A_1594 = arith.cmpf ogt, %slice3A_1592, %gt3A_1593 : vector<512x128xf32>
      %jit3A_1595 = arith.constant 3.000000e+38 : f32
      %broadcast_in_dim3A_1596 = vector.broadcast %jit3A_1595 : f32 to vector<512x128xf32>
      %select_n3A_1597 = arith.select %gt3A_1594, %slice3A_1592, %broadcast_in_dim3A_1596 : vector<512x128xi1>, vector<512x128xf32>
      %min3A_1598 = arith.minimumf %min3A_1591, %select_n3A_1597 : vector<512x128xf32>
      %slice3A_1599 = vector.extract_strided_slice %dot_general3A_5 {offsets = [0, 3456], sizes = [512, 128], strides = [1, 1]} : vector<512x4096xf32> to vector<512x128xf32>
      %gt3A_1600 = vector.broadcast %broadcast_in_dim3A_1407 : vector<512x1xf32> to vector<512x128xf32>
      %gt3A_1601 = arith.cmpf ogt, %slice3A_1599, %gt3A_1600 : vector<512x128xf32>
      %jit3A_1602 = arith.constant 3.000000e+38 : f32
      %broadcast_in_dim3A_1603 = vector.broadcast %jit3A_1602 : f32 to vector<512x128xf32>
      %select_n3A_1604 = arith.select %gt3A_1601, %slice3A_1599, %broadcast_in_dim3A_1603 : vector<512x128xi1>, vector<512x128xf32>
      %min3A_1605 = arith.minimumf %min3A_1598, %select_n3A_1604 : vector<512x128xf32>
      %slice3A_1606 = vector.extract_strided_slice %dot_general3A_5 {offsets = [0, 3584], sizes = [512, 128], strides = [1, 1]} : vector<512x4096xf32> to vector<512x128xf32>
      %gt3A_1607 = vector.broadcast %broadcast_in_dim3A_1407 : vector<512x1xf32> to vector<512x128xf32>
      %gt3A_1608 = arith.cmpf ogt, %slice3A_1606, %gt3A_1607 : vector<512x128xf32>
      %jit3A_1609 = arith.constant 3.000000e+38 : f32
      %broadcast_in_dim3A_1610 = vector.broadcast %jit3A_1609 : f32 to vector<512x128xf32>
      %select_n3A_1611 = arith.select %gt3A_1608, %slice3A_1606, %broadcast_in_dim3A_1610 : vector<512x128xi1>, vector<512x128xf32>
      %min3A_1612 = arith.minimumf %min3A_1605, %select_n3A_1611 : vector<512x128xf32>
      %slice3A_1613 = vector.extract_strided_slice %dot_general3A_5 {offsets = [0, 3712], sizes = [512, 128], strides = [1, 1]} : vector<512x4096xf32> to vector<512x128xf32>
      %gt3A_1614 = vector.broadcast %broadcast_in_dim3A_1407 : vector<512x1xf32> to vector<512x128xf32>
      %gt3A_1615 = arith.cmpf ogt, %slice3A_1613, %gt3A_1614 : vector<512x128xf32>
      %jit3A_1616 = arith.constant 3.000000e+38 : f32
      %broadcast_in_dim3A_1617 = vector.broadcast %jit3A_1616 : f32 to vector<512x128xf32>
      %select_n3A_1618 = arith.select %gt3A_1615, %slice3A_1613, %broadcast_in_dim3A_1617 : vector<512x128xi1>, vector<512x128xf32>
      %min3A_1619 = arith.minimumf %min3A_1612, %select_n3A_1618 : vector<512x128xf32>
      %slice3A_1620 = vector.extract_strided_slice %dot_general3A_5 {offsets = [0, 3840], sizes = [512, 128], strides = [1, 1]} : vector<512x4096xf32> to vector<512x128xf32>
      %gt3A_1621 = vector.broadcast %broadcast_in_dim3A_1407 : vector<512x1xf32> to vector<512x128xf32>
      %gt3A_1622 = arith.cmpf ogt, %slice3A_1620, %gt3A_1621 : vector<512x128xf32>
      %jit3A_1623 = arith.constant 3.000000e+38 : f32
      %broadcast_in_dim3A_1624 = vector.broadcast %jit3A_1623 : f32 to vector<512x128xf32>
      %select_n3A_1625 = arith.select %gt3A_1622, %slice3A_1620, %broadcast_in_dim3A_1624 : vector<512x128xi1>, vector<512x128xf32>
      %min3A_1626 = arith.minimumf %min3A_1619, %select_n3A_1625 : vector<512x128xf32>
      %slice3A_1627 = vector.extract_strided_slice %dot_general3A_5 {offsets = [0, 3968], sizes = [512, 128], strides = [1, 1]} : vector<512x4096xf32> to vector<512x128xf32>
      %gt3A_1628 = vector.broadcast %broadcast_in_dim3A_1407 : vector<512x1xf32> to vector<512x128xf32>
      %gt3A_1629 = arith.cmpf ogt, %slice3A_1627, %gt3A_1628 : vector<512x128xf32>
      %jit3A_1630 = arith.constant 3.000000e+38 : f32
      %broadcast_in_dim3A_1631 = vector.broadcast %jit3A_1630 : f32 to vector<512x128xf32>
      %select_n3A_1632 = arith.select %gt3A_1629, %slice3A_1627, %broadcast_in_dim3A_1631 : vector<512x128xi1>, vector<512x128xf32>
      %min3A_1633 = arith.minimumf %min3A_1626, %select_n3A_1632 : vector<512x128xf32>
      %reduce_min3A_1634 = arith.constant dense<0x7F800000> : vector<512xf32>
      %reduce_min3A_1635 = vector.multi_reduction <minimumf>, %min3A_1633, %reduce_min3A_1634 [1] : vector<512x128xf32> to vector<512xf32>
      %broadcast_in_dim3A_1636 = vector.shape_cast %reduce_min3A_1635 : vector<512xf32> to vector<512x1xf32>
      %broadcast_in_dim3A_1637 = arith.constant 3.000000e+38 : f32
      %broadcast_in_dim3A_1638 = vector.broadcast %broadcast_in_dim3A_1637 : f32 to vector<512x128xf32>
      %slice3A_1639 = vector.extract_strided_slice %dot_general3A_5 {offsets = [0, 0], sizes = [512, 128], strides = [1, 1]} : vector<512x4096xf32> to vector<512x128xf32>
      %gt3A_1640 = vector.broadcast %broadcast_in_dim3A_1636 : vector<512x1xf32> to vector<512x128xf32>
      %gt3A_1641 = arith.cmpf ogt, %slice3A_1639, %gt3A_1640 : vector<512x128xf32>
      %jit3A_1642 = arith.constant 3.000000e+38 : f32
      %broadcast_in_dim3A_1643 = vector.broadcast %jit3A_1642 : f32 to vector<512x128xf32>
      %select_n3A_1644 = arith.select %gt3A_1641, %slice3A_1639, %broadcast_in_dim3A_1643 : vector<512x128xi1>, vector<512x128xf32>
      %min3A_1645 = arith.minimumf %broadcast_in_dim3A_1638, %select_n3A_1644 : vector<512x128xf32>
      %slice3A_1646 = vector.extract_strided_slice %dot_general3A_5 {offsets = [0, 128], sizes = [512, 128], strides = [1, 1]} : vector<512x4096xf32> to vector<512x128xf32>
      %gt3A_1647 = vector.broadcast %broadcast_in_dim3A_1636 : vector<512x1xf32> to vector<512x128xf32>
      %gt3A_1648 = arith.cmpf ogt, %slice3A_1646, %gt3A_1647 : vector<512x128xf32>
      %jit3A_1649 = arith.constant 3.000000e+38 : f32
      %broadcast_in_dim3A_1650 = vector.broadcast %jit3A_1649 : f32 to vector<512x128xf32>
      %select_n3A_1651 = arith.select %gt3A_1648, %slice3A_1646, %broadcast_in_dim3A_1650 : vector<512x128xi1>, vector<512x128xf32>
      %min3A_1652 = arith.minimumf %min3A_1645, %select_n3A_1651 : vector<512x128xf32>
      %slice3A_1653 = vector.extract_strided_slice %dot_general3A_5 {offsets = [0, 256], sizes = [512, 128], strides = [1, 1]} : vector<512x4096xf32> to vector<512x128xf32>
      %gt3A_1654 = vector.broadcast %broadcast_in_dim3A_1636 : vector<512x1xf32> to vector<512x128xf32>
      %gt3A_1655 = arith.cmpf ogt, %slice3A_1653, %gt3A_1654 : vector<512x128xf32>
      %jit3A_1656 = arith.constant 3.000000e+38 : f32
      %broadcast_in_dim3A_1657 = vector.broadcast %jit3A_1656 : f32 to vector<512x128xf32>
      %select_n3A_1658 = arith.select %gt3A_1655, %slice3A_1653, %broadcast_in_dim3A_1657 : vector<512x128xi1>, vector<512x128xf32>
      %min3A_1659 = arith.minimumf %min3A_1652, %select_n3A_1658 : vector<512x128xf32>
      %slice3A_1660 = vector.extract_strided_slice %dot_general3A_5 {offsets = [0, 384], sizes = [512, 128], strides = [1, 1]} : vector<512x4096xf32> to vector<512x128xf32>
      %gt3A_1661 = vector.broadcast %broadcast_in_dim3A_1636 : vector<512x1xf32> to vector<512x128xf32>
      %gt3A_1662 = arith.cmpf ogt, %slice3A_1660, %gt3A_1661 : vector<512x128xf32>
      %jit3A_1663 = arith.constant 3.000000e+38 : f32
      %broadcast_in_dim3A_1664 = vector.broadcast %jit3A_1663 : f32 to vector<512x128xf32>
      %select_n3A_1665 = arith.select %gt3A_1662, %slice3A_1660, %broadcast_in_dim3A_1664 : vector<512x128xi1>, vector<512x128xf32>
      %min3A_1666 = arith.minimumf %min3A_1659, %select_n3A_1665 : vector<512x128xf32>
      %slice3A_1667 = vector.extract_strided_slice %dot_general3A_5 {offsets = [0, 512], sizes = [512, 128], strides = [1, 1]} : vector<512x4096xf32> to vector<512x128xf32>
      %gt3A_1668 = vector.broadcast %broadcast_in_dim3A_1636 : vector<512x1xf32> to vector<512x128xf32>
      %gt3A_1669 = arith.cmpf ogt, %slice3A_1667, %gt3A_1668 : vector<512x128xf32>
      %jit3A_1670 = arith.constant 3.000000e+38 : f32
      %broadcast_in_dim3A_1671 = vector.broadcast %jit3A_1670 : f32 to vector<512x128xf32>
      %select_n3A_1672 = arith.select %gt3A_1669, %slice3A_1667, %broadcast_in_dim3A_1671 : vector<512x128xi1>, vector<512x128xf32>
      %min3A_1673 = arith.minimumf %min3A_1666, %select_n3A_1672 : vector<512x128xf32>
      %slice3A_1674 = vector.extract_strided_slice %dot_general3A_5 {offsets = [0, 640], sizes = [512, 128], strides = [1, 1]} : vector<512x4096xf32> to vector<512x128xf32>
      %gt3A_1675 = vector.broadcast %broadcast_in_dim3A_1636 : vector<512x1xf32> to vector<512x128xf32>
      %gt3A_1676 = arith.cmpf ogt, %slice3A_1674, %gt3A_1675 : vector<512x128xf32>
      %jit3A_1677 = arith.constant 3.000000e+38 : f32
      %broadcast_in_dim3A_1678 = vector.broadcast %jit3A_1677 : f32 to vector<512x128xf32>
      %select_n3A_1679 = arith.select %gt3A_1676, %slice3A_1674, %broadcast_in_dim3A_1678 : vector<512x128xi1>, vector<512x128xf32>
      %min3A_1680 = arith.minimumf %min3A_1673, %select_n3A_1679 : vector<512x128xf32>
      %slice3A_1681 = vector.extract_strided_slice %dot_general3A_5 {offsets = [0, 768], sizes = [512, 128], strides = [1, 1]} : vector<512x4096xf32> to vector<512x128xf32>
      %gt3A_1682 = vector.broadcast %broadcast_in_dim3A_1636 : vector<512x1xf32> to vector<512x128xf32>
      %gt3A_1683 = arith.cmpf ogt, %slice3A_1681, %gt3A_1682 : vector<512x128xf32>
      %jit3A_1684 = arith.constant 3.000000e+38 : f32
      %broadcast_in_dim3A_1685 = vector.broadcast %jit3A_1684 : f32 to vector<512x128xf32>
      %select_n3A_1686 = arith.select %gt3A_1683, %slice3A_1681, %broadcast_in_dim3A_1685 : vector<512x128xi1>, vector<512x128xf32>
      %min3A_1687 = arith.minimumf %min3A_1680, %select_n3A_1686 : vector<512x128xf32>
      %slice3A_1688 = vector.extract_strided_slice %dot_general3A_5 {offsets = [0, 896], sizes = [512, 128], strides = [1, 1]} : vector<512x4096xf32> to vector<512x128xf32>
      %gt3A_1689 = vector.broadcast %broadcast_in_dim3A_1636 : vector<512x1xf32> to vector<512x128xf32>
      %gt3A_1690 = arith.cmpf ogt, %slice3A_1688, %gt3A_1689 : vector<512x128xf32>
      %jit3A_1691 = arith.constant 3.000000e+38 : f32
      %broadcast_in_dim3A_1692 = vector.broadcast %jit3A_1691 : f32 to vector<512x128xf32>
      %select_n3A_1693 = arith.select %gt3A_1690, %slice3A_1688, %broadcast_in_dim3A_1692 : vector<512x128xi1>, vector<512x128xf32>
      %min3A_1694 = arith.minimumf %min3A_1687, %select_n3A_1693 : vector<512x128xf32>
      %slice3A_1695 = vector.extract_strided_slice %dot_general3A_5 {offsets = [0, 1024], sizes = [512, 128], strides = [1, 1]} : vector<512x4096xf32> to vector<512x128xf32>
      %gt3A_1696 = vector.broadcast %broadcast_in_dim3A_1636 : vector<512x1xf32> to vector<512x128xf32>
      %gt3A_1697 = arith.cmpf ogt, %slice3A_1695, %gt3A_1696 : vector<512x128xf32>
      %jit3A_1698 = arith.constant 3.000000e+38 : f32
      %broadcast_in_dim3A_1699 = vector.broadcast %jit3A_1698 : f32 to vector<512x128xf32>
      %select_n3A_1700 = arith.select %gt3A_1697, %slice3A_1695, %broadcast_in_dim3A_1699 : vector<512x128xi1>, vector<512x128xf32>
      %min3A_1701 = arith.minimumf %min3A_1694, %select_n3A_1700 : vector<512x128xf32>
      %slice3A_1702 = vector.extract_strided_slice %dot_general3A_5 {offsets = [0, 1152], sizes = [512, 128], strides = [1, 1]} : vector<512x4096xf32> to vector<512x128xf32>
      %gt3A_1703 = vector.broadcast %broadcast_in_dim3A_1636 : vector<512x1xf32> to vector<512x128xf32>
      %gt3A_1704 = arith.cmpf ogt, %slice3A_1702, %gt3A_1703 : vector<512x128xf32>
      %jit3A_1705 = arith.constant 3.000000e+38 : f32
      %broadcast_in_dim3A_1706 = vector.broadcast %jit3A_1705 : f32 to vector<512x128xf32>
      %select_n3A_1707 = arith.select %gt3A_1704, %slice3A_1702, %broadcast_in_dim3A_1706 : vector<512x128xi1>, vector<512x128xf32>
      %min3A_1708 = arith.minimumf %min3A_1701, %select_n3A_1707 : vector<512x128xf32>
      %slice3A_1709 = vector.extract_strided_slice %dot_general3A_5 {offsets = [0, 1280], sizes = [512, 128], strides = [1, 1]} : vector<512x4096xf32> to vector<512x128xf32>
      %gt3A_1710 = vector.broadcast %broadcast_in_dim3A_1636 : vector<512x1xf32> to vector<512x128xf32>
      %gt3A_1711 = arith.cmpf ogt, %slice3A_1709, %gt3A_1710 : vector<512x128xf32>
      %jit3A_1712 = arith.constant 3.000000e+38 : f32
      %broadcast_in_dim3A_1713 = vector.broadcast %jit3A_1712 : f32 to vector<512x128xf32>
      %select_n3A_1714 = arith.select %gt3A_1711, %slice3A_1709, %broadcast_in_dim3A_1713 : vector<512x128xi1>, vector<512x128xf32>
      %min3A_1715 = arith.minimumf %min3A_1708, %select_n3A_1714 : vector<512x128xf32>
      %slice3A_1716 = vector.extract_strided_slice %dot_general3A_5 {offsets = [0, 1408], sizes = [512, 128], strides = [1, 1]} : vector<512x4096xf32> to vector<512x128xf32>
      %gt3A_1717 = vector.broadcast %broadcast_in_dim3A_1636 : vector<512x1xf32> to vector<512x128xf32>
      %gt3A_1718 = arith.cmpf ogt, %slice3A_1716, %gt3A_1717 : vector<512x128xf32>
      %jit3A_1719 = arith.constant 3.000000e+38 : f32
      %broadcast_in_dim3A_1720 = vector.broadcast %jit3A_1719 : f32 to vector<512x128xf32>
      %select_n3A_1721 = arith.select %gt3A_1718, %slice3A_1716, %broadcast_in_dim3A_1720 : vector<512x128xi1>, vector<512x128xf32>
      %min3A_1722 = arith.minimumf %min3A_1715, %select_n3A_1721 : vector<512x128xf32>
      %slice3A_1723 = vector.extract_strided_slice %dot_general3A_5 {offsets = [0, 1536], sizes = [512, 128], strides = [1, 1]} : vector<512x4096xf32> to vector<512x128xf32>
      %gt3A_1724 = vector.broadcast %broadcast_in_dim3A_1636 : vector<512x1xf32> to vector<512x128xf32>
      %gt3A_1725 = arith.cmpf ogt, %slice3A_1723, %gt3A_1724 : vector<512x128xf32>
      %jit3A_1726 = arith.constant 3.000000e+38 : f32
      %broadcast_in_dim3A_1727 = vector.broadcast %jit3A_1726 : f32 to vector<512x128xf32>
      %select_n3A_1728 = arith.select %gt3A_1725, %slice3A_1723, %broadcast_in_dim3A_1727 : vector<512x128xi1>, vector<512x128xf32>
      %min3A_1729 = arith.minimumf %min3A_1722, %select_n3A_1728 : vector<512x128xf32>
      %slice3A_1730 = vector.extract_strided_slice %dot_general3A_5 {offsets = [0, 1664], sizes = [512, 128], strides = [1, 1]} : vector<512x4096xf32> to vector<512x128xf32>
      %gt3A_1731 = vector.broadcast %broadcast_in_dim3A_1636 : vector<512x1xf32> to vector<512x128xf32>
      %gt3A_1732 = arith.cmpf ogt, %slice3A_1730, %gt3A_1731 : vector<512x128xf32>
      %jit3A_1733 = arith.constant 3.000000e+38 : f32
      %broadcast_in_dim3A_1734 = vector.broadcast %jit3A_1733 : f32 to vector<512x128xf32>
      %select_n3A_1735 = arith.select %gt3A_1732, %slice3A_1730, %broadcast_in_dim3A_1734 : vector<512x128xi1>, vector<512x128xf32>
      %min3A_1736 = arith.minimumf %min3A_1729, %select_n3A_1735 : vector<512x128xf32>
      %slice3A_1737 = vector.extract_strided_slice %dot_general3A_5 {offsets = [0, 1792], sizes = [512, 128], strides = [1, 1]} : vector<512x4096xf32> to vector<512x128xf32>
      %gt3A_1738 = vector.broadcast %broadcast_in_dim3A_1636 : vector<512x1xf32> to vector<512x128xf32>
      %gt3A_1739 = arith.cmpf ogt, %slice3A_1737, %gt3A_1738 : vector<512x128xf32>
      %jit3A_1740 = arith.constant 3.000000e+38 : f32
      %broadcast_in_dim3A_1741 = vector.broadcast %jit3A_1740 : f32 to vector<512x128xf32>
      %select_n3A_1742 = arith.select %gt3A_1739, %slice3A_1737, %broadcast_in_dim3A_1741 : vector<512x128xi1>, vector<512x128xf32>
      %min3A_1743 = arith.minimumf %min3A_1736, %select_n3A_1742 : vector<512x128xf32>
      %slice3A_1744 = vector.extract_strided_slice %dot_general3A_5 {offsets = [0, 1920], sizes = [512, 128], strides = [1, 1]} : vector<512x4096xf32> to vector<512x128xf32>
      %gt3A_1745 = vector.broadcast %broadcast_in_dim3A_1636 : vector<512x1xf32> to vector<512x128xf32>
      %gt3A_1746 = arith.cmpf ogt, %slice3A_1744, %gt3A_1745 : vector<512x128xf32>
      %jit3A_1747 = arith.constant 3.000000e+38 : f32
      %broadcast_in_dim3A_1748 = vector.broadcast %jit3A_1747 : f32 to vector<512x128xf32>
      %select_n3A_1749 = arith.select %gt3A_1746, %slice3A_1744, %broadcast_in_dim3A_1748 : vector<512x128xi1>, vector<512x128xf32>
      %min3A_1750 = arith.minimumf %min3A_1743, %select_n3A_1749 : vector<512x128xf32>
      %slice3A_1751 = vector.extract_strided_slice %dot_general3A_5 {offsets = [0, 2048], sizes = [512, 128], strides = [1, 1]} : vector<512x4096xf32> to vector<512x128xf32>
      %gt3A_1752 = vector.broadcast %broadcast_in_dim3A_1636 : vector<512x1xf32> to vector<512x128xf32>
      %gt3A_1753 = arith.cmpf ogt, %slice3A_1751, %gt3A_1752 : vector<512x128xf32>
      %jit3A_1754 = arith.constant 3.000000e+38 : f32
      %broadcast_in_dim3A_1755 = vector.broadcast %jit3A_1754 : f32 to vector<512x128xf32>
      %select_n3A_1756 = arith.select %gt3A_1753, %slice3A_1751, %broadcast_in_dim3A_1755 : vector<512x128xi1>, vector<512x128xf32>
      %min3A_1757 = arith.minimumf %min3A_1750, %select_n3A_1756 : vector<512x128xf32>
      %slice3A_1758 = vector.extract_strided_slice %dot_general3A_5 {offsets = [0, 2176], sizes = [512, 128], strides = [1, 1]} : vector<512x4096xf32> to vector<512x128xf32>
      %gt3A_1759 = vector.broadcast %broadcast_in_dim3A_1636 : vector<512x1xf32> to vector<512x128xf32>
      %gt3A_1760 = arith.cmpf ogt, %slice3A_1758, %gt3A_1759 : vector<512x128xf32>
      %jit3A_1761 = arith.constant 3.000000e+38 : f32
      %broadcast_in_dim3A_1762 = vector.broadcast %jit3A_1761 : f32 to vector<512x128xf32>
      %select_n3A_1763 = arith.select %gt3A_1760, %slice3A_1758, %broadcast_in_dim3A_1762 : vector<512x128xi1>, vector<512x128xf32>
      %min3A_1764 = arith.minimumf %min3A_1757, %select_n3A_1763 : vector<512x128xf32>
      %slice3A_1765 = vector.extract_strided_slice %dot_general3A_5 {offsets = [0, 2304], sizes = [512, 128], strides = [1, 1]} : vector<512x4096xf32> to vector<512x128xf32>
      %gt3A_1766 = vector.broadcast %broadcast_in_dim3A_1636 : vector<512x1xf32> to vector<512x128xf32>
      %gt3A_1767 = arith.cmpf ogt, %slice3A_1765, %gt3A_1766 : vector<512x128xf32>
      %jit3A_1768 = arith.constant 3.000000e+38 : f32
      %broadcast_in_dim3A_1769 = vector.broadcast %jit3A_1768 : f32 to vector<512x128xf32>
      %select_n3A_1770 = arith.select %gt3A_1767, %slice3A_1765, %broadcast_in_dim3A_1769 : vector<512x128xi1>, vector<512x128xf32>
      %min3A_1771 = arith.minimumf %min3A_1764, %select_n3A_1770 : vector<512x128xf32>
      %slice3A_1772 = vector.extract_strided_slice %dot_general3A_5 {offsets = [0, 2432], sizes = [512, 128], strides = [1, 1]} : vector<512x4096xf32> to vector<512x128xf32>
      %gt3A_1773 = vector.broadcast %broadcast_in_dim3A_1636 : vector<512x1xf32> to vector<512x128xf32>
      %gt3A_1774 = arith.cmpf ogt, %slice3A_1772, %gt3A_1773 : vector<512x128xf32>
      %jit3A_1775 = arith.constant 3.000000e+38 : f32
      %broadcast_in_dim3A_1776 = vector.broadcast %jit3A_1775 : f32 to vector<512x128xf32>
      %select_n3A_1777 = arith.select %gt3A_1774, %slice3A_1772, %broadcast_in_dim3A_1776 : vector<512x128xi1>, vector<512x128xf32>
      %min3A_1778 = arith.minimumf %min3A_1771, %select_n3A_1777 : vector<512x128xf32>
      %slice3A_1779 = vector.extract_strided_slice %dot_general3A_5 {offsets = [0, 2560], sizes = [512, 128], strides = [1, 1]} : vector<512x4096xf32> to vector<512x128xf32>
      %gt3A_1780 = vector.broadcast %broadcast_in_dim3A_1636 : vector<512x1xf32> to vector<512x128xf32>
      %gt3A_1781 = arith.cmpf ogt, %slice3A_1779, %gt3A_1780 : vector<512x128xf32>
      %jit3A_1782 = arith.constant 3.000000e+38 : f32
      %broadcast_in_dim3A_1783 = vector.broadcast %jit3A_1782 : f32 to vector<512x128xf32>
      %select_n3A_1784 = arith.select %gt3A_1781, %slice3A_1779, %broadcast_in_dim3A_1783 : vector<512x128xi1>, vector<512x128xf32>
      %min3A_1785 = arith.minimumf %min3A_1778, %select_n3A_1784 : vector<512x128xf32>
      %slice3A_1786 = vector.extract_strided_slice %dot_general3A_5 {offsets = [0, 2688], sizes = [512, 128], strides = [1, 1]} : vector<512x4096xf32> to vector<512x128xf32>
      %gt3A_1787 = vector.broadcast %broadcast_in_dim3A_1636 : vector<512x1xf32> to vector<512x128xf32>
      %gt3A_1788 = arith.cmpf ogt, %slice3A_1786, %gt3A_1787 : vector<512x128xf32>
      %jit3A_1789 = arith.constant 3.000000e+38 : f32
      %broadcast_in_dim3A_1790 = vector.broadcast %jit3A_1789 : f32 to vector<512x128xf32>
      %select_n3A_1791 = arith.select %gt3A_1788, %slice3A_1786, %broadcast_in_dim3A_1790 : vector<512x128xi1>, vector<512x128xf32>
      %min3A_1792 = arith.minimumf %min3A_1785, %select_n3A_1791 : vector<512x128xf32>
      %slice3A_1793 = vector.extract_strided_slice %dot_general3A_5 {offsets = [0, 2816], sizes = [512, 128], strides = [1, 1]} : vector<512x4096xf32> to vector<512x128xf32>
      %gt3A_1794 = vector.broadcast %broadcast_in_dim3A_1636 : vector<512x1xf32> to vector<512x128xf32>
      %gt3A_1795 = arith.cmpf ogt, %slice3A_1793, %gt3A_1794 : vector<512x128xf32>
      %jit3A_1796 = arith.constant 3.000000e+38 : f32
      %broadcast_in_dim3A_1797 = vector.broadcast %jit3A_1796 : f32 to vector<512x128xf32>
      %select_n3A_1798 = arith.select %gt3A_1795, %slice3A_1793, %broadcast_in_dim3A_1797 : vector<512x128xi1>, vector<512x128xf32>
      %min3A_1799 = arith.minimumf %min3A_1792, %select_n3A_1798 : vector<512x128xf32>
      %slice3A_1800 = vector.extract_strided_slice %dot_general3A_5 {offsets = [0, 2944], sizes = [512, 128], strides = [1, 1]} : vector<512x4096xf32> to vector<512x128xf32>
      %gt3A_1801 = vector.broadcast %broadcast_in_dim3A_1636 : vector<512x1xf32> to vector<512x128xf32>
      %gt3A_1802 = arith.cmpf ogt, %slice3A_1800, %gt3A_1801 : vector<512x128xf32>
      %jit3A_1803 = arith.constant 3.000000e+38 : f32
      %broadcast_in_dim3A_1804 = vector.broadcast %jit3A_1803 : f32 to vector<512x128xf32>
      %select_n3A_1805 = arith.select %gt3A_1802, %slice3A_1800, %broadcast_in_dim3A_1804 : vector<512x128xi1>, vector<512x128xf32>
      %min3A_1806 = arith.minimumf %min3A_1799, %select_n3A_1805 : vector<512x128xf32>
      %slice3A_1807 = vector.extract_strided_slice %dot_general3A_5 {offsets = [0, 3072], sizes = [512, 128], strides = [1, 1]} : vector<512x4096xf32> to vector<512x128xf32>
      %gt3A_1808 = vector.broadcast %broadcast_in_dim3A_1636 : vector<512x1xf32> to vector<512x128xf32>
      %gt3A_1809 = arith.cmpf ogt, %slice3A_1807, %gt3A_1808 : vector<512x128xf32>
      %jit3A_1810 = arith.constant 3.000000e+38 : f32
      %broadcast_in_dim3A_1811 = vector.broadcast %jit3A_1810 : f32 to vector<512x128xf32>
      %select_n3A_1812 = arith.select %gt3A_1809, %slice3A_1807, %broadcast_in_dim3A_1811 : vector<512x128xi1>, vector<512x128xf32>
      %min3A_1813 = arith.minimumf %min3A_1806, %select_n3A_1812 : vector<512x128xf32>
      %slice3A_1814 = vector.extract_strided_slice %dot_general3A_5 {offsets = [0, 3200], sizes = [512, 128], strides = [1, 1]} : vector<512x4096xf32> to vector<512x128xf32>
      %gt3A_1815 = vector.broadcast %broadcast_in_dim3A_1636 : vector<512x1xf32> to vector<512x128xf32>
      %gt3A_1816 = arith.cmpf ogt, %slice3A_1814, %gt3A_1815 : vector<512x128xf32>
      %jit3A_1817 = arith.constant 3.000000e+38 : f32
      %broadcast_in_dim3A_1818 = vector.broadcast %jit3A_1817 : f32 to vector<512x128xf32>
      %select_n3A_1819 = arith.select %gt3A_1816, %slice3A_1814, %broadcast_in_dim3A_1818 : vector<512x128xi1>, vector<512x128xf32>
      %min3A_1820 = arith.minimumf %min3A_1813, %select_n3A_1819 : vector<512x128xf32>
      %slice3A_1821 = vector.extract_strided_slice %dot_general3A_5 {offsets = [0, 3328], sizes = [512, 128], strides = [1, 1]} : vector<512x4096xf32> to vector<512x128xf32>
      %gt3A_1822 = vector.broadcast %broadcast_in_dim3A_1636 : vector<512x1xf32> to vector<512x128xf32>
      %gt3A_1823 = arith.cmpf ogt, %slice3A_1821, %gt3A_1822 : vector<512x128xf32>
      %jit3A_1824 = arith.constant 3.000000e+38 : f32
      %broadcast_in_dim3A_1825 = vector.broadcast %jit3A_1824 : f32 to vector<512x128xf32>
      %select_n3A_1826 = arith.select %gt3A_1823, %slice3A_1821, %broadcast_in_dim3A_1825 : vector<512x128xi1>, vector<512x128xf32>
      %min3A_1827 = arith.minimumf %min3A_1820, %select_n3A_1826 : vector<512x128xf32>
      %slice3A_1828 = vector.extract_strided_slice %dot_general3A_5 {offsets = [0, 3456], sizes = [512, 128], strides = [1, 1]} : vector<512x4096xf32> to vector<512x128xf32>
      %gt3A_1829 = vector.broadcast %broadcast_in_dim3A_1636 : vector<512x1xf32> to vector<512x128xf32>
      %gt3A_1830 = arith.cmpf ogt, %slice3A_1828, %gt3A_1829 : vector<512x128xf32>
      %jit3A_1831 = arith.constant 3.000000e+38 : f32
      %broadcast_in_dim3A_1832 = vector.broadcast %jit3A_1831 : f32 to vector<512x128xf32>
      %select_n3A_1833 = arith.select %gt3A_1830, %slice3A_1828, %broadcast_in_dim3A_1832 : vector<512x128xi1>, vector<512x128xf32>
      %min3A_1834 = arith.minimumf %min3A_1827, %select_n3A_1833 : vector<512x128xf32>
      %slice3A_1835 = vector.extract_strided_slice %dot_general3A_5 {offsets = [0, 3584], sizes = [512, 128], strides = [1, 1]} : vector<512x4096xf32> to vector<512x128xf32>
      %gt3A_1836 = vector.broadcast %broadcast_in_dim3A_1636 : vector<512x1xf32> to vector<512x128xf32>
      %gt3A_1837 = arith.cmpf ogt, %slice3A_1835, %gt3A_1836 : vector<512x128xf32>
      %jit3A_1838 = arith.constant 3.000000e+38 : f32
      %broadcast_in_dim3A_1839 = vector.broadcast %jit3A_1838 : f32 to vector<512x128xf32>
      %select_n3A_1840 = arith.select %gt3A_1837, %slice3A_1835, %broadcast_in_dim3A_1839 : vector<512x128xi1>, vector<512x128xf32>
      %min3A_1841 = arith.minimumf %min3A_1834, %select_n3A_1840 : vector<512x128xf32>
      %slice3A_1842 = vector.extract_strided_slice %dot_general3A_5 {offsets = [0, 3712], sizes = [512, 128], strides = [1, 1]} : vector<512x4096xf32> to vector<512x128xf32>
      %gt3A_1843 = vector.broadcast %broadcast_in_dim3A_1636 : vector<512x1xf32> to vector<512x128xf32>
      %gt3A_1844 = arith.cmpf ogt, %slice3A_1842, %gt3A_1843 : vector<512x128xf32>
      %jit3A_1845 = arith.constant 3.000000e+38 : f32
      %broadcast_in_dim3A_1846 = vector.broadcast %jit3A_1845 : f32 to vector<512x128xf32>
      %select_n3A_1847 = arith.select %gt3A_1844, %slice3A_1842, %broadcast_in_dim3A_1846 : vector<512x128xi1>, vector<512x128xf32>
      %min3A_1848 = arith.minimumf %min3A_1841, %select_n3A_1847 : vector<512x128xf32>
      %slice3A_1849 = vector.extract_strided_slice %dot_general3A_5 {offsets = [0, 3840], sizes = [512, 128], strides = [1, 1]} : vector<512x4096xf32> to vector<512x128xf32>
      %gt3A_1850 = vector.broadcast %broadcast_in_dim3A_1636 : vector<512x1xf32> to vector<512x128xf32>
      %gt3A_1851 = arith.cmpf ogt, %slice3A_1849, %gt3A_1850 : vector<512x128xf32>
      %jit3A_1852 = arith.constant 3.000000e+38 : f32
      %broadcast_in_dim3A_1853 = vector.broadcast %jit3A_1852 : f32 to vector<512x128xf32>
      %select_n3A_1854 = arith.select %gt3A_1851, %slice3A_1849, %broadcast_in_dim3A_1853 : vector<512x128xi1>, vector<512x128xf32>
      %min3A_1855 = arith.minimumf %min3A_1848, %select_n3A_1854 : vector<512x128xf32>
      %slice3A_1856 = vector.extract_strided_slice %dot_general3A_5 {offsets = [0, 3968], sizes = [512, 128], strides = [1, 1]} : vector<512x4096xf32> to vector<512x128xf32>
      %gt3A_1857 = vector.broadcast %broadcast_in_dim3A_1636 : vector<512x1xf32> to vector<512x128xf32>
      %gt3A_1858 = arith.cmpf ogt, %slice3A_1856, %gt3A_1857 : vector<512x128xf32>
      %jit3A_1859 = arith.constant 3.000000e+38 : f32
      %broadcast_in_dim3A_1860 = vector.broadcast %jit3A_1859 : f32 to vector<512x128xf32>
      %select_n3A_1861 = arith.select %gt3A_1858, %slice3A_1856, %broadcast_in_dim3A_1860 : vector<512x128xi1>, vector<512x128xf32>
      %min3A_1862 = arith.minimumf %min3A_1855, %select_n3A_1861 : vector<512x128xf32>
      %reduce_min3A_1863 = arith.constant dense<0x7F800000> : vector<512xf32>
      %reduce_min3A_1864 = vector.multi_reduction <minimumf>, %min3A_1862, %reduce_min3A_1863 [1] : vector<512x128xf32> to vector<512xf32>
      %broadcast_in_dim3A_1865 = vector.shape_cast %reduce_min3A_1864 : vector<512xf32> to vector<512x1xf32>
      %broadcast_in_dim3A_1866 = arith.constant 3.000000e+38 : f32
      %broadcast_in_dim3A_1867 = vector.broadcast %broadcast_in_dim3A_1866 : f32 to vector<512x128xf32>
      %slice3A_1868 = vector.extract_strided_slice %dot_general3A_5 {offsets = [0, 0], sizes = [512, 128], strides = [1, 1]} : vector<512x4096xf32> to vector<512x128xf32>
      %gt3A_1869 = vector.broadcast %broadcast_in_dim3A_1865 : vector<512x1xf32> to vector<512x128xf32>
      %gt3A_1870 = arith.cmpf ogt, %slice3A_1868, %gt3A_1869 : vector<512x128xf32>
      %jit3A_1871 = arith.constant 3.000000e+38 : f32
      %broadcast_in_dim3A_1872 = vector.broadcast %jit3A_1871 : f32 to vector<512x128xf32>
      %select_n3A_1873 = arith.select %gt3A_1870, %slice3A_1868, %broadcast_in_dim3A_1872 : vector<512x128xi1>, vector<512x128xf32>
      %min3A_1874 = arith.minimumf %broadcast_in_dim3A_1867, %select_n3A_1873 : vector<512x128xf32>
      %slice3A_1875 = vector.extract_strided_slice %dot_general3A_5 {offsets = [0, 128], sizes = [512, 128], strides = [1, 1]} : vector<512x4096xf32> to vector<512x128xf32>
      %gt3A_1876 = vector.broadcast %broadcast_in_dim3A_1865 : vector<512x1xf32> to vector<512x128xf32>
      %gt3A_1877 = arith.cmpf ogt, %slice3A_1875, %gt3A_1876 : vector<512x128xf32>
      %jit3A_1878 = arith.constant 3.000000e+38 : f32
      %broadcast_in_dim3A_1879 = vector.broadcast %jit3A_1878 : f32 to vector<512x128xf32>
      %select_n3A_1880 = arith.select %gt3A_1877, %slice3A_1875, %broadcast_in_dim3A_1879 : vector<512x128xi1>, vector<512x128xf32>
      %min3A_1881 = arith.minimumf %min3A_1874, %select_n3A_1880 : vector<512x128xf32>
      %slice3A_1882 = vector.extract_strided_slice %dot_general3A_5 {offsets = [0, 256], sizes = [512, 128], strides = [1, 1]} : vector<512x4096xf32> to vector<512x128xf32>
      %gt3A_1883 = vector.broadcast %broadcast_in_dim3A_1865 : vector<512x1xf32> to vector<512x128xf32>
      %gt3A_1884 = arith.cmpf ogt, %slice3A_1882, %gt3A_1883 : vector<512x128xf32>
      %jit3A_1885 = arith.constant 3.000000e+38 : f32
      %broadcast_in_dim3A_1886 = vector.broadcast %jit3A_1885 : f32 to vector<512x128xf32>
      %select_n3A_1887 = arith.select %gt3A_1884, %slice3A_1882, %broadcast_in_dim3A_1886 : vector<512x128xi1>, vector<512x128xf32>
      %min3A_1888 = arith.minimumf %min3A_1881, %select_n3A_1887 : vector<512x128xf32>
      %slice3A_1889 = vector.extract_strided_slice %dot_general3A_5 {offsets = [0, 384], sizes = [512, 128], strides = [1, 1]} : vector<512x4096xf32> to vector<512x128xf32>
      %gt3A_1890 = vector.broadcast %broadcast_in_dim3A_1865 : vector<512x1xf32> to vector<512x128xf32>
      %gt3A_1891 = arith.cmpf ogt, %slice3A_1889, %gt3A_1890 : vector<512x128xf32>
      %jit3A_1892 = arith.constant 3.000000e+38 : f32
      %broadcast_in_dim3A_1893 = vector.broadcast %jit3A_1892 : f32 to vector<512x128xf32>
      %select_n3A_1894 = arith.select %gt3A_1891, %slice3A_1889, %broadcast_in_dim3A_1893 : vector<512x128xi1>, vector<512x128xf32>
      %min3A_1895 = arith.minimumf %min3A_1888, %select_n3A_1894 : vector<512x128xf32>
      %slice3A_1896 = vector.extract_strided_slice %dot_general3A_5 {offsets = [0, 512], sizes = [512, 128], strides = [1, 1]} : vector<512x4096xf32> to vector<512x128xf32>
      %gt3A_1897 = vector.broadcast %broadcast_in_dim3A_1865 : vector<512x1xf32> to vector<512x128xf32>
      %gt3A_1898 = arith.cmpf ogt, %slice3A_1896, %gt3A_1897 : vector<512x128xf32>
      %jit3A_1899 = arith.constant 3.000000e+38 : f32
      %broadcast_in_dim3A_1900 = vector.broadcast %jit3A_1899 : f32 to vector<512x128xf32>
      %select_n3A_1901 = arith.select %gt3A_1898, %slice3A_1896, %broadcast_in_dim3A_1900 : vector<512x128xi1>, vector<512x128xf32>
      %min3A_1902 = arith.minimumf %min3A_1895, %select_n3A_1901 : vector<512x128xf32>
      %slice3A_1903 = vector.extract_strided_slice %dot_general3A_5 {offsets = [0, 640], sizes = [512, 128], strides = [1, 1]} : vector<512x4096xf32> to vector<512x128xf32>
      %gt3A_1904 = vector.broadcast %broadcast_in_dim3A_1865 : vector<512x1xf32> to vector<512x128xf32>
      %gt3A_1905 = arith.cmpf ogt, %slice3A_1903, %gt3A_1904 : vector<512x128xf32>
      %jit3A_1906 = arith.constant 3.000000e+38 : f32
      %broadcast_in_dim3A_1907 = vector.broadcast %jit3A_1906 : f32 to vector<512x128xf32>
      %select_n3A_1908 = arith.select %gt3A_1905, %slice3A_1903, %broadcast_in_dim3A_1907 : vector<512x128xi1>, vector<512x128xf32>
      %min3A_1909 = arith.minimumf %min3A_1902, %select_n3A_1908 : vector<512x128xf32>
      %slice3A_1910 = vector.extract_strided_slice %dot_general3A_5 {offsets = [0, 768], sizes = [512, 128], strides = [1, 1]} : vector<512x4096xf32> to vector<512x128xf32>
      %gt3A_1911 = vector.broadcast %broadcast_in_dim3A_1865 : vector<512x1xf32> to vector<512x128xf32>
      %gt3A_1912 = arith.cmpf ogt, %slice3A_1910, %gt3A_1911 : vector<512x128xf32>
      %jit3A_1913 = arith.constant 3.000000e+38 : f32
      %broadcast_in_dim3A_1914 = vector.broadcast %jit3A_1913 : f32 to vector<512x128xf32>
      %select_n3A_1915 = arith.select %gt3A_1912, %slice3A_1910, %broadcast_in_dim3A_1914 : vector<512x128xi1>, vector<512x128xf32>
      %min3A_1916 = arith.minimumf %min3A_1909, %select_n3A_1915 : vector<512x128xf32>
      %slice3A_1917 = vector.extract_strided_slice %dot_general3A_5 {offsets = [0, 896], sizes = [512, 128], strides = [1, 1]} : vector<512x4096xf32> to vector<512x128xf32>
      %gt3A_1918 = vector.broadcast %broadcast_in_dim3A_1865 : vector<512x1xf32> to vector<512x128xf32>
      %gt3A_1919 = arith.cmpf ogt, %slice3A_1917, %gt3A_1918 : vector<512x128xf32>
      %jit3A_1920 = arith.constant 3.000000e+38 : f32
      %broadcast_in_dim3A_1921 = vector.broadcast %jit3A_1920 : f32 to vector<512x128xf32>
      %select_n3A_1922 = arith.select %gt3A_1919, %slice3A_1917, %broadcast_in_dim3A_1921 : vector<512x128xi1>, vector<512x128xf32>
      %min3A_1923 = arith.minimumf %min3A_1916, %select_n3A_1922 : vector<512x128xf32>
      %slice3A_1924 = vector.extract_strided_slice %dot_general3A_5 {offsets = [0, 1024], sizes = [512, 128], strides = [1, 1]} : vector<512x4096xf32> to vector<512x128xf32>
      %gt3A_1925 = vector.broadcast %broadcast_in_dim3A_1865 : vector<512x1xf32> to vector<512x128xf32>
      %gt3A_1926 = arith.cmpf ogt, %slice3A_1924, %gt3A_1925 : vector<512x128xf32>
      %jit3A_1927 = arith.constant 3.000000e+38 : f32
      %broadcast_in_dim3A_1928 = vector.broadcast %jit3A_1927 : f32 to vector<512x128xf32>
      %select_n3A_1929 = arith.select %gt3A_1926, %slice3A_1924, %broadcast_in_dim3A_1928 : vector<512x128xi1>, vector<512x128xf32>
      %min3A_1930 = arith.minimumf %min3A_1923, %select_n3A_1929 : vector<512x128xf32>
      %slice3A_1931 = vector.extract_strided_slice %dot_general3A_5 {offsets = [0, 1152], sizes = [512, 128], strides = [1, 1]} : vector<512x4096xf32> to vector<512x128xf32>
      %gt3A_1932 = vector.broadcast %broadcast_in_dim3A_1865 : vector<512x1xf32> to vector<512x128xf32>
      %gt3A_1933 = arith.cmpf ogt, %slice3A_1931, %gt3A_1932 : vector<512x128xf32>
      %jit3A_1934 = arith.constant 3.000000e+38 : f32
      %broadcast_in_dim3A_1935 = vector.broadcast %jit3A_1934 : f32 to vector<512x128xf32>
      %select_n3A_1936 = arith.select %gt3A_1933, %slice3A_1931, %broadcast_in_dim3A_1935 : vector<512x128xi1>, vector<512x128xf32>
      %min3A_1937 = arith.minimumf %min3A_1930, %select_n3A_1936 : vector<512x128xf32>
      %slice3A_1938 = vector.extract_strided_slice %dot_general3A_5 {offsets = [0, 1280], sizes = [512, 128], strides = [1, 1]} : vector<512x4096xf32> to vector<512x128xf32>
      %gt3A_1939 = vector.broadcast %broadcast_in_dim3A_1865 : vector<512x1xf32> to vector<512x128xf32>
      %gt3A_1940 = arith.cmpf ogt, %slice3A_1938, %gt3A_1939 : vector<512x128xf32>
      %jit3A_1941 = arith.constant 3.000000e+38 : f32
      %broadcast_in_dim3A_1942 = vector.broadcast %jit3A_1941 : f32 to vector<512x128xf32>
      %select_n3A_1943 = arith.select %gt3A_1940, %slice3A_1938, %broadcast_in_dim3A_1942 : vector<512x128xi1>, vector<512x128xf32>
      %min3A_1944 = arith.minimumf %min3A_1937, %select_n3A_1943 : vector<512x128xf32>
      %slice3A_1945 = vector.extract_strided_slice %dot_general3A_5 {offsets = [0, 1408], sizes = [512, 128], strides = [1, 1]} : vector<512x4096xf32> to vector<512x128xf32>
      %gt3A_1946 = vector.broadcast %broadcast_in_dim3A_1865 : vector<512x1xf32> to vector<512x128xf32>
      %gt3A_1947 = arith.cmpf ogt, %slice3A_1945, %gt3A_1946 : vector<512x128xf32>
      %jit3A_1948 = arith.constant 3.000000e+38 : f32
      %broadcast_in_dim3A_1949 = vector.broadcast %jit3A_1948 : f32 to vector<512x128xf32>
      %select_n3A_1950 = arith.select %gt3A_1947, %slice3A_1945, %broadcast_in_dim3A_1949 : vector<512x128xi1>, vector<512x128xf32>
      %min3A_1951 = arith.minimumf %min3A_1944, %select_n3A_1950 : vector<512x128xf32>
      %slice3A_1952 = vector.extract_strided_slice %dot_general3A_5 {offsets = [0, 1536], sizes = [512, 128], strides = [1, 1]} : vector<512x4096xf32> to vector<512x128xf32>
      %gt3A_1953 = vector.broadcast %broadcast_in_dim3A_1865 : vector<512x1xf32> to vector<512x128xf32>
      %gt3A_1954 = arith.cmpf ogt, %slice3A_1952, %gt3A_1953 : vector<512x128xf32>
      %jit3A_1955 = arith.constant 3.000000e+38 : f32
      %broadcast_in_dim3A_1956 = vector.broadcast %jit3A_1955 : f32 to vector<512x128xf32>
      %select_n3A_1957 = arith.select %gt3A_1954, %slice3A_1952, %broadcast_in_dim3A_1956 : vector<512x128xi1>, vector<512x128xf32>
      %min3A_1958 = arith.minimumf %min3A_1951, %select_n3A_1957 : vector<512x128xf32>
      %slice3A_1959 = vector.extract_strided_slice %dot_general3A_5 {offsets = [0, 1664], sizes = [512, 128], strides = [1, 1]} : vector<512x4096xf32> to vector<512x128xf32>
      %gt3A_1960 = vector.broadcast %broadcast_in_dim3A_1865 : vector<512x1xf32> to vector<512x128xf32>
      %gt3A_1961 = arith.cmpf ogt, %slice3A_1959, %gt3A_1960 : vector<512x128xf32>
      %jit3A_1962 = arith.constant 3.000000e+38 : f32
      %broadcast_in_dim3A_1963 = vector.broadcast %jit3A_1962 : f32 to vector<512x128xf32>
      %select_n3A_1964 = arith.select %gt3A_1961, %slice3A_1959, %broadcast_in_dim3A_1963 : vector<512x128xi1>, vector<512x128xf32>
      %min3A_1965 = arith.minimumf %min3A_1958, %select_n3A_1964 : vector<512x128xf32>
      %slice3A_1966 = vector.extract_strided_slice %dot_general3A_5 {offsets = [0, 1792], sizes = [512, 128], strides = [1, 1]} : vector<512x4096xf32> to vector<512x128xf32>
      %gt3A_1967 = vector.broadcast %broadcast_in_dim3A_1865 : vector<512x1xf32> to vector<512x128xf32>
      %gt3A_1968 = arith.cmpf ogt, %slice3A_1966, %gt3A_1967 : vector<512x128xf32>
      %jit3A_1969 = arith.constant 3.000000e+38 : f32
      %broadcast_in_dim3A_1970 = vector.broadcast %jit3A_1969 : f32 to vector<512x128xf32>
      %select_n3A_1971 = arith.select %gt3A_1968, %slice3A_1966, %broadcast_in_dim3A_1970 : vector<512x128xi1>, vector<512x128xf32>
      %min3A_1972 = arith.minimumf %min3A_1965, %select_n3A_1971 : vector<512x128xf32>
      %slice3A_1973 = vector.extract_strided_slice %dot_general3A_5 {offsets = [0, 1920], sizes = [512, 128], strides = [1, 1]} : vector<512x4096xf32> to vector<512x128xf32>
      %gt3A_1974 = vector.broadcast %broadcast_in_dim3A_1865 : vector<512x1xf32> to vector<512x128xf32>
      %gt3A_1975 = arith.cmpf ogt, %slice3A_1973, %gt3A_1974 : vector<512x128xf32>
      %jit3A_1976 = arith.constant 3.000000e+38 : f32
      %broadcast_in_dim3A_1977 = vector.broadcast %jit3A_1976 : f32 to vector<512x128xf32>
      %select_n3A_1978 = arith.select %gt3A_1975, %slice3A_1973, %broadcast_in_dim3A_1977 : vector<512x128xi1>, vector<512x128xf32>
      %min3A_1979 = arith.minimumf %min3A_1972, %select_n3A_1978 : vector<512x128xf32>
      %slice3A_1980 = vector.extract_strided_slice %dot_general3A_5 {offsets = [0, 2048], sizes = [512, 128], strides = [1, 1]} : vector<512x4096xf32> to vector<512x128xf32>
      %gt3A_1981 = vector.broadcast %broadcast_in_dim3A_1865 : vector<512x1xf32> to vector<512x128xf32>
      %gt3A_1982 = arith.cmpf ogt, %slice3A_1980, %gt3A_1981 : vector<512x128xf32>
      %jit3A_1983 = arith.constant 3.000000e+38 : f32
      %broadcast_in_dim3A_1984 = vector.broadcast %jit3A_1983 : f32 to vector<512x128xf32>
      %select_n3A_1985 = arith.select %gt3A_1982, %slice3A_1980, %broadcast_in_dim3A_1984 : vector<512x128xi1>, vector<512x128xf32>
      %min3A_1986 = arith.minimumf %min3A_1979, %select_n3A_1985 : vector<512x128xf32>
      %slice3A_1987 = vector.extract_strided_slice %dot_general3A_5 {offsets = [0, 2176], sizes = [512, 128], strides = [1, 1]} : vector<512x4096xf32> to vector<512x128xf32>
      %gt3A_1988 = vector.broadcast %broadcast_in_dim3A_1865 : vector<512x1xf32> to vector<512x128xf32>
      %gt3A_1989 = arith.cmpf ogt, %slice3A_1987, %gt3A_1988 : vector<512x128xf32>
      %jit3A_1990 = arith.constant 3.000000e+38 : f32
      %broadcast_in_dim3A_1991 = vector.broadcast %jit3A_1990 : f32 to vector<512x128xf32>
      %select_n3A_1992 = arith.select %gt3A_1989, %slice3A_1987, %broadcast_in_dim3A_1991 : vector<512x128xi1>, vector<512x128xf32>
      %min3A_1993 = arith.minimumf %min3A_1986, %select_n3A_1992 : vector<512x128xf32>
      %slice3A_1994 = vector.extract_strided_slice %dot_general3A_5 {offsets = [0, 2304], sizes = [512, 128], strides = [1, 1]} : vector<512x4096xf32> to vector<512x128xf32>
      %gt3A_1995 = vector.broadcast %broadcast_in_dim3A_1865 : vector<512x1xf32> to vector<512x128xf32>
      %gt3A_1996 = arith.cmpf ogt, %slice3A_1994, %gt3A_1995 : vector<512x128xf32>
      %jit3A_1997 = arith.constant 3.000000e+38 : f32
      %broadcast_in_dim3A_1998 = vector.broadcast %jit3A_1997 : f32 to vector<512x128xf32>
      %select_n3A_1999 = arith.select %gt3A_1996, %slice3A_1994, %broadcast_in_dim3A_1998 : vector<512x128xi1>, vector<512x128xf32>
      %min3A_2000 = arith.minimumf %min3A_1993, %select_n3A_1999 : vector<512x128xf32>
      %slice3A_2001 = vector.extract_strided_slice %dot_general3A_5 {offsets = [0, 2432], sizes = [512, 128], strides = [1, 1]} : vector<512x4096xf32> to vector<512x128xf32>
      %gt3A_2002 = vector.broadcast %broadcast_in_dim3A_1865 : vector<512x1xf32> to vector<512x128xf32>
      %gt3A_2003 = arith.cmpf ogt, %slice3A_2001, %gt3A_2002 : vector<512x128xf32>
      %jit3A_2004 = arith.constant 3.000000e+38 : f32
      %broadcast_in_dim3A_2005 = vector.broadcast %jit3A_2004 : f32 to vector<512x128xf32>
      %select_n3A_2006 = arith.select %gt3A_2003, %slice3A_2001, %broadcast_in_dim3A_2005 : vector<512x128xi1>, vector<512x128xf32>
      %min3A_2007 = arith.minimumf %min3A_2000, %select_n3A_2006 : vector<512x128xf32>
      %slice3A_2008 = vector.extract_strided_slice %dot_general3A_5 {offsets = [0, 2560], sizes = [512, 128], strides = [1, 1]} : vector<512x4096xf32> to vector<512x128xf32>
      %gt3A_2009 = vector.broadcast %broadcast_in_dim3A_1865 : vector<512x1xf32> to vector<512x128xf32>
      %gt3A_2010 = arith.cmpf ogt, %slice3A_2008, %gt3A_2009 : vector<512x128xf32>
      %jit3A_2011 = arith.constant 3.000000e+38 : f32
      %broadcast_in_dim3A_2012 = vector.broadcast %jit3A_2011 : f32 to vector<512x128xf32>
      %select_n3A_2013 = arith.select %gt3A_2010, %slice3A_2008, %broadcast_in_dim3A_2012 : vector<512x128xi1>, vector<512x128xf32>
      %min3A_2014 = arith.minimumf %min3A_2007, %select_n3A_2013 : vector<512x128xf32>
      %slice3A_2015 = vector.extract_strided_slice %dot_general3A_5 {offsets = [0, 2688], sizes = [512, 128], strides = [1, 1]} : vector<512x4096xf32> to vector<512x128xf32>
      %gt3A_2016 = vector.broadcast %broadcast_in_dim3A_1865 : vector<512x1xf32> to vector<512x128xf32>
      %gt3A_2017 = arith.cmpf ogt, %slice3A_2015, %gt3A_2016 : vector<512x128xf32>
      %jit3A_2018 = arith.constant 3.000000e+38 : f32
      %broadcast_in_dim3A_2019 = vector.broadcast %jit3A_2018 : f32 to vector<512x128xf32>
      %select_n3A_2020 = arith.select %gt3A_2017, %slice3A_2015, %broadcast_in_dim3A_2019 : vector<512x128xi1>, vector<512x128xf32>
      %min3A_2021 = arith.minimumf %min3A_2014, %select_n3A_2020 : vector<512x128xf32>
      %slice3A_2022 = vector.extract_strided_slice %dot_general3A_5 {offsets = [0, 2816], sizes = [512, 128], strides = [1, 1]} : vector<512x4096xf32> to vector<512x128xf32>
      %gt3A_2023 = vector.broadcast %broadcast_in_dim3A_1865 : vector<512x1xf32> to vector<512x128xf32>
      %gt3A_2024 = arith.cmpf ogt, %slice3A_2022, %gt3A_2023 : vector<512x128xf32>
      %jit3A_2025 = arith.constant 3.000000e+38 : f32
      %broadcast_in_dim3A_2026 = vector.broadcast %jit3A_2025 : f32 to vector<512x128xf32>
      %select_n3A_2027 = arith.select %gt3A_2024, %slice3A_2022, %broadcast_in_dim3A_2026 : vector<512x128xi1>, vector<512x128xf32>
      %min3A_2028 = arith.minimumf %min3A_2021, %select_n3A_2027 : vector<512x128xf32>
      %slice3A_2029 = vector.extract_strided_slice %dot_general3A_5 {offsets = [0, 2944], sizes = [512, 128], strides = [1, 1]} : vector<512x4096xf32> to vector<512x128xf32>
      %gt3A_2030 = vector.broadcast %broadcast_in_dim3A_1865 : vector<512x1xf32> to vector<512x128xf32>
      %gt3A_2031 = arith.cmpf ogt, %slice3A_2029, %gt3A_2030 : vector<512x128xf32>
      %jit3A_2032 = arith.constant 3.000000e+38 : f32
      %broadcast_in_dim3A_2033 = vector.broadcast %jit3A_2032 : f32 to vector<512x128xf32>
      %select_n3A_2034 = arith.select %gt3A_2031, %slice3A_2029, %broadcast_in_dim3A_2033 : vector<512x128xi1>, vector<512x128xf32>
      %min3A_2035 = arith.minimumf %min3A_2028, %select_n3A_2034 : vector<512x128xf32>
      %slice3A_2036 = vector.extract_strided_slice %dot_general3A_5 {offsets = [0, 3072], sizes = [512, 128], strides = [1, 1]} : vector<512x4096xf32> to vector<512x128xf32>
      %gt3A_2037 = vector.broadcast %broadcast_in_dim3A_1865 : vector<512x1xf32> to vector<512x128xf32>
      %gt3A_2038 = arith.cmpf ogt, %slice3A_2036, %gt3A_2037 : vector<512x128xf32>
      %jit3A_2039 = arith.constant 3.000000e+38 : f32
      %broadcast_in_dim3A_2040 = vector.broadcast %jit3A_2039 : f32 to vector<512x128xf32>
      %select_n3A_2041 = arith.select %gt3A_2038, %slice3A_2036, %broadcast_in_dim3A_2040 : vector<512x128xi1>, vector<512x128xf32>
      %min3A_2042 = arith.minimumf %min3A_2035, %select_n3A_2041 : vector<512x128xf32>
      %slice3A_2043 = vector.extract_strided_slice %dot_general3A_5 {offsets = [0, 3200], sizes = [512, 128], strides = [1, 1]} : vector<512x4096xf32> to vector<512x128xf32>
      %gt3A_2044 = vector.broadcast %broadcast_in_dim3A_1865 : vector<512x1xf32> to vector<512x128xf32>
      %gt3A_2045 = arith.cmpf ogt, %slice3A_2043, %gt3A_2044 : vector<512x128xf32>
      %jit3A_2046 = arith.constant 3.000000e+38 : f32
      %broadcast_in_dim3A_2047 = vector.broadcast %jit3A_2046 : f32 to vector<512x128xf32>
      %select_n3A_2048 = arith.select %gt3A_2045, %slice3A_2043, %broadcast_in_dim3A_2047 : vector<512x128xi1>, vector<512x128xf32>
      %min3A_2049 = arith.minimumf %min3A_2042, %select_n3A_2048 : vector<512x128xf32>
      %slice3A_2050 = vector.extract_strided_slice %dot_general3A_5 {offsets = [0, 3328], sizes = [512, 128], strides = [1, 1]} : vector<512x4096xf32> to vector<512x128xf32>
      %gt3A_2051 = vector.broadcast %broadcast_in_dim3A_1865 : vector<512x1xf32> to vector<512x128xf32>
      %gt3A_2052 = arith.cmpf ogt, %slice3A_2050, %gt3A_2051 : vector<512x128xf32>
      %jit3A_2053 = arith.constant 3.000000e+38 : f32
      %broadcast_in_dim3A_2054 = vector.broadcast %jit3A_2053 : f32 to vector<512x128xf32>
      %select_n3A_2055 = arith.select %gt3A_2052, %slice3A_2050, %broadcast_in_dim3A_2054 : vector<512x128xi1>, vector<512x128xf32>
      %min3A_2056 = arith.minimumf %min3A_2049, %select_n3A_2055 : vector<512x128xf32>
      %slice3A_2057 = vector.extract_strided_slice %dot_general3A_5 {offsets = [0, 3456], sizes = [512, 128], strides = [1, 1]} : vector<512x4096xf32> to vector<512x128xf32>
      %gt3A_2058 = vector.broadcast %broadcast_in_dim3A_1865 : vector<512x1xf32> to vector<512x128xf32>
      %gt3A_2059 = arith.cmpf ogt, %slice3A_2057, %gt3A_2058 : vector<512x128xf32>
      %jit3A_2060 = arith.constant 3.000000e+38 : f32
      %broadcast_in_dim3A_2061 = vector.broadcast %jit3A_2060 : f32 to vector<512x128xf32>
      %select_n3A_2062 = arith.select %gt3A_2059, %slice3A_2057, %broadcast_in_dim3A_2061 : vector<512x128xi1>, vector<512x128xf32>
      %min3A_2063 = arith.minimumf %min3A_2056, %select_n3A_2062 : vector<512x128xf32>
      %slice3A_2064 = vector.extract_strided_slice %dot_general3A_5 {offsets = [0, 3584], sizes = [512, 128], strides = [1, 1]} : vector<512x4096xf32> to vector<512x128xf32>
      %gt3A_2065 = vector.broadcast %broadcast_in_dim3A_1865 : vector<512x1xf32> to vector<512x128xf32>
      %gt3A_2066 = arith.cmpf ogt, %slice3A_2064, %gt3A_2065 : vector<512x128xf32>
      %jit3A_2067 = arith.constant 3.000000e+38 : f32
      %broadcast_in_dim3A_2068 = vector.broadcast %jit3A_2067 : f32 to vector<512x128xf32>
      %select_n3A_2069 = arith.select %gt3A_2066, %slice3A_2064, %broadcast_in_dim3A_2068 : vector<512x128xi1>, vector<512x128xf32>
      %min3A_2070 = arith.minimumf %min3A_2063, %select_n3A_2069 : vector<512x128xf32>
      %slice3A_2071 = vector.extract_strided_slice %dot_general3A_5 {offsets = [0, 3712], sizes = [512, 128], strides = [1, 1]} : vector<512x4096xf32> to vector<512x128xf32>
      %gt3A_2072 = vector.broadcast %broadcast_in_dim3A_1865 : vector<512x1xf32> to vector<512x128xf32>
      %gt3A_2073 = arith.cmpf ogt, %slice3A_2071, %gt3A_2072 : vector<512x128xf32>
      %jit3A_2074 = arith.constant 3.000000e+38 : f32
      %broadcast_in_dim3A_2075 = vector.broadcast %jit3A_2074 : f32 to vector<512x128xf32>
      %select_n3A_2076 = arith.select %gt3A_2073, %slice3A_2071, %broadcast_in_dim3A_2075 : vector<512x128xi1>, vector<512x128xf32>
      %min3A_2077 = arith.minimumf %min3A_2070, %select_n3A_2076 : vector<512x128xf32>
      %slice3A_2078 = vector.extract_strided_slice %dot_general3A_5 {offsets = [0, 3840], sizes = [512, 128], strides = [1, 1]} : vector<512x4096xf32> to vector<512x128xf32>
      %gt3A_2079 = vector.broadcast %broadcast_in_dim3A_1865 : vector<512x1xf32> to vector<512x128xf32>
      %gt3A_2080 = arith.cmpf ogt, %slice3A_2078, %gt3A_2079 : vector<512x128xf32>
      %jit3A_2081 = arith.constant 3.000000e+38 : f32
      %broadcast_in_dim3A_2082 = vector.broadcast %jit3A_2081 : f32 to vector<512x128xf32>
      %select_n3A_2083 = arith.select %gt3A_2080, %slice3A_2078, %broadcast_in_dim3A_2082 : vector<512x128xi1>, vector<512x128xf32>
      %min3A_2084 = arith.minimumf %min3A_2077, %select_n3A_2083 : vector<512x128xf32>
      %slice3A_2085 = vector.extract_strided_slice %dot_general3A_5 {offsets = [0, 3968], sizes = [512, 128], strides = [1, 1]} : vector<512x4096xf32> to vector<512x128xf32>
      %gt3A_2086 = vector.broadcast %broadcast_in_dim3A_1865 : vector<512x1xf32> to vector<512x128xf32>
      %gt3A_2087 = arith.cmpf ogt, %slice3A_2085, %gt3A_2086 : vector<512x128xf32>
      %jit3A_2088 = arith.constant 3.000000e+38 : f32
      %broadcast_in_dim3A_2089 = vector.broadcast %jit3A_2088 : f32 to vector<512x128xf32>
      %select_n3A_2090 = arith.select %gt3A_2087, %slice3A_2085, %broadcast_in_dim3A_2089 : vector<512x128xi1>, vector<512x128xf32>
      %min3A_2091 = arith.minimumf %min3A_2084, %select_n3A_2090 : vector<512x128xf32>
      %reduce_min3A_2092 = arith.constant dense<0x7F800000> : vector<512xf32>
      %reduce_min3A_2093 = vector.multi_reduction <minimumf>, %min3A_2091, %reduce_min3A_2092 [1] : vector<512x128xf32> to vector<512xf32>
      %broadcast_in_dim3A_2094 = vector.shape_cast %reduce_min3A_2093 : vector<512xf32> to vector<512x1xf32>
      %broadcast_in_dim3A_2095 = arith.constant 3.000000e+38 : f32
      %broadcast_in_dim3A_2096 = vector.broadcast %broadcast_in_dim3A_2095 : f32 to vector<512x128xf32>
      %slice3A_2097 = vector.extract_strided_slice %dot_general3A_5 {offsets = [0, 0], sizes = [512, 128], strides = [1, 1]} : vector<512x4096xf32> to vector<512x128xf32>
      %gt3A_2098 = vector.broadcast %broadcast_in_dim3A_2094 : vector<512x1xf32> to vector<512x128xf32>
      %gt3A_2099 = arith.cmpf ogt, %slice3A_2097, %gt3A_2098 : vector<512x128xf32>
      %jit3A_2100 = arith.constant 3.000000e+38 : f32
      %broadcast_in_dim3A_2101 = vector.broadcast %jit3A_2100 : f32 to vector<512x128xf32>
      %select_n3A_2102 = arith.select %gt3A_2099, %slice3A_2097, %broadcast_in_dim3A_2101 : vector<512x128xi1>, vector<512x128xf32>
      %min3A_2103 = arith.minimumf %broadcast_in_dim3A_2096, %select_n3A_2102 : vector<512x128xf32>
      %slice3A_2104 = vector.extract_strided_slice %dot_general3A_5 {offsets = [0, 128], sizes = [512, 128], strides = [1, 1]} : vector<512x4096xf32> to vector<512x128xf32>
      %gt3A_2105 = vector.broadcast %broadcast_in_dim3A_2094 : vector<512x1xf32> to vector<512x128xf32>
      %gt3A_2106 = arith.cmpf ogt, %slice3A_2104, %gt3A_2105 : vector<512x128xf32>
      %jit3A_2107 = arith.constant 3.000000e+38 : f32
      %broadcast_in_dim3A_2108 = vector.broadcast %jit3A_2107 : f32 to vector<512x128xf32>
      %select_n3A_2109 = arith.select %gt3A_2106, %slice3A_2104, %broadcast_in_dim3A_2108 : vector<512x128xi1>, vector<512x128xf32>
      %min3A_2110 = arith.minimumf %min3A_2103, %select_n3A_2109 : vector<512x128xf32>
      %slice3A_2111 = vector.extract_strided_slice %dot_general3A_5 {offsets = [0, 256], sizes = [512, 128], strides = [1, 1]} : vector<512x4096xf32> to vector<512x128xf32>
      %gt3A_2112 = vector.broadcast %broadcast_in_dim3A_2094 : vector<512x1xf32> to vector<512x128xf32>
      %gt3A_2113 = arith.cmpf ogt, %slice3A_2111, %gt3A_2112 : vector<512x128xf32>
      %jit3A_2114 = arith.constant 3.000000e+38 : f32
      %broadcast_in_dim3A_2115 = vector.broadcast %jit3A_2114 : f32 to vector<512x128xf32>
      %select_n3A_2116 = arith.select %gt3A_2113, %slice3A_2111, %broadcast_in_dim3A_2115 : vector<512x128xi1>, vector<512x128xf32>
      %min3A_2117 = arith.minimumf %min3A_2110, %select_n3A_2116 : vector<512x128xf32>
      %slice3A_2118 = vector.extract_strided_slice %dot_general3A_5 {offsets = [0, 384], sizes = [512, 128], strides = [1, 1]} : vector<512x4096xf32> to vector<512x128xf32>
      %gt3A_2119 = vector.broadcast %broadcast_in_dim3A_2094 : vector<512x1xf32> to vector<512x128xf32>
      %gt3A_2120 = arith.cmpf ogt, %slice3A_2118, %gt3A_2119 : vector<512x128xf32>
      %jit3A_2121 = arith.constant 3.000000e+38 : f32
      %broadcast_in_dim3A_2122 = vector.broadcast %jit3A_2121 : f32 to vector<512x128xf32>
      %select_n3A_2123 = arith.select %gt3A_2120, %slice3A_2118, %broadcast_in_dim3A_2122 : vector<512x128xi1>, vector<512x128xf32>
      %min3A_2124 = arith.minimumf %min3A_2117, %select_n3A_2123 : vector<512x128xf32>
      %slice3A_2125 = vector.extract_strided_slice %dot_general3A_5 {offsets = [0, 512], sizes = [512, 128], strides = [1, 1]} : vector<512x4096xf32> to vector<512x128xf32>
      %gt3A_2126 = vector.broadcast %broadcast_in_dim3A_2094 : vector<512x1xf32> to vector<512x128xf32>
      %gt3A_2127 = arith.cmpf ogt, %slice3A_2125, %gt3A_2126 : vector<512x128xf32>
      %jit3A_2128 = arith.constant 3.000000e+38 : f32
      %broadcast_in_dim3A_2129 = vector.broadcast %jit3A_2128 : f32 to vector<512x128xf32>
      %select_n3A_2130 = arith.select %gt3A_2127, %slice3A_2125, %broadcast_in_dim3A_2129 : vector<512x128xi1>, vector<512x128xf32>
      %min3A_2131 = arith.minimumf %min3A_2124, %select_n3A_2130 : vector<512x128xf32>
      %slice3A_2132 = vector.extract_strided_slice %dot_general3A_5 {offsets = [0, 640], sizes = [512, 128], strides = [1, 1]} : vector<512x4096xf32> to vector<512x128xf32>
      %gt3A_2133 = vector.broadcast %broadcast_in_dim3A_2094 : vector<512x1xf32> to vector<512x128xf32>
      %gt3A_2134 = arith.cmpf ogt, %slice3A_2132, %gt3A_2133 : vector<512x128xf32>
      %jit3A_2135 = arith.constant 3.000000e+38 : f32
      %broadcast_in_dim3A_2136 = vector.broadcast %jit3A_2135 : f32 to vector<512x128xf32>
      %select_n3A_2137 = arith.select %gt3A_2134, %slice3A_2132, %broadcast_in_dim3A_2136 : vector<512x128xi1>, vector<512x128xf32>
      %min3A_2138 = arith.minimumf %min3A_2131, %select_n3A_2137 : vector<512x128xf32>
      %slice3A_2139 = vector.extract_strided_slice %dot_general3A_5 {offsets = [0, 768], sizes = [512, 128], strides = [1, 1]} : vector<512x4096xf32> to vector<512x128xf32>
      %gt3A_2140 = vector.broadcast %broadcast_in_dim3A_2094 : vector<512x1xf32> to vector<512x128xf32>
      %gt3A_2141 = arith.cmpf ogt, %slice3A_2139, %gt3A_2140 : vector<512x128xf32>
      %jit3A_2142 = arith.constant 3.000000e+38 : f32
      %broadcast_in_dim3A_2143 = vector.broadcast %jit3A_2142 : f32 to vector<512x128xf32>
      %select_n3A_2144 = arith.select %gt3A_2141, %slice3A_2139, %broadcast_in_dim3A_2143 : vector<512x128xi1>, vector<512x128xf32>
      %min3A_2145 = arith.minimumf %min3A_2138, %select_n3A_2144 : vector<512x128xf32>
      %slice3A_2146 = vector.extract_strided_slice %dot_general3A_5 {offsets = [0, 896], sizes = [512, 128], strides = [1, 1]} : vector<512x4096xf32> to vector<512x128xf32>
      %gt3A_2147 = vector.broadcast %broadcast_in_dim3A_2094 : vector<512x1xf32> to vector<512x128xf32>
      %gt3A_2148 = arith.cmpf ogt, %slice3A_2146, %gt3A_2147 : vector<512x128xf32>
      %jit3A_2149 = arith.constant 3.000000e+38 : f32
      %broadcast_in_dim3A_2150 = vector.broadcast %jit3A_2149 : f32 to vector<512x128xf32>
      %select_n3A_2151 = arith.select %gt3A_2148, %slice3A_2146, %broadcast_in_dim3A_2150 : vector<512x128xi1>, vector<512x128xf32>
      %min3A_2152 = arith.minimumf %min3A_2145, %select_n3A_2151 : vector<512x128xf32>
      %slice3A_2153 = vector.extract_strided_slice %dot_general3A_5 {offsets = [0, 1024], sizes = [512, 128], strides = [1, 1]} : vector<512x4096xf32> to vector<512x128xf32>
      %gt3A_2154 = vector.broadcast %broadcast_in_dim3A_2094 : vector<512x1xf32> to vector<512x128xf32>
      %gt3A_2155 = arith.cmpf ogt, %slice3A_2153, %gt3A_2154 : vector<512x128xf32>
      %jit3A_2156 = arith.constant 3.000000e+38 : f32
      %broadcast_in_dim3A_2157 = vector.broadcast %jit3A_2156 : f32 to vector<512x128xf32>
      %select_n3A_2158 = arith.select %gt3A_2155, %slice3A_2153, %broadcast_in_dim3A_2157 : vector<512x128xi1>, vector<512x128xf32>
      %min3A_2159 = arith.minimumf %min3A_2152, %select_n3A_2158 : vector<512x128xf32>
      %slice3A_2160 = vector.extract_strided_slice %dot_general3A_5 {offsets = [0, 1152], sizes = [512, 128], strides = [1, 1]} : vector<512x4096xf32> to vector<512x128xf32>
      %gt3A_2161 = vector.broadcast %broadcast_in_dim3A_2094 : vector<512x1xf32> to vector<512x128xf32>
      %gt3A_2162 = arith.cmpf ogt, %slice3A_2160, %gt3A_2161 : vector<512x128xf32>
      %jit3A_2163 = arith.constant 3.000000e+38 : f32
      %broadcast_in_dim3A_2164 = vector.broadcast %jit3A_2163 : f32 to vector<512x128xf32>
      %select_n3A_2165 = arith.select %gt3A_2162, %slice3A_2160, %broadcast_in_dim3A_2164 : vector<512x128xi1>, vector<512x128xf32>
      %min3A_2166 = arith.minimumf %min3A_2159, %select_n3A_2165 : vector<512x128xf32>
      %slice3A_2167 = vector.extract_strided_slice %dot_general3A_5 {offsets = [0, 1280], sizes = [512, 128], strides = [1, 1]} : vector<512x4096xf32> to vector<512x128xf32>
      %gt3A_2168 = vector.broadcast %broadcast_in_dim3A_2094 : vector<512x1xf32> to vector<512x128xf32>
      %gt3A_2169 = arith.cmpf ogt, %slice3A_2167, %gt3A_2168 : vector<512x128xf32>
      %jit3A_2170 = arith.constant 3.000000e+38 : f32
      %broadcast_in_dim3A_2171 = vector.broadcast %jit3A_2170 : f32 to vector<512x128xf32>
      %select_n3A_2172 = arith.select %gt3A_2169, %slice3A_2167, %broadcast_in_dim3A_2171 : vector<512x128xi1>, vector<512x128xf32>
      %min3A_2173 = arith.minimumf %min3A_2166, %select_n3A_2172 : vector<512x128xf32>
      %slice3A_2174 = vector.extract_strided_slice %dot_general3A_5 {offsets = [0, 1408], sizes = [512, 128], strides = [1, 1]} : vector<512x4096xf32> to vector<512x128xf32>
      %gt3A_2175 = vector.broadcast %broadcast_in_dim3A_2094 : vector<512x1xf32> to vector<512x128xf32>
      %gt3A_2176 = arith.cmpf ogt, %slice3A_2174, %gt3A_2175 : vector<512x128xf32>
      %jit3A_2177 = arith.constant 3.000000e+38 : f32
      %broadcast_in_dim3A_2178 = vector.broadcast %jit3A_2177 : f32 to vector<512x128xf32>
      %select_n3A_2179 = arith.select %gt3A_2176, %slice3A_2174, %broadcast_in_dim3A_2178 : vector<512x128xi1>, vector<512x128xf32>
      %min3A_2180 = arith.minimumf %min3A_2173, %select_n3A_2179 : vector<512x128xf32>
      %slice3A_2181 = vector.extract_strided_slice %dot_general3A_5 {offsets = [0, 1536], sizes = [512, 128], strides = [1, 1]} : vector<512x4096xf32> to vector<512x128xf32>
      %gt3A_2182 = vector.broadcast %broadcast_in_dim3A_2094 : vector<512x1xf32> to vector<512x128xf32>
      %gt3A_2183 = arith.cmpf ogt, %slice3A_2181, %gt3A_2182 : vector<512x128xf32>
      %jit3A_2184 = arith.constant 3.000000e+38 : f32
      %broadcast_in_dim3A_2185 = vector.broadcast %jit3A_2184 : f32 to vector<512x128xf32>
      %select_n3A_2186 = arith.select %gt3A_2183, %slice3A_2181, %broadcast_in_dim3A_2185 : vector<512x128xi1>, vector<512x128xf32>
      %min3A_2187 = arith.minimumf %min3A_2180, %select_n3A_2186 : vector<512x128xf32>
      %slice3A_2188 = vector.extract_strided_slice %dot_general3A_5 {offsets = [0, 1664], sizes = [512, 128], strides = [1, 1]} : vector<512x4096xf32> to vector<512x128xf32>
      %gt3A_2189 = vector.broadcast %broadcast_in_dim3A_2094 : vector<512x1xf32> to vector<512x128xf32>
      %gt3A_2190 = arith.cmpf ogt, %slice3A_2188, %gt3A_2189 : vector<512x128xf32>
      %jit3A_2191 = arith.constant 3.000000e+38 : f32
      %broadcast_in_dim3A_2192 = vector.broadcast %jit3A_2191 : f32 to vector<512x128xf32>
      %select_n3A_2193 = arith.select %gt3A_2190, %slice3A_2188, %broadcast_in_dim3A_2192 : vector<512x128xi1>, vector<512x128xf32>
      %min3A_2194 = arith.minimumf %min3A_2187, %select_n3A_2193 : vector<512x128xf32>
      %slice3A_2195 = vector.extract_strided_slice %dot_general3A_5 {offsets = [0, 1792], sizes = [512, 128], strides = [1, 1]} : vector<512x4096xf32> to vector<512x128xf32>
      %gt3A_2196 = vector.broadcast %broadcast_in_dim3A_2094 : vector<512x1xf32> to vector<512x128xf32>
      %gt3A_2197 = arith.cmpf ogt, %slice3A_2195, %gt3A_2196 : vector<512x128xf32>
      %jit3A_2198 = arith.constant 3.000000e+38 : f32
      %broadcast_in_dim3A_2199 = vector.broadcast %jit3A_2198 : f32 to vector<512x128xf32>
      %select_n3A_2200 = arith.select %gt3A_2197, %slice3A_2195, %broadcast_in_dim3A_2199 : vector<512x128xi1>, vector<512x128xf32>
      %min3A_2201 = arith.minimumf %min3A_2194, %select_n3A_2200 : vector<512x128xf32>
      %slice3A_2202 = vector.extract_strided_slice %dot_general3A_5 {offsets = [0, 1920], sizes = [512, 128], strides = [1, 1]} : vector<512x4096xf32> to vector<512x128xf32>
      %gt3A_2203 = vector.broadcast %broadcast_in_dim3A_2094 : vector<512x1xf32> to vector<512x128xf32>
      %gt3A_2204 = arith.cmpf ogt, %slice3A_2202, %gt3A_2203 : vector<512x128xf32>
      %jit3A_2205 = arith.constant 3.000000e+38 : f32
      %broadcast_in_dim3A_2206 = vector.broadcast %jit3A_2205 : f32 to vector<512x128xf32>
      %select_n3A_2207 = arith.select %gt3A_2204, %slice3A_2202, %broadcast_in_dim3A_2206 : vector<512x128xi1>, vector<512x128xf32>
      %min3A_2208 = arith.minimumf %min3A_2201, %select_n3A_2207 : vector<512x128xf32>
      %slice3A_2209 = vector.extract_strided_slice %dot_general3A_5 {offsets = [0, 2048], sizes = [512, 128], strides = [1, 1]} : vector<512x4096xf32> to vector<512x128xf32>
      %gt3A_2210 = vector.broadcast %broadcast_in_dim3A_2094 : vector<512x1xf32> to vector<512x128xf32>
      %gt3A_2211 = arith.cmpf ogt, %slice3A_2209, %gt3A_2210 : vector<512x128xf32>
      %jit3A_2212 = arith.constant 3.000000e+38 : f32
      %broadcast_in_dim3A_2213 = vector.broadcast %jit3A_2212 : f32 to vector<512x128xf32>
      %select_n3A_2214 = arith.select %gt3A_2211, %slice3A_2209, %broadcast_in_dim3A_2213 : vector<512x128xi1>, vector<512x128xf32>
      %min3A_2215 = arith.minimumf %min3A_2208, %select_n3A_2214 : vector<512x128xf32>
      %slice3A_2216 = vector.extract_strided_slice %dot_general3A_5 {offsets = [0, 2176], sizes = [512, 128], strides = [1, 1]} : vector<512x4096xf32> to vector<512x128xf32>
      %gt3A_2217 = vector.broadcast %broadcast_in_dim3A_2094 : vector<512x1xf32> to vector<512x128xf32>
      %gt3A_2218 = arith.cmpf ogt, %slice3A_2216, %gt3A_2217 : vector<512x128xf32>
      %jit3A_2219 = arith.constant 3.000000e+38 : f32
      %broadcast_in_dim3A_2220 = vector.broadcast %jit3A_2219 : f32 to vector<512x128xf32>
      %select_n3A_2221 = arith.select %gt3A_2218, %slice3A_2216, %broadcast_in_dim3A_2220 : vector<512x128xi1>, vector<512x128xf32>
      %min3A_2222 = arith.minimumf %min3A_2215, %select_n3A_2221 : vector<512x128xf32>
      %slice3A_2223 = vector.extract_strided_slice %dot_general3A_5 {offsets = [0, 2304], sizes = [512, 128], strides = [1, 1]} : vector<512x4096xf32> to vector<512x128xf32>
      %gt3A_2224 = vector.broadcast %broadcast_in_dim3A_2094 : vector<512x1xf32> to vector<512x128xf32>
      %gt3A_2225 = arith.cmpf ogt, %slice3A_2223, %gt3A_2224 : vector<512x128xf32>
      %jit3A_2226 = arith.constant 3.000000e+38 : f32
      %broadcast_in_dim3A_2227 = vector.broadcast %jit3A_2226 : f32 to vector<512x128xf32>
      %select_n3A_2228 = arith.select %gt3A_2225, %slice3A_2223, %broadcast_in_dim3A_2227 : vector<512x128xi1>, vector<512x128xf32>
      %min3A_2229 = arith.minimumf %min3A_2222, %select_n3A_2228 : vector<512x128xf32>
      %slice3A_2230 = vector.extract_strided_slice %dot_general3A_5 {offsets = [0, 2432], sizes = [512, 128], strides = [1, 1]} : vector<512x4096xf32> to vector<512x128xf32>
      %gt3A_2231 = vector.broadcast %broadcast_in_dim3A_2094 : vector<512x1xf32> to vector<512x128xf32>
      %gt3A_2232 = arith.cmpf ogt, %slice3A_2230, %gt3A_2231 : vector<512x128xf32>
      %jit3A_2233 = arith.constant 3.000000e+38 : f32
      %broadcast_in_dim3A_2234 = vector.broadcast %jit3A_2233 : f32 to vector<512x128xf32>
      %select_n3A_2235 = arith.select %gt3A_2232, %slice3A_2230, %broadcast_in_dim3A_2234 : vector<512x128xi1>, vector<512x128xf32>
      %min3A_2236 = arith.minimumf %min3A_2229, %select_n3A_2235 : vector<512x128xf32>
      %slice3A_2237 = vector.extract_strided_slice %dot_general3A_5 {offsets = [0, 2560], sizes = [512, 128], strides = [1, 1]} : vector<512x4096xf32> to vector<512x128xf32>
      %gt3A_2238 = vector.broadcast %broadcast_in_dim3A_2094 : vector<512x1xf32> to vector<512x128xf32>
      %gt3A_2239 = arith.cmpf ogt, %slice3A_2237, %gt3A_2238 : vector<512x128xf32>
      %jit3A_2240 = arith.constant 3.000000e+38 : f32
      %broadcast_in_dim3A_2241 = vector.broadcast %jit3A_2240 : f32 to vector<512x128xf32>
      %select_n3A_2242 = arith.select %gt3A_2239, %slice3A_2237, %broadcast_in_dim3A_2241 : vector<512x128xi1>, vector<512x128xf32>
      %min3A_2243 = arith.minimumf %min3A_2236, %select_n3A_2242 : vector<512x128xf32>
      %slice3A_2244 = vector.extract_strided_slice %dot_general3A_5 {offsets = [0, 2688], sizes = [512, 128], strides = [1, 1]} : vector<512x4096xf32> to vector<512x128xf32>
      %gt3A_2245 = vector.broadcast %broadcast_in_dim3A_2094 : vector<512x1xf32> to vector<512x128xf32>
      %gt3A_2246 = arith.cmpf ogt, %slice3A_2244, %gt3A_2245 : vector<512x128xf32>
      %jit3A_2247 = arith.constant 3.000000e+38 : f32
      %broadcast_in_dim3A_2248 = vector.broadcast %jit3A_2247 : f32 to vector<512x128xf32>
      %select_n3A_2249 = arith.select %gt3A_2246, %slice3A_2244, %broadcast_in_dim3A_2248 : vector<512x128xi1>, vector<512x128xf32>
      %min3A_2250 = arith.minimumf %min3A_2243, %select_n3A_2249 : vector<512x128xf32>
      %slice3A_2251 = vector.extract_strided_slice %dot_general3A_5 {offsets = [0, 2816], sizes = [512, 128], strides = [1, 1]} : vector<512x4096xf32> to vector<512x128xf32>
      %gt3A_2252 = vector.broadcast %broadcast_in_dim3A_2094 : vector<512x1xf32> to vector<512x128xf32>
      %gt3A_2253 = arith.cmpf ogt, %slice3A_2251, %gt3A_2252 : vector<512x128xf32>
      %jit3A_2254 = arith.constant 3.000000e+38 : f32
      %broadcast_in_dim3A_2255 = vector.broadcast %jit3A_2254 : f32 to vector<512x128xf32>
      %select_n3A_2256 = arith.select %gt3A_2253, %slice3A_2251, %broadcast_in_dim3A_2255 : vector<512x128xi1>, vector<512x128xf32>
      %min3A_2257 = arith.minimumf %min3A_2250, %select_n3A_2256 : vector<512x128xf32>
      %slice3A_2258 = vector.extract_strided_slice %dot_general3A_5 {offsets = [0, 2944], sizes = [512, 128], strides = [1, 1]} : vector<512x4096xf32> to vector<512x128xf32>
      %gt3A_2259 = vector.broadcast %broadcast_in_dim3A_2094 : vector<512x1xf32> to vector<512x128xf32>
      %gt3A_2260 = arith.cmpf ogt, %slice3A_2258, %gt3A_2259 : vector<512x128xf32>
      %jit3A_2261 = arith.constant 3.000000e+38 : f32
      %broadcast_in_dim3A_2262 = vector.broadcast %jit3A_2261 : f32 to vector<512x128xf32>
      %select_n3A_2263 = arith.select %gt3A_2260, %slice3A_2258, %broadcast_in_dim3A_2262 : vector<512x128xi1>, vector<512x128xf32>
      %min3A_2264 = arith.minimumf %min3A_2257, %select_n3A_2263 : vector<512x128xf32>
      %slice3A_2265 = vector.extract_strided_slice %dot_general3A_5 {offsets = [0, 3072], sizes = [512, 128], strides = [1, 1]} : vector<512x4096xf32> to vector<512x128xf32>
      %gt3A_2266 = vector.broadcast %broadcast_in_dim3A_2094 : vector<512x1xf32> to vector<512x128xf32>
      %gt3A_2267 = arith.cmpf ogt, %slice3A_2265, %gt3A_2266 : vector<512x128xf32>
      %jit3A_2268 = arith.constant 3.000000e+38 : f32
      %broadcast_in_dim3A_2269 = vector.broadcast %jit3A_2268 : f32 to vector<512x128xf32>
      %select_n3A_2270 = arith.select %gt3A_2267, %slice3A_2265, %broadcast_in_dim3A_2269 : vector<512x128xi1>, vector<512x128xf32>
      %min3A_2271 = arith.minimumf %min3A_2264, %select_n3A_2270 : vector<512x128xf32>
      %slice3A_2272 = vector.extract_strided_slice %dot_general3A_5 {offsets = [0, 3200], sizes = [512, 128], strides = [1, 1]} : vector<512x4096xf32> to vector<512x128xf32>
      %gt3A_2273 = vector.broadcast %broadcast_in_dim3A_2094 : vector<512x1xf32> to vector<512x128xf32>
      %gt3A_2274 = arith.cmpf ogt, %slice3A_2272, %gt3A_2273 : vector<512x128xf32>
      %jit3A_2275 = arith.constant 3.000000e+38 : f32
      %broadcast_in_dim3A_2276 = vector.broadcast %jit3A_2275 : f32 to vector<512x128xf32>
      %select_n3A_2277 = arith.select %gt3A_2274, %slice3A_2272, %broadcast_in_dim3A_2276 : vector<512x128xi1>, vector<512x128xf32>
      %min3A_2278 = arith.minimumf %min3A_2271, %select_n3A_2277 : vector<512x128xf32>
      %slice3A_2279 = vector.extract_strided_slice %dot_general3A_5 {offsets = [0, 3328], sizes = [512, 128], strides = [1, 1]} : vector<512x4096xf32> to vector<512x128xf32>
      %gt3A_2280 = vector.broadcast %broadcast_in_dim3A_2094 : vector<512x1xf32> to vector<512x128xf32>
      %gt3A_2281 = arith.cmpf ogt, %slice3A_2279, %gt3A_2280 : vector<512x128xf32>
      %jit3A_2282 = arith.constant 3.000000e+38 : f32
      %broadcast_in_dim3A_2283 = vector.broadcast %jit3A_2282 : f32 to vector<512x128xf32>
      %select_n3A_2284 = arith.select %gt3A_2281, %slice3A_2279, %broadcast_in_dim3A_2283 : vector<512x128xi1>, vector<512x128xf32>
      %min3A_2285 = arith.minimumf %min3A_2278, %select_n3A_2284 : vector<512x128xf32>
      %slice3A_2286 = vector.extract_strided_slice %dot_general3A_5 {offsets = [0, 3456], sizes = [512, 128], strides = [1, 1]} : vector<512x4096xf32> to vector<512x128xf32>
      %gt3A_2287 = vector.broadcast %broadcast_in_dim3A_2094 : vector<512x1xf32> to vector<512x128xf32>
      %gt3A_2288 = arith.cmpf ogt, %slice3A_2286, %gt3A_2287 : vector<512x128xf32>
      %jit3A_2289 = arith.constant 3.000000e+38 : f32
      %broadcast_in_dim3A_2290 = vector.broadcast %jit3A_2289 : f32 to vector<512x128xf32>
      %select_n3A_2291 = arith.select %gt3A_2288, %slice3A_2286, %broadcast_in_dim3A_2290 : vector<512x128xi1>, vector<512x128xf32>
      %min3A_2292 = arith.minimumf %min3A_2285, %select_n3A_2291 : vector<512x128xf32>
      %slice3A_2293 = vector.extract_strided_slice %dot_general3A_5 {offsets = [0, 3584], sizes = [512, 128], strides = [1, 1]} : vector<512x4096xf32> to vector<512x128xf32>
      %gt3A_2294 = vector.broadcast %broadcast_in_dim3A_2094 : vector<512x1xf32> to vector<512x128xf32>
      %gt3A_2295 = arith.cmpf ogt, %slice3A_2293, %gt3A_2294 : vector<512x128xf32>
      %jit3A_2296 = arith.constant 3.000000e+38 : f32
      %broadcast_in_dim3A_2297 = vector.broadcast %jit3A_2296 : f32 to vector<512x128xf32>
      %select_n3A_2298 = arith.select %gt3A_2295, %slice3A_2293, %broadcast_in_dim3A_2297 : vector<512x128xi1>, vector<512x128xf32>
      %min3A_2299 = arith.minimumf %min3A_2292, %select_n3A_2298 : vector<512x128xf32>
      %slice3A_2300 = vector.extract_strided_slice %dot_general3A_5 {offsets = [0, 3712], sizes = [512, 128], strides = [1, 1]} : vector<512x4096xf32> to vector<512x128xf32>
      %gt3A_2301 = vector.broadcast %broadcast_in_dim3A_2094 : vector<512x1xf32> to vector<512x128xf32>
      %gt3A_2302 = arith.cmpf ogt, %slice3A_2300, %gt3A_2301 : vector<512x128xf32>
      %jit3A_2303 = arith.constant 3.000000e+38 : f32
      %broadcast_in_dim3A_2304 = vector.broadcast %jit3A_2303 : f32 to vector<512x128xf32>
      %select_n3A_2305 = arith.select %gt3A_2302, %slice3A_2300, %broadcast_in_dim3A_2304 : vector<512x128xi1>, vector<512x128xf32>
      %min3A_2306 = arith.minimumf %min3A_2299, %select_n3A_2305 : vector<512x128xf32>
      %slice3A_2307 = vector.extract_strided_slice %dot_general3A_5 {offsets = [0, 3840], sizes = [512, 128], strides = [1, 1]} : vector<512x4096xf32> to vector<512x128xf32>
      %gt3A_2308 = vector.broadcast %broadcast_in_dim3A_2094 : vector<512x1xf32> to vector<512x128xf32>
      %gt3A_2309 = arith.cmpf ogt, %slice3A_2307, %gt3A_2308 : vector<512x128xf32>
      %jit3A_2310 = arith.constant 3.000000e+38 : f32
      %broadcast_in_dim3A_2311 = vector.broadcast %jit3A_2310 : f32 to vector<512x128xf32>
      %select_n3A_2312 = arith.select %gt3A_2309, %slice3A_2307, %broadcast_in_dim3A_2311 : vector<512x128xi1>, vector<512x128xf32>
      %min3A_2313 = arith.minimumf %min3A_2306, %select_n3A_2312 : vector<512x128xf32>
      %slice3A_2314 = vector.extract_strided_slice %dot_general3A_5 {offsets = [0, 3968], sizes = [512, 128], strides = [1, 1]} : vector<512x4096xf32> to vector<512x128xf32>
      %gt3A_2315 = vector.broadcast %broadcast_in_dim3A_2094 : vector<512x1xf32> to vector<512x128xf32>
      %gt3A_2316 = arith.cmpf ogt, %slice3A_2314, %gt3A_2315 : vector<512x128xf32>
      %jit3A_2317 = arith.constant 3.000000e+38 : f32
      %broadcast_in_dim3A_2318 = vector.broadcast %jit3A_2317 : f32 to vector<512x128xf32>
      %select_n3A_2319 = arith.select %gt3A_2316, %slice3A_2314, %broadcast_in_dim3A_2318 : vector<512x128xi1>, vector<512x128xf32>
      %min3A_2320 = arith.minimumf %min3A_2313, %select_n3A_2319 : vector<512x128xf32>
      %reduce_min3A_2321 = arith.constant dense<0x7F800000> : vector<512xf32>
      %reduce_min3A_2322 = vector.multi_reduction <minimumf>, %min3A_2320, %reduce_min3A_2321 [1] : vector<512x128xf32> to vector<512xf32>
      %broadcast_in_dim3A_2323 = vector.shape_cast %reduce_min3A_2322 : vector<512xf32> to vector<512x1xf32>
      %broadcast_in_dim3A_2324 = arith.constant 3.000000e+38 : f32
      %broadcast_in_dim3A_2325 = vector.broadcast %broadcast_in_dim3A_2324 : f32 to vector<512x128xf32>
      %slice3A_2326 = vector.extract_strided_slice %dot_general3A_5 {offsets = [0, 0], sizes = [512, 128], strides = [1, 1]} : vector<512x4096xf32> to vector<512x128xf32>
      %gt3A_2327 = vector.broadcast %broadcast_in_dim3A_2323 : vector<512x1xf32> to vector<512x128xf32>
      %gt3A_2328 = arith.cmpf ogt, %slice3A_2326, %gt3A_2327 : vector<512x128xf32>
      %jit3A_2329 = arith.constant 3.000000e+38 : f32
      %broadcast_in_dim3A_2330 = vector.broadcast %jit3A_2329 : f32 to vector<512x128xf32>
      %select_n3A_2331 = arith.select %gt3A_2328, %slice3A_2326, %broadcast_in_dim3A_2330 : vector<512x128xi1>, vector<512x128xf32>
      %min3A_2332 = arith.minimumf %broadcast_in_dim3A_2325, %select_n3A_2331 : vector<512x128xf32>
      %slice3A_2333 = vector.extract_strided_slice %dot_general3A_5 {offsets = [0, 128], sizes = [512, 128], strides = [1, 1]} : vector<512x4096xf32> to vector<512x128xf32>
      %gt3A_2334 = vector.broadcast %broadcast_in_dim3A_2323 : vector<512x1xf32> to vector<512x128xf32>
      %gt3A_2335 = arith.cmpf ogt, %slice3A_2333, %gt3A_2334 : vector<512x128xf32>
      %jit3A_2336 = arith.constant 3.000000e+38 : f32
      %broadcast_in_dim3A_2337 = vector.broadcast %jit3A_2336 : f32 to vector<512x128xf32>
      %select_n3A_2338 = arith.select %gt3A_2335, %slice3A_2333, %broadcast_in_dim3A_2337 : vector<512x128xi1>, vector<512x128xf32>
      %min3A_2339 = arith.minimumf %min3A_2332, %select_n3A_2338 : vector<512x128xf32>
      %slice3A_2340 = vector.extract_strided_slice %dot_general3A_5 {offsets = [0, 256], sizes = [512, 128], strides = [1, 1]} : vector<512x4096xf32> to vector<512x128xf32>
      %gt3A_2341 = vector.broadcast %broadcast_in_dim3A_2323 : vector<512x1xf32> to vector<512x128xf32>
      %gt3A_2342 = arith.cmpf ogt, %slice3A_2340, %gt3A_2341 : vector<512x128xf32>
      %jit3A_2343 = arith.constant 3.000000e+38 : f32
      %broadcast_in_dim3A_2344 = vector.broadcast %jit3A_2343 : f32 to vector<512x128xf32>
      %select_n3A_2345 = arith.select %gt3A_2342, %slice3A_2340, %broadcast_in_dim3A_2344 : vector<512x128xi1>, vector<512x128xf32>
      %min3A_2346 = arith.minimumf %min3A_2339, %select_n3A_2345 : vector<512x128xf32>
      %slice3A_2347 = vector.extract_strided_slice %dot_general3A_5 {offsets = [0, 384], sizes = [512, 128], strides = [1, 1]} : vector<512x4096xf32> to vector<512x128xf32>
      %gt3A_2348 = vector.broadcast %broadcast_in_dim3A_2323 : vector<512x1xf32> to vector<512x128xf32>
      %gt3A_2349 = arith.cmpf ogt, %slice3A_2347, %gt3A_2348 : vector<512x128xf32>
      %jit3A_2350 = arith.constant 3.000000e+38 : f32
      %broadcast_in_dim3A_2351 = vector.broadcast %jit3A_2350 : f32 to vector<512x128xf32>
      %select_n3A_2352 = arith.select %gt3A_2349, %slice3A_2347, %broadcast_in_dim3A_2351 : vector<512x128xi1>, vector<512x128xf32>
      %min3A_2353 = arith.minimumf %min3A_2346, %select_n3A_2352 : vector<512x128xf32>
      %slice3A_2354 = vector.extract_strided_slice %dot_general3A_5 {offsets = [0, 512], sizes = [512, 128], strides = [1, 1]} : vector<512x4096xf32> to vector<512x128xf32>
      %gt3A_2355 = vector.broadcast %broadcast_in_dim3A_2323 : vector<512x1xf32> to vector<512x128xf32>
      %gt3A_2356 = arith.cmpf ogt, %slice3A_2354, %gt3A_2355 : vector<512x128xf32>
      %jit3A_2357 = arith.constant 3.000000e+38 : f32
      %broadcast_in_dim3A_2358 = vector.broadcast %jit3A_2357 : f32 to vector<512x128xf32>
      %select_n3A_2359 = arith.select %gt3A_2356, %slice3A_2354, %broadcast_in_dim3A_2358 : vector<512x128xi1>, vector<512x128xf32>
      %min3A_2360 = arith.minimumf %min3A_2353, %select_n3A_2359 : vector<512x128xf32>
      %slice3A_2361 = vector.extract_strided_slice %dot_general3A_5 {offsets = [0, 640], sizes = [512, 128], strides = [1, 1]} : vector<512x4096xf32> to vector<512x128xf32>
      %gt3A_2362 = vector.broadcast %broadcast_in_dim3A_2323 : vector<512x1xf32> to vector<512x128xf32>
      %gt3A_2363 = arith.cmpf ogt, %slice3A_2361, %gt3A_2362 : vector<512x128xf32>
      %jit3A_2364 = arith.constant 3.000000e+38 : f32
      %broadcast_in_dim3A_2365 = vector.broadcast %jit3A_2364 : f32 to vector<512x128xf32>
      %select_n3A_2366 = arith.select %gt3A_2363, %slice3A_2361, %broadcast_in_dim3A_2365 : vector<512x128xi1>, vector<512x128xf32>
      %min3A_2367 = arith.minimumf %min3A_2360, %select_n3A_2366 : vector<512x128xf32>
      %slice3A_2368 = vector.extract_strided_slice %dot_general3A_5 {offsets = [0, 768], sizes = [512, 128], strides = [1, 1]} : vector<512x4096xf32> to vector<512x128xf32>
      %gt3A_2369 = vector.broadcast %broadcast_in_dim3A_2323 : vector<512x1xf32> to vector<512x128xf32>
      %gt3A_2370 = arith.cmpf ogt, %slice3A_2368, %gt3A_2369 : vector<512x128xf32>
      %jit3A_2371 = arith.constant 3.000000e+38 : f32
      %broadcast_in_dim3A_2372 = vector.broadcast %jit3A_2371 : f32 to vector<512x128xf32>
      %select_n3A_2373 = arith.select %gt3A_2370, %slice3A_2368, %broadcast_in_dim3A_2372 : vector<512x128xi1>, vector<512x128xf32>
      %min3A_2374 = arith.minimumf %min3A_2367, %select_n3A_2373 : vector<512x128xf32>
      %slice3A_2375 = vector.extract_strided_slice %dot_general3A_5 {offsets = [0, 896], sizes = [512, 128], strides = [1, 1]} : vector<512x4096xf32> to vector<512x128xf32>
      %gt3A_2376 = vector.broadcast %broadcast_in_dim3A_2323 : vector<512x1xf32> to vector<512x128xf32>
      %gt3A_2377 = arith.cmpf ogt, %slice3A_2375, %gt3A_2376 : vector<512x128xf32>
      %jit3A_2378 = arith.constant 3.000000e+38 : f32
      %broadcast_in_dim3A_2379 = vector.broadcast %jit3A_2378 : f32 to vector<512x128xf32>
      %select_n3A_2380 = arith.select %gt3A_2377, %slice3A_2375, %broadcast_in_dim3A_2379 : vector<512x128xi1>, vector<512x128xf32>
      %min3A_2381 = arith.minimumf %min3A_2374, %select_n3A_2380 : vector<512x128xf32>
      %slice3A_2382 = vector.extract_strided_slice %dot_general3A_5 {offsets = [0, 1024], sizes = [512, 128], strides = [1, 1]} : vector<512x4096xf32> to vector<512x128xf32>
      %gt3A_2383 = vector.broadcast %broadcast_in_dim3A_2323 : vector<512x1xf32> to vector<512x128xf32>
      %gt3A_2384 = arith.cmpf ogt, %slice3A_2382, %gt3A_2383 : vector<512x128xf32>
      %jit3A_2385 = arith.constant 3.000000e+38 : f32
      %broadcast_in_dim3A_2386 = vector.broadcast %jit3A_2385 : f32 to vector<512x128xf32>
      %select_n3A_2387 = arith.select %gt3A_2384, %slice3A_2382, %broadcast_in_dim3A_2386 : vector<512x128xi1>, vector<512x128xf32>
      %min3A_2388 = arith.minimumf %min3A_2381, %select_n3A_2387 : vector<512x128xf32>
      %slice3A_2389 = vector.extract_strided_slice %dot_general3A_5 {offsets = [0, 1152], sizes = [512, 128], strides = [1, 1]} : vector<512x4096xf32> to vector<512x128xf32>
      %gt3A_2390 = vector.broadcast %broadcast_in_dim3A_2323 : vector<512x1xf32> to vector<512x128xf32>
      %gt3A_2391 = arith.cmpf ogt, %slice3A_2389, %gt3A_2390 : vector<512x128xf32>
      %jit3A_2392 = arith.constant 3.000000e+38 : f32
      %broadcast_in_dim3A_2393 = vector.broadcast %jit3A_2392 : f32 to vector<512x128xf32>
      %select_n3A_2394 = arith.select %gt3A_2391, %slice3A_2389, %broadcast_in_dim3A_2393 : vector<512x128xi1>, vector<512x128xf32>
      %min3A_2395 = arith.minimumf %min3A_2388, %select_n3A_2394 : vector<512x128xf32>
      %slice3A_2396 = vector.extract_strided_slice %dot_general3A_5 {offsets = [0, 1280], sizes = [512, 128], strides = [1, 1]} : vector<512x4096xf32> to vector<512x128xf32>
      %gt3A_2397 = vector.broadcast %broadcast_in_dim3A_2323 : vector<512x1xf32> to vector<512x128xf32>
      %gt3A_2398 = arith.cmpf ogt, %slice3A_2396, %gt3A_2397 : vector<512x128xf32>
      %jit3A_2399 = arith.constant 3.000000e+38 : f32
      %broadcast_in_dim3A_2400 = vector.broadcast %jit3A_2399 : f32 to vector<512x128xf32>
      %select_n3A_2401 = arith.select %gt3A_2398, %slice3A_2396, %broadcast_in_dim3A_2400 : vector<512x128xi1>, vector<512x128xf32>
      %min3A_2402 = arith.minimumf %min3A_2395, %select_n3A_2401 : vector<512x128xf32>
      %slice3A_2403 = vector.extract_strided_slice %dot_general3A_5 {offsets = [0, 1408], sizes = [512, 128], strides = [1, 1]} : vector<512x4096xf32> to vector<512x128xf32>
      %gt3A_2404 = vector.broadcast %broadcast_in_dim3A_2323 : vector<512x1xf32> to vector<512x128xf32>
      %gt3A_2405 = arith.cmpf ogt, %slice3A_2403, %gt3A_2404 : vector<512x128xf32>
      %jit3A_2406 = arith.constant 3.000000e+38 : f32
      %broadcast_in_dim3A_2407 = vector.broadcast %jit3A_2406 : f32 to vector<512x128xf32>
      %select_n3A_2408 = arith.select %gt3A_2405, %slice3A_2403, %broadcast_in_dim3A_2407 : vector<512x128xi1>, vector<512x128xf32>
      %min3A_2409 = arith.minimumf %min3A_2402, %select_n3A_2408 : vector<512x128xf32>
      %slice3A_2410 = vector.extract_strided_slice %dot_general3A_5 {offsets = [0, 1536], sizes = [512, 128], strides = [1, 1]} : vector<512x4096xf32> to vector<512x128xf32>
      %gt3A_2411 = vector.broadcast %broadcast_in_dim3A_2323 : vector<512x1xf32> to vector<512x128xf32>
      %gt3A_2412 = arith.cmpf ogt, %slice3A_2410, %gt3A_2411 : vector<512x128xf32>
      %jit3A_2413 = arith.constant 3.000000e+38 : f32
      %broadcast_in_dim3A_2414 = vector.broadcast %jit3A_2413 : f32 to vector<512x128xf32>
      %select_n3A_2415 = arith.select %gt3A_2412, %slice3A_2410, %broadcast_in_dim3A_2414 : vector<512x128xi1>, vector<512x128xf32>
      %min3A_2416 = arith.minimumf %min3A_2409, %select_n3A_2415 : vector<512x128xf32>
      %slice3A_2417 = vector.extract_strided_slice %dot_general3A_5 {offsets = [0, 1664], sizes = [512, 128], strides = [1, 1]} : vector<512x4096xf32> to vector<512x128xf32>
      %gt3A_2418 = vector.broadcast %broadcast_in_dim3A_2323 : vector<512x1xf32> to vector<512x128xf32>
      %gt3A_2419 = arith.cmpf ogt, %slice3A_2417, %gt3A_2418 : vector<512x128xf32>
      %jit3A_2420 = arith.constant 3.000000e+38 : f32
      %broadcast_in_dim3A_2421 = vector.broadcast %jit3A_2420 : f32 to vector<512x128xf32>
      %select_n3A_2422 = arith.select %gt3A_2419, %slice3A_2417, %broadcast_in_dim3A_2421 : vector<512x128xi1>, vector<512x128xf32>
      %min3A_2423 = arith.minimumf %min3A_2416, %select_n3A_2422 : vector<512x128xf32>
      %slice3A_2424 = vector.extract_strided_slice %dot_general3A_5 {offsets = [0, 1792], sizes = [512, 128], strides = [1, 1]} : vector<512x4096xf32> to vector<512x128xf32>
      %gt3A_2425 = vector.broadcast %broadcast_in_dim3A_2323 : vector<512x1xf32> to vector<512x128xf32>
      %gt3A_2426 = arith.cmpf ogt, %slice3A_2424, %gt3A_2425 : vector<512x128xf32>
      %jit3A_2427 = arith.constant 3.000000e+38 : f32
      %broadcast_in_dim3A_2428 = vector.broadcast %jit3A_2427 : f32 to vector<512x128xf32>
      %select_n3A_2429 = arith.select %gt3A_2426, %slice3A_2424, %broadcast_in_dim3A_2428 : vector<512x128xi1>, vector<512x128xf32>
      %min3A_2430 = arith.minimumf %min3A_2423, %select_n3A_2429 : vector<512x128xf32>
      %slice3A_2431 = vector.extract_strided_slice %dot_general3A_5 {offsets = [0, 1920], sizes = [512, 128], strides = [1, 1]} : vector<512x4096xf32> to vector<512x128xf32>
      %gt3A_2432 = vector.broadcast %broadcast_in_dim3A_2323 : vector<512x1xf32> to vector<512x128xf32>
      %gt3A_2433 = arith.cmpf ogt, %slice3A_2431, %gt3A_2432 : vector<512x128xf32>
      %jit3A_2434 = arith.constant 3.000000e+38 : f32
      %broadcast_in_dim3A_2435 = vector.broadcast %jit3A_2434 : f32 to vector<512x128xf32>
      %select_n3A_2436 = arith.select %gt3A_2433, %slice3A_2431, %broadcast_in_dim3A_2435 : vector<512x128xi1>, vector<512x128xf32>
      %min3A_2437 = arith.minimumf %min3A_2430, %select_n3A_2436 : vector<512x128xf32>
      %slice3A_2438 = vector.extract_strided_slice %dot_general3A_5 {offsets = [0, 2048], sizes = [512, 128], strides = [1, 1]} : vector<512x4096xf32> to vector<512x128xf32>
      %gt3A_2439 = vector.broadcast %broadcast_in_dim3A_2323 : vector<512x1xf32> to vector<512x128xf32>
      %gt3A_2440 = arith.cmpf ogt, %slice3A_2438, %gt3A_2439 : vector<512x128xf32>
      %jit3A_2441 = arith.constant 3.000000e+38 : f32
      %broadcast_in_dim3A_2442 = vector.broadcast %jit3A_2441 : f32 to vector<512x128xf32>
      %select_n3A_2443 = arith.select %gt3A_2440, %slice3A_2438, %broadcast_in_dim3A_2442 : vector<512x128xi1>, vector<512x128xf32>
      %min3A_2444 = arith.minimumf %min3A_2437, %select_n3A_2443 : vector<512x128xf32>
      %slice3A_2445 = vector.extract_strided_slice %dot_general3A_5 {offsets = [0, 2176], sizes = [512, 128], strides = [1, 1]} : vector<512x4096xf32> to vector<512x128xf32>
      %gt3A_2446 = vector.broadcast %broadcast_in_dim3A_2323 : vector<512x1xf32> to vector<512x128xf32>
      %gt3A_2447 = arith.cmpf ogt, %slice3A_2445, %gt3A_2446 : vector<512x128xf32>
      %jit3A_2448 = arith.constant 3.000000e+38 : f32
      %broadcast_in_dim3A_2449 = vector.broadcast %jit3A_2448 : f32 to vector<512x128xf32>
      %select_n3A_2450 = arith.select %gt3A_2447, %slice3A_2445, %broadcast_in_dim3A_2449 : vector<512x128xi1>, vector<512x128xf32>
      %min3A_2451 = arith.minimumf %min3A_2444, %select_n3A_2450 : vector<512x128xf32>
      %slice3A_2452 = vector.extract_strided_slice %dot_general3A_5 {offsets = [0, 2304], sizes = [512, 128], strides = [1, 1]} : vector<512x4096xf32> to vector<512x128xf32>
      %gt3A_2453 = vector.broadcast %broadcast_in_dim3A_2323 : vector<512x1xf32> to vector<512x128xf32>
      %gt3A_2454 = arith.cmpf ogt, %slice3A_2452, %gt3A_2453 : vector<512x128xf32>
      %jit3A_2455 = arith.constant 3.000000e+38 : f32
      %broadcast_in_dim3A_2456 = vector.broadcast %jit3A_2455 : f32 to vector<512x128xf32>
      %select_n3A_2457 = arith.select %gt3A_2454, %slice3A_2452, %broadcast_in_dim3A_2456 : vector<512x128xi1>, vector<512x128xf32>
      %min3A_2458 = arith.minimumf %min3A_2451, %select_n3A_2457 : vector<512x128xf32>
      %slice3A_2459 = vector.extract_strided_slice %dot_general3A_5 {offsets = [0, 2432], sizes = [512, 128], strides = [1, 1]} : vector<512x4096xf32> to vector<512x128xf32>
      %gt3A_2460 = vector.broadcast %broadcast_in_dim3A_2323 : vector<512x1xf32> to vector<512x128xf32>
      %gt3A_2461 = arith.cmpf ogt, %slice3A_2459, %gt3A_2460 : vector<512x128xf32>
      %jit3A_2462 = arith.constant 3.000000e+38 : f32
      %broadcast_in_dim3A_2463 = vector.broadcast %jit3A_2462 : f32 to vector<512x128xf32>
      %select_n3A_2464 = arith.select %gt3A_2461, %slice3A_2459, %broadcast_in_dim3A_2463 : vector<512x128xi1>, vector<512x128xf32>
      %min3A_2465 = arith.minimumf %min3A_2458, %select_n3A_2464 : vector<512x128xf32>
      %slice3A_2466 = vector.extract_strided_slice %dot_general3A_5 {offsets = [0, 2560], sizes = [512, 128], strides = [1, 1]} : vector<512x4096xf32> to vector<512x128xf32>
      %gt3A_2467 = vector.broadcast %broadcast_in_dim3A_2323 : vector<512x1xf32> to vector<512x128xf32>
      %gt3A_2468 = arith.cmpf ogt, %slice3A_2466, %gt3A_2467 : vector<512x128xf32>
      %jit3A_2469 = arith.constant 3.000000e+38 : f32
      %broadcast_in_dim3A_2470 = vector.broadcast %jit3A_2469 : f32 to vector<512x128xf32>
      %select_n3A_2471 = arith.select %gt3A_2468, %slice3A_2466, %broadcast_in_dim3A_2470 : vector<512x128xi1>, vector<512x128xf32>
      %min3A_2472 = arith.minimumf %min3A_2465, %select_n3A_2471 : vector<512x128xf32>
      %slice3A_2473 = vector.extract_strided_slice %dot_general3A_5 {offsets = [0, 2688], sizes = [512, 128], strides = [1, 1]} : vector<512x4096xf32> to vector<512x128xf32>
      %gt3A_2474 = vector.broadcast %broadcast_in_dim3A_2323 : vector<512x1xf32> to vector<512x128xf32>
      %gt3A_2475 = arith.cmpf ogt, %slice3A_2473, %gt3A_2474 : vector<512x128xf32>
      %jit3A_2476 = arith.constant 3.000000e+38 : f32
      %broadcast_in_dim3A_2477 = vector.broadcast %jit3A_2476 : f32 to vector<512x128xf32>
      %select_n3A_2478 = arith.select %gt3A_2475, %slice3A_2473, %broadcast_in_dim3A_2477 : vector<512x128xi1>, vector<512x128xf32>
      %min3A_2479 = arith.minimumf %min3A_2472, %select_n3A_2478 : vector<512x128xf32>
      %slice3A_2480 = vector.extract_strided_slice %dot_general3A_5 {offsets = [0, 2816], sizes = [512, 128], strides = [1, 1]} : vector<512x4096xf32> to vector<512x128xf32>
      %gt3A_2481 = vector.broadcast %broadcast_in_dim3A_2323 : vector<512x1xf32> to vector<512x128xf32>
      %gt3A_2482 = arith.cmpf ogt, %slice3A_2480, %gt3A_2481 : vector<512x128xf32>
      %jit3A_2483 = arith.constant 3.000000e+38 : f32
      %broadcast_in_dim3A_2484 = vector.broadcast %jit3A_2483 : f32 to vector<512x128xf32>
      %select_n3A_2485 = arith.select %gt3A_2482, %slice3A_2480, %broadcast_in_dim3A_2484 : vector<512x128xi1>, vector<512x128xf32>
      %min3A_2486 = arith.minimumf %min3A_2479, %select_n3A_2485 : vector<512x128xf32>
      %slice3A_2487 = vector.extract_strided_slice %dot_general3A_5 {offsets = [0, 2944], sizes = [512, 128], strides = [1, 1]} : vector<512x4096xf32> to vector<512x128xf32>
      %gt3A_2488 = vector.broadcast %broadcast_in_dim3A_2323 : vector<512x1xf32> to vector<512x128xf32>
      %gt3A_2489 = arith.cmpf ogt, %slice3A_2487, %gt3A_2488 : vector<512x128xf32>
      %jit3A_2490 = arith.constant 3.000000e+38 : f32
      %broadcast_in_dim3A_2491 = vector.broadcast %jit3A_2490 : f32 to vector<512x128xf32>
      %select_n3A_2492 = arith.select %gt3A_2489, %slice3A_2487, %broadcast_in_dim3A_2491 : vector<512x128xi1>, vector<512x128xf32>
      %min3A_2493 = arith.minimumf %min3A_2486, %select_n3A_2492 : vector<512x128xf32>
      %slice3A_2494 = vector.extract_strided_slice %dot_general3A_5 {offsets = [0, 3072], sizes = [512, 128], strides = [1, 1]} : vector<512x4096xf32> to vector<512x128xf32>
      %gt3A_2495 = vector.broadcast %broadcast_in_dim3A_2323 : vector<512x1xf32> to vector<512x128xf32>
      %gt3A_2496 = arith.cmpf ogt, %slice3A_2494, %gt3A_2495 : vector<512x128xf32>
      %jit3A_2497 = arith.constant 3.000000e+38 : f32
      %broadcast_in_dim3A_2498 = vector.broadcast %jit3A_2497 : f32 to vector<512x128xf32>
      %select_n3A_2499 = arith.select %gt3A_2496, %slice3A_2494, %broadcast_in_dim3A_2498 : vector<512x128xi1>, vector<512x128xf32>
      %min3A_2500 = arith.minimumf %min3A_2493, %select_n3A_2499 : vector<512x128xf32>
      %slice3A_2501 = vector.extract_strided_slice %dot_general3A_5 {offsets = [0, 3200], sizes = [512, 128], strides = [1, 1]} : vector<512x4096xf32> to vector<512x128xf32>
      %gt3A_2502 = vector.broadcast %broadcast_in_dim3A_2323 : vector<512x1xf32> to vector<512x128xf32>
      %gt3A_2503 = arith.cmpf ogt, %slice3A_2501, %gt3A_2502 : vector<512x128xf32>
      %jit3A_2504 = arith.constant 3.000000e+38 : f32
      %broadcast_in_dim3A_2505 = vector.broadcast %jit3A_2504 : f32 to vector<512x128xf32>
      %select_n3A_2506 = arith.select %gt3A_2503, %slice3A_2501, %broadcast_in_dim3A_2505 : vector<512x128xi1>, vector<512x128xf32>
      %min3A_2507 = arith.minimumf %min3A_2500, %select_n3A_2506 : vector<512x128xf32>
      %slice3A_2508 = vector.extract_strided_slice %dot_general3A_5 {offsets = [0, 3328], sizes = [512, 128], strides = [1, 1]} : vector<512x4096xf32> to vector<512x128xf32>
      %gt3A_2509 = vector.broadcast %broadcast_in_dim3A_2323 : vector<512x1xf32> to vector<512x128xf32>
      %gt3A_2510 = arith.cmpf ogt, %slice3A_2508, %gt3A_2509 : vector<512x128xf32>
      %jit3A_2511 = arith.constant 3.000000e+38 : f32
      %broadcast_in_dim3A_2512 = vector.broadcast %jit3A_2511 : f32 to vector<512x128xf32>
      %select_n3A_2513 = arith.select %gt3A_2510, %slice3A_2508, %broadcast_in_dim3A_2512 : vector<512x128xi1>, vector<512x128xf32>
      %min3A_2514 = arith.minimumf %min3A_2507, %select_n3A_2513 : vector<512x128xf32>
      %slice3A_2515 = vector.extract_strided_slice %dot_general3A_5 {offsets = [0, 3456], sizes = [512, 128], strides = [1, 1]} : vector<512x4096xf32> to vector<512x128xf32>
      %gt3A_2516 = vector.broadcast %broadcast_in_dim3A_2323 : vector<512x1xf32> to vector<512x128xf32>
      %gt3A_2517 = arith.cmpf ogt, %slice3A_2515, %gt3A_2516 : vector<512x128xf32>
      %jit3A_2518 = arith.constant 3.000000e+38 : f32
      %broadcast_in_dim3A_2519 = vector.broadcast %jit3A_2518 : f32 to vector<512x128xf32>
      %select_n3A_2520 = arith.select %gt3A_2517, %slice3A_2515, %broadcast_in_dim3A_2519 : vector<512x128xi1>, vector<512x128xf32>
      %min3A_2521 = arith.minimumf %min3A_2514, %select_n3A_2520 : vector<512x128xf32>
      %slice3A_2522 = vector.extract_strided_slice %dot_general3A_5 {offsets = [0, 3584], sizes = [512, 128], strides = [1, 1]} : vector<512x4096xf32> to vector<512x128xf32>
      %gt3A_2523 = vector.broadcast %broadcast_in_dim3A_2323 : vector<512x1xf32> to vector<512x128xf32>
      %gt3A_2524 = arith.cmpf ogt, %slice3A_2522, %gt3A_2523 : vector<512x128xf32>
      %jit3A_2525 = arith.constant 3.000000e+38 : f32
      %broadcast_in_dim3A_2526 = vector.broadcast %jit3A_2525 : f32 to vector<512x128xf32>
      %select_n3A_2527 = arith.select %gt3A_2524, %slice3A_2522, %broadcast_in_dim3A_2526 : vector<512x128xi1>, vector<512x128xf32>
      %min3A_2528 = arith.minimumf %min3A_2521, %select_n3A_2527 : vector<512x128xf32>
      %slice3A_2529 = vector.extract_strided_slice %dot_general3A_5 {offsets = [0, 3712], sizes = [512, 128], strides = [1, 1]} : vector<512x4096xf32> to vector<512x128xf32>
      %gt3A_2530 = vector.broadcast %broadcast_in_dim3A_2323 : vector<512x1xf32> to vector<512x128xf32>
      %gt3A_2531 = arith.cmpf ogt, %slice3A_2529, %gt3A_2530 : vector<512x128xf32>
      %jit3A_2532 = arith.constant 3.000000e+38 : f32
      %broadcast_in_dim3A_2533 = vector.broadcast %jit3A_2532 : f32 to vector<512x128xf32>
      %select_n3A_2534 = arith.select %gt3A_2531, %slice3A_2529, %broadcast_in_dim3A_2533 : vector<512x128xi1>, vector<512x128xf32>
      %min3A_2535 = arith.minimumf %min3A_2528, %select_n3A_2534 : vector<512x128xf32>
      %slice3A_2536 = vector.extract_strided_slice %dot_general3A_5 {offsets = [0, 3840], sizes = [512, 128], strides = [1, 1]} : vector<512x4096xf32> to vector<512x128xf32>
      %gt3A_2537 = vector.broadcast %broadcast_in_dim3A_2323 : vector<512x1xf32> to vector<512x128xf32>
      %gt3A_2538 = arith.cmpf ogt, %slice3A_2536, %gt3A_2537 : vector<512x128xf32>
      %jit3A_2539 = arith.constant 3.000000e+38 : f32
      %broadcast_in_dim3A_2540 = vector.broadcast %jit3A_2539 : f32 to vector<512x128xf32>
      %select_n3A_2541 = arith.select %gt3A_2538, %slice3A_2536, %broadcast_in_dim3A_2540 : vector<512x128xi1>, vector<512x128xf32>
      %min3A_2542 = arith.minimumf %min3A_2535, %select_n3A_2541 : vector<512x128xf32>
      %slice3A_2543 = vector.extract_strided_slice %dot_general3A_5 {offsets = [0, 3968], sizes = [512, 128], strides = [1, 1]} : vector<512x4096xf32> to vector<512x128xf32>
      %gt3A_2544 = vector.broadcast %broadcast_in_dim3A_2323 : vector<512x1xf32> to vector<512x128xf32>
      %gt3A_2545 = arith.cmpf ogt, %slice3A_2543, %gt3A_2544 : vector<512x128xf32>
      %jit3A_2546 = arith.constant 3.000000e+38 : f32
      %broadcast_in_dim3A_2547 = vector.broadcast %jit3A_2546 : f32 to vector<512x128xf32>
      %select_n3A_2548 = arith.select %gt3A_2545, %slice3A_2543, %broadcast_in_dim3A_2547 : vector<512x128xi1>, vector<512x128xf32>
      %min3A_2549 = arith.minimumf %min3A_2542, %select_n3A_2548 : vector<512x128xf32>
      %reduce_min3A_2550 = arith.constant dense<0x7F800000> : vector<512xf32>
      %reduce_min3A_2551 = vector.multi_reduction <minimumf>, %min3A_2549, %reduce_min3A_2550 [1] : vector<512x128xf32> to vector<512xf32>
      %broadcast_in_dim3A_2552 = vector.shape_cast %reduce_min3A_2551 : vector<512xf32> to vector<512x1xf32>
      %broadcast_in_dim3A_2553 = arith.constant 3.000000e+38 : f32
      %broadcast_in_dim3A_2554 = vector.broadcast %broadcast_in_dim3A_2553 : f32 to vector<512x128xf32>
      %slice3A_2555 = vector.extract_strided_slice %dot_general3A_5 {offsets = [0, 0], sizes = [512, 128], strides = [1, 1]} : vector<512x4096xf32> to vector<512x128xf32>
      %gt3A_2556 = vector.broadcast %broadcast_in_dim3A_2552 : vector<512x1xf32> to vector<512x128xf32>
      %gt3A_2557 = arith.cmpf ogt, %slice3A_2555, %gt3A_2556 : vector<512x128xf32>
      %jit3A_2558 = arith.constant 3.000000e+38 : f32
      %broadcast_in_dim3A_2559 = vector.broadcast %jit3A_2558 : f32 to vector<512x128xf32>
      %select_n3A_2560 = arith.select %gt3A_2557, %slice3A_2555, %broadcast_in_dim3A_2559 : vector<512x128xi1>, vector<512x128xf32>
      %min3A_2561 = arith.minimumf %broadcast_in_dim3A_2554, %select_n3A_2560 : vector<512x128xf32>
      %slice3A_2562 = vector.extract_strided_slice %dot_general3A_5 {offsets = [0, 128], sizes = [512, 128], strides = [1, 1]} : vector<512x4096xf32> to vector<512x128xf32>
      %gt3A_2563 = vector.broadcast %broadcast_in_dim3A_2552 : vector<512x1xf32> to vector<512x128xf32>
      %gt3A_2564 = arith.cmpf ogt, %slice3A_2562, %gt3A_2563 : vector<512x128xf32>
      %jit3A_2565 = arith.constant 3.000000e+38 : f32
      %broadcast_in_dim3A_2566 = vector.broadcast %jit3A_2565 : f32 to vector<512x128xf32>
      %select_n3A_2567 = arith.select %gt3A_2564, %slice3A_2562, %broadcast_in_dim3A_2566 : vector<512x128xi1>, vector<512x128xf32>
      %min3A_2568 = arith.minimumf %min3A_2561, %select_n3A_2567 : vector<512x128xf32>
      %slice3A_2569 = vector.extract_strided_slice %dot_general3A_5 {offsets = [0, 256], sizes = [512, 128], strides = [1, 1]} : vector<512x4096xf32> to vector<512x128xf32>
      %gt3A_2570 = vector.broadcast %broadcast_in_dim3A_2552 : vector<512x1xf32> to vector<512x128xf32>
      %gt3A_2571 = arith.cmpf ogt, %slice3A_2569, %gt3A_2570 : vector<512x128xf32>
      %jit3A_2572 = arith.constant 3.000000e+38 : f32
      %broadcast_in_dim3A_2573 = vector.broadcast %jit3A_2572 : f32 to vector<512x128xf32>
      %select_n3A_2574 = arith.select %gt3A_2571, %slice3A_2569, %broadcast_in_dim3A_2573 : vector<512x128xi1>, vector<512x128xf32>
      %min3A_2575 = arith.minimumf %min3A_2568, %select_n3A_2574 : vector<512x128xf32>
      %slice3A_2576 = vector.extract_strided_slice %dot_general3A_5 {offsets = [0, 384], sizes = [512, 128], strides = [1, 1]} : vector<512x4096xf32> to vector<512x128xf32>
      %gt3A_2577 = vector.broadcast %broadcast_in_dim3A_2552 : vector<512x1xf32> to vector<512x128xf32>
      %gt3A_2578 = arith.cmpf ogt, %slice3A_2576, %gt3A_2577 : vector<512x128xf32>
      %jit3A_2579 = arith.constant 3.000000e+38 : f32
      %broadcast_in_dim3A_2580 = vector.broadcast %jit3A_2579 : f32 to vector<512x128xf32>
      %select_n3A_2581 = arith.select %gt3A_2578, %slice3A_2576, %broadcast_in_dim3A_2580 : vector<512x128xi1>, vector<512x128xf32>
      %min3A_2582 = arith.minimumf %min3A_2575, %select_n3A_2581 : vector<512x128xf32>
      %slice3A_2583 = vector.extract_strided_slice %dot_general3A_5 {offsets = [0, 512], sizes = [512, 128], strides = [1, 1]} : vector<512x4096xf32> to vector<512x128xf32>
      %gt3A_2584 = vector.broadcast %broadcast_in_dim3A_2552 : vector<512x1xf32> to vector<512x128xf32>
      %gt3A_2585 = arith.cmpf ogt, %slice3A_2583, %gt3A_2584 : vector<512x128xf32>
      %jit3A_2586 = arith.constant 3.000000e+38 : f32
      %broadcast_in_dim3A_2587 = vector.broadcast %jit3A_2586 : f32 to vector<512x128xf32>
      %select_n3A_2588 = arith.select %gt3A_2585, %slice3A_2583, %broadcast_in_dim3A_2587 : vector<512x128xi1>, vector<512x128xf32>
      %min3A_2589 = arith.minimumf %min3A_2582, %select_n3A_2588 : vector<512x128xf32>
      %slice3A_2590 = vector.extract_strided_slice %dot_general3A_5 {offsets = [0, 640], sizes = [512, 128], strides = [1, 1]} : vector<512x4096xf32> to vector<512x128xf32>
      %gt3A_2591 = vector.broadcast %broadcast_in_dim3A_2552 : vector<512x1xf32> to vector<512x128xf32>
      %gt3A_2592 = arith.cmpf ogt, %slice3A_2590, %gt3A_2591 : vector<512x128xf32>
      %jit3A_2593 = arith.constant 3.000000e+38 : f32
      %broadcast_in_dim3A_2594 = vector.broadcast %jit3A_2593 : f32 to vector<512x128xf32>
      %select_n3A_2595 = arith.select %gt3A_2592, %slice3A_2590, %broadcast_in_dim3A_2594 : vector<512x128xi1>, vector<512x128xf32>
      %min3A_2596 = arith.minimumf %min3A_2589, %select_n3A_2595 : vector<512x128xf32>
      %slice3A_2597 = vector.extract_strided_slice %dot_general3A_5 {offsets = [0, 768], sizes = [512, 128], strides = [1, 1]} : vector<512x4096xf32> to vector<512x128xf32>
      %gt3A_2598 = vector.broadcast %broadcast_in_dim3A_2552 : vector<512x1xf32> to vector<512x128xf32>
      %gt3A_2599 = arith.cmpf ogt, %slice3A_2597, %gt3A_2598 : vector<512x128xf32>
      %jit3A_2600 = arith.constant 3.000000e+38 : f32
      %broadcast_in_dim3A_2601 = vector.broadcast %jit3A_2600 : f32 to vector<512x128xf32>
      %select_n3A_2602 = arith.select %gt3A_2599, %slice3A_2597, %broadcast_in_dim3A_2601 : vector<512x128xi1>, vector<512x128xf32>
      %min3A_2603 = arith.minimumf %min3A_2596, %select_n3A_2602 : vector<512x128xf32>
      %slice3A_2604 = vector.extract_strided_slice %dot_general3A_5 {offsets = [0, 896], sizes = [512, 128], strides = [1, 1]} : vector<512x4096xf32> to vector<512x128xf32>
      %gt3A_2605 = vector.broadcast %broadcast_in_dim3A_2552 : vector<512x1xf32> to vector<512x128xf32>
      %gt3A_2606 = arith.cmpf ogt, %slice3A_2604, %gt3A_2605 : vector<512x128xf32>
      %jit3A_2607 = arith.constant 3.000000e+38 : f32
      %broadcast_in_dim3A_2608 = vector.broadcast %jit3A_2607 : f32 to vector<512x128xf32>
      %select_n3A_2609 = arith.select %gt3A_2606, %slice3A_2604, %broadcast_in_dim3A_2608 : vector<512x128xi1>, vector<512x128xf32>
      %min3A_2610 = arith.minimumf %min3A_2603, %select_n3A_2609 : vector<512x128xf32>
      %slice3A_2611 = vector.extract_strided_slice %dot_general3A_5 {offsets = [0, 1024], sizes = [512, 128], strides = [1, 1]} : vector<512x4096xf32> to vector<512x128xf32>
      %gt3A_2612 = vector.broadcast %broadcast_in_dim3A_2552 : vector<512x1xf32> to vector<512x128xf32>
      %gt3A_2613 = arith.cmpf ogt, %slice3A_2611, %gt3A_2612 : vector<512x128xf32>
      %jit3A_2614 = arith.constant 3.000000e+38 : f32
      %broadcast_in_dim3A_2615 = vector.broadcast %jit3A_2614 : f32 to vector<512x128xf32>
      %select_n3A_2616 = arith.select %gt3A_2613, %slice3A_2611, %broadcast_in_dim3A_2615 : vector<512x128xi1>, vector<512x128xf32>
      %min3A_2617 = arith.minimumf %min3A_2610, %select_n3A_2616 : vector<512x128xf32>
      %slice3A_2618 = vector.extract_strided_slice %dot_general3A_5 {offsets = [0, 1152], sizes = [512, 128], strides = [1, 1]} : vector<512x4096xf32> to vector<512x128xf32>
      %gt3A_2619 = vector.broadcast %broadcast_in_dim3A_2552 : vector<512x1xf32> to vector<512x128xf32>
      %gt3A_2620 = arith.cmpf ogt, %slice3A_2618, %gt3A_2619 : vector<512x128xf32>
      %jit3A_2621 = arith.constant 3.000000e+38 : f32
      %broadcast_in_dim3A_2622 = vector.broadcast %jit3A_2621 : f32 to vector<512x128xf32>
      %select_n3A_2623 = arith.select %gt3A_2620, %slice3A_2618, %broadcast_in_dim3A_2622 : vector<512x128xi1>, vector<512x128xf32>
      %min3A_2624 = arith.minimumf %min3A_2617, %select_n3A_2623 : vector<512x128xf32>
      %slice3A_2625 = vector.extract_strided_slice %dot_general3A_5 {offsets = [0, 1280], sizes = [512, 128], strides = [1, 1]} : vector<512x4096xf32> to vector<512x128xf32>
      %gt3A_2626 = vector.broadcast %broadcast_in_dim3A_2552 : vector<512x1xf32> to vector<512x128xf32>
      %gt3A_2627 = arith.cmpf ogt, %slice3A_2625, %gt3A_2626 : vector<512x128xf32>
      %jit3A_2628 = arith.constant 3.000000e+38 : f32
      %broadcast_in_dim3A_2629 = vector.broadcast %jit3A_2628 : f32 to vector<512x128xf32>
      %select_n3A_2630 = arith.select %gt3A_2627, %slice3A_2625, %broadcast_in_dim3A_2629 : vector<512x128xi1>, vector<512x128xf32>
      %min3A_2631 = arith.minimumf %min3A_2624, %select_n3A_2630 : vector<512x128xf32>
      %slice3A_2632 = vector.extract_strided_slice %dot_general3A_5 {offsets = [0, 1408], sizes = [512, 128], strides = [1, 1]} : vector<512x4096xf32> to vector<512x128xf32>
      %gt3A_2633 = vector.broadcast %broadcast_in_dim3A_2552 : vector<512x1xf32> to vector<512x128xf32>
      %gt3A_2634 = arith.cmpf ogt, %slice3A_2632, %gt3A_2633 : vector<512x128xf32>
      %jit3A_2635 = arith.constant 3.000000e+38 : f32
      %broadcast_in_dim3A_2636 = vector.broadcast %jit3A_2635 : f32 to vector<512x128xf32>
      %select_n3A_2637 = arith.select %gt3A_2634, %slice3A_2632, %broadcast_in_dim3A_2636 : vector<512x128xi1>, vector<512x128xf32>
      %min3A_2638 = arith.minimumf %min3A_2631, %select_n3A_2637 : vector<512x128xf32>
      %slice3A_2639 = vector.extract_strided_slice %dot_general3A_5 {offsets = [0, 1536], sizes = [512, 128], strides = [1, 1]} : vector<512x4096xf32> to vector<512x128xf32>
      %gt3A_2640 = vector.broadcast %broadcast_in_dim3A_2552 : vector<512x1xf32> to vector<512x128xf32>
      %gt3A_2641 = arith.cmpf ogt, %slice3A_2639, %gt3A_2640 : vector<512x128xf32>
      %jit3A_2642 = arith.constant 3.000000e+38 : f32
      %broadcast_in_dim3A_2643 = vector.broadcast %jit3A_2642 : f32 to vector<512x128xf32>
      %select_n3A_2644 = arith.select %gt3A_2641, %slice3A_2639, %broadcast_in_dim3A_2643 : vector<512x128xi1>, vector<512x128xf32>
      %min3A_2645 = arith.minimumf %min3A_2638, %select_n3A_2644 : vector<512x128xf32>
      %slice3A_2646 = vector.extract_strided_slice %dot_general3A_5 {offsets = [0, 1664], sizes = [512, 128], strides = [1, 1]} : vector<512x4096xf32> to vector<512x128xf32>
      %gt3A_2647 = vector.broadcast %broadcast_in_dim3A_2552 : vector<512x1xf32> to vector<512x128xf32>
      %gt3A_2648 = arith.cmpf ogt, %slice3A_2646, %gt3A_2647 : vector<512x128xf32>
      %jit3A_2649 = arith.constant 3.000000e+38 : f32
      %broadcast_in_dim3A_2650 = vector.broadcast %jit3A_2649 : f32 to vector<512x128xf32>
      %select_n3A_2651 = arith.select %gt3A_2648, %slice3A_2646, %broadcast_in_dim3A_2650 : vector<512x128xi1>, vector<512x128xf32>
      %min3A_2652 = arith.minimumf %min3A_2645, %select_n3A_2651 : vector<512x128xf32>
      %slice3A_2653 = vector.extract_strided_slice %dot_general3A_5 {offsets = [0, 1792], sizes = [512, 128], strides = [1, 1]} : vector<512x4096xf32> to vector<512x128xf32>
      %gt3A_2654 = vector.broadcast %broadcast_in_dim3A_2552 : vector<512x1xf32> to vector<512x128xf32>
      %gt3A_2655 = arith.cmpf ogt, %slice3A_2653, %gt3A_2654 : vector<512x128xf32>
      %jit3A_2656 = arith.constant 3.000000e+38 : f32
      %broadcast_in_dim3A_2657 = vector.broadcast %jit3A_2656 : f32 to vector<512x128xf32>
      %select_n3A_2658 = arith.select %gt3A_2655, %slice3A_2653, %broadcast_in_dim3A_2657 : vector<512x128xi1>, vector<512x128xf32>
      %min3A_2659 = arith.minimumf %min3A_2652, %select_n3A_2658 : vector<512x128xf32>
      %slice3A_2660 = vector.extract_strided_slice %dot_general3A_5 {offsets = [0, 1920], sizes = [512, 128], strides = [1, 1]} : vector<512x4096xf32> to vector<512x128xf32>
      %gt3A_2661 = vector.broadcast %broadcast_in_dim3A_2552 : vector<512x1xf32> to vector<512x128xf32>
      %gt3A_2662 = arith.cmpf ogt, %slice3A_2660, %gt3A_2661 : vector<512x128xf32>
      %jit3A_2663 = arith.constant 3.000000e+38 : f32
      %broadcast_in_dim3A_2664 = vector.broadcast %jit3A_2663 : f32 to vector<512x128xf32>
      %select_n3A_2665 = arith.select %gt3A_2662, %slice3A_2660, %broadcast_in_dim3A_2664 : vector<512x128xi1>, vector<512x128xf32>
      %min3A_2666 = arith.minimumf %min3A_2659, %select_n3A_2665 : vector<512x128xf32>
      %slice3A_2667 = vector.extract_strided_slice %dot_general3A_5 {offsets = [0, 2048], sizes = [512, 128], strides = [1, 1]} : vector<512x4096xf32> to vector<512x128xf32>
      %gt3A_2668 = vector.broadcast %broadcast_in_dim3A_2552 : vector<512x1xf32> to vector<512x128xf32>
      %gt3A_2669 = arith.cmpf ogt, %slice3A_2667, %gt3A_2668 : vector<512x128xf32>
      %jit3A_2670 = arith.constant 3.000000e+38 : f32
      %broadcast_in_dim3A_2671 = vector.broadcast %jit3A_2670 : f32 to vector<512x128xf32>
      %select_n3A_2672 = arith.select %gt3A_2669, %slice3A_2667, %broadcast_in_dim3A_2671 : vector<512x128xi1>, vector<512x128xf32>
      %min3A_2673 = arith.minimumf %min3A_2666, %select_n3A_2672 : vector<512x128xf32>
      %slice3A_2674 = vector.extract_strided_slice %dot_general3A_5 {offsets = [0, 2176], sizes = [512, 128], strides = [1, 1]} : vector<512x4096xf32> to vector<512x128xf32>
      %gt3A_2675 = vector.broadcast %broadcast_in_dim3A_2552 : vector<512x1xf32> to vector<512x128xf32>
      %gt3A_2676 = arith.cmpf ogt, %slice3A_2674, %gt3A_2675 : vector<512x128xf32>
      %jit3A_2677 = arith.constant 3.000000e+38 : f32
      %broadcast_in_dim3A_2678 = vector.broadcast %jit3A_2677 : f32 to vector<512x128xf32>
      %select_n3A_2679 = arith.select %gt3A_2676, %slice3A_2674, %broadcast_in_dim3A_2678 : vector<512x128xi1>, vector<512x128xf32>
      %min3A_2680 = arith.minimumf %min3A_2673, %select_n3A_2679 : vector<512x128xf32>
      %slice3A_2681 = vector.extract_strided_slice %dot_general3A_5 {offsets = [0, 2304], sizes = [512, 128], strides = [1, 1]} : vector<512x4096xf32> to vector<512x128xf32>
      %gt3A_2682 = vector.broadcast %broadcast_in_dim3A_2552 : vector<512x1xf32> to vector<512x128xf32>
      %gt3A_2683 = arith.cmpf ogt, %slice3A_2681, %gt3A_2682 : vector<512x128xf32>
      %jit3A_2684 = arith.constant 3.000000e+38 : f32
      %broadcast_in_dim3A_2685 = vector.broadcast %jit3A_2684 : f32 to vector<512x128xf32>
      %select_n3A_2686 = arith.select %gt3A_2683, %slice3A_2681, %broadcast_in_dim3A_2685 : vector<512x128xi1>, vector<512x128xf32>
      %min3A_2687 = arith.minimumf %min3A_2680, %select_n3A_2686 : vector<512x128xf32>
      %slice3A_2688 = vector.extract_strided_slice %dot_general3A_5 {offsets = [0, 2432], sizes = [512, 128], strides = [1, 1]} : vector<512x4096xf32> to vector<512x128xf32>
      %gt3A_2689 = vector.broadcast %broadcast_in_dim3A_2552 : vector<512x1xf32> to vector<512x128xf32>
      %gt3A_2690 = arith.cmpf ogt, %slice3A_2688, %gt3A_2689 : vector<512x128xf32>
      %jit3A_2691 = arith.constant 3.000000e+38 : f32
      %broadcast_in_dim3A_2692 = vector.broadcast %jit3A_2691 : f32 to vector<512x128xf32>
      %select_n3A_2693 = arith.select %gt3A_2690, %slice3A_2688, %broadcast_in_dim3A_2692 : vector<512x128xi1>, vector<512x128xf32>
      %min3A_2694 = arith.minimumf %min3A_2687, %select_n3A_2693 : vector<512x128xf32>
      %slice3A_2695 = vector.extract_strided_slice %dot_general3A_5 {offsets = [0, 2560], sizes = [512, 128], strides = [1, 1]} : vector<512x4096xf32> to vector<512x128xf32>
      %gt3A_2696 = vector.broadcast %broadcast_in_dim3A_2552 : vector<512x1xf32> to vector<512x128xf32>
      %gt3A_2697 = arith.cmpf ogt, %slice3A_2695, %gt3A_2696 : vector<512x128xf32>
      %jit3A_2698 = arith.constant 3.000000e+38 : f32
      %broadcast_in_dim3A_2699 = vector.broadcast %jit3A_2698 : f32 to vector<512x128xf32>
      %select_n3A_2700 = arith.select %gt3A_2697, %slice3A_2695, %broadcast_in_dim3A_2699 : vector<512x128xi1>, vector<512x128xf32>
      %min3A_2701 = arith.minimumf %min3A_2694, %select_n3A_2700 : vector<512x128xf32>
      %slice3A_2702 = vector.extract_strided_slice %dot_general3A_5 {offsets = [0, 2688], sizes = [512, 128], strides = [1, 1]} : vector<512x4096xf32> to vector<512x128xf32>
      %gt3A_2703 = vector.broadcast %broadcast_in_dim3A_2552 : vector<512x1xf32> to vector<512x128xf32>
      %gt3A_2704 = arith.cmpf ogt, %slice3A_2702, %gt3A_2703 : vector<512x128xf32>
      %jit3A_2705 = arith.constant 3.000000e+38 : f32
      %broadcast_in_dim3A_2706 = vector.broadcast %jit3A_2705 : f32 to vector<512x128xf32>
      %select_n3A_2707 = arith.select %gt3A_2704, %slice3A_2702, %broadcast_in_dim3A_2706 : vector<512x128xi1>, vector<512x128xf32>
      %min3A_2708 = arith.minimumf %min3A_2701, %select_n3A_2707 : vector<512x128xf32>
      %slice3A_2709 = vector.extract_strided_slice %dot_general3A_5 {offsets = [0, 2816], sizes = [512, 128], strides = [1, 1]} : vector<512x4096xf32> to vector<512x128xf32>
      %gt3A_2710 = vector.broadcast %broadcast_in_dim3A_2552 : vector<512x1xf32> to vector<512x128xf32>
      %gt3A_2711 = arith.cmpf ogt, %slice3A_2709, %gt3A_2710 : vector<512x128xf32>
      %jit3A_2712 = arith.constant 3.000000e+38 : f32
      %broadcast_in_dim3A_2713 = vector.broadcast %jit3A_2712 : f32 to vector<512x128xf32>
      %select_n3A_2714 = arith.select %gt3A_2711, %slice3A_2709, %broadcast_in_dim3A_2713 : vector<512x128xi1>, vector<512x128xf32>
      %min3A_2715 = arith.minimumf %min3A_2708, %select_n3A_2714 : vector<512x128xf32>
      %slice3A_2716 = vector.extract_strided_slice %dot_general3A_5 {offsets = [0, 2944], sizes = [512, 128], strides = [1, 1]} : vector<512x4096xf32> to vector<512x128xf32>
      %gt3A_2717 = vector.broadcast %broadcast_in_dim3A_2552 : vector<512x1xf32> to vector<512x128xf32>
      %gt3A_2718 = arith.cmpf ogt, %slice3A_2716, %gt3A_2717 : vector<512x128xf32>
      %jit3A_2719 = arith.constant 3.000000e+38 : f32
      %broadcast_in_dim3A_2720 = vector.broadcast %jit3A_2719 : f32 to vector<512x128xf32>
      %select_n3A_2721 = arith.select %gt3A_2718, %slice3A_2716, %broadcast_in_dim3A_2720 : vector<512x128xi1>, vector<512x128xf32>
      %min3A_2722 = arith.minimumf %min3A_2715, %select_n3A_2721 : vector<512x128xf32>
      %slice3A_2723 = vector.extract_strided_slice %dot_general3A_5 {offsets = [0, 3072], sizes = [512, 128], strides = [1, 1]} : vector<512x4096xf32> to vector<512x128xf32>
      %gt3A_2724 = vector.broadcast %broadcast_in_dim3A_2552 : vector<512x1xf32> to vector<512x128xf32>
      %gt3A_2725 = arith.cmpf ogt, %slice3A_2723, %gt3A_2724 : vector<512x128xf32>
      %jit3A_2726 = arith.constant 3.000000e+38 : f32
      %broadcast_in_dim3A_2727 = vector.broadcast %jit3A_2726 : f32 to vector<512x128xf32>
      %select_n3A_2728 = arith.select %gt3A_2725, %slice3A_2723, %broadcast_in_dim3A_2727 : vector<512x128xi1>, vector<512x128xf32>
      %min3A_2729 = arith.minimumf %min3A_2722, %select_n3A_2728 : vector<512x128xf32>
      %slice3A_2730 = vector.extract_strided_slice %dot_general3A_5 {offsets = [0, 3200], sizes = [512, 128], strides = [1, 1]} : vector<512x4096xf32> to vector<512x128xf32>
      %gt3A_2731 = vector.broadcast %broadcast_in_dim3A_2552 : vector<512x1xf32> to vector<512x128xf32>
      %gt3A_2732 = arith.cmpf ogt, %slice3A_2730, %gt3A_2731 : vector<512x128xf32>
      %jit3A_2733 = arith.constant 3.000000e+38 : f32
      %broadcast_in_dim3A_2734 = vector.broadcast %jit3A_2733 : f32 to vector<512x128xf32>
      %select_n3A_2735 = arith.select %gt3A_2732, %slice3A_2730, %broadcast_in_dim3A_2734 : vector<512x128xi1>, vector<512x128xf32>
      %min3A_2736 = arith.minimumf %min3A_2729, %select_n3A_2735 : vector<512x128xf32>
      %slice3A_2737 = vector.extract_strided_slice %dot_general3A_5 {offsets = [0, 3328], sizes = [512, 128], strides = [1, 1]} : vector<512x4096xf32> to vector<512x128xf32>
      %gt3A_2738 = vector.broadcast %broadcast_in_dim3A_2552 : vector<512x1xf32> to vector<512x128xf32>
      %gt3A_2739 = arith.cmpf ogt, %slice3A_2737, %gt3A_2738 : vector<512x128xf32>
      %jit3A_2740 = arith.constant 3.000000e+38 : f32
      %broadcast_in_dim3A_2741 = vector.broadcast %jit3A_2740 : f32 to vector<512x128xf32>
      %select_n3A_2742 = arith.select %gt3A_2739, %slice3A_2737, %broadcast_in_dim3A_2741 : vector<512x128xi1>, vector<512x128xf32>
      %min3A_2743 = arith.minimumf %min3A_2736, %select_n3A_2742 : vector<512x128xf32>
      %slice3A_2744 = vector.extract_strided_slice %dot_general3A_5 {offsets = [0, 3456], sizes = [512, 128], strides = [1, 1]} : vector<512x4096xf32> to vector<512x128xf32>
      %gt3A_2745 = vector.broadcast %broadcast_in_dim3A_2552 : vector<512x1xf32> to vector<512x128xf32>
      %gt3A_2746 = arith.cmpf ogt, %slice3A_2744, %gt3A_2745 : vector<512x128xf32>
      %jit3A_2747 = arith.constant 3.000000e+38 : f32
      %broadcast_in_dim3A_2748 = vector.broadcast %jit3A_2747 : f32 to vector<512x128xf32>
      %select_n3A_2749 = arith.select %gt3A_2746, %slice3A_2744, %broadcast_in_dim3A_2748 : vector<512x128xi1>, vector<512x128xf32>
      %min3A_2750 = arith.minimumf %min3A_2743, %select_n3A_2749 : vector<512x128xf32>
      %slice3A_2751 = vector.extract_strided_slice %dot_general3A_5 {offsets = [0, 3584], sizes = [512, 128], strides = [1, 1]} : vector<512x4096xf32> to vector<512x128xf32>
      %gt3A_2752 = vector.broadcast %broadcast_in_dim3A_2552 : vector<512x1xf32> to vector<512x128xf32>
      %gt3A_2753 = arith.cmpf ogt, %slice3A_2751, %gt3A_2752 : vector<512x128xf32>
      %jit3A_2754 = arith.constant 3.000000e+38 : f32
      %broadcast_in_dim3A_2755 = vector.broadcast %jit3A_2754 : f32 to vector<512x128xf32>
      %select_n3A_2756 = arith.select %gt3A_2753, %slice3A_2751, %broadcast_in_dim3A_2755 : vector<512x128xi1>, vector<512x128xf32>
      %min3A_2757 = arith.minimumf %min3A_2750, %select_n3A_2756 : vector<512x128xf32>
      %slice3A_2758 = vector.extract_strided_slice %dot_general3A_5 {offsets = [0, 3712], sizes = [512, 128], strides = [1, 1]} : vector<512x4096xf32> to vector<512x128xf32>
      %gt3A_2759 = vector.broadcast %broadcast_in_dim3A_2552 : vector<512x1xf32> to vector<512x128xf32>
      %gt3A_2760 = arith.cmpf ogt, %slice3A_2758, %gt3A_2759 : vector<512x128xf32>
      %jit3A_2761 = arith.constant 3.000000e+38 : f32
      %broadcast_in_dim3A_2762 = vector.broadcast %jit3A_2761 : f32 to vector<512x128xf32>
      %select_n3A_2763 = arith.select %gt3A_2760, %slice3A_2758, %broadcast_in_dim3A_2762 : vector<512x128xi1>, vector<512x128xf32>
      %min3A_2764 = arith.minimumf %min3A_2757, %select_n3A_2763 : vector<512x128xf32>
      %slice3A_2765 = vector.extract_strided_slice %dot_general3A_5 {offsets = [0, 3840], sizes = [512, 128], strides = [1, 1]} : vector<512x4096xf32> to vector<512x128xf32>
      %gt3A_2766 = vector.broadcast %broadcast_in_dim3A_2552 : vector<512x1xf32> to vector<512x128xf32>
      %gt3A_2767 = arith.cmpf ogt, %slice3A_2765, %gt3A_2766 : vector<512x128xf32>
      %jit3A_2768 = arith.constant 3.000000e+38 : f32
      %broadcast_in_dim3A_2769 = vector.broadcast %jit3A_2768 : f32 to vector<512x128xf32>
      %select_n3A_2770 = arith.select %gt3A_2767, %slice3A_2765, %broadcast_in_dim3A_2769 : vector<512x128xi1>, vector<512x128xf32>
      %min3A_2771 = arith.minimumf %min3A_2764, %select_n3A_2770 : vector<512x128xf32>
      %slice3A_2772 = vector.extract_strided_slice %dot_general3A_5 {offsets = [0, 3968], sizes = [512, 128], strides = [1, 1]} : vector<512x4096xf32> to vector<512x128xf32>
      %gt3A_2773 = vector.broadcast %broadcast_in_dim3A_2552 : vector<512x1xf32> to vector<512x128xf32>
      %gt3A_2774 = arith.cmpf ogt, %slice3A_2772, %gt3A_2773 : vector<512x128xf32>
      %jit3A_2775 = arith.constant 3.000000e+38 : f32
      %broadcast_in_dim3A_2776 = vector.broadcast %jit3A_2775 : f32 to vector<512x128xf32>
      %select_n3A_2777 = arith.select %gt3A_2774, %slice3A_2772, %broadcast_in_dim3A_2776 : vector<512x128xi1>, vector<512x128xf32>
      %min3A_2778 = arith.minimumf %min3A_2771, %select_n3A_2777 : vector<512x128xf32>
      %reduce_min3A_2779 = arith.constant dense<0x7F800000> : vector<512xf32>
      %reduce_min3A_2780 = vector.multi_reduction <minimumf>, %min3A_2778, %reduce_min3A_2779 [1] : vector<512x128xf32> to vector<512xf32>
      %broadcast_in_dim3A_2781 = vector.shape_cast %reduce_min3A_2780 : vector<512xf32> to vector<512x1xf32>
      scf.yield %broadcast_in_dim3A_2781 : vector<512x1xf32>
    } else {
      scf.yield %broadcast_in_dim3A_427 : vector<512x1xf32>
    }
    %get3A_442 = arith.constant 0 : index
    %get3A_443 = arith.constant 0 : index
    %get3A_444 = vector.load %arg3[%get3A_442, %get3A_443] : memref<4096x2xf32, #tpu.memory_space<vmem>>, vector<4096x2xf32>
    %lt3A_445 = vector.broadcast %cond3A_441 : vector<512x1xf32> to vector<512x4096xf32>
    %lt3A_446 = arith.cmpf olt, %dot_general3A_5, %lt3A_445 : vector<512x4096xf32>
    %jit3A_447 = arith.constant 1.000000e+00 : f32
    %jit3A_448 = arith.constant 0.000000e+00 : f32
    %broadcast_in_dim3A_449 = vector.broadcast %jit3A_447 : f32 to vector<512x4096xf32>
    %broadcast_in_dim3A_450 = vector.broadcast %jit3A_448 : f32 to vector<512x4096xf32>
    %select_n3A_451 = arith.select %lt3A_446, %broadcast_in_dim3A_449, %broadcast_in_dim3A_450 : vector<512x4096xi1>, vector<512x4096xf32>
    %eq3A = vector.broadcast %cond3A_441 : vector<512x1xf32> to vector<512x4096xf32>
    %eq3A_452 = arith.cmpf oeq, %dot_general3A_5, %eq3A : vector<512x4096xf32>
    %jit3A_453 = arith.constant 1.000000e+00 : f32
    %jit3A_454 = arith.constant 0.000000e+00 : f32
    %broadcast_in_dim3A_455 = vector.broadcast %jit3A_453 : f32 to vector<512x4096xf32>
    %broadcast_in_dim3A_456 = vector.broadcast %jit3A_454 : f32 to vector<512x4096xf32>
    %select_n3A_457 = arith.select %eq3A_452, %broadcast_in_dim3A_455, %broadcast_in_dim3A_456 : vector<512x4096xi1>, vector<512x4096xf32>
    %dot_general3A_458 = arith.constant dense<0.000000e+00> : vector<512x2xf32>
    %dot_general3A_459 = tpu.matmul %select_n3A_451, %get3A_444, %dot_general3A_458 {dimension_numbers = #tpu.dot_dimension_numbers<[1], [0], [0], [1], [0, 0, 1, 1], [], []>, transpose_lhs_hint = false} : vector<512x4096xf32>, vector<4096x2xf32>, vector<512x2xf32> -> vector<512x2xf32>
    %dot_general3A_460 = arith.constant dense<0.000000e+00> : vector<512x2xf32>
    %dot_general3A_461 = tpu.matmul %select_n3A_457, %get3A_444, %dot_general3A_460 {dimension_numbers = #tpu.dot_dimension_numbers<[1], [0], [0], [1], [0, 0, 1, 1], [], []>, transpose_lhs_hint = false} : vector<512x4096xf32>, vector<4096x2xf32>, vector<512x2xf32> -> vector<512x2xf32>
    %slice3A_462 = vector.extract_strided_slice %dot_general3A_459 {offsets = [0, 0], sizes = [512, 1], strides = [1, 1]} : vector<512x2xf32> to vector<512x1xf32>
    %slice3A_463 = vector.extract_strided_slice %dot_general3A_459 {offsets = [0, 1], sizes = [512, 1], strides = [1, 1]} : vector<512x2xf32> to vector<512x1xf32>
    %slice3A_464 = vector.extract_strided_slice %dot_general3A_461 {offsets = [0, 0], sizes = [512, 1], strides = [1, 1]} : vector<512x2xf32> to vector<512x1xf32>
    %max3A_465 = arith.constant 1.000000e+00 : f32
    %max3A_466 = vector.broadcast %max3A_465 : f32 to vector<512x1xf32>
    %max3A_467 = arith.maximumf %slice3A_464, %max3A_466 : vector<512x1xf32>
    %slice3A_468 = vector.extract_strided_slice %dot_general3A_461 {offsets = [0, 1], sizes = [512, 1], strides = [1, 1]} : vector<512x2xf32> to vector<512x1xf32>
    %sub3A = arith.constant 1.000000e+01 : f32
    %sub3A_469 = vector.broadcast %sub3A : f32 to vector<512x1xf32>
    %sub3A_470 = arith.subf %sub3A_469, %slice3A_462 : vector<512x1xf32>
    %mul3A = arith.mulf %sub3A_470, %slice3A_468 : vector<512x1xf32>
    %div3A = arith.divf %mul3A, %max3A_467 : vector<512x1xf32>
    %add3A = arith.addf %slice3A_463, %div3A : vector<512x1xf32>
    %mul3A_471 = arith.constant 1.000000e-01 : f32
    %mul3A_472 = vector.broadcast %mul3A_471 : f32 to vector<512x1xf32>
    %mul3A_473 = arith.mulf %add3A, %mul3A_472 : vector<512x1xf32>
    %swap3A = arith.constant 0 : index
    %swap3A_474 = arith.constant 0 : index
    %swap3A_475 = vector.load %arg4[%swap3A, %swap3A_474] : memref<512x1xf32, #tpu.memory_space<vmem>>, vector<512x1xf32>
    tpu.vector_store %arg4[%swap3A, %swap3A_474], %mul3A_473 {strides = array<i32>} : memref<512x1xf32, #tpu.memory_space<vmem>>, vector<512x1xf32>,
    %reduce_max3A = arith.constant dense<0xFF800000> : vector<1xf32>
    %reduce_max3A_476 = vector.multi_reduction <maximumf>, %mul3A_473, %reduce_max3A [0] : vector<512x1xf32> to vector<1xf32>
    %broadcast_in_dim3A_477 = vector.shape_cast %reduce_max3A_476 : vector<1xf32> to vector<1x1xf32>
    %eq3A_478 = arith.constant 0 : i32
    %eq3A_479 = arith.cmpi eq, %arg0, %eq3A_478 : i32
    %broadcast_in_dim3A_480 = arith.constant -3.000000e+38 : f32
    %broadcast_in_dim3A_481 = vector.broadcast %broadcast_in_dim3A_480 : f32 to vector<1x1xf32>
    %get3A_482 = arith.constant 0 : index
    %get3A_483 = arith.constant 0 : index
    %get3A_484 = vector.load %arg5[%get3A_482, %get3A_483] : memref<1x1xf32, #tpu.memory_space<vmem>>, vector<1x1xf32>
    %select_n3A_485 = arith.select %eq3A_479, %broadcast_in_dim3A_481, %get3A_484 : vector<1x1xf32>
    %max3A_486 = arith.maximumf %select_n3A_485, %broadcast_in_dim3A_477 : vector<1x1xf32>
    %swap3A_487 = arith.constant 0 : index
    %swap3A_488 = arith.constant 0 : index
    %swap3A_489 = vector.load %arg5[%swap3A_487, %swap3A_488] : memref<1x1xf32, #tpu.memory_space<vmem>>, vector<1x1xf32>
    tpu.vector_store %arg5[%swap3A_487, %swap3A_488], %max3A_486 {strides = array<i32>} : memref<1x1xf32, #tpu.memory_space<vmem>>, vector<1x1xf32>,
    return
  }
  func.func @transform_0(%arg0: i32) -> (i32, i32) {
    %c0_i32 = arith.constant 0 : i32
    %c0_i32_0 = arith.constant 0 : i32
    return %arg0, %c0_i32 : i32, i32
  }
  func.func @transform_1(%arg0: i32) -> (i32, i32) {
    %c0_i32 = arith.constant 0 : i32
    %c0_i32_0 = arith.constant 0 : i32
    %c0_i32_1 = arith.constant 0 : i32
    return %c0_i32, %c0_i32_0 : i32, i32
  }
  func.func @transform_2(%arg0: i32) -> (i32, i32) {
    %c0_i32 = arith.constant 0 : i32
    %c0_i32_0 = arith.constant 0 : i32
    %c0_i32_1 = arith.constant 0 : i32
    return %c0_i32, %c0_i32_0 : i32, i32
  }
  func.func @transform_3(%arg0: i32) -> (i32, i32) {
    %c0_i32 = arith.constant 0 : i32
    %c0_i32_0 = arith.constant 0 : i32
    return %arg0, %c0_i32 : i32, i32
  }
  func.func @transform_4(%arg0: i32) -> (i32, i32) {
    %c0_i32 = arith.constant 0 : i32
    %c0_i32_0 = arith.constant 0 : i32
    %c0_i32_1 = arith.constant 0 : i32
    return %c0_i32, %c0_i32_0 : i32, i32
  }
}

module attributes {stable_mosaic.version = 14 : i64} {
  func.func @_max_body(%arg0: memref<128x128xf32, #tpu.memory_space<vmem>>, %arg1: memref<1x1xf32, #tpu.memory_space<vmem>>) attributes {dimension_semantics = [], scalar_prefetch = 0 : i64, scratch_operands = 0 : i64, tpu.core_type = #tpu.core_type<tc>} {
    %get3A = arith.constant 0 : index
    %get3A_0 = arith.constant 0 : index
    %get3A_1 = vector.load %arg0[%get3A, %get3A_0] : memref<128x128xf32, #tpu.memory_space<vmem>>, vector<128x128xf32>
    %reduce_max3A = arith.constant dense<0xFF800000> : vector<128xf32>
    %reduce_max3A_2 = vector.multi_reduction <maximumf>, %get3A_1, %reduce_max3A [1] : vector<128x128xf32> to vector<128xf32>
    %broadcast_in_dim3A = vector.shape_cast %reduce_max3A_2 : vector<128xf32> to vector<128x1xf32>
    %reduce_max3A_3 = arith.constant dense<0xFF800000> : vector<1xf32>
    %reduce_max3A_4 = vector.multi_reduction <maximumf>, %broadcast_in_dim3A, %reduce_max3A_3 [0] : vector<128x1xf32> to vector<1xf32>
    %broadcast_in_dim3A_5 = vector.shape_cast %reduce_max3A_4 : vector<1xf32> to vector<1x1xf32>
    %swap3A = arith.constant 0 : index
    %swap3A_6 = arith.constant 0 : index
    %swap3A_7 = vector.load %arg1[%swap3A, %swap3A_6] : memref<1x1xf32, #tpu.memory_space<vmem>>, vector<1x1xf32>
    tpu.vector_store %arg1[%swap3A, %swap3A_6], %broadcast_in_dim3A_5 {strides = array<i32>} : memref<1x1xf32, #tpu.memory_space<vmem>>, vector<1x1xf32>,
    return
  }
}

</mosaic_0001>

<sc_bundles>
// kernel: kernel.6.cloned.1.call-start
scs
__scs_entry_jumppad:
0x0: {  	(pc) =	sbr.rel $0x88, $3  }
0x1: {  	(tag) =	ssettag $0x0;
	lr =	simm.s32 $0x1  }
0x2: {  	[smem:$0x3F9D] =	sst lr;
	_ =	strace $0xD0000000  }
0x3: {  	_ = 	snop  }
0x4: {  	_ = 	snop  }
0x5: {  	_ = 	snop  }
0x6: {  	_ = 	snop  }
0x7: {  	_ = 	snop  }
__scs_overlays_trampoline_lowered:
0x8: {  	[smem:$0x3FAC] =	sst s0  }
0x9: {  	[smem:$0x3FAD] =	sst s1  }
0xa: {  	[smem:$0x3FAE] =	sst s2  }
0xb: {  	[smem:$0x3FAF] =	sst s3  }
0xc: {  	[smem:$0x3FB0] =	sst s4  }
0xd: {  	[smem:$0x3FB1] =	sst s5  }
0xe: {  	[smem:$0x3FB2] =	sst s6  }
0xf: {  	[smem:$0x3FB3] =	sst s7  }
0x10: {  	[smem:$0x3FB4] =	sst s8  }
0x11: {  	[smem:$0x3FB5] =	sst s9;
	s0 =	simm.s32 @!p0 $0x0  }
0x12: {  	s1 =	sld [smem:$0x3F9B];
	s0 =	simm.s32 @p0 $0x1  }
0x13: {  	[smem:$0x3FB6] =	sst s0;
	s0 =	simm.s32 @!p1 $0x0  }
0x14: {  	s2 =	sld [smem:$0x3F9A];
	s0 =	simm.s32 @p1 $0x1  }
0x15: {  	[smem:$0x3FB7] =	sst s0;
	s0 =	simm.s32 @!p2 $0x0  }
0x16: {  	s3 =	sld [smem:$0x3FDB];
	s0 =	simm.s32 @p2 $0x1  }
0x17: {  	s4 =	simm.s32 $0x1BF5;
	[smem:$0x3FB9] =	sst s0  }
0x18: {  	s0 =	sld [smem:$0x3F9C];
	_ =	swait.ge [sflag:s4], $0x0  }
0x19: {  	s7 =	sld [smem:$0x3F9D]  }
0x1a: {  	s8 =	sadd.s32 $0xFFFFE003, lr  }
0x1b: {  	s9 =	sadd.s32 $0xFFFFFEF7, lr;
	s5 =	simm.s32 $0xFFFFFFFF;
	p2 =	slt.u32 s8, $0xFFFFF086  }
0x1c: {  	p1 =	slt.u32 s9, $0xF7A;
	s5 =	simm.s32 @!p2 $0x0  }
0x1d: {  	s5 =	simm.s32 @p1 $0x1;
	p0 =	seq.s32 s7, s2  }
0x1e: {  	s7 =	smul.u32 @!p0 $0xF7A, s2;
	p2 =	seq.s32 @!p0 s5, $0x0  }
0x1f: {  	s9 =	smul.u32 $0xF7A, s1;
	s8 =	simm.s32 @!p0 $0x1BF5;
	p2 =	por !p2, p0  }
0x20: {  	[sflag:s8] =	ssyncset.s32 @!p0 $0xFFFFF086;
	s6 =	sadd.s32 @!p0 s3, s7;
	s7 =	simm.s32 @!p0 $0x108  }
0x21: {  	s3 =	sadd.s32 s3, s9;
	s6 =	sadd.s32 @!p0 $0x88, s6;
	s7 =	simm.s32 @p2 $0x1082  }
0x22: {  	[simem:s7], [sflag:s8] =	dma.local @!p0 [hbm:s6], $0xF7A  }
0x23: {  	s9 =	sor.u32 $0xD0000000, s2;
	s6 =	simm.s32 $0x108;
	_ =	swait.ge @!p0 [sflag:s8], $0x0  }
0x24: {  	s3 =	sadd.s32 $0x88, s3;
	s6 =	simm.s32 @!p1 $0x1082;
	[sflag:s4] =	ssyncset.s32 $0xFFFFF086  }
0x25: {  	[simem:s6], [sflag:s4] =	dma.local [hbm:s3], $0xF7A  }
0x26: {  	[smem:$0x3F9D] =	sst s1;
	(tag) =	ssettag s2;
	_ =	strace s9  }
0x27: {  	s1 =	sld [smem:$0x3FAD]  }
0x28: {  	s2 =	sld [smem:$0x3FAE]  }
0x29: {  	s4 =	sld [smem:$0x3FB0]  }
0x2a: {  	p0 =	seq.s32 s5, $0x0;
	s5 =	sld [smem:$0x3FB1]  }
0x2b: {  	s6 =	sld [smem:$0x3FB2]  }
0x2c: {  	s7 =	sld [smem:$0x3FB3]  }
0x2d: {  	s3 =	simm.s32 $0x108;
	s8 =	sld [smem:$0x3FB4]  }
0x2e: {  	s3 =	simm.s32 @!p0 $0x1082;
	s9 =	sld [smem:$0x3FB5]  }
0x2f: {  	lr =	sadd.s32 s0, s3;
	s0 =	sld [smem:$0x3FAC]  }
0x30: {  	s3 =	sld [smem:$0x3FAF]  }
0x31: {  	[smem:$0x3FB8] =	sst s10  }
0x32: {  	s10 =	sld [smem:$0x3FB6];
	_ =	sdelay $0x3  }
0x33: {  	p0 =	seq.s32 s10, $0x1;
	s10 =	sld [smem:$0x3FB8];
	_ =	sdelay $0x3  }
0x34: {  	[smem:$0x3FB8] =	sst s10  }
0x35: {  	s10 =	sld [smem:$0x3FB7];
	_ =	sdelay $0x3  }
0x36: {  	p1 =	seq.s32 s10, $0x1;
	s10 =	sld [smem:$0x3FB8];
	_ =	sdelay $0x3  }
0x37: {  	[smem:$0x3FB8] =	sst s10  }
0x38: {  	s10 =	sld [smem:$0x3FB9]  }
0x39: {  	_ = 	snop;
	(pc) =	sbr.ind lr, $3  }
0x3a: {  	_ = 	snop  }
0x3b: {  	_ = 	snop  }
0x3c: {  	p2 =	seq.s32 s10, $0x1;
	s10 =	sld [smem:$0x3FB8]  }
0x3d: {  	_ =	shalt  }
0x3e: {  	_ =	shalt  }
0x3f: {  	_ =	shalt  }
0x40: {  	_ =	shalt  }
0x41: {  	_ =	shalt  }
0x42: {  	_ =	shalt  }
0x43: {  	_ =	shalt  }
0x44: {  	_ =	shalt  }
0x45: {  	_ =	shalt  }
0x46: {  	_ =	shalt  }
0x47: {  	_ =	shalt  }
0x48: {  	_ =	shalt  }
0x49: {  	_ =	shalt  }
0x4a: {  	_ =	shalt  }
0x4b: {  	_ =	shalt  }
0x4c: {  	_ =	shalt  }
0x4d: {  	_ =	shalt  }
0x4e: {  	_ =	shalt  }
0x4f: {  	_ =	shalt  }
0x50: {  	_ =	shalt  }
0x51: {  	_ =	shalt  }
0x52: {  	_ =	shalt  }
0x53: {  	_ =	shalt  }
0x54: {  	_ =	shalt  }
0x55: {  	_ =	shalt  }
0x56: {  	_ =	shalt  }
0x57: {  	_ =	shalt  }
0x58: {  	_ =	shalt  }
0x59: {  	_ =	shalt  }
0x5a: {  	_ =	shalt  }
0x5b: {  	_ =	shalt  }
0x5c: {  	_ =	shalt  }
0x5d: {  	_ =	shalt  }
0x5e: {  	_ =	shalt  }
0x5f: {  	_ =	shalt  }
0x60: {  	_ =	shalt  }
0x61: {  	_ =	shalt  }
0x62: {  	_ =	shalt  }
0x63: {  	_ =	shalt  }
0x64: {  	_ =	shalt  }
0x65: {  	_ =	shalt  }
0x66: {  	_ =	shalt  }
0x67: {  	_ =	shalt  }
0x68: {  	_ =	shalt  }
0x69: {  	_ =	shalt  }
0x6a: {  	_ =	shalt  }
0x6b: {  	_ =	shalt  }
0x6c: {  	_ =	shalt  }
0x6d: {  	_ =	shalt  }
0x6e: {  	_ =	shalt  }
0x6f: {  	_ =	shalt  }
0x70: {  	_ =	shalt  }
0x71: {  	_ =	shalt  }
0x72: {  	_ =	shalt  }
0x73: {  	_ =	shalt  }
0x74: {  	_ =	shalt  }
0x75: {  	_ =	shalt  }
0x76: {  	_ =	shalt  }
0x77: {  	_ =	shalt  }
0x78: {  	_ =	shalt  }
0x79: {  	_ =	shalt  }
0x7a: {  	_ =	shalt  }
0x7b: {  	_ =	shalt  }
0x7c: {  	_ =	shalt  }
0x7d: {  	_ =	shalt  }
0x7e: {  	_ =	shalt  }
0x7f: {  	_ =	shalt  }
0x80: {  	_ =	shalt  }
0x81: {  	_ =	shalt  }
0x82: {  	_ =	shalt  }
0x83: {  	_ =	shalt  }
0x84: {  	_ =	shalt  }
0x85: {  	_ =	shalt  }
0x86: {  	_ =	shalt  }
0x87: {  	_ =	shalt  }
.Lfunc_end0:
.L_simem_size_0:
called_computation_lowered:
.L_overlay_start_0:
0x88: {  	s2 =	sld [smem:$0x3FD9]  }
0x89: {  	s3 =	sld [smem:$0x3FFE];
	_ =	sdelay $0x1  }
0x8a: {  	s1 =	srdreg.scid  }
0x8b: {  	s0 =	sand.u32 $0x1, s1  }
0x8c: {  	s14 =	sshll.u32 s0, $0xA;
	s2 =	sadd.s32 s3, s2  }
0x8d: {  	s2 =	sadd.s32 s2, s14  }
0x8e: {  	[smem:$0x3FC4] =	sst s2  }
0x8f: {  	_ = 	snop  }
0x90: {  	s2 =	sld [smem:$0x3FD0];
	_ =	sdelay $0x2  }
0x91: {  	s15 =	simm.s32 $0xA;
	s4 =	simm.s32 $0x10  }
0x92: {  	[smem:s4], [sflag:s15] =	dma.local [hbm:s2], $0x1  }
0x93: {  	_ =	swait.eq [sflag:s15], $0x1  }
0x94: {  	[sflag:s15] =	ssyncset.done $0x0  }
0x95: {  	[sflag:s15] =	ssyncadd.s32 $0xFFFFFFFF  }
0x96: {  	s16 =	sld [smem:$0x10];
	(tm) =	ssettm $0x1  }
0x97: {  	s17 =	sld [smem:$0x3FFB];
	_ =	sdelay $0x3  }
0x98: {  	_ =	strace s17  }
0x99: {  	s3 =	sld [smem:$0x3FFC];
	_ =	sdelay $0x3  }
0x9a: {  	_ =	strace s3  }
0x9b: {  	s3 =	sld [smem:$0x3FFD];
	_ =	sdelay $0x3  }
0x9c: {  	_ =	strace s3  }
0x9d: {  	_ =	strace $0x8FFFFFFF  }
0x9e: {  	s18 =	sld [smem:$0x3FDB];
	_ =	sdelay $0x1  }
0x9f: {  	s19 =	simm.s32 $_scs_section_size  }
0xa0: {  	s5 =	simm.s32 $_size__tile_overlayer_lowered;
	s6 =	simm.s32 $_tile_overlayer_lowered  }
0xa1: {  	s22 =	simm.s32 $0x1BFF;
	s21 =	sshll.u32 s6, $0x1;
	s3 =	sadd.s32 s19, s18  }
0xa2: {  	s7 =	simm.s32 $0x0;
	s20 =	sshll.u32 s5, $0x1;
	s5 =	sadd.s32 s21, s3  }
0xa3: {  	[timem:s7], [sflag:s22] =	dma.local [hbm:s5], s20  }
0xa4: {  	_ =	swait.ge [sflag:s22], s20  }
0xa5: {  	s4 =	ssub.s32 $0x0, s20;
	[sflag:s22] =	ssyncset.done $0x0  }
0xa6: {  	[sflag:s22] =	ssyncadd.s32 s4;
	_ =	sdelay $0x1  }
0xa7: {  	s23 =	simm.s32 $0x1B8B  }
0xa8: {  	_ =	swait.ge [sflag:s23], $0x1  }
0xa9: {  	[sflag:s23] =	ssyncset.done $0x0  }
0xaa: {  	s25 =	simm.s32 $0x1B8E;
	s24 =	sld [smem:$0x3FFE];
	[sflag:s23] =	ssyncadd.s32 $0xFFFFFFFF  }
0xab: {  	s26 =	simm.s32 $execute0_lowered;
	[smem:$0x3FD2] =	sst s25  }
0xac: {  	s5 =	sshll.u32 s26, $0x1;
	_ =	strace $0x80000046;
	[dreg:$0x1] =	wrdreg $0xFFFFFFFF  }
0xad: {  	s28 =	simm.s32 $_size_execute0_lowered;
	s3 =	sadd.s32 s3, s5;
	[dreg:$0x0] =	wrdreg $0x0  }
0xae: {  	s5 =	sshll.u32 s28, $0x1;
	[dreg:$0x2] =	wrdreg s3  }
0xaf: {  	[dreg:$0x3] =	wrdreg s5  }
0xb0: {  	[dreg:$0x4] =	wrdreg $0xC0  }
0xb1: {  	_ =	task [dreg:s7], $0x5FFFF  }
0xb2: {  	[dreg:$0x1] =	wrdreg $0xFFFFFFFF  }
0xb3: {  	[dreg:$0x0] =	wrdreg $0x60  }
0xb4: {  	[dreg:$0x2] =	wrdreg s24  }
0xb5: {  	[dreg:$0x3] =	wrdreg s16  }
0xb6: {  	[dreg:$0x4] =	wrdreg $0x9  }
0xb7: {  	_ =	task.clear_ibuf [dreg:s7], $0x5FFFF;
	_ =	strace $0x90000046  }
0xb8: {  	s29 =	simm.s32 $0x9;
	_ =	strace $0x80000048  }
0xb9: {  	_ =	swait.ge [sflag:s29], $0x1  }
0xba: {  	[sflag:s29] =	ssyncadd.s32 $0xFFFFFFFF  }
0xbb: {  	_ =	strace $0x90000048  }
0xbc: {  	_ =	sfence  }
0xbd: {  	s30 =	sld [smem:$0x0];
	_ =	sdelay $0x2  }
0xbe: {  	s31 =	sshll.u32 s1, $0xD;
	s1 =	sshrl.u32 s1, $0x2  }
0xbf: {  	s3 =	sand.u32 $0x4000, s31;
	s1 =	sadd.s32 s1, s30  }
0xc0: {  	s0 =	sor.u32 s3, s0;
	s1 =	sshll.u32 s1, $0x11  }
0xc1: {  	s0 =	sor.u32 s1, s0  }
0xc2: {  	s0 =	sadd.s32 $0x8F2B, s0  }
0xc3: {  	[sflag:s0] =	ssyncadd.remote.s32 $0x1  }
0xc4: {  	_ =	sfence.sel $0xFFFF  }
0xc5: {  	[dreg:$0x0] =	wrdreg $0xFFFFFFFF;
	(pc) =	sbr.abs _section_cstart, $3  }
0xc6: {  	[dreg:$0x1] =	wrdreg $0xFFFFFFFF  }
0xc7: {  	_ =	task.clear_ibuf [dreg:s7], $0x2FFFF;
	_ =	strace $0x9FFFFFFF  }
0xc8: {  	(tm) =	ssettm $0x7FFFFFFF  }
0xc9: {  	_ =	shalt  }
tec
execute0_lowered:
.L_overlay_start_1:
0x0: {  	(tag) =	ssettag $0x1  }
0x1: {  	s8 =	rddreg [dreg:$0x0];
	s1 =	srdreg.scid  }
0x2: {  	s0 =	stileid.u32;
	s10 =	rddreg [dreg:$0x1]  }
0x3: {  	s2 =	simm.s32 $0x0;
	s17 =	simm.s32 $0x4000;
	s18 =	simm.s32 $0x5000  }
0x4: {  	s19 =	simm.s32 $0x5080;
	s20 =	simm.s32 $0x5100;
	s22 =	simm.s32 $0x0  }
0x5: {  	s6 =	sand.u32 $0x1, s1;
	s3 =	sshll.u32 s0, $0x1;
	[smem:$0x7FF] =	sst s2  }
0x6: {  	s28 =	sadd.s32 $0x800, s8;
	s29 =	sadd.s32 $0x600, s8;
	s3 =	sor.u32 s6, s3  }
0x7: {  	s30 =	sadd.s32 $0x400, s8;
	s31 =	sadd.s32 $0x200, s8;
	s7 =	smul.u32 $0x60, s3  }
0x8: {  	_ =	strace $0x80000047;
	[dreg:$0x3] =	wrdreg s28;
	s9 =	ssub.s32 $0x2, s6  }
0x9: {  	v46 =	vlaneseq.u32;
	vm2 =	vcmask $0xB08;
	[dreg:$0x4] =	wrdreg s29;
	s12 =	sshrl.u32 s9, $0x1;
	s7 =	sshrl.u32 s7, $0x3  }
0xa: {  	vm3 =	vcmask $0xF0C;
	vm4 =	vcmask $0x1310;
	vm5 =	vcmask $0x1714;
	[dreg:$0x5] =	wrdreg s30;
	s12 =	ssub.s32 s9, s12;
	s11 =	sadd.s32 $0x680, s7  }
0xb: {  	vm6 =	vcmask $0x1B18;
	vm7 =	vcmask $0x1F1C;
	vm8 =	vcmask $0x2320;
	[dreg:$0x6] =	wrdreg s31;
	s12 =	smax.u32 s12, $0x1;
	s13 =	sadd.s32 s11, s8  }
0xc: {  	vm9 =	vcmask $0x2724;
	vm10 =	vcmask $0x2B28;
	vm11 =	vcmask $0x2F2C;
	s7 =	sadd.s32 $0x1A00, s8;
	s10 =	sadd.s32 s10, s11;
	s8 =	sadd.s32 $0x1200, s13  }
0xd: {  	vm12 =	vcmask $0x3330;
	vm13 =	vcmask $0x3734;
	vm14 =	vcmask $0x3B38;
	s9 =	sadd.s32 $0xA00, s13;
	s11 =	sadd.s32 $0x1C00, s13;
	s13 =	simm.s32 $0x1  }
.LBB2_1:
0xe: {  	s0 =	rddreg [dreg:$0x3]  }
0xf: {  	[tilespmem:s2], [sflag:$0x1] =	stream.linear.gather [hbm4b:s0+s2], $0x1000, $0x38;
	[tilespmem:$0x5200] =	vst v63  }
0x10: {  	_ =	swait.ge [sflag:s13], $0x1000  }
0x11: {  	[sflag:s13] =	ssyncset.done $0x0  }
0x12: {  	s1 =	simm.s32 $0x1000;
	s26 =	rddreg [dreg:$0x4];
	[sflag:s13] =	ssyncadd.s32 $0xFFFFF000  }
0x13: {  	[tilespmem:s1], [sflag:$0x1] =	stream.linear.gather [hbm4b:s26+s2], $0x1000, $0x38;
	[tilespmem:$0x5200] =	vst v63  }
0x14: {  	_ =	swait.ge [sflag:s13], $0x1000  }
0x15: {  	[sflag:s13] =	ssyncset.done $0x0  }
0x16: {  	s29 =	simm.s32 $0x2000;
	s28 =	rddreg [dreg:$0x5];
	[sflag:s13] =	ssyncadd.s32 $0xFFFFF000  }
0x17: {  	[tilespmem:s29], [sflag:$0x1] =	stream.linear.gather [hbm4b:s28+s2], $0x1000, $0x38;
	[tilespmem:$0x5200] =	vst v63  }
0x18: {  	_ =	swait.ge [sflag:s13], $0x1000  }
0x19: {  	[sflag:s13] =	ssyncset.done $0x0  }
0x1a: {  	s31 =	simm.s32 $0x3000;
	s30 =	rddreg [dreg:$0x6];
	[sflag:s13] =	ssyncadd.s32 $0xFFFFF000  }
0x1b: {  	[tilespmem:s31], [sflag:$0x1] =	stream.linear.gather [hbm4b:s30+s2], $0x1000, $0x38;
	[tilespmem:$0x5200] =	vst v63  }
0x1c: {  	_ =	swait.ge [sflag:s13], $0x1000  }
0x1d: {  	[sflag:s13] =	ssyncset.done $0x0  }
0x1e: {  	[sflag:s13] =	ssyncadd.s32 $0xFFFFF000  }
0x1f: {  	[tilespmem:s17], [sflag:$0x1] =	stream.linear.gather [hbm4b:s7+s2], $0x1000, $0x38;
	[tilespmem:$0x5200] =	vst v63  }
0x20: {  	_ =	swait.ge [sflag:s13], $0x1000  }
0x21: {  	[sflag:s13] =	ssyncset.done $0x0  }
0x22: {  	[sflag:s13] =	ssyncadd.s32 $0xFFFFF000  }
0x23: {  	[tilespmem:s18], [sflag:$0x1] =	stream.linear.gather [hbm4b:s8+s2], $0x60, $0x38;
	[tilespmem:$0x5200] =	vst v63  }
0x24: {  	_ =	swait.ge [sflag:s13], $0x60  }
0x25: {  	[sflag:s13] =	ssyncset.done $0x0  }
0x26: {  	[sflag:s13] =	ssyncadd.s32 $0xFFFFFFA0  }
0x27: {  	[tilespmem:s19], [sflag:$0x1] =	stream.linear.gather [hbm4b:s9+s2], $0x60, $0x38;
	[tilespmem:$0x5200] =	vst v63  }
0x28: {  	_ =	swait.ge [sflag:s13], $0x60  }
0x29: {  	[sflag:s13] =	ssyncset.done $0x0  }
0x2a: {  	[sflag:s13] =	ssyncadd.s32 $0xFFFFFFA0  }
0x2b: {  	[tilespmem:s20], [sflag:$0x1] =	stream.linear.gather [hbm4b:s10+s2], $0x60, $0x38;
	[tilespmem:$0x5200] =	vst v63  }
0x2c: {  	_ =	swait.ge [sflag:s13], $0x60  }
0x2d: {  	[sflag:s13] =	ssyncset.done $0x0  }
0x2e: {  	s23 =	simm.s32 $0x0;
	[sflag:s13] =	ssyncadd.s32 $0xFFFFFFA0  }
.LBB2_2:
0x2f: {  	s24 =	sshll.u32 s23, $0x4  }
0x30: {  	v0 =	vmov s24  }
0x31: {  	v0 =	vbroadcast v0, $0x0  }
0x32: {  	s25 =	sor.u32 $0x1, s24  }
0x33: {  	v1 =	vmov s25  }
0x34: {  	v1 =	vbroadcast v1, $0x0  }
0x35: {  	s26 =	sor.u32 $0x2, s24  }
0x36: {  	v2 =	vmov s26  }
0x37: {  	v2 =	vbroadcast v2, $0x0;
	v3 =	vld.idx.msk [tilespmem:v0+s18+$0x0], $0xffff  }
0x38: {  	s31 =	sor.u32 $0x3, s24;
	v4 =	vld.idx.msk [tilespmem:v0+s19+$0x0], $0xffff  }
0x39: {  	v5 =	vmov s31;
	v0 =	vld.idx.msk [tilespmem:v0+s20+$0x0], $0xffff  }
0x3a: {  	v5 =	vbroadcast v5, $0x0;
	v6 =	vld.idx.msk [tilespmem:v1+s18+$0x0], $0xffff  }
0x3b: {  	s0 =	sor.u32 $0x4, s24;
	v7 =	vld.idx.msk [tilespmem:v1+s19+$0x0], $0xffff  }
0x3c: {  	v8 =	vmov s0;
	v1 =	vld.idx.msk [tilespmem:v1+s20+$0x0], $0xffff  }
0x3d: {  	v8 =	vbroadcast v8, $0x0;
	v9 =	vld.idx.msk [tilespmem:v2+s18+$0x0], $0xffff  }
0x3e: {  	s1 =	sor.u32 $0x5, s24;
	v10 =	vld.idx.msk [tilespmem:v2+s19+$0x0], $0xffff  }
0x3f: {  	v11 =	vmov s1;
	v2 =	vld.idx.msk [tilespmem:v2+s20+$0x0], $0xffff  }
0x40: {  	v11 =	vbroadcast v11, $0x0;
	v12 =	vld.idx.msk [tilespmem:v5+s18+$0x0], $0xffff  }
0x41: {  	s3 =	sor.u32 $0x6, s24;
	v13 =	vld.idx.msk [tilespmem:v5+s19+$0x0], $0xffff  }
0x42: {  	v14 =	vmov s3;
	v5 =	vld.idx.msk [tilespmem:v5+s20+$0x0], $0xffff  }
0x43: {  	v14 =	vbroadcast v14, $0x0;
	v15 =	vld.idx.msk [tilespmem:v8+s18+$0x0], $0xffff  }
0x44: {  	s4 =	sor.u32 $0x7, s24;
	v16 =	vld.idx.msk [tilespmem:v8+s19+$0x0], $0xffff  }
0x45: {  	v17 =	vmov s4;
	v8 =	vld.idx.msk [tilespmem:v8+s20+$0x0], $0xffff  }
0x46: {  	v17 =	vbroadcast v17, $0x0;
	v18 =	vld.idx.msk [tilespmem:v11+s18+$0x0], $0xffff  }
0x47: {  	s5 =	sor.u32 $0x8, s24;
	v19 =	vld.idx.msk [tilespmem:v11+s19+$0x0], $0xffff  }
0x48: {  	v20 =	vmov s5;
	v11 =	vld.idx.msk [tilespmem:v11+s20+$0x0], $0xffff  }
0x49: {  	v20 =	vbroadcast v20, $0x0;
	v21 =	vld.idx.msk [tilespmem:v14+s18+$0x0], $0xffff  }
0x4a: {  	s6 =	sor.u32 $0x9, s24;
	v22 =	vld.idx.msk [tilespmem:v14+s19+$0x0], $0xffff  }
0x4b: {  	v23 =	vmov s6;
	v14 =	vld.idx.msk [tilespmem:v14+s20+$0x0], $0xffff  }
0x4c: {  	v23 =	vbroadcast v23, $0x0;
	v24 =	vld.idx.msk [tilespmem:v17+s18+$0x0], $0xffff  }
0x4d: {  	s15 =	sor.u32 $0xB, s24;
	v25 =	vld.idx.msk [tilespmem:v17+s19+$0x0], $0xffff  }
0x4e: {  	v29 =	vmov s15;
	v17 =	vld.idx.msk [tilespmem:v17+s20+$0x0], $0xffff  }
0x4f: {  	v29 =	vbroadcast v29, $0x0;
	v27 =	vld.idx.msk [tilespmem:v20+s18+$0x0], $0xffff  }
0x50: {  	s14 =	sor.u32 $0xA, s24;
	v28 =	vld.idx.msk [tilespmem:v20+s19+$0x0], $0xffff  }
0x51: {  	v26 =	vmov s14;
	v20 =	vld.idx.msk [tilespmem:v20+s20+$0x0], $0xffff  }
0x52: {  	v26 =	vbroadcast v26, $0x0;
	v30 =	vld.idx.msk [tilespmem:v23+s18+$0x0], $0xffff;
	v32 =	vadd.f32 v3, v3;
	v4 =	vadd.f32 v4, v4  }
0x53: {  	v31 =	vld.idx.msk [tilespmem:v23+s19+$0x0], $0xffff;
	v0 =	vadd.f32 v0, v0;
	v6 =	vadd.f32 v6, v6  }
0x54: {  	v3 =	vld.idx.msk [tilespmem:v23+s20+$0x0], $0xffff;
	v33 =	vadd.f32 v7, v7;
	v1 =	vadd.f32 v1, v1;
	[tilespmem:$0x1FD00] =	vst v4  }
0x55: {  	v39 =	vadd.f32 v2, v2;
	v2 =	vld.idx.msk [tilespmem:v29+s18+$0x0], $0xffff;
	v35 =	vadd.f32 v13, v13;
	[tilespmem:$0x1FD10] =	vst v0  }
0x56: {  	s16 =	sor.u32 $0xC, s24;
	s25 =	simm.s32 $0x0;
	v41 =	vadd.f32 v5, v5;
	v36 =	vadd.f32 v15, v15;
	v5 =	vld.idx.msk [tilespmem:v29+s20+$0x0], $0xffff;
	[tilespmem:$0x1FEF0] =	vst v32  }
0x57: {  	s31 =	sshllo.u32 s23, $0x4;
	v23 =	vmov s16;
	v8 =	vadd.f32 v8, v8;
	v37 =	vadd.f32 v18, v18;
	v18 =	vld [tilespmem:s25+$0x0];
	[tilespmem:$0x1FD20] =	vst v6  }
0x58: {  	v11 =	vadd.f32 v11, v11;
	v13 =	vmov s31;
	v0 =	vld.idx.msk [tilespmem:v26+s18+$0x0], $0xffff;
	v4 =	vbroadcast v23, $0x0;
	[tilespmem:$0x1FD30] =	vst v1  }
0x59: {  	s21 =	sor.u32 $0xD, s24;
	v15 =	vadd.f32 v17, v17;
	v23 =	vadd.f32 v9, v9;
	v9 =	vld.idx.msk [tilespmem:v29+s19+$0x0], $0xffff;
	[tilespmem:$0x1FD40] =	vst v8  }
0x5a: {  	s26 =	sor.u32 $0xE, s24;
	v7 =	vmov s21;
	v38 =	vadd.f32 v19, v19;
	v21 =	vadd.f32 v21, v21;
	v6 =	vld.idx.msk [tilespmem:v26+s19+$0x0], $0xffff;
	[tilespmem:$0x1FD50] =	vst v11  }
0x5b: {  	v7 =	vbroadcast v7, $0x0;
	v1 =	vld.idx.msk [tilespmem:v26+s20+$0x0], $0xffff;
	v26 =	vadd.f32 v10, v10;
	v10 =	vmov s26;
	[tilespmem:$0x1FD60] =	vst v15;
	s26 =	simm.s32 $0x1000  }
0x5c: {  	v22 =	vadd.f32 v22, v22;
	v47 =	vadd.f32 v20, v20;
	[tilespmem:$0x1FDD0] =	vst v37;
	v20 =	vld [tilespmem:s26+$0x0]  }
0x5d: {  	v43 =	vadd.f32 v24, v24;
	[tilespmem:$0x1FDE0] =	vst v21;
	v24 =	vadd.f32 v0, v0;
	v0 =	vld.idx.msk [tilespmem:v13+s18+$0x0], $0xffff  }
0x5e: {  	v34 =	vadd.f32 v12, v12;
	[tilespmem:$0x1FDF0] =	vst v22;
	v10 =	vbroadcast v10, $0x0;
	v8 =	vld.idx.msk [tilespmem:v4+s18+$0x0], $0xffff  }
0x5f: {  	v57 =	vimm.s32 $0x0;
	v54 =	vimm.f32 $3.000000010e+38;
	[tilespmem:$0x1FE00] =	vst v38;
	v12 =	vld.idx.msk [tilespmem:v4+s19+$0x0], $0xffff  }
0x60: {  	v60 =	vimm.f32 $3.000000010e+38;
	v55 =	vimm.s32 $0x0;
	v40 =	vadd.f32 v14, v14;
	[tilespmem:$0x1FE50] =	vst v34;
	v4 =	vld.idx.msk [tilespmem:v4+s20+$0x0], $0xffff  }
0x61: {  	v52 =	vimm.f32 $3.000000010e+38;
	v44 =	vadd.f32 v25, v25;
	v17 =	vadd.f32 v27, v27;
	[tilespmem:$0x1FE60] =	vst v36;
	v11 =	vld.idx.msk [tilespmem:v7+s18+$0x0], $0xffff  }
0x62: {  	v59 =	vimm.s32 $0x0;
	v45 =	vadd.f32 v28, v28;
	v48 =	vadd.f32 v30, v30;
	[tilespmem:$0x1FEB0] =	vst v35;
	v14 =	vld.idx.msk [tilespmem:v7+s19+$0x0], $0xffff  }
0x63: {  	v58 =	vimm.s32 $0x0;
	v50 =	vadd.f32 v31, v31;
	v29 =	vadd.f32 v16, v16;
	[tilespmem:$0x1FEC0] =	vst v40;
	v7 =	vld.idx.msk [tilespmem:v7+s20+$0x0], $0xffff  }
0x64: {  	v63 =	vimm.s32 $0x0;
	[tilespmem:$0x1FF40] =	vst v43;
	v3 =	vadd.f32 v3, v3;
	v1 =	vadd.f32 v1, v1;
	v15 =	vld.idx.msk [tilespmem:v10+s18+$0x0], $0xffff  }
0x65: {  	v61 =	vimm.f32 $3.000000010e+38;
	[tilespmem:$0x1FFB0] =	vst v41;
	v27 =	vadd.f32 v5, v5;
	v25 =	vadd.f32 v9, v9;
	v16 =	vld.idx.msk [tilespmem:v10+s19+$0x0], $0xffff  }
0x66: {  	v62 =	vimm.s32 $0x0;
	v28 =	vadd.f32 v6, v6;
	[tilespmem:$0x1FD80] =	vst v1;
	v1 =	vld.idx.msk [tilespmem:v10+s20+$0x0], $0xffff;
	v10 =	vadd.f32 v2, v2  }
0x67: {  	v5 =	vmul.f32 v18, v21;
	v2 =	vld.idx.msk [tilespmem:v13+s19+$0x0], $0xffff;
	v0 =	vadd.f32 v0, v0;
	v9 =	vadd.f32 v8, v8  }
0x68: {  	[tilespmem:$0x1FFC0] =	vst v44;
	v21 =	vor.u32 s25, v46;
	v30 =	vadd.f32 v12, v12;
	v31 =	vadd.f32 v4, v4  }
0x69: {  	s28 =	simm.s32 $0x3000;
	[tilespmem:$0x1FD70] =	vst v3;
	v6 =	vmul.f32 v20, v22;
	v3 =	vadd.f32 v11, v11;
	v4 =	vadd.f32 v14, v14  }
0x6a: {  	v11 =	vld [tilespmem:s28+$0x0];
	v14 =	vadd.f32 v7, v7;
	v7 =	vmul.f32 v20, v38;
	v8 =	vmul.f32 v18, v10;
	[tilespmem:$0x1FD90] =	vst v0  }
0x6b: {  	v0 =	vmul.f32 v18, v0;
	v51 =	vadd.f32 v1, v1;
	v1 =	vmul.f32 v18, v23;
	[tilespmem:$0x1FDB0] =	vst v3  }
0x6c: {  	s28 =	simm.s32 $0x2000;
	v3 =	vmul.f32 v18, v3;
	v12 =	vadd.f32 v2, v2;
	[tilespmem:$0x1FDC0] =	vst v4;
	v2 =	vmul.f32 v20, v4  }
0x6d: {  	v19 =	vld [tilespmem:s28+$0x0];
	v15 =	vadd.f32 v15, v15;
	v4 =	vmul.f32 v18, v37;
	[tilespmem:$0x1FE20] =	vst v9;
	v9 =	vmul.f32 v18, v9  }
0x6e: {  	[tilespmem:$0x1FFD0] =	vst v39;
	v16 =	vadd.f32 v16, v16;
	v37 =	vmul.f32 v18, v43;
	v43 =	vmul.f32 v20, v44  }
0x6f: {  	[tilespmem:$0x1FFF0] =	vst v50;
	v44 =	vmul.f32 v20, v50;
	v50 =	vimm.f32 $3.000000010e+38;
	v0 =	vsub.f32 v11, v0  }
0x70: {  	[tilespmem:$0x1FE10] =	vst v10;
	v10 =	vmul.f32 v20, v12;
	v4 =	vsub.f32 v11, v4;
	v5 =	vsub.f32 v11, v5  }
0x71: {  	[tilespmem:$0x1FE30] =	vst v12;
	v12 =	vmul.f32 v20, v25;
	v3 =	vsub.f32 v11, v3;
	v9 =	vsub.f32 v11, v9  }
0x72: {  	[tilespmem:$0x1FDA0] =	vst v23;
	v41 =	vmul.f32 v19, v41;
	v39 =	vmul.f32 v19, v39;
	v23 =	vsub.f32 v4, v7  }
0x73: {  	[tilespmem:$0x1FE40] =	vst v25;
	v4 =	vsub.f32 v11, v8;
	v7 =	vmul.f32 v18, v34;
	v25 =	vsub.f32 v0, v10  }
0x74: {  	[tilespmem:$0x1FF10] =	vst v33;
	v0 =	vmul.f32 v18, v36;
	v8 =	vmul.f32 v19, v27;
	v2 =	vsub.f32 v3, v2  }
0x75: {  	[tilespmem:$0x1FF30] =	vst v17;
	v3 =	vmul.f32 v20, v30;
	v5 =	vsub.f32 v5, v6;
	v6 =	vmul.f32 v20, v29  }
0x76: {  	[tilespmem:$0x1FEA0] =	vst v29;
	v1 =	vsub.f32 v11, v1;
	v29 =	vmul.f32 v20, v33;
	v33 =	vmul.f32 v19, v51  }
0x77: {  	[tilespmem:$0x1FFA0] =	vst v51;
	v10 =	vimm.s32 $0x0;
	v51 =	vimm.f32 $3.000000010e+38;
	v4 =	vsub.f32 v4, v12  }
0x78: {  	[tilespmem:$0x1FF90] =	vst v45;
	v0 =	vsub.f32 v11, v0;
	v3 =	vsub.f32 v9, v3;
	v9 =	vmul.f32 v20, v35  }
0x79: {  	[tilespmem:$0x1FF50] =	vst v15;
	v35 =	vmul.f32 v18, v15;
	v12 =	vimm.f32 $3.000000010e+38;
	v15 =	vimm.s32 $0x0  }
0x7a: {  	[tilespmem:$0x1FE90] =	vst v14;
	v49 =	vsub.f32 v4, v8;
	v4 =	vmul.f32 v19, v14;
	v36 =	vsub.f32 v0, v6  }
0x7b: {  	[tilespmem:$0x1FED0] =	vst v31;
	v0 =	vmul.f32 v19, v31;
	v31 =	vmul.f32 v20, v45;
	v14 =	vimm.f32 $3.000000010e+38  }
0x7c: {  	[tilespmem:$0x1FFE0] =	vst v48;
	v45 =	vmul.f32 v18, v48;
	v6 =	vimm.f32 $3.000000010e+38;
	v48 =	vimm.s32 $0x0  }
0x7d: {  	[tilespmem:$0x1FE70] =	vst v27;
	v56 =	vsub.f32 v2, v4;
	v2 =	vmul.f32 v19, v40;
	v4 =	vsub.f32 v11, v7  }
0x7e: {  	[tilespmem:$0x1FF00] =	vst v24;
	v27 =	vsub.f32 v3, v0;
	v0 =	vmul.f32 v18, v24;
	v24 =	vmul.f32 v20, v28  }
0x7f: {  	v7 =	vimm.f32 $3.000000010e+38;
	v3 =	vimm.f32 $3.000000010e+38;
	(xrf1) =	vsort.ascd.msk.f32 $0xffff, v49, v21;
	v49 =	vimm.f32 $3.000000010e+38  }
0x80: {  	v8 =	vld.idx.msk [tilespmem:v13+s20+$0x0], $0xffff;
	v40 =	vsub.f32 v5, v2;
	v2 =	vmul.f32 v20, v26;
	v42 =	vsub.f32 v4, v9  }
0x81: {  	[tilespmem:$0x1FEE0] =	vst v26;
	v4 =	vmul.f32 v18, v32;
	v22 =	vsub.f32 v11, v0;
	v32 =	vmul.f32 v20, v16  }
0x82: {  	[tilespmem:$0x1FF60] =	vst v16;
	v26 =	vmul.f32 v19, v47;
	v16 =	vimm.s32 $0x0;
	v0 =	vimm.s32 $0x0  }
0x83: {  	[tilespmem:$0x1FF70] =	vst v47;
	v9 =	vimm.s32 $0x0;
	v47 =	vimm.s32 $0x0;
	v5 =	vimm.f32 $3.000000010e+38  }
0x84: {  	(xrf1) =	vsort.ascd.msk.f32 $0xffff, v56, v21;
	v56 =	vimm.s32 $0x0;
	v38 =	vsub.f32 v1, v2;
	v1 =	vmul.f32 v18, v17  }
0x85: {  	[tilespmem:$0x1FF20] =	vst v28;
	v2 =	vadd.f32 v8, v8;
	v28 =	vsub.f32 v11, v4;
	v17 =	vimm.f32 $3.000000010e+38  }
0x86: {  	[tilespmem:$0x1FE80] =	vst v30;
	v4 =	vimm.f32 $3.000000010e+38;
	v8 =	vimm.s32 $0x0;
	v30 =	vsub.f32 v11, v1  }
0x87: {  	s29 =	simm.s32 $0x10;
	s30 =	simm.s32 $0x3010;
	[tilespmem:$0x1FF80] =	vst v2;
	v34 =	vmul.f32 v19, v2;
	v1 =	vimm.f32 $3.000000010e+38;
	v2 =	vimm.s32 $0x0  }
.LBB2_3:
0x88: {  	v53 =	vld [tilespmem:$0x1FD10];
	_ =	sdelay $0x4  }
0x89: {  	(xrf1) =	vsort.ascd.msk.f32 $0xffff, v40, v21;
	v40 =	vmul.f32 v19, v53;
	v53 =	vld [tilespmem:$0x1FD70];
	_ =	sdelay $0x4  }
0x8a: {  	v41 =	vsub.f32 v42, v41;
	v42 =	vmul.f32 v19, v53;
	v53 =	vld [tilespmem:$0x1FD60];
	_ =	sdelay $0x2  }
0x8b: {  	v37 =	vsub.f32 v11, v37;
	_ =	sdelay $0x1  }
0x8c: {  	v37 =	vsub.f32 v37, v43;
	v43 =	vmul.f32 v19, v53;
	v53 =	vld [tilespmem:$0x1FD00];
	_ =	sdelay $0x4  }
0x8d: {  	v20 =	vmul.f32 v20, v53;
	v53 =	vld [tilespmem:$0x1FD20]  }
0x8e: {  	v45 =	vsub.f32 v11, v45;
	_ =	sdelay $0x1  }
0x8f: {  	v44 =	vsub.f32 v45, v44  }
0x90: {  	v35 =	vsub.f32 v11, v35;
	v20 =	vsub.f32 v28, v20;
	v28 =	vld [tilespmem:$0x1FD30]  }
0x91: {  	v30 =	vsub.f32 v30, v31;
	v31 =	vld [tilespmem:$0x1FD80];
	v42 =	vsub.f32 v44, v42;
	v18 =	vmul.f32 v18, v53  }
0x92: {  	(xrf1) =	vsort.ascd.msk.f32 $0xffff, v41, v21;
	v44 =	vld [tilespmem:$0x1FD40];
	v37 =	vsub.f32 v37, v43;
	v13 =	vsub.f32 v20, v40  }
0x93: {  	v20 =	vld [tilespmem:$0x1FD50];
	v11 =	vsub.f32 v11, v18;
	v18 =	vsub.f32 v38, v39  }
0x94: {  	(xrf1) =	vsort.ascd.msk.f32 $0xffff, v37, v21  }
0x95: {  	v45 =	vmul.f32 v19, v28;
	v11 =	vsub.f32 v11, v29;
	(xrf1) =	vsort.ascd.msk.f32 $0xffff, v18, v21  }
0x96: {  	v25 =	vsub.f32 v25, v34  }
0x97: {  	v38 =	vmul.f32 v19, v44;
	(xrf1) =	vsort.ascd.msk.f32 $0xffff, v42, v21;
	v11 =	vsub.f32 v11, v45  }
0x98: {  	v20 =	vmul.f32 v19, v20;
	v19 =	vmul.f32 v19, v31;
	(xrf1) =	vsort.ascd.msk.f32 $0xffff, v13, v21  }
0x99: {  	v32 =	vsub.f32 v35, v32;
	v29 =	vsub.f32 v36, v38;
	v18, v28, _ =	vpop (xrf1);
	(xrf1) =	vsort.ascd.msk.f32 $0xffff, v11, v21  }
0x9a: {  	v20 =	vsub.f32 v23, v20;
	vm15 =	vlt.f32 v18, v14;
	v11 =	vsub.f32 v22, v24  }
0x9b: {  	v22 =	vsub.f32 v30, v26;
	v14 =	vsel vm15, v18, v14;
	v18, v24, _ =	vpop (xrf1);
	(xrf1) =	vsort.ascd.msk.f32 $0xffff, v29, v21  }
0x9c: {  	v16 =	vsel vm15, v28, v16;
	v11 =	vsub.f32 v11, v19;
	v19, v26, _ =	vpop (xrf1);
	(xrf1) =	vsort.ascd.msk.f32 $0xffff, v25, v21  }
0x9d: {  	v23 =	vsub.f32 v32, v33;
	vm15 =	vlt.f32 v18, v12;
	(xrf1) =	vsort.dscd.msk.f32 $0xffff, v14, v16  }
0x9e: {  	v18 =	vsel vm15, v18, v12;
	v13 =	vsel vm15, v24, v10;
	(xrf1) =	vsort.ascd.msk.f32 $0xffff, v20, v21  }
0x9f: {  	(xrf1) =	vsort.dscd.msk.f32 $0xffff, v18, v13  }
0xa0: {  	vm15 =	vlt.f32 v19, v17;
	v10, v12, _ =	vpop (xrf1);
	(xrf1) =	vsort.ascd.msk.f32 $0xffff, v23, v21  }
0xa1: {  	v15 =	vsel vm15, v26, v15;
	(xrf1) =	vsort.ascd.msk.f32 $0xffff, v11, v21  }
0xa2: {  	v14 =	vsel vm15, v19, v17;
	v11, v16, _ =	vpop (xrf1);
	(xrf1) =	vsort.ascd.msk.f32 $0xffff, v27, v21  }
0xa3: {  	v17, v18, _ =	vpop (xrf1);
	(xrf1) =	vsort.ascd.msk.f32 $0xffff, v22, v21  }
0xa4: {  	(xrf1) =	vsort.dscd.msk.f32 $0xffff, v14, v15  }
0xa5: {  	vm0 =	vlt.f32 v11, v6;
	vm15 =	vlt.f32 v17, v1;
	v14, v15, _ =	vpop (xrf1)  }
0xa6: {  	v13 =	vsel vm15, v18, v57;
	v18 =	vsel vm15, v17, v1;
	vm15 =	vlt.f32 v10, v7;
	v17, v19, _ =	vpop (xrf1)  }
0xa7: {  	v6 =	vsel vm0, v11, v6;
	v7 =	vsel vm15, v10, v7;
	v10, v11, _ =	vpop (xrf1)  }
0xa8: {  	vm1 =	vlt.f32 v14, v4;
	v8 =	vsel vm15, v12, v8;
	vm15 =	vlt.f32 v10, v54  }
0xa9: {  	(xrf1) =	vsort.dscd.msk.f32 $0xffff, v18, v13;
	v1, v12, _ =	vpop (xrf1);
	v21 =	vsel vm15, v10, v54;
	v20 =	vsel vm15, v11, v48  }
0xaa: {  	v4 =	vsel vm1, v14, v4;
	v18 =	vsel vm1, v15, v0;
	v11, v10, _ =	vpop (xrf1);
	(xrf1) =	vsort.dscd.msk.f32 $0xffff, v21, v20  }
0xab: {  	v15 =	vsel vm0, v16, v55;
	vm0 =	vlt.f32 v11, v50;
	v14, v0, _ =	vpop (xrf1);
	(xrf1) =	vsort.dscd.msk.f32 $0xffff, v4, v18  }
0xac: {  	v4 =	vsel vm0, v10, v9;
	v9, v13, _ =	vpop (xrf1);
	(xrf1) =	vsort.dscd.msk.f32 $0xffff, v6, v15  }
0xad: {  	vm15 =	vlt.f32 v17, v60;
	vm1 =	vlt.f32 v1, v51;
	[tilespmem:$0x1FCF0] =	vst v0;
	(xrf1) =	vsort.dscd.msk.f32 $0xffff, v7, v8;
	v7, v0, _ =	vpop (xrf1)  }
0xae: {  	v16 =	vsel vm1, v1, v51;
	v10 =	vsel vm1, v12, v47;
	vm1 =	vlt.f32 v9, v5;
	v1, v6, _ =	vpop (xrf1)  }
0xaf: {  	v21 =	vsel vm15, v17, v60;
	v5 =	vsel vm1, v9, v5;
	v9 =	vsel vm0, v11, v50;
	[tilespmem:$0x1FCC0] =	vst v7;
	v7, v8, _ =	vpop (xrf1)  }
0xb0: {  	[tilespmem:$0x1FCD0] =	vst v0;
	(xrf1) =	vsort.dscd.msk.f32 $0xffff, v16, v10;
	v0 =	vsel vm1, v13, v2;
	vm1 =	vlt.f32 v7, v52;
	v13, v15, _ =	vpop (xrf1)  }
0xb1: {  	s25 =	sadd.s32 $0x10, s25;
	v2 =	vsel vm1, v8, v59;
	vm0 =	vlt.f32 v13, v3;
	v8, v22, _ =	vpop (xrf1);
	(xrf1) =	vsort.dscd.msk.f32 $0xffff, v9, v4  }
0xb2: {  	v18 =	vld [tilespmem:s25+$0x0];
	v3 =	vsel vm0, v13, v3;
	v23 =	vsel vm0, v15, v58;
	vm0 =	vlt.f32 v1, v49;
	v17, v4, _ =	vpop (xrf1)  }
0xb3: {  	[tilespmem:$0x1FCE0] =	vst v4;
	v4 =	vsel vm0, v1, v49;
	v1 =	vld [tilespmem:$0x1FEF0];
	_ =	sdelay $0x4  }
0xb4: {  	v9 =	vsel vm15, v19, v63;
	v19 =	vmul.f32 v18, v1;
	v1 =	vld [tilespmem:$0x1FD90];
	_ =	sdelay $0x4  }
0xb5: {  	v24 =	vmul.f32 v18, v1;
	v1 =	vld [tilespmem:$0x1FDA0];
	_ =	sdelay $0x4  }
0xb6: {  	v7 =	vsel vm1, v7, v52;
	v13 =	vmul.f32 v18, v1;
	v1 =	vld [tilespmem:$0x1FF00]  }
0xb7: {  	v11 =	vld [tilespmem:s30+$0x0];
	vm1 =	vlt.f32 v8, v61;
	v6 =	vsel vm0, v6, v62;
	v12, v57, _ =	vpop (xrf1);
	(xrf1) =	vsort.dscd.msk.f32 $0xffff, v5, v0  }
0xb8: {  	v25 =	vsel vm1, v22, v56;
	v54, v22, _ =	vpop (xrf1);
	(xrf1) =	vsort.dscd.msk.f32 $0xffff, v4, v6;
	v4 =	vld [tilespmem:$0x1FDB0];
	_ =	sdelay $0x2  }
0xb9: {  	s26 =	sadd.s32 $0x10, s26;
	v26 =	vmul.f32 v18, v1  }
0xba: {  	v20 =	vld [tilespmem:s26+$0x0]  }
0xbb: {  	v1 =	vsub.f32 v11, v26;
	v26 =	vmul.f32 v18, v4;
	v4 =	vld [tilespmem:$0x1FDC0];
	_ =	sdelay $0x4  }
0xbc: {  	v27 =	vmul.f32 v20, v4;
	v4, v10, _ =	vpop (xrf1);
	(xrf1) =	vsort.dscd.msk.f32 $0xffff, v7, v2;
	v7 =	vld [tilespmem:$0x1FDF0];
	_ =	sdelay $0x3  }
0xbd: {  	v5 =	vsel vm1, v8, v61;
	v6, v15, _ =	vpop (xrf1);
	(xrf1) =	vsort.dscd.msk.f32 $0xffff, v3, v23  }
0xbe: {  	v36 =	vmul.f32 v20, v7;
	v7, v8, _ =	vpop (xrf1);
	(xrf1) =	vsort.dscd.msk.f32 $0xffff, v5, v25  }
0xbf: {  	(xrf1) =	vsort.dscd.msk.f32 $0xffff, v21, v9;
	v9 =	vld [tilespmem:$0x1FF30];
	_ =	sdelay $0x4  }
0xc0: {  	v30 =	vmul.f32 v18, v9;
	v9 =	vld [tilespmem:$0x1FE30];
	_ =	sdelay $0x2  }
0xc1: {  	v2 =	vld [tilespmem:$0x1FF10];
	_ =	sdelay $0x1  }
0xc2: {  	v25 =	vmul.f32 v20, v9;
	v9 =	vld [tilespmem:$0x1FE50];
	_ =	sdelay $0x1  }
0xc3: {  	v0 =	vsub.f32 v11, v24;
	v3 =	vld [tilespmem:$0x1FDE0]  }
0xc4: {  	v29 =	vmul.f32 v20, v2;
	v2 =	vld [tilespmem:$0x1FDD0]  }
0xc5: {  	v25 =	vsub.f32 v0, v25;
	v0 =	vld [tilespmem:$0x1FEE0]  }
0xc6: {  	v31 =	vmul.f32 v18, v9;
	v9 =	vld [tilespmem:$0x1FE00];
	_ =	sdelay $0x2  }
0xc7: {  	v53 =	vld [tilespmem:$0x1FE90];
	v3 =	vmul.f32 v18, v3;
	v2 =	vmul.f32 v18, v2  }
0xc8: {  	v44 =	vmul.f32 v20, v0;
	v0 =	vld [tilespmem:$0x1FE10]  }
0xc9: {  	v39 =	vsub.f32 v11, v3;
	v3 =	vld [tilespmem:$0x1FEB0];
	v2 =	vsub.f32 v11, v2;
	v9 =	vmul.f32 v20, v9  }
0xca: {  	v55 =	vld [tilespmem:$0x1FE80]  }
0xcb: {  	v23 =	vsub.f32 v2, v9;
	v2 =	vld [tilespmem:$0x1FF40]  }
0xcc: {  	s28 =	sadd.s32 $0x10, s28;
	v5 =	vld [tilespmem:$0x1FF20]  }
0xcd: {  	v28 =	vsub.f32 v11, v19;
	v19 =	vld [tilespmem:s28+$0x0];
	v0 =	vmul.f32 v18, v0  }
0xce: {  	v42 =	vmul.f32 v20, v3;
	v3 =	vld [tilespmem:$0x1FE40]  }
0xcf: {  	v52 =	vsub.f32 v11, v0;
	v0 =	vld [tilespmem:$0x1FE70]  }
0xd0: {  	v37 =	vmul.f32 v18, v2;
	v2 =	vsub.f32 v11, v26;
	v26 =	vld [tilespmem:$0x1FF50]  }
0xd1: {  	v24 =	vmul.f32 v20, v5;
	v5 =	vld [tilespmem:$0x1FE20]  }
0xd2: {  	v59 =	vld [tilespmem:$0x1FEC0]  }
0xd3: {  	v58 =	vld [tilespmem:$0x1FFB0];
	v3 =	vmul.f32 v20, v3  }
0xd4: {  	v56 =	vld [tilespmem:$0x1FFA0]  }
0xd5: {  	v3 =	vsub.f32 v52, v3;
	v43 =	vmul.f32 v19, v0;
	v35 =	vmul.f32 v18, v26;
	v26 =	vld [tilespmem:$0x1FF60]  }
0xd6: {  	v63 =	vmul.f32 v19, v53;
	v5 =	vmul.f32 v18, v5;
	v0 =	vld [tilespmem:$0x1FF80];
	v27 =	vsub.f32 v2, v27  }
0xd7: {  	v53 =	vsub.f32 v3, v43;
	v3 =	vld [tilespmem:$0x1FED0]  }
0xd8: {  	v41 =	vmul.f32 v19, v58;
	v38 =	vsub.f32 v11, v13;
	v51, v13, _ =	vpop (xrf1);
	v58 =	vsub.f32 v27, v63;
	v27 =	vld [tilespmem:$0x1FFD0]  }
0xd9: {  	v61 =	vld [tilespmem:$0x1FEA0];
	v50, v16, _ =	vpop (xrf1)  }
0xda: {  	v60 =	vsub.f32 v11, v5;
	v5, v9, _ =	vpop (xrf1);
	v32 =	vmul.f32 v20, v26;
	v26 =	vld [tilespmem:$0x1FE60]  }
0xdb: {  	s31 =	smov.u32 s29;
	v47 =	vmul.f32 v19, v59;
	v45 =	vsub.f32 v11, v31;
	v31 =	vld [tilespmem:$0x1FF90];
	v49, v62, _ =	vpop (xrf1)  }
0xdc: {  	v21 =	vor.u32 s31, v46;
	v46 =	vmul.f32 v20, v55;
	v52, v59, _ =	vpop (xrf1);
	v43 =	vld [tilespmem:$0x1FFC0];
	v34 =	vmul.f32 v19, v0  }
0xdd: {  	v0 =	vsub.f32 v39, v36;
	v55 =	vmul.f32 v19, v3;
	v3, v2, _ =	vpop (xrf1);
	v39 =	vmul.f32 v19, v27;
	v27 =	vld [tilespmem:$0x1FFE0]  }
0xde: {  	v48 =	vmul.f32 v20, v61;
	v33 =	vmul.f32 v19, v56;
	v61, v56, _ =	vpop (xrf1);
	(xrf1) =	vsort.ascd.msk.f32 $0xffff, v53, v21;
	v53 =	vld [tilespmem:$0x1FFF0]  }
0xdf: {  	p0 =	sne.s32 s29, $0xFF0;
	v30 =	vsub.f32 v11, v30;
	v46 =	vsub.f32 v60, v46;
	v40 =	vmul.f32 v18, v26;
	v26 =	vld [tilespmem:$0x1FF70]  }
.Ltmp0:
0xe0: {  	v42 =	vsub.f32 v45, v42;
	v38 =	vsub.f32 v38, v44;
	v31 =	vmul.f32 v20, v31;
	v60, v63, _ =	vpop (xrf1);
	(pc) =	sbr.rel @p0 .LBB2_3-.Ltmp0, $4  }
0xe1: {  	(xrf1) =	vsort.ascd.msk.f32 $0xffff, v58, v21;
	v58 =	vmovc v2;
	v2 =	vmov v9;
	v9 =	vmov v16;
	v16 =	vld [tilespmem:$0x1FCF0];
	v40 =	vsub.f32 v11, v40  }
0xe2: {  	v43 =	vmul.f32 v20, v43;
	v45 =	vmul.f32 v18, v27;
	v27 =	vsub.f32 v46, v55;
	v55 =	vmovc v15;
	v15 =	vld [tilespmem:$0x1FCE0]  }
0xe3: {  	v44 =	vmul.f32 v20, v53;
	v36 =	vsub.f32 v40, v48;
	v48 =	vmovc v22;
	v22 =	vmovc v1;
	v1 =	vmov v12;
	v12 =	vld [tilespmem:$0x1FCC0]  }
0xe4: {  	s29 =	sadd.s32 $0x10, s29;
	s30 =	sadd.s32 $0x10, s30;
	v46 =	vlaneseq.u32;
	v40 =	vsub.f32 v0, v47;
	v0 =	vmovc v10;
	v10 =	vld [tilespmem:$0x1FCD0];
	v47 =	vmovc v13;
	v26 =	vmul.f32 v19, v26  }
0xe5: {  	v13 =	vld [tilespmem:$0x1FD60]  }
0xe6: {  	v53 =	vld [tilespmem:$0x1FD20];
	_ =	sdelay $0x3  }
0xe7: {  	v41 =	vsub.f32 v42, v41;
	v42 =	vmul.f32 v19, v13;
	v13 =	vld [tilespmem:$0x1FD70]  }
0xe8: {  	v37 =	vsub.f32 v11, v37;
	v18 =	vmul.f32 v18, v53;
	v53 =	vld [tilespmem:$0x1FD00];
	_ =	sdelay $0x1  }
0xe9: {  	v38 =	vsub.f32 v38, v39;
	v39 =	vld [tilespmem:$0x1FD10];
	(xrf1) =	vsort.ascd.msk.f32 $0xffff, v40, v21;
	v37 =	vsub.f32 v37, v43  }
0xea: {  	v45 =	vsub.f32 v11, v45;
	(xrf1) =	vsort.ascd.msk.f32 $0xffff, v41, v21;
	v41 =	vld [tilespmem:$0x1FD30]  }
0xeb: {  	v37 =	vsub.f32 v37, v42  }
0xec: {  	v43 =	vsub.f32 v45, v44;
	v44 =	vmul.f32 v19, v13;
	v20 =	vmul.f32 v20, v53  }
0xed: {  	v18 =	vsub.f32 v11, v18;
	v42 =	vld [tilespmem:$0x1FD40];
	(xrf1) =	vsort.ascd.msk.f32 $0xffff, v37, v21  }
0xee: {  	v13 =	vsub.f32 v43, v44;
	v20 =	vsub.f32 v28, v20;
	v28 =	vmul.f32 v19, v39  }
0xef: {  	v18 =	vsub.f32 v18, v29;
	v29 =	vmul.f32 v19, v41;
	(xrf1) =	vsort.ascd.msk.f32 $0xffff, v38, v21  }
0xf0: {  	v20 =	vsub.f32 v20, v28  }
0xf1: {  	v18 =	vsub.f32 v18, v29;
	v29 =	vld [tilespmem:$0x1FD50];
	(xrf1) =	vsort.ascd.msk.f32 $0xffff, v13, v21  }
0xf2: {  	v28 =	vmul.f32 v19, v42;
	(xrf1) =	vsort.ascd.msk.f32 $0xffff, v20, v21;
	v13, v53, _ =	vpop (xrf1)  }
0xf3: {  	v45 =	vsub.f32 v25, v34;
	v34 =	vld [tilespmem:$0x1FD80];
	(xrf1) =	vsort.ascd.msk.f32 $0xffff, v18, v21;
	vm0 =	vlt.f32 v13, v14  }
0xf4: {  	v44 =	vsub.f32 v36, v28;
	v16 =	vsel vm0, v53, v16  }
0xf5: {  	v43 =	vsub.f32 v11, v35;
	v14 =	vsel vm0, v13, v14  }
0xf6: {  	v20 =	vmul.f32 v19, v29;
	(xrf1) =	vsort.ascd.msk.f32 $0xffff, v44, v21  }
0xf7: {  	v38 =	vsub.f32 v30, v31;
	v11 =	vsub.f32 v43, v32;
	(xrf1) =	vsort.ascd.msk.f32 $0xffff, v45, v21  }
0xf8: {  	v35 =	vmul.f32 v19, v34;
	v32 =	vsub.f32 v23, v20;
	(xrf1) =	vsort.dscd.msk.f32 $0xffff, v14, v16;
	v14, v16, _ =	vpop (xrf1)  }
0xf9: {  	v11 =	vsub.f32 v11, v33;
	v36 =	vsub.f32 v22, v24;
	vm0 =	vlt.f32 v14, v12  }
0xfa: {  	(xrf1) =	vsort.ascd.msk.f32 $0xffff, v32, v21;
	v40, v39, _ =	vpop (xrf1);
	v12 =	vsel vm0, v14, v12;
	v10 =	vsel vm0, v16, v10  }
0xfb: {  	v37 =	vsub.f32 v36, v35;
	v42, v41, _ =	vpop (xrf1);
	(xrf1) =	vsort.dscd.msk.f32 $0xffff, v12, v10;
	v10 =	vsub.f32 v38, v26  }
0xfc: {  	vm0 =	vlt.f32 v40, v17;
	v43, v19, _ =	vpop (xrf1);
	(xrf1) =	vsort.ascd.msk.f32 $0xffff, v11, v21  }
0xfd: {  	v12 =	vsel vm0, v40, v17;
	v44, v22, _ =	vpop (xrf1);
	(xrf1) =	vsort.ascd.msk.f32 $0xffff, v37, v21  }
0xfe: {  	v15 =	vsel vm0, v39, v15;
	vm0 =	vlt.f32 v44, v1;
	(xrf1) =	vsort.ascd.msk.f32 $0xffff, v27, v21  }
0xff: {  	v57 =	vsel vm0, v22, v57;
	(xrf1) =	vsort.ascd.msk.f32 $0xffff, v10, v21;
	v10, v21, _ =	vpop (xrf1)  }
0x100: {  	v1 =	vsel vm0, v44, v1;
	v53, v45, _ =	vpop (xrf1);
	(xrf1) =	vsort.dscd.msk.f32 $0xffff, v12, v15;
	vm0 =	vlt.f32 v10, v4  }
0x101: {  	v13, v22, _ =	vpop (xrf1);
	(xrf1) =	vsort.dscd.msk.f32 $0xffff, v1, v57;
	v23 =	vsel vm0, v10, v4  }
0x102: {  	v26 =	vsel vm0, v21, v0;
	vm0 =	vlt.f32 v43, v6;
	vm1 =	vlt.f32 v13, v54  }
0x103: {  	v6 =	vsel vm0, v43, v6;
	v24 =	vsel vm1, v13, v54;
	v25 =	vsel vm1, v22, v48  }
0x104: {  	v4, v10, _ =	vpop (xrf1);
	(xrf1) =	vsort.dscd.msk.f32 $0xffff, v24, v25  }
0x105: {  	v27 =	vsel vm0, v19, v55;
	v1, v12, _ =	vpop (xrf1);
	(xrf1) =	vsort.dscd.msk.f32 $0xffff, v23, v26  }
0x106: {  	vm0 =	vlt.f32 v42, v7;
	(xrf1) =	vsort.dscd.msk.f32 $0xffff, v6, v27;
	v6, v13, _ =	vpop (xrf1)  }
0x107: {  	vm1 =	vlt.f32 v4, v51;
	v6 =	vsel vm0, v42, v7  }
0x108: {  	v28 =	vsel vm0, v41, v8;
	v4 =	vsel vm1, v4, v51;
	vm0 =	vlt.f32 v1, v50  }
0x109: {  	v10 =	vsel vm1, v10, v47;
	v30, v29, _ =	vpop (xrf1);
	(xrf1) =	vsort.dscd.msk.f32 $0xffff, v6, v28;
	v1 =	vsel vm0, v1, v50  }
0x10a: {  	v31 =	vsel vm0, v12, v9;
	vm0 =	vlt.f32 v30, v5;
	(xrf1) =	vsort.dscd.msk.f32 $0xffff, v4, v10;
	v6, v7, _ =	vpop (xrf1)  }
0x10b: {  	v5 =	vsel vm0, v30, v5;
	v33 =	vsel vm0, v29, v2;
	v6, v32, _ =	vpop (xrf1);
	(xrf1) =	vsort.dscd.msk.f32 $0xffff, v1, v31  }
0x10c: {  	v1, v4, _ =	vpop (xrf1);
	vm1 =	vlt.f32 v6, v49;
	(xrf1) =	vsort.dscd.msk.f32 $0xffff, v5, v33  }
0x10d: {  	v6 =	vsel vm1, v6, v49;
	v35, v34, _ =	vpop (xrf1);
	v9 =	vsel vm1, v32, v62;
	vm0 =	vlt.f32 v1, v52  }
0x10e: {  	vm1 =	vlt.f32 v35, v3;
	v36 =	vsel vm0, v4, v59;
	v38, v37, _ =	vpop (xrf1);
	v1 =	vsel vm0, v1, v52  }
0x10f: {  	(xrf1) =	vsort.dscd.msk.f32 $0xffff, v6, v9;
	v3 =	vsel vm1, v35, v3;
	vm0 =	vlt.f32 v38, v61  }
0x110: {  	v39 =	vsel vm1, v34, v58;
	(xrf1) =	vsort.dscd.msk.f32 $0xffff, v1, v36;
	v4 =	vsel vm0, v37, v56  }
0x111: {  	v0 =	vsel vm0, v38, v61;
	vm0 =	vlt.f32 v53, v60;
	(xrf1) =	vsort.dscd.msk.f32 $0xffff, v3, v39  }
0x112: {  	v40 =	vsel vm0, v53, v60;
	v41 =	vsel vm0, v45, v63;
	(xrf1) =	vsort.dscd.msk.f32 $0xffff, v0, v4  }
0x113: {  	(xrf1) =	vsort.dscd.msk.f32 $0xffff, v40, v41  }
0x114: {  	v42, v43, _ =	vpop (xrf1)  }
0x115: {  	v44, v45, _ =	vpop (xrf1)  }
0x116: {  	v48, v47, _ =	vpop (xrf1)  }
0x117: {  	v0, v4, _ =	vpop (xrf1)  }
0x118: {  	v50, v49, _ =	vpop (xrf1)  }
0x119: {  	v52, v51, _ =	vpop (xrf1)  }
0x11a: {  	v54, v53, _ =	vpop (xrf1)  }
0x11b: {  	v56, v55, _ =	vpop (xrf1)  }
0x11c: {  	v58, v57, _ =	vpop (xrf1)  }
0x11d: {  	v60, v59, _ =	vpop (xrf1)  }
0x11e: {  	v62, v61, _ =	vpop (xrf1)  }
0x11f: {  	v20, v63, _ =	vpop (xrf1)  }
0x120: {  	v0, v21, _ =	vpop (xrf1)  }
0x121: {  	v23, v22, _ =	vpop (xrf1);
	_ =	sdelay $0x3  }
0x122: {  	v0 =	vld.idx.msk [tilespmem:v22+s17+$0x0], $0xffff  }
0x123: {  	v3 =	vld.idx.msk [tilespmem:v47+s17+$0x0], $0xffff  }
0x124: {  	v2 =	vld.idx.msk [tilespmem:v45+s17+$0x0], $0xffff  }
0x125: {  	v6 =	vld.idx.msk [tilespmem:v51+s17+$0x0], $0xffff  }
0x126: {  	vm15 =	vmmov $0x3f;
	v8 =	vld.idx.msk [tilespmem:v53+s17+$0x0], $0xffff  }
0x127: {  	v10 =	vld.idx.msk [tilespmem:v57+s17+$0x0], $0xffff;
	v0 =	vsel vm15, $0x0, v0  }
0x128: {  	v1 =	vld.idx.msk [tilespmem:v43+s17+$0x0], $0xffff;
	v24 =	vsel vm15, $0x0, v3;
	(xrf2) =	vadd.scan.msk.f32 $0xffff, v0  }
0x129: {  	v26 =	vld.idx.msk [tilespmem:v49+s17+$0x0], $0xffff;
	v25 =	vsel vm15, $0x0, v2;
	(xrf2) =	vadd.scan.msk.f32 $0xffff, v24  }
0x12a: {  	v27 =	vsel vm15, $0x0, v6;
	v28 =	vld.idx.msk [tilespmem:v21+s17+$0x0], $0xffff;
	(xrf2) =	vadd.scan.msk.f32 $0xffff, v25  }
0x12b: {  	v4 =	vld.idx.msk [tilespmem:v4+s17+$0x0], $0xffff;
	v29 =	vsel vm15, $0x0, v8;
	(xrf2) =	vadd.scan.msk.f32 $0xffff, v27  }
0x12c: {  	v31 =	vld.idx.msk [tilespmem:v61+s17+$0x0], $0xffff;
	v30 =	vsel vm15, $0x0, v10;
	(xrf2) =	vadd.scan.msk.f32 $0xffff, v29  }
0x12d: {  	v33 =	vld.idx.msk [tilespmem:v13+s17+$0x0], $0xffff;
	v32 =	vsel vm15, $0x0, v1;
	(xrf2) =	vadd.scan.msk.f32 $0xffff, v30  }
0x12e: {  	v34 =	vsel vm15, $0x0, v26;
	v35 =	vld.idx.msk [tilespmem:v63+s17+$0x0], $0xffff;
	(xrf2) =	vadd.scan.msk.f32 $0xffff, v32  }
0x12f: {  	v37 =	vld.idx.msk [tilespmem:v7+s17+$0x0], $0xffff;
	v36 =	vsel vm15, $0x0, v28;
	(xrf2) =	vadd.scan.msk.f32 $0xffff, v34  }
0x130: {  	v38 =	vsel vm15, $0x0, v4;
	v39 =	vld.idx.msk [tilespmem:v59+s17+$0x0], $0xffff;
	(xrf2) =	vadd.scan.msk.f32 $0xffff, v36  }
0x131: {  	v41 =	vld.idx.msk [tilespmem:v55+s17+$0x0], $0xffff;
	v40 =	vsel vm15, $0x0, v31;
	(xrf2) =	vadd.scan.msk.f32 $0xffff, v38  }
0x132: {  	v1 =	vsel vm15, $0x0, v33;
	(xrf2) =	vadd.scan.msk.f32 $0xffff, v40;
	v42, _, _ =	vpop (xrf2)  }
0x133: {  	v44 =	vsel vm15, $0x0, v35;
	(v2sf) =	vpush v42, $0xF;
	(xrf2) =	vadd.scan.msk.f32 $0xffff, v1;
	v43, _, _ =	vpop (xrf2)  }
0x134: {  	v47 =	vsel vm15, $0x0, v37;
	(v2sf) =	vpush v43, $0xF;
	(xrf2) =	vadd.scan.msk.f32 $0xffff, v44;
	v45, _, _ =	vpop (xrf2)  }
0x135: {  	v49 =	vsel vm15, $0x0, v39;
	(v2sf) =	vpush v45, $0xF;
	(xrf2) =	vadd.scan.msk.f32 $0xffff, v47;
	v48, _, _ =	vpop (xrf2)  }
0x136: {  	v50 =	vsel vm15, $0x0, v41;
	(v2sf) =	vpush v48, $0xF;
	(xrf2) =	vadd.scan.msk.f32 $0xffff, v49;
	v51, _, _ =	vpop (xrf2)  }
0x137: {  	(v2sf) =	vpush v51, $0xF;
	(xrf2) =	vadd.scan.msk.f32 $0xffff, v50;
	v52, _, _ =	vpop (xrf2)  }
0x138: {  	(v2sf) =	vpush v52, $0xF;
	v53, _, _ =	vpop (xrf2)  }
0x139: {  	(v2sf) =	vpush v53, $0xF;
	v54, _, _ =	vpop (xrf2)  }
0x13a: {  	(v2sf) =	vpush v54, $0xF;
	v55, _, _ =	vpop (xrf2)  }
0x13b: {  	(v2sf) =	vpush v55, $0xF;
	v56, _, _ =	vpop (xrf2)  }
0x13c: {  	(v2sf) =	vpush v56, $0xF;
	v57, _, _ =	vpop (xrf2)  }
0x13d: {  	(v2sf) =	vpush v57, $0xF;
	v58, _, _ =	vpop (xrf2)  }
0x13e: {  	(v2sf) =	vpush v58, $0xF;
	v59, _, _ =	vpop (xrf2)  }
0x13f: {  	(v2sf) =	vpush v59, $0xF;
	v60, _, _ =	vpop (xrf2)  }
0x140: {  	(v2sf) =	vpush v60, $0xF;
	v61, _, _ =	vpop (xrf2)  }
0x141: {  	(v2sf) =	vpush v61, $0xF;
	v62, _, _ =	vpop (xrf2)  }
0x142: {  	s25 =	spop (v2sf);
	(v2sf) =	vpush v62, $0xF  }
0x143: {  	s26 =	spop (v2sf)  }
0x144: {  	s28 =	spop (v2sf)  }
0x145: {  	s29 =	spop (v2sf)  }
0x146: {  	s30 =	spop (v2sf)  }
0x147: {  	s31 =	spop (v2sf)  }
0x148: {  	s1 =	spop (v2sf)  }
0x149: {  	s0 =	spop (v2sf)  }
0x14a: {  	s14 =	spop (v2sf)  }
0x14b: {  	s15 =	spop (v2sf)  }
0x14c: {  	s16 =	spop (v2sf)  }
0x14d: {  	s21 =	spop (v2sf)  }
0x14e: {  	s3 =	spop (v2sf)  }
0x14f: {  	s4 =	spop (v2sf)  }
0x150: {  	s5 =	spop (v2sf)  }
0x151: {  	s25 =	smul.f32 $1.000000010e-01, s25;
	s6 =	spop (v2sf)  }
0x152: {  	s6 =	smul.f32 $1.000000010e-01, s6  }
0x153: {  	s26 =	smul.f32 $1.000000010e-01, s26  }
0x154: {  	vm0 =	vcmask $0x300;
	s28 =	smul.f32 $1.000000010e-01, s28;
	v63 =	vmov s6  }
0x155: {  	s29 =	smul.f32 $1.000000010e-01, s29;
	v0 =	vsel vm0, s25, v63;
	vm0 =	vcmask $0x704  }
0x156: {  	s30 =	smul.f32 $1.000000010e-01, s30;
	v0 =	vsel vm0, s26, v0  }
0x157: {  	s31 =	smul.f32 $1.000000010e-01, s31;
	v0 =	vsel vm2, s28, v0  }
0x158: {  	s1 =	smul.f32 $1.000000010e-01, s1;
	v0 =	vsel vm3, s29, v0  }
0x159: {  	s0 =	smul.f32 $1.000000010e-01, s0;
	v0 =	vsel vm4, s30, v0  }
0x15a: {  	s14 =	smul.f32 $1.000000010e-01, s14;
	v0 =	vsel vm5, s31, v0  }
0x15b: {  	s25 =	smul.f32 $1.000000010e-01, s15;
	v0 =	vsel vm6, s1, v0  }
0x15c: {  	s26 =	smul.f32 $1.000000010e-01, s16;
	v0 =	vsel vm7, s0, v0  }
0x15d: {  	s28 =	smul.f32 $1.000000010e-01, s21;
	v0 =	vsel vm8, s14, v0  }
0x15e: {  	s23 =	sadd.s32 $0x1, s23;
	s29 =	smul.f32 $1.000000010e-01, s3;
	v0 =	vsel vm9, s25, v0  }
0x15f: {  	p0 =	sne.s32 s23, $0x6;
	s30 =	smul.f32 $1.000000010e-01, s4;
	v0 =	vsel vm10, s26, v0  }
.Ltmp1:
0x160: {  	v0 =	vsel vm11, s28, v0;
	(pc) =	sbr.rel @p0 .LBB2_2-.Ltmp1, $4  }
0x161: {  	s31 =	smul.f32 $1.000000010e-01, s5;
	v0 =	vsel vm12, s29, v0  }
0x162: {  	v0 =	vsel vm13, s30, v0  }
0x163: {  	v0 =	vsel vm14, s31, v0  }
0x164: {  	[tilespmem:s24+$0x5180] =	vst v0  }
0x165: {  	s22 =	sadd.s32 $0x1, s22  }
0x166: {  	p0 =	sne.s32 s22, s12  }
.Ltmp2:
0x167: {  	s0 =	simm.s32 $0x5180;
	(pc) =	sbr.rel @p0 .LBB2_1-.Ltmp2, $4  }
0x168: {  	[hbm4b:s11+s2] =	stream.linear.scatter [tilespmem:s0], [sflag:$0x1], $0x60, $0x38;
	[tilespmem:$0x5200] =	vst v63  }
0x169: {  	_ =	swait.ge [sflag:s13], $0x60  }
0x16a: {  	[sflag:s13] =	ssyncset.done $0x0  }
0x16b: {  	[sflag:s13] =	ssyncadd.s32 $0xFFFFFFA0  }
0x16c: {  	_ =	sfence.sel $0x180000  }
0x16d: {  	[bflag:$0x0] =	sbarrier.arrive $0xFFFF  }
0x16e: {  	_ =	strace $0x90000047  }
0x16f: {  	s0 =	stileid.u32;
	[bflag:$0x2] =	sbarrier.arrive $0xFFFF  }
0x170: {  	p0 =	sne.s32 s0, $0x0;
	s0 =	rddreg [dreg:$0x2]  }
0x171: {  	s0 =	sadd.s32 @!p0 $0x100000, s0  }
0x172: {  	[sflag:s0] =	ssyncadd.tile.s32 @!p0 $0x1;
	_ =	shalt  }
.Lfunc_end2:
_tile_overlayer_lowered:
.L_overlay_start_2:
0x173: {  	(tag) =	ssettag $0x2  }
0x174: {  	s0 =	rddreg [dreg:$0x0];
	s2 =	stileid.u32  }
0x175: {  	s1 =	rddreg [dreg:$0x1];
	p0 =	sne.s32 s2, $0x0  }
0x176: {  	s3 =	rddreg [dreg:$0x2];
	[bflag:$0x3] =	sbarrier.arrive $0xFFFF;
	s2 =	simm.s32 @!p0 $0x1C01  }
0x177: {  	[timem:s3], [sflag:s2] =	dma.local @!p0 [hbm:s0], s1  }
0x178: {  	s0 =	simm.s32 @!p0 $0x1  }
0x179: {  	_ =	swait.ge @!p0 [sflag:s0], s1  }
0x17a: {  	s1 =	ssub.s32 @!p0 $0x0, s1;
	[sflag:s0] =	ssyncset.done @!p0 $0x0  }
0x17b: {  	[sflag:s0] =	ssyncadd.s32 @!p0 s1  }
0x17c: {  	[bflag:$0x3] =	sbarrier.arrive $0xFFFF  }
0x17d: {  	_ =	shalt  }

</sc_bundles>
